<compile_context>
chip_gen: v7x
topology: tpu7x:2x2x1
jax: 0.10.2.dev20260603
libtpu: 0.0.44.dev20260713+nightly
codegen_flags: <defaults>
</compile_context>

<pallas_src>
import functools

import jax
import jax.numpy as jnp
from jax import lax
from jax.experimental import pallas as pl
from jax.experimental.pallas import tpu as pltpu
from jax.experimental.pallas import tpu_sc as plsc

N = 10000
E = 320000
D = 128
NG = 512

NC = 2
NS = 16
NW = NC * NS
EPW = E // NW
W = 40
NJ = EPW // W
NZW = N // W
ZROWS = 80
NZCHUNK = N // ZROWS

BN = 1000
NB = N // BN


def _sc_aggregate(node_hidden, src, dst, edge_hidden):
    mesh = plsc.VectorSubcoreMesh(core_axis_name="c", subcore_axis_name="s")
    SCB = W * D * 4

    @functools.partial(
        pl.kernel,
        mesh=mesh,
        out_type=jax.ShapeDtypeStruct((NC * N, D), jnp.float32),
        scratch_types=(
            [pltpu.VMEM((W,), jnp.int32) for _ in range(3)]
            + [pltpu.VMEM((W,), jnp.int32) for _ in range(3)]
            + [pltpu.VMEM((W, D), jnp.float32) for _ in range(3)]
            + [pltpu.VMEM((W, D), jnp.float32) for _ in range(3)]
            + [pltpu.VMEM_SHARED((N, D), jnp.float32)]
            + [pltpu.SemaphoreType.DMA for _ in range(15)]
        ),
    )
    def k(nh_hbm, src_hbm, dst_hbm, eh_hbm, out_hbm,
          sbuf0, sbuf1, sbuf2, dbuf0, dbuf1, dbuf2,
          gbuf0, gbuf1, gbuf2, ebuf0, ebuf1, ebuf2, acc,
          ssem0, ssem1, ssem2, dsem0, dsem1, dsem2,
          gsem0, gsem1, gsem2, esem0, esem1, esem2,
          csem0, csem1, csem2):
        c = lax.axis_index("c")
        s = lax.axis_index("s")
        wid = s * NC + c
        wbase = wid * EPW

        sbufs = (sbuf0, sbuf1, sbuf2)
        dbufs = (dbuf0, dbuf1, dbuf2)
        gbufs = (gbuf0, gbuf1, gbuf2)
        ebufs = (ebuf0, ebuf1, ebuf2)
        ssems = (ssem0, ssem1, ssem2)
        dsems = (dsem0, dsem1, dsem2)
        gsems = (gsem0, gsem1, gsem2)
        esems = (esem0, esem1, esem2)
        csems = (csem0, csem1, csem2)

        zero = jnp.zeros((16,), jnp.float32)

        @pl.loop(0, W)
        def _(r):
            for cc in range(0, D, 16):
                gbuf0[r, pl.ds(cc, 16)] = zero
                gbuf1[r, pl.ds(cc, 16)] = zero

        @pl.loop(2 * s, NZW, step=2 * NS)
        def _(z):
            pltpu.sync_copy(gbuf0.at[pl.ds(0, W)], acc.at[pl.ds(z * W, W)])
            pltpu.sync_copy(gbuf1.at[pl.ds(0, W)], acc.at[pl.ds((z + 1) * W, W)])
        plsc.subcore_barrier()

        def start_fetch(j, b):
            e0 = wbase + j * W
            pltpu.async_copy(src_hbm.at[pl.ds(e0, W)], sbufs[b], ssems[b])
            pltpu.async_copy(dst_hbm.at[pl.ds(e0, W)], dbufs[b], dsems[b])
            pltpu.async_copy(eh_hbm.at[pl.ds(e0, W)], ebufs[b], esems[b])

        def start_gather(b):
            pltpu.make_async_copy(src_hbm.at[pl.ds(0, W)], sbufs[b],
                                  ssems[b]).wait()
            pltpu.async_copy(nh_hbm.at[sbufs[b]], gbufs[b], gsems[b])

        def process(b, fetch=True, gather_next=True, wait_scatter=True,
                    fetch_j=None):
            bn = (b + 1) % 3
            bf = (b + 2) % 3
            if gather_next:
                start_gather(bn)
            pltpu.make_async_copy(eh_hbm.at[pl.ds(0, W)], ebufs[b],
                                  esems[b]).wait()
            pltpu.make_async_copy(nh_hbm.at[sbufs[b]], gbufs[b],
                                  gsems[b]).wait()
            gbuf, ebuf = gbufs[b], ebufs[b]

            @pl.loop(0, W, step=2)
            def _(r):
                for rr in range(2):
                    for cc in range(0, D, 16):
                        gbuf[r + rr, pl.ds(cc, 16)] = jnp.maximum(
                            gbuf[r + rr, pl.ds(cc, 16)]
                            + ebuf[r + rr, pl.ds(cc, 16)], 0.0)

            pltpu.make_async_copy(dst_hbm.at[pl.ds(0, W)], dbufs[b],
                                  dsems[b]).wait()
            if fetch:
                start_fetch(fetch_j, bf)

        start_fetch(0, 0)
        start_fetch(1, 1)
        start_gather(0)

        process(0, wait_scatter=False, fetch_j=2)
        process(1, fetch_j=3)

        @pl.loop(0, (NJ - 4) // 3)
        def _(t):
            j0 = 3 * t + 2
            process(2, fetch_j=j0 + 2)
            process(0, fetch_j=j0 + 3)
            process(1, fetch_j=j0 + 4)

        process(2, fetch=False)
        process(0, fetch=False, gather_next=False)
        plsc.subcore_barrier()

        @pl.loop(s, NZCHUNK, step=NS)
        def _(z):
            pltpu.sync_copy(acc.at[pl.ds(z * ZROWS, ZROWS)],
                            out_hbm.at[pl.ds(c * N + z * ZROWS, ZROWS)])

    return k(node_hidden, src, dst, edge_hidden)


def _tc_counts(node_id):
    def body(nid_ref, out_ref):
        @pl.when(pl.program_id(0) == 0)
        def _():
            out_ref[...] = jnp.zeros_like(out_ref)
        chunk = nid_ref[0, 0]
        oh = (chunk[:, None] ==
              lax.broadcasted_iota(jnp.int32, (BN, NG), 1)).astype(jnp.float32)
        out_ref[...] += jnp.sum(oh, axis=0, keepdims=True)

    return pl.pallas_call(
        body,
        grid=(NB,),
        in_specs=[pl.BlockSpec((1, 1, BN), lambda i: (i, 0, 0))],
        out_specs=pl.BlockSpec((1, NG), lambda i: (0, 0)),
        out_shape=jax.ShapeDtypeStruct((1, NG), jnp.float32),
    )(node_id.reshape(NB, 1, BN))


def _tc_dense(node_hidden, p0, p1, node_id3, counts, W1, b1, W2, b2, g, bt):
    def body(nh_ref, p0_ref, p1_ref, nid_ref, cnt_ref,
             W1_ref, b1_ref, W2_ref, b2_ref, g_ref, bt_ref, out_ref):
        x = nh_ref[...]
        h = x + p0_ref[...] + p1_ref[...]
        a = jnp.maximum(
            jnp.dot(h, W1_ref[...], preferred_element_type=jnp.float32)
            + b1_ref[...], 0.0)
        o = jnp.dot(a, W2_ref[...], preferred_element_type=jnp.float32) + b2_ref[...]
        mean = jnp.mean(o, axis=-1, keepdims=True)
        cen = o - mean
        var = jnp.mean(cen * cen, axis=-1, keepdims=True)
        o = cen * lax.rsqrt(var + 1e-5) * g_ref[...] + bt_ref[...]
        nid = nid_ref[0, 0]
        oh = (nid[:, None] ==
              lax.broadcasted_iota(jnp.int32, (BN, NG), 1)).astype(jnp.float32)
        gcnt = jnp.sum(oh * cnt_ref[...], axis=1, keepdims=True)
        o = jnp.maximum(o * lax.rsqrt(gcnt), 0.0)
        out_ref[...] = o + x

    return pl.pallas_call(
        body,
        grid=(NB,),
        in_specs=[
            pl.BlockSpec((BN, D), lambda i: (i, 0)),
            pl.BlockSpec((BN, D), lambda i: (i, 0)),
            pl.BlockSpec((BN, D), lambda i: (i, 0)),
            pl.BlockSpec((1, 1, BN), lambda i: (i, 0, 0)),
            pl.BlockSpec((1, NG), lambda i: (0, 0)),
            pl.BlockSpec((D, 2 * D), lambda i: (0, 0)),
            pl.BlockSpec((1, 2 * D), lambda i: (0, 0)),
            pl.BlockSpec((2 * D, D), lambda i: (0, 0)),
            pl.BlockSpec((1, D), lambda i: (0, 0)),
            pl.BlockSpec((1, D), lambda i: (0, 0)),
            pl.BlockSpec((1, D), lambda i: (0, 0)),
        ],
        out_specs=pl.BlockSpec((BN, D), lambda i: (i, 0)),
        out_shape=jax.ShapeDtypeStruct((N, D), jnp.float32),
    )(node_hidden, p0, p1, node_id3, counts,
      W1, b1.reshape(1, -1), W2, b2.reshape(1, -1),
      g.reshape(1, -1), bt.reshape(1, -1))


def kernel(node_hidden, edge_index, edge_hidden, node_id, edge_id,
           W1, b1, W2, b2, ln_gamma, ln_beta):
    src = edge_index[0]
    dst = edge_index[1]
    partials = _sc_aggregate(node_hidden, src, dst, edge_hidden)
    counts = _tc_counts(node_id)
    out = _tc_dense(node_hidden, partials[:N], partials[N:],
                    node_id.reshape(NB, 1, BN), counts,
                    W1, b1, W2, b2, ln_gamma, ln_beta)
    return out

# --- scband reference (transcript-rebuilt; emitter-appended) ---
"""Pipeline reference for scband-geo-gnnblock-5111011083034 (READ-ONLY COPY).

The authoritative reference and input builder live on the scoring server;
editing this copy changes nothing except your own understanding.
"""

import jax, jax.numpy as jnp
import numpy as np

N = 10000
E = 320000
D = 128
NG = 512


def setup_inputs(seed: int = 0) -> dict:
    key = jax.random.key(seed)
    ks = jax.random.split(key, 12)
    node_hidden = jax.random.normal(ks[0], (N, D), dtype=jnp.float32)
    edge_index = jax.random.randint(ks[1], (2, E), 0, N)
    edge_hidden = jax.random.normal(ks[2], (E, D), dtype=jnp.float32)
    node_id = jnp.sort(jax.random.randint(ks[3], (N,), 0, NG))
    edge_id = jnp.sort(jax.random.randint(ks[4], (E,), 0, NG))
    # GINEConv MLP params: Linear(D, 2D) -> ReLU -> Linear(2D, D)
    W1 = jax.random.normal(ks[5], (D, 2 * D), dtype=jnp.float32) / np.sqrt(D)
    b1 = jnp.zeros((2 * D,), dtype=jnp.float32)
    W2 = jax.random.normal(ks[6], (2 * D, D), dtype=jnp.float32) / np.sqrt(2 * D)
    b2 = jnp.zeros((D,), dtype=jnp.float32)
    ln_gamma = jnp.ones((D,), dtype=jnp.float32)
    ln_beta = jnp.zeros((D,), dtype=jnp.float32)
    return {
        "node_hidden": node_hidden,
        "edge_index": edge_index,
        "edge_hidden": edge_hidden,
        "node_id": node_id,
        "edge_id": edge_id,
        "W1": W1, "b1": b1, "W2": W2, "b2": b2,
        "ln_gamma": ln_gamma, "ln_beta": ln_beta,
    }


def reference(node_hidden, edge_index, edge_hidden, node_id, edge_id,
              W1, b1, W2, b2, ln_gamma, ln_beta):
    src = edge_index[0]
    dst = edge_index[1]
    # GINEConv: message = ReLU(x_src + edge_attr), sum-aggregated at dst
    msg = jax.nn.relu(node_hidden[src] + edge_hidden)
    aggr = jax.ops.segment_sum(msg, dst, num_segments=N)
    # eps = 0 (default, not trainable): (1+eps)*x_i + aggr
    h = node_hidden + aggr
    # MLP: Linear(D,2D) -> ReLU -> Linear(2D,D)
    h = jax.nn.relu(h @ W1 + b1) @ W2 + b2
    # LayerNorm over feature dim (eps=1e-5)
    mean = jnp.mean(h, axis=-1, keepdims=True)
    var = jnp.var(h, axis=-1, keepdims=True)
    h = (h - mean) / jnp.sqrt(var + 1e-5) * ln_gamma + ln_beta
    # GraphNorm: divide each node feature by sqrt(num_nodes in its graph)
    ones = jnp.ones((N,), dtype=jnp.float32)
    counts = jax.ops.segment_sum(ones, node_id, num_segments=NG)
    norm = jnp.sqrt(counts)[node_id][:, None]
    h = h / norm
    # last_act = True -> ReLU; dropout p=0.0 -> identity
    h = jax.nn.relu(h)
    # residual
    out = h + node_hidden
    return out

if __name__ == "__main__":
    import jax
    _d = setup_inputs()
    print(jax.jit(kernel)(*tuple(_d.values())))

</pallas_src>

<mosaic_0001>
#map = affine_map<(d0, d1) -> (0, 0)>
#map1 = affine_map<(d0, d1) -> (0)>
module attributes {stable_mosaic.version = 14 : i64} {
  func.func @k(%arg0: i32, %arg1: i32, %arg2: memref<10000x128xf32, #tpu.memory_space<hbm>>, %arg3: memref<320000xi32, #tpu.memory_space<hbm>>, %arg4: memref<320000xi32, #tpu.memory_space<hbm>>, %arg5: memref<320000x128xf32, #tpu.memory_space<hbm>>, %arg6: memref<20000x128xf32, #tpu.memory_space<hbm>>, %arg7: memref<40xi32, #tpu.memory_space<vmem>>, %arg8: memref<40xi32, #tpu.memory_space<vmem>>, %arg9: memref<40xi32, #tpu.memory_space<vmem>>, %arg10: memref<40xi32, #tpu.memory_space<vmem>>, %arg11: memref<40xi32, #tpu.memory_space<vmem>>, %arg12: memref<40xi32, #tpu.memory_space<vmem>>, %arg13: memref<40x128xf32, #tpu.memory_space<vmem>>, %arg14: memref<40x128xf32, #tpu.memory_space<vmem>>, %arg15: memref<40x128xf32, #tpu.memory_space<vmem>>, %arg16: memref<40x128xf32, #tpu.memory_space<vmem>>, %arg17: memref<40x128xf32, #tpu.memory_space<vmem>>, %arg18: memref<40x128xf32, #tpu.memory_space<vmem>>, %arg19: memref<10000x128xf32, #tpu.memory_space<vmem_shared>>, %arg20: memref<!tpu.dma_semaphore, #tpu.memory_space<semaphore_mem>>, %arg21: memref<!tpu.dma_semaphore, #tpu.memory_space<semaphore_mem>>, %arg22: memref<!tpu.dma_semaphore, #tpu.memory_space<semaphore_mem>>, %arg23: memref<!tpu.dma_semaphore, #tpu.memory_space<semaphore_mem>>, %arg24: memref<!tpu.dma_semaphore, #tpu.memory_space<semaphore_mem>>, %arg25: memref<!tpu.dma_semaphore, #tpu.memory_space<semaphore_mem>>, %arg26: memref<!tpu.dma_semaphore, #tpu.memory_space<semaphore_mem>>, %arg27: memref<!tpu.dma_semaphore, #tpu.memory_space<semaphore_mem>>, %arg28: memref<!tpu.dma_semaphore, #tpu.memory_space<semaphore_mem>>, %arg29: memref<!tpu.dma_semaphore, #tpu.memory_space<semaphore_mem>>, %arg30: memref<!tpu.dma_semaphore, #tpu.memory_space<semaphore_mem>>, %arg31: memref<!tpu.dma_semaphore, #tpu.memory_space<semaphore_mem>>, %arg32: memref<!tpu.dma_semaphore, #tpu.memory_space<semaphore_mem>>, %arg33: memref<!tpu.dma_semaphore, #tpu.memory_space<semaphore_mem>>, %arg34: memref<!tpu.dma_semaphore, #tpu.memory_space<semaphore_mem>>) attributes {dimension_semantics = [#tpu.dimension_semantics<core_parallel>, #tpu.dimension_semantics<subcore_parallel>], iteration_bounds = array<i64: 2, 16>, scalar_prefetch = 0 : i64, scratch_operands = 28 : i64, tpu.core_type = #tpu.core_type<sc_vector_subcore>, window_params = [{transform_indices = #map}, {transform_indices = #map1}, {transform_indices = #map1}, {transform_indices = #map}, {transform_indices = #map}]} {
    %mul3A = arith.constant 2 : i32
    %mul3A_0 = arith.muli %arg1, %mul3A : i32
    %add3A = arith.addi %mul3A_0, %arg0 : i32
    %mul3A_1 = arith.constant 10000 : i32
    %mul3A_2 = arith.muli %add3A, %mul3A_1 : i32
    %broadcast_in_dim3A = arith.constant 0.000000e+00 : f32
    %broadcast_in_dim3A_3 = vector.broadcast %broadcast_in_dim3A : f32 to vector<16xf32>
    %scan3A = arith.constant 0 : i32
    %scan3A_4 = arith.constant 40 : i32
    %scan3A_5 = arith.addi %scan3A, %scan3A_4 : i32
    %scan3A_6 = arith.constant 1 : i32
    scf.for %scan3A_187 = %scan3A to %scan3A_5 step %scan3A_6  : i32 {
      %mul3A_188 = arith.constant 1 : i32
      %mul3A_189 = arith.muli %scan3A_187, %mul3A_188 : i32
      %add3A_190 = arith.constant 0 : i32
      %add3A_191 = arith.addi %add3A_190, %mul3A_189 : i32
      %swap3A = arith.index_cast %add3A_191 : i32 to index
      %swap3A_192 = arith.constant 0 : index
      %swap3A_193 = tpu.vector_load %arg13[%swap3A, %swap3A_192] {strides = array<i32>} : memref<40x128xf32, #tpu.memory_space<vmem>>, vector<1x16xf32>,
      %swap3A_194 = vector.shape_cast %swap3A_193 : vector<1x16xf32> to vector<16xf32>
      %swap3A_195 = vector.shape_cast %broadcast_in_dim3A_3 : vector<16xf32> to vector<1x16xf32>
      tpu.vector_store %arg13[%swap3A, %swap3A_192], %swap3A_195 {strides = array<i32>} : memref<40x128xf32, #tpu.memory_space<vmem>>, vector<1x16xf32>,
      %swap3A_196 = arith.index_cast %add3A_191 : i32 to index
      %swap3A_197 = arith.constant 0 : index
      %swap3A_198 = tpu.vector_load %arg14[%swap3A_196, %swap3A_197] {strides = array<i32>} : memref<40x128xf32, #tpu.memory_space<vmem>>, vector<1x16xf32>,
      %swap3A_199 = vector.shape_cast %swap3A_198 : vector<1x16xf32> to vector<16xf32>
      %swap3A_200 = vector.shape_cast %broadcast_in_dim3A_3 : vector<16xf32> to vector<1x16xf32>
      tpu.vector_store %arg14[%swap3A_196, %swap3A_197], %swap3A_200 {strides = array<i32>} : memref<40x128xf32, #tpu.memory_space<vmem>>, vector<1x16xf32>,
      %swap3A_201 = arith.index_cast %add3A_191 : i32 to index
      %swap3A_202 = arith.constant 16 : index
      %swap3A_203 = tpu.vector_load %arg13[%swap3A_201, %swap3A_202] {strides = array<i32>} : memref<40x128xf32, #tpu.memory_space<vmem>>, vector<1x16xf32>,
      %swap3A_204 = vector.shape_cast %swap3A_203 : vector<1x16xf32> to vector<16xf32>
      %swap3A_205 = vector.shape_cast %broadcast_in_dim3A_3 : vector<16xf32> to vector<1x16xf32>
      tpu.vector_store %arg13[%swap3A_201, %swap3A_202], %swap3A_205 {strides = array<i32>} : memref<40x128xf32, #tpu.memory_space<vmem>>, vector<1x16xf32>,
      %swap3A_206 = arith.index_cast %add3A_191 : i32 to index
      %swap3A_207 = arith.constant 16 : index
      %swap3A_208 = tpu.vector_load %arg14[%swap3A_206, %swap3A_207] {strides = array<i32>} : memref<40x128xf32, #tpu.memory_space<vmem>>, vector<1x16xf32>,
      %swap3A_209 = vector.shape_cast %swap3A_208 : vector<1x16xf32> to vector<16xf32>
      %swap3A_210 = vector.shape_cast %broadcast_in_dim3A_3 : vector<16xf32> to vector<1x16xf32>
      tpu.vector_store %arg14[%swap3A_206, %swap3A_207], %swap3A_210 {strides = array<i32>} : memref<40x128xf32, #tpu.memory_space<vmem>>, vector<1x16xf32>,
      %swap3A_211 = arith.index_cast %add3A_191 : i32 to index
      %swap3A_212 = arith.constant 32 : index
      %swap3A_213 = tpu.vector_load %arg13[%swap3A_211, %swap3A_212] {strides = array<i32>} : memref<40x128xf32, #tpu.memory_space<vmem>>, vector<1x16xf32>,
      %swap3A_214 = vector.shape_cast %swap3A_213 : vector<1x16xf32> to vector<16xf32>
      %swap3A_215 = vector.shape_cast %broadcast_in_dim3A_3 : vector<16xf32> to vector<1x16xf32>
      tpu.vector_store %arg13[%swap3A_211, %swap3A_212], %swap3A_215 {strides = array<i32>} : memref<40x128xf32, #tpu.memory_space<vmem>>, vector<1x16xf32>,
      %swap3A_216 = arith.index_cast %add3A_191 : i32 to index
      %swap3A_217 = arith.constant 32 : index
      %swap3A_218 = tpu.vector_load %arg14[%swap3A_216, %swap3A_217] {strides = array<i32>} : memref<40x128xf32, #tpu.memory_space<vmem>>, vector<1x16xf32>,
      %swap3A_219 = vector.shape_cast %swap3A_218 : vector<1x16xf32> to vector<16xf32>
      %swap3A_220 = vector.shape_cast %broadcast_in_dim3A_3 : vector<16xf32> to vector<1x16xf32>
      tpu.vector_store %arg14[%swap3A_216, %swap3A_217], %swap3A_220 {strides = array<i32>} : memref<40x128xf32, #tpu.memory_space<vmem>>, vector<1x16xf32>,
      %swap3A_221 = arith.index_cast %add3A_191 : i32 to index
      %swap3A_222 = arith.constant 48 : index
      %swap3A_223 = tpu.vector_load %arg13[%swap3A_221, %swap3A_222] {strides = array<i32>} : memref<40x128xf32, #tpu.memory_space<vmem>>, vector<1x16xf32>,
      %swap3A_224 = vector.shape_cast %swap3A_223 : vector<1x16xf32> to vector<16xf32>
      %swap3A_225 = vector.shape_cast %broadcast_in_dim3A_3 : vector<16xf32> to vector<1x16xf32>
      tpu.vector_store %arg13[%swap3A_221, %swap3A_222], %swap3A_225 {strides = array<i32>} : memref<40x128xf32, #tpu.memory_space<vmem>>, vector<1x16xf32>,
      %swap3A_226 = arith.index_cast %add3A_191 : i32 to index
      %swap3A_227 = arith.constant 48 : index
      %swap3A_228 = tpu.vector_load %arg14[%swap3A_226, %swap3A_227] {strides = array<i32>} : memref<40x128xf32, #tpu.memory_space<vmem>>, vector<1x16xf32>,
      %swap3A_229 = vector.shape_cast %swap3A_228 : vector<1x16xf32> to vector<16xf32>
      %swap3A_230 = vector.shape_cast %broadcast_in_dim3A_3 : vector<16xf32> to vector<1x16xf32>
      tpu.vector_store %arg14[%swap3A_226, %swap3A_227], %swap3A_230 {strides = array<i32>} : memref<40x128xf32, #tpu.memory_space<vmem>>, vector<1x16xf32>,
      %swap3A_231 = arith.index_cast %add3A_191 : i32 to index
      %swap3A_232 = arith.constant 64 : index
      %swap3A_233 = tpu.vector_load %arg13[%swap3A_231, %swap3A_232] {strides = array<i32>} : memref<40x128xf32, #tpu.memory_space<vmem>>, vector<1x16xf32>,
      %swap3A_234 = vector.shape_cast %swap3A_233 : vector<1x16xf32> to vector<16xf32>
      %swap3A_235 = vector.shape_cast %broadcast_in_dim3A_3 : vector<16xf32> to vector<1x16xf32>
      tpu.vector_store %arg13[%swap3A_231, %swap3A_232], %swap3A_235 {strides = array<i32>} : memref<40x128xf32, #tpu.memory_space<vmem>>, vector<1x16xf32>,
      %swap3A_236 = arith.index_cast %add3A_191 : i32 to index
      %swap3A_237 = arith.constant 64 : index
      %swap3A_238 = tpu.vector_load %arg14[%swap3A_236, %swap3A_237] {strides = array<i32>} : memref<40x128xf32, #tpu.memory_space<vmem>>, vector<1x16xf32>,
      %swap3A_239 = vector.shape_cast %swap3A_238 : vector<1x16xf32> to vector<16xf32>
      %swap3A_240 = vector.shape_cast %broadcast_in_dim3A_3 : vector<16xf32> to vector<1x16xf32>
      tpu.vector_store %arg14[%swap3A_236, %swap3A_237], %swap3A_240 {strides = array<i32>} : memref<40x128xf32, #tpu.memory_space<vmem>>, vector<1x16xf32>,
      %swap3A_241 = arith.index_cast %add3A_191 : i32 to index
      %swap3A_242 = arith.constant 80 : index
      %swap3A_243 = tpu.vector_load %arg13[%swap3A_241, %swap3A_242] {strides = array<i32>} : memref<40x128xf32, #tpu.memory_space<vmem>>, vector<1x16xf32>,
      %swap3A_244 = vector.shape_cast %swap3A_243 : vector<1x16xf32> to vector<16xf32>
      %swap3A_245 = vector.shape_cast %broadcast_in_dim3A_3 : vector<16xf32> to vector<1x16xf32>
      tpu.vector_store %arg13[%swap3A_241, %swap3A_242], %swap3A_245 {strides = array<i32>} : memref<40x128xf32, #tpu.memory_space<vmem>>, vector<1x16xf32>,
      %swap3A_246 = arith.index_cast %add3A_191 : i32 to index
      %swap3A_247 = arith.constant 80 : index
      %swap3A_248 = tpu.vector_load %arg14[%swap3A_246, %swap3A_247] {strides = array<i32>} : memref<40x128xf32, #tpu.memory_space<vmem>>, vector<1x16xf32>,
      %swap3A_249 = vector.shape_cast %swap3A_248 : vector<1x16xf32> to vector<16xf32>
      %swap3A_250 = vector.shape_cast %broadcast_in_dim3A_3 : vector<16xf32> to vector<1x16xf32>
      tpu.vector_store %arg14[%swap3A_246, %swap3A_247], %swap3A_250 {strides = array<i32>} : memref<40x128xf32, #tpu.memory_space<vmem>>, vector<1x16xf32>,
      %swap3A_251 = arith.index_cast %add3A_191 : i32 to index
      %swap3A_252 = arith.constant 96 : index
      %swap3A_253 = tpu.vector_load %arg13[%swap3A_251, %swap3A_252] {strides = array<i32>} : memref<40x128xf32, #tpu.memory_space<vmem>>, vector<1x16xf32>,
      %swap3A_254 = vector.shape_cast %swap3A_253 : vector<1x16xf32> to vector<16xf32>
      %swap3A_255 = vector.shape_cast %broadcast_in_dim3A_3 : vector<16xf32> to vector<1x16xf32>
      tpu.vector_store %arg13[%swap3A_251, %swap3A_252], %swap3A_255 {strides = array<i32>} : memref<40x128xf32, #tpu.memory_space<vmem>>, vector<1x16xf32>,
      %swap3A_256 = arith.index_cast %add3A_191 : i32 to index
      %swap3A_257 = arith.constant 96 : index
      %swap3A_258 = tpu.vector_load %arg14[%swap3A_256, %swap3A_257] {strides = array<i32>} : memref<40x128xf32, #tpu.memory_space<vmem>>, vector<1x16xf32>,
      %swap3A_259 = vector.shape_cast %swap3A_258 : vector<1x16xf32> to vector<16xf32>
      %swap3A_260 = vector.shape_cast %broadcast_in_dim3A_3 : vector<16xf32> to vector<1x16xf32>
      tpu.vector_store %arg14[%swap3A_256, %swap3A_257], %swap3A_260 {strides = array<i32>} : memref<40x128xf32, #tpu.memory_space<vmem>>, vector<1x16xf32>,
      %swap3A_261 = arith.index_cast %add3A_191 : i32 to index
      %swap3A_262 = arith.constant 112 : index
      %swap3A_263 = tpu.vector_load %arg13[%swap3A_261, %swap3A_262] {strides = array<i32>} : memref<40x128xf32, #tpu.memory_space<vmem>>, vector<1x16xf32>,
      %swap3A_264 = vector.shape_cast %swap3A_263 : vector<1x16xf32> to vector<16xf32>
      %swap3A_265 = vector.shape_cast %broadcast_in_dim3A_3 : vector<16xf32> to vector<1x16xf32>
      tpu.vector_store %arg13[%swap3A_261, %swap3A_262], %swap3A_265 {strides = array<i32>} : memref<40x128xf32, #tpu.memory_space<vmem>>, vector<1x16xf32>,
      %swap3A_266 = arith.index_cast %add3A_191 : i32 to index
      %swap3A_267 = arith.constant 112 : index
      %swap3A_268 = tpu.vector_load %arg14[%swap3A_266, %swap3A_267] {strides = array<i32>} : memref<40x128xf32, #tpu.memory_space<vmem>>, vector<1x16xf32>,
      %swap3A_269 = vector.shape_cast %swap3A_268 : vector<1x16xf32> to vector<16xf32>
      %swap3A_270 = vector.shape_cast %broadcast_in_dim3A_3 : vector<16xf32> to vector<1x16xf32>
      tpu.vector_store %arg14[%swap3A_266, %swap3A_267], %swap3A_270 {strides = array<i32>} : memref<40x128xf32, #tpu.memory_space<vmem>>, vector<1x16xf32>,
    }
    %scan3A_7 = arith.constant 40 : i32
    %mul3A_8 = arith.constant 2 : i32
    %mul3A_9 = arith.muli %mul3A_8, %arg1 : i32
    %sub3A = arith.constant 250 : i32
    %sub3A_10 = arith.subi %sub3A, %mul3A_9 : i32
    %sub3A_11 = arith.constant 32 : i32
    %sub3A_12 = arith.constant 1 : i32
    %sub3A_13 = arith.subi %sub3A_11, %sub3A_12 : i32
    %add3A_14 = arith.addi %sub3A_10, %sub3A_13 : i32
    %div3A = arith.constant 32 : i32
    %div3A_15 = arith.divsi %add3A_14, %div3A : i32
    %while3A = arith.constant 32 : i32
    %while3A_16 = arith.constant 0 : i32
    %while3A_17 = arith.subi %div3A_15, %while3A_16 : i32
    %while3A_18 = arith.addi %while3A_16, %while3A_17 : i32
    %while3A_19 = arith.constant 1 : i32
    %while3A_20 = arith.divsi %while3A_17, %while3A_19 : i32
    %while3A_21 = arith.muli %while3A_20, %while3A_19 : i32
    %while3A_22 = arith.addi %while3A_16, %while3A_21 : i32
    %while3A_23 = arith.constant 1 : i32
    scf.for %while3A_187 = %while3A_16 to %while3A_22 step %while3A_23  : i32 {
      %mul3A_188 = arith.muli %while3A_187, %while3A : i32
      %add3A_189 = arith.addi %mul3A_9, %mul3A_188 : i32
      %mul3A_190 = arith.constant 40 : i32
      %mul3A_191 = arith.muli %add3A_189, %mul3A_190 : i32
      "tpu.region"() ({
        %run_scoped3A = tpu.sem_alloc : memref<!tpu.dma_semaphore, #tpu.memory_space<semaphore_mem>>
        %dma_start3A_196 = arith.constant 0 : i32
        %dma_start3A_197 = arith.constant 0 : i32
        %dma_start3A_198 = tpu.memref_slice %arg13[%dma_start3A_196, %dma_start3A_197] : memref<40x128xf32, #tpu.memory_space<vmem>> -> memref<40x128xf32, #tpu.memory_space<vmem>>
        %dma_start3A_199 = arith.constant 0 : i32
        %dma_start3A_200 = tpu.memref_slice %arg19[%mul3A_191, %dma_start3A_199] : memref<10000x128xf32, #tpu.memory_space<vmem_shared>> -> memref<40x128xf32, #tpu.memory_space<vmem_shared>>
        %dma_start3A_201 = arith.constant 0 : i32
        %dma_start3A_202 = tpu.memref_slice %arg19[%mul3A_191, %dma_start3A_201] : memref<10000x128xf32, #tpu.memory_space<vmem_shared>> -> memref<40x128xf32, #tpu.memory_space<vmem_shared>>
        %dma_start3A_203 = arith.constant 0 : i32
        %dma_start3A_204 = arith.constant 0 : i32
        %dma_start3A_205 = tpu.memref_slice %arg13[%dma_start3A_203, %dma_start3A_204] : memref<40x128xf32, #tpu.memory_space<vmem>> -> memref<40x128xf32, #tpu.memory_space<vmem>>
        tpu.enqueue_dma source(%dma_start3A_205 : memref<40x128xf32, #tpu.memory_space<vmem>>) target(%dma_start3A_202 : memref<40x128xf32, #tpu.memory_space<vmem_shared>>) target_semaphore(%run_scoped3A : memref<!tpu.dma_semaphore, #tpu.memory_space<semaphore_mem>>)
        %dma_wait3A_206 = arith.constant 0 : i32
        %dma_wait3A_207 = arith.constant 0 : i32
        %dma_wait3A_208 = tpu.memref_slice %arg13[%dma_wait3A_206, %dma_wait3A_207] : memref<40x128xf32, #tpu.memory_space<vmem>> -> memref<40x128xf32, #tpu.memory_space<vmem>>
        %dma_wait3A_209 = arith.constant 0 : i32
        %dma_wait3A_210 = tpu.memref_slice %arg19[%mul3A_191, %dma_wait3A_209] : memref<10000x128xf32, #tpu.memory_space<vmem_shared>> -> memref<40x128xf32, #tpu.memory_space<vmem_shared>>
        %dma_wait3A_211 = arith.constant 0 : i32
        %dma_wait3A_212 = tpu.memref_slice %arg19[%mul3A_191, %dma_wait3A_211] : memref<10000x128xf32, #tpu.memory_space<vmem_shared>> -> memref<40x128xf32, #tpu.memory_space<vmem_shared>>
        %dma_wait3A_213 = arith.constant 0 : i32
        %dma_wait3A_214 = arith.constant 0 : i32
        %dma_wait3A_215 = tpu.memref_slice %arg13[%dma_wait3A_213, %dma_wait3A_214] : memref<40x128xf32, #tpu.memory_space<vmem>> -> memref<40x128xf32, #tpu.memory_space<vmem>>
        tpu.wait_dma2 semaphore(%run_scoped3A : memref<!tpu.dma_semaphore, #tpu.memory_space<semaphore_mem>>) src(%dma_wait3A_215 : memref<40x128xf32, #tpu.memory_space<vmem>>) dst(%dma_wait3A_212 : memref<40x128xf32, #tpu.memory_space<vmem_shared>>)
        tpu.yield
      }) : () -> ()
      %add3A_192 = arith.constant 1 : i32
      %add3A_193 = arith.addi %add3A_189, %add3A_192 : i32
      %mul3A_194 = arith.constant 40 : i32
      %mul3A_195 = arith.muli %add3A_193, %mul3A_194 : i32
      "tpu.region"() ({
        %run_scoped3A = tpu.sem_alloc : memref<!tpu.dma_semaphore, #tpu.memory_space<semaphore_mem>>
        %dma_start3A_196 = arith.constant 0 : i32
        %dma_start3A_197 = arith.constant 0 : i32
        %dma_start3A_198 = tpu.memref_slice %arg14[%dma_start3A_196, %dma_start3A_197] : memref<40x128xf32, #tpu.memory_space<vmem>> -> memref<40x128xf32, #tpu.memory_space<vmem>>
        %dma_start3A_199 = arith.constant 0 : i32
        %dma_start3A_200 = tpu.memref_slice %arg19[%mul3A_195, %dma_start3A_199] : memref<10000x128xf32, #tpu.memory_space<vmem_shared>> -> memref<40x128xf32, #tpu.memory_space<vmem_shared>>
        %dma_start3A_201 = arith.constant 0 : i32
        %dma_start3A_202 = tpu.memref_slice %arg19[%mul3A_195, %dma_start3A_201] : memref<10000x128xf32, #tpu.memory_space<vmem_shared>> -> memref<40x128xf32, #tpu.memory_space<vmem_shared>>
        %dma_start3A_203 = arith.constant 0 : i32
        %dma_start3A_204 = arith.constant 0 : i32
        %dma_start3A_205 = tpu.memref_slice %arg14[%dma_start3A_203, %dma_start3A_204] : memref<40x128xf32, #tpu.memory_space<vmem>> -> memref<40x128xf32, #tpu.memory_space<vmem>>
        tpu.enqueue_dma source(%dma_start3A_205 : memref<40x128xf32, #tpu.memory_space<vmem>>) target(%dma_start3A_202 : memref<40x128xf32, #tpu.memory_space<vmem_shared>>) target_semaphore(%run_scoped3A : memref<!tpu.dma_semaphore, #tpu.memory_space<semaphore_mem>>)
        %dma_wait3A_206 = arith.constant 0 : i32
        %dma_wait3A_207 = arith.constant 0 : i32
        %dma_wait3A_208 = tpu.memref_slice %arg14[%dma_wait3A_206, %dma_wait3A_207] : memref<40x128xf32, #tpu.memory_space<vmem>> -> memref<40x128xf32, #tpu.memory_space<vmem>>
        %dma_wait3A_209 = arith.constant 0 : i32
        %dma_wait3A_210 = tpu.memref_slice %arg19[%mul3A_195, %dma_wait3A_209] : memref<10000x128xf32, #tpu.memory_space<vmem_shared>> -> memref<40x128xf32, #tpu.memory_space<vmem_shared>>
        %dma_wait3A_211 = arith.constant 0 : i32
        %dma_wait3A_212 = tpu.memref_slice %arg19[%mul3A_195, %dma_wait3A_211] : memref<10000x128xf32, #tpu.memory_space<vmem_shared>> -> memref<40x128xf32, #tpu.memory_space<vmem_shared>>
        %dma_wait3A_213 = arith.constant 0 : i32
        %dma_wait3A_214 = arith.constant 0 : i32
        %dma_wait3A_215 = tpu.memref_slice %arg14[%dma_wait3A_213, %dma_wait3A_214] : memref<40x128xf32, #tpu.memory_space<vmem>> -> memref<40x128xf32, #tpu.memory_space<vmem>>
        tpu.wait_dma2 semaphore(%run_scoped3A : memref<!tpu.dma_semaphore, #tpu.memory_space<semaphore_mem>>) src(%dma_wait3A_215 : memref<40x128xf32, #tpu.memory_space<vmem>>) dst(%dma_wait3A_212 : memref<40x128xf32, #tpu.memory_space<vmem_shared>>)
        tpu.yield
      }) : () -> ()
    }
    %while3A_24 = arith.constant 1 : i32
    scf.for %while3A_187 = %while3A_22 to %while3A_18 step %while3A_24  : i32 {
      %mul3A_188 = arith.muli %while3A_187, %while3A : i32
      %add3A_189 = arith.addi %mul3A_9, %mul3A_188 : i32
      %mul3A_190 = arith.constant 40 : i32
      %mul3A_191 = arith.muli %add3A_189, %mul3A_190 : i32
      "tpu.region"() ({
        %run_scoped3A = tpu.sem_alloc : memref<!tpu.dma_semaphore, #tpu.memory_space<semaphore_mem>>
        %dma_start3A_196 = arith.constant 0 : i32
        %dma_start3A_197 = arith.constant 0 : i32
        %dma_start3A_198 = tpu.memref_slice %arg13[%dma_start3A_196, %dma_start3A_197] : memref<40x128xf32, #tpu.memory_space<vmem>> -> memref<40x128xf32, #tpu.memory_space<vmem>>
        %dma_start3A_199 = arith.constant 0 : i32
        %dma_start3A_200 = tpu.memref_slice %arg19[%mul3A_191, %dma_start3A_199] : memref<10000x128xf32, #tpu.memory_space<vmem_shared>> -> memref<40x128xf32, #tpu.memory_space<vmem_shared>>
        %dma_start3A_201 = arith.constant 0 : i32
        %dma_start3A_202 = tpu.memref_slice %arg19[%mul3A_191, %dma_start3A_201] : memref<10000x128xf32, #tpu.memory_space<vmem_shared>> -> memref<40x128xf32, #tpu.memory_space<vmem_shared>>
        %dma_start3A_203 = arith.constant 0 : i32
        %dma_start3A_204 = arith.constant 0 : i32
        %dma_start3A_205 = tpu.memref_slice %arg13[%dma_start3A_203, %dma_start3A_204] : memref<40x128xf32, #tpu.memory_space<vmem>> -> memref<40x128xf32, #tpu.memory_space<vmem>>
        tpu.enqueue_dma source(%dma_start3A_205 : memref<40x128xf32, #tpu.memory_space<vmem>>) target(%dma_start3A_202 : memref<40x128xf32, #tpu.memory_space<vmem_shared>>) target_semaphore(%run_scoped3A : memref<!tpu.dma_semaphore, #tpu.memory_space<semaphore_mem>>)
        %dma_wait3A_206 = arith.constant 0 : i32
        %dma_wait3A_207 = arith.constant 0 : i32
        %dma_wait3A_208 = tpu.memref_slice %arg13[%dma_wait3A_206, %dma_wait3A_207] : memref<40x128xf32, #tpu.memory_space<vmem>> -> memref<40x128xf32, #tpu.memory_space<vmem>>
        %dma_wait3A_209 = arith.constant 0 : i32
        %dma_wait3A_210 = tpu.memref_slice %arg19[%mul3A_191, %dma_wait3A_209] : memref<10000x128xf32, #tpu.memory_space<vmem_shared>> -> memref<40x128xf32, #tpu.memory_space<vmem_shared>>
        %dma_wait3A_211 = arith.constant 0 : i32
        %dma_wait3A_212 = tpu.memref_slice %arg19[%mul3A_191, %dma_wait3A_211] : memref<10000x128xf32, #tpu.memory_space<vmem_shared>> -> memref<40x128xf32, #tpu.memory_space<vmem_shared>>
        %dma_wait3A_213 = arith.constant 0 : i32
        %dma_wait3A_214 = arith.constant 0 : i32
        %dma_wait3A_215 = tpu.memref_slice %arg13[%dma_wait3A_213, %dma_wait3A_214] : memref<40x128xf32, #tpu.memory_space<vmem>> -> memref<40x128xf32, #tpu.memory_space<vmem>>
        tpu.wait_dma2 semaphore(%run_scoped3A : memref<!tpu.dma_semaphore, #tpu.memory_space<semaphore_mem>>) src(%dma_wait3A_215 : memref<40x128xf32, #tpu.memory_space<vmem>>) dst(%dma_wait3A_212 : memref<40x128xf32, #tpu.memory_space<vmem_shared>>)
        tpu.yield
      }) : () -> ()
      %add3A_192 = arith.constant 1 : i32
      %add3A_193 = arith.addi %add3A_189, %add3A_192 : i32
      %mul3A_194 = arith.constant 40 : i32
      %mul3A_195 = arith.muli %add3A_193, %mul3A_194 : i32
      "tpu.region"() ({
        %run_scoped3A = tpu.sem_alloc : memref<!tpu.dma_semaphore, #tpu.memory_space<semaphore_mem>>
        %dma_start3A_196 = arith.constant 0 : i32
        %dma_start3A_197 = arith.constant 0 : i32
        %dma_start3A_198 = tpu.memref_slice %arg14[%dma_start3A_196, %dma_start3A_197] : memref<40x128xf32, #tpu.memory_space<vmem>> -> memref<40x128xf32, #tpu.memory_space<vmem>>
        %dma_start3A_199 = arith.constant 0 : i32
        %dma_start3A_200 = tpu.memref_slice %arg19[%mul3A_195, %dma_start3A_199] : memref<10000x128xf32, #tpu.memory_space<vmem_shared>> -> memref<40x128xf32, #tpu.memory_space<vmem_shared>>
        %dma_start3A_201 = arith.constant 0 : i32
        %dma_start3A_202 = tpu.memref_slice %arg19[%mul3A_195, %dma_start3A_201] : memref<10000x128xf32, #tpu.memory_space<vmem_shared>> -> memref<40x128xf32, #tpu.memory_space<vmem_shared>>
        %dma_start3A_203 = arith.constant 0 : i32
        %dma_start3A_204 = arith.constant 0 : i32
        %dma_start3A_205 = tpu.memref_slice %arg14[%dma_start3A_203, %dma_start3A_204] : memref<40x128xf32, #tpu.memory_space<vmem>> -> memref<40x128xf32, #tpu.memory_space<vmem>>
        tpu.enqueue_dma source(%dma_start3A_205 : memref<40x128xf32, #tpu.memory_space<vmem>>) target(%dma_start3A_202 : memref<40x128xf32, #tpu.memory_space<vmem_shared>>) target_semaphore(%run_scoped3A : memref<!tpu.dma_semaphore, #tpu.memory_space<semaphore_mem>>)
        %dma_wait3A_206 = arith.constant 0 : i32
        %dma_wait3A_207 = arith.constant 0 : i32
        %dma_wait3A_208 = tpu.memref_slice %arg14[%dma_wait3A_206, %dma_wait3A_207] : memref<40x128xf32, #tpu.memory_space<vmem>> -> memref<40x128xf32, #tpu.memory_space<vmem>>
        %dma_wait3A_209 = arith.constant 0 : i32
        %dma_wait3A_210 = tpu.memref_slice %arg19[%mul3A_195, %dma_wait3A_209] : memref<10000x128xf32, #tpu.memory_space<vmem_shared>> -> memref<40x128xf32, #tpu.memory_space<vmem_shared>>
        %dma_wait3A_211 = arith.constant 0 : i32
        %dma_wait3A_212 = tpu.memref_slice %arg19[%mul3A_195, %dma_wait3A_211] : memref<10000x128xf32, #tpu.memory_space<vmem_shared>> -> memref<40x128xf32, #tpu.memory_space<vmem_shared>>
        %dma_wait3A_213 = arith.constant 0 : i32
        %dma_wait3A_214 = arith.constant 0 : i32
        %dma_wait3A_215 = tpu.memref_slice %arg14[%dma_wait3A_213, %dma_wait3A_214] : memref<40x128xf32, #tpu.memory_space<vmem>> -> memref<40x128xf32, #tpu.memory_space<vmem>>
        tpu.wait_dma2 semaphore(%run_scoped3A : memref<!tpu.dma_semaphore, #tpu.memory_space<semaphore_mem>>) src(%dma_wait3A_215 : memref<40x128xf32, #tpu.memory_space<vmem>>) dst(%dma_wait3A_212 : memref<40x128xf32, #tpu.memory_space<vmem_shared>>)
        tpu.yield
      }) : () -> ()
    }
    %barrier3A = arith.constant 0 : index
    tpu.barrier barrier_id(%barrier3A)
    %add3A_25 = arith.constant 0 : i32
    %add3A_26 = arith.addi %mul3A_2, %add3A_25 : i32
    %dma_start3A = tpu.memref_slice %arg3[%add3A_26] : memref<320000xi32, #tpu.memory_space<hbm>> -> memref<40xi32, #tpu.memory_space<hbm>>
    %dma_start3A_27 = tpu.memref_slice %arg3[%add3A_26] : memref<320000xi32, #tpu.memory_space<hbm>> -> memref<40xi32, #tpu.memory_space<hbm>>
    tpu.enqueue_dma source(%dma_start3A_27 : memref<40xi32, #tpu.memory_space<hbm>>) target(%arg7 : memref<40xi32, #tpu.memory_space<vmem>>) target_semaphore(%arg20 : memref<!tpu.dma_semaphore, #tpu.memory_space<semaphore_mem>>)
    %dma_start3A_28 = tpu.memref_slice %arg4[%add3A_26] : memref<320000xi32, #tpu.memory_space<hbm>> -> memref<40xi32, #tpu.memory_space<hbm>>
    %dma_start3A_29 = tpu.memref_slice %arg4[%add3A_26] : memref<320000xi32, #tpu.memory_space<hbm>> -> memref<40xi32, #tpu.memory_space<hbm>>
    tpu.enqueue_dma source(%dma_start3A_29 : memref<40xi32, #tpu.memory_space<hbm>>) target(%arg10 : memref<40xi32, #tpu.memory_space<vmem>>) target_semaphore(%arg23 : memref<!tpu.dma_semaphore, #tpu.memory_space<semaphore_mem>>)
    %dma_start3A_30 = arith.constant 0 : i32
    %dma_start3A_31 = tpu.memref_slice %arg5[%add3A_26, %dma_start3A_30] : memref<320000x128xf32, #tpu.memory_space<hbm>> -> memref<40x128xf32, #tpu.memory_space<hbm>>
    %dma_start3A_32 = arith.constant 0 : i32
    %dma_start3A_33 = tpu.memref_slice %arg5[%add3A_26, %dma_start3A_32] : memref<320000x128xf32, #tpu.memory_space<hbm>> -> memref<40x128xf32, #tpu.memory_space<hbm>>
    tpu.enqueue_dma source(%dma_start3A_33 : memref<40x128xf32, #tpu.memory_space<hbm>>) target(%arg16 : memref<40x128xf32, #tpu.memory_space<vmem>>) target_semaphore(%arg29 : memref<!tpu.dma_semaphore, #tpu.memory_space<semaphore_mem>>)
    %add3A_34 = arith.constant 40 : i32
    %add3A_35 = arith.addi %mul3A_2, %add3A_34 : i32
    %dma_start3A_36 = tpu.memref_slice %arg3[%add3A_35] : memref<320000xi32, #tpu.memory_space<hbm>> -> memref<40xi32, #tpu.memory_space<hbm>>
    %dma_start3A_37 = tpu.memref_slice %arg3[%add3A_35] : memref<320000xi32, #tpu.memory_space<hbm>> -> memref<40xi32, #tpu.memory_space<hbm>>
    tpu.enqueue_dma source(%dma_start3A_37 : memref<40xi32, #tpu.memory_space<hbm>>) target(%arg8 : memref<40xi32, #tpu.memory_space<vmem>>) target_semaphore(%arg21 : memref<!tpu.dma_semaphore, #tpu.memory_space<semaphore_mem>>)
    %dma_start3A_38 = tpu.memref_slice %arg4[%add3A_35] : memref<320000xi32, #tpu.memory_space<hbm>> -> memref<40xi32, #tpu.memory_space<hbm>>
    %dma_start3A_39 = tpu.memref_slice %arg4[%add3A_35] : memref<320000xi32, #tpu.memory_space<hbm>> -> memref<40xi32, #tpu.memory_space<hbm>>
    tpu.enqueue_dma source(%dma_start3A_39 : memref<40xi32, #tpu.memory_space<hbm>>) target(%arg11 : memref<40xi32, #tpu.memory_space<vmem>>) target_semaphore(%arg24 : memref<!tpu.dma_semaphore, #tpu.memory_space<semaphore_mem>>)
    %dma_start3A_40 = arith.constant 0 : i32
    %dma_start3A_41 = tpu.memref_slice %arg5[%add3A_35, %dma_start3A_40] : memref<320000x128xf32, #tpu.memory_space<hbm>> -> memref<40x128xf32, #tpu.memory_space<hbm>>
    %dma_start3A_42 = arith.constant 0 : i32
    %dma_start3A_43 = tpu.memref_slice %arg5[%add3A_35, %dma_start3A_42] : memref<320000x128xf32, #tpu.memory_space<hbm>> -> memref<40x128xf32, #tpu.memory_space<hbm>>
    tpu.enqueue_dma source(%dma_start3A_43 : memref<40x128xf32, #tpu.memory_space<hbm>>) target(%arg17 : memref<40x128xf32, #tpu.memory_space<vmem>>) target_semaphore(%arg30 : memref<!tpu.dma_semaphore, #tpu.memory_space<semaphore_mem>>)
    %dma_wait3A = arith.constant 0 : i32
    %dma_wait3A_44 = tpu.memref_slice %arg3[%dma_wait3A] : memref<320000xi32, #tpu.memory_space<hbm>> -> memref<40xi32, #tpu.memory_space<hbm>>
    %dma_wait3A_45 = arith.constant 0 : i32
    %dma_wait3A_46 = tpu.memref_slice %arg3[%dma_wait3A_45] : memref<320000xi32, #tpu.memory_space<hbm>> -> memref<40xi32, #tpu.memory_space<hbm>>
    tpu.wait_dma2 semaphore(%arg20 : memref<!tpu.dma_semaphore, #tpu.memory_space<semaphore_mem>>) src(%dma_wait3A_46 : memref<40xi32, #tpu.memory_space<hbm>>) dst(%arg7 : memref<40xi32, #tpu.memory_space<vmem>>)
    %dma_start3A_47 = arith.constant 0 : i32
    %dma_start3A_48 = arith.constant 0 : i32
    %dma_start3A_49 = tpu.memref_slice %arg2[%dma_start3A_47, %dma_start3A_48] : memref<10000x128xf32, #tpu.memory_space<hbm>> -> memref<10000x128xf32, #tpu.memory_space<hbm>>
    tpu.enqueue_indirect_dma source(%dma_start3A_49 : memref<10000x128xf32, #tpu.memory_space<hbm>>) target(%arg13 : memref<40x128xf32, #tpu.memory_space<vmem>>) offsets(%arg7 : memref<40xi32, #tpu.memory_space<vmem>>) semaphore(%arg26 : memref<!tpu.dma_semaphore, #tpu.memory_space<semaphore_mem>>)
    %dma_wait3A_50 = arith.constant 0 : i32
    %dma_wait3A_51 = tpu.memref_slice %arg3[%dma_wait3A_50] : memref<320000xi32, #tpu.memory_space<hbm>> -> memref<40xi32, #tpu.memory_space<hbm>>
    %dma_wait3A_52 = arith.constant 0 : i32
    %dma_wait3A_53 = tpu.memref_slice %arg3[%dma_wait3A_52] : memref<320000xi32, #tpu.memory_space<hbm>> -> memref<40xi32, #tpu.memory_space<hbm>>
    tpu.wait_dma2 semaphore(%arg21 : memref<!tpu.dma_semaphore, #tpu.memory_space<semaphore_mem>>) src(%dma_wait3A_53 : memref<40xi32, #tpu.memory_space<hbm>>) dst(%arg8 : memref<40xi32, #tpu.memory_space<vmem>>)
    %dma_start3A_54 = arith.constant 0 : i32
    %dma_start3A_55 = arith.constant 0 : i32
    %dma_start3A_56 = tpu.memref_slice %arg2[%dma_start3A_54, %dma_start3A_55] : memref<10000x128xf32, #tpu.memory_space<hbm>> -> memref<10000x128xf32, #tpu.memory_space<hbm>>
    tpu.enqueue_indirect_dma source(%dma_start3A_56 : memref<10000x128xf32, #tpu.memory_space<hbm>>) target(%arg14 : memref<40x128xf32, #tpu.memory_space<vmem>>) offsets(%arg8 : memref<40xi32, #tpu.memory_space<vmem>>) semaphore(%arg27 : memref<!tpu.dma_semaphore, #tpu.memory_space<semaphore_mem>>)
    %dma_wait3A_57 = arith.constant 0 : i32
    %dma_wait3A_58 = arith.constant 0 : i32
    %dma_wait3A_59 = tpu.memref_slice %arg5[%dma_wait3A_57, %dma_wait3A_58] : memref<320000x128xf32, #tpu.memory_space<hbm>> -> memref<40x128xf32, #tpu.memory_space<hbm>>
    %dma_wait3A_60 = arith.constant 0 : i32
    %dma_wait3A_61 = arith.constant 0 : i32
    %dma_wait3A_62 = tpu.memref_slice %arg5[%dma_wait3A_60, %dma_wait3A_61] : memref<320000x128xf32, #tpu.memory_space<hbm>> -> memref<40x128xf32, #tpu.memory_space<hbm>>
    tpu.wait_dma2 semaphore(%arg29 : memref<!tpu.dma_semaphore, #tpu.memory_space<semaphore_mem>>) src(%dma_wait3A_62 : memref<40x128xf32, #tpu.memory_space<hbm>>) dst(%arg16 : memref<40x128xf32, #tpu.memory_space<vmem>>)
    %dma_wait3A_63 = arith.constant 0 : i32
    %dma_wait3A_64 = arith.constant 0 : i32
    %dma_wait3A_65 = tpu.memref_slice %arg2[%dma_wait3A_63, %dma_wait3A_64] : memref<10000x128xf32, #tpu.memory_space<hbm>> -> memref<10000x128xf32, #tpu.memory_space<hbm>>
    tpu.wait_indirect_dma semaphore(%arg26 : memref<!tpu.dma_semaphore, #tpu.memory_space<semaphore_mem>>) src(%dma_wait3A_65 : memref<10000x128xf32, #tpu.memory_space<hbm>>) dst(%arg13 : memref<40x128xf32, #tpu.memory_space<vmem>>)
    %scan3A_66 = arith.constant 0 : i32
    %scan3A_67 = arith.constant 20 : i32
    %scan3A_68 = arith.addi %scan3A_66, %scan3A_67 : i32
    %scan3A_69 = arith.constant 1 : i32
    scf.for %scan3A_187 = %scan3A_66 to %scan3A_68 step %scan3A_69  : i32 {
      %mul3A_188 = arith.constant 2 : i32
      %mul3A_189 = arith.muli %scan3A_187, %mul3A_188 : i32
      %add3A_190 = arith.constant 0 : i32
      %add3A_191 = arith.addi %add3A_190, %mul3A_189 : i32
      %add3A_192 = arith.constant 0 : i32
      %add3A_193 = arith.addi %add3A_191, %add3A_192 : i32
      %get3A = arith.index_cast %add3A_193 : i32 to index
      %get3A_194 = arith.constant 0 : index
      %get3A_195 = tpu.vector_load %arg13[%get3A, %get3A_194] {strides = array<i32>} : memref<40x128xf32, #tpu.memory_space<vmem>>, vector<1x16xf32>,
      %get3A_196 = vector.shape_cast %get3A_195 : vector<1x16xf32> to vector<16xf32>
      %add3A_197 = arith.constant 0 : i32
      %add3A_198 = arith.addi %add3A_191, %add3A_197 : i32
      %get3A_199 = arith.index_cast %add3A_198 : i32 to index
      %get3A_200 = arith.constant 0 : index
      %get3A_201 = tpu.vector_load %arg16[%get3A_199, %get3A_200] {strides = array<i32>} : memref<40x128xf32, #tpu.memory_space<vmem>>, vector<1x16xf32>,
      %get3A_202 = vector.shape_cast %get3A_201 : vector<1x16xf32> to vector<16xf32>
      %add3A_203 = arith.addf %get3A_196, %get3A_202 : vector<16xf32>
      %max3A = arith.constant 0.000000e+00 : f32
      %max3A_204 = vector.broadcast %max3A : f32 to vector<16xf32>
      %max3A_205 = arith.maximumf %add3A_203, %max3A_204 : vector<16xf32>
      %add3A_206 = arith.constant 0 : i32
      %add3A_207 = arith.addi %add3A_191, %add3A_206 : i32
      %swap3A = arith.index_cast %add3A_207 : i32 to index
      %swap3A_208 = arith.constant 0 : index
      %swap3A_209 = tpu.vector_load %arg13[%swap3A, %swap3A_208] {strides = array<i32>} : memref<40x128xf32, #tpu.memory_space<vmem>>, vector<1x16xf32>,
      %swap3A_210 = vector.shape_cast %swap3A_209 : vector<1x16xf32> to vector<16xf32>
      %swap3A_211 = vector.shape_cast %max3A_205 : vector<16xf32> to vector<1x16xf32>
      tpu.vector_store %arg13[%swap3A, %swap3A_208], %swap3A_211 {strides = array<i32>} : memref<40x128xf32, #tpu.memory_space<vmem>>, vector<1x16xf32>,
      %add3A_212 = arith.constant 0 : i32
      %add3A_213 = arith.addi %add3A_191, %add3A_212 : i32
      %get3A_214 = arith.index_cast %add3A_213 : i32 to index
      %get3A_215 = arith.constant 16 : index
      %get3A_216 = tpu.vector_load %arg13[%get3A_214, %get3A_215] {strides = array<i32>} : memref<40x128xf32, #tpu.memory_space<vmem>>, vector<1x16xf32>,
      %get3A_217 = vector.shape_cast %get3A_216 : vector<1x16xf32> to vector<16xf32>
      %add3A_218 = arith.constant 0 : i32
      %add3A_219 = arith.addi %add3A_191, %add3A_218 : i32
      %get3A_220 = arith.index_cast %add3A_219 : i32 to index
      %get3A_221 = arith.constant 16 : index
      %get3A_222 = tpu.vector_load %arg16[%get3A_220, %get3A_221] {strides = array<i32>} : memref<40x128xf32, #tpu.memory_space<vmem>>, vector<1x16xf32>,
      %get3A_223 = vector.shape_cast %get3A_222 : vector<1x16xf32> to vector<16xf32>
      %add3A_224 = arith.addf %get3A_217, %get3A_223 : vector<16xf32>
      %max3A_225 = arith.constant 0.000000e+00 : f32
      %max3A_226 = vector.broadcast %max3A_225 : f32 to vector<16xf32>
      %max3A_227 = arith.maximumf %add3A_224, %max3A_226 : vector<16xf32>
      %add3A_228 = arith.constant 0 : i32
      %add3A_229 = arith.addi %add3A_191, %add3A_228 : i32
      %swap3A_230 = arith.index_cast %add3A_229 : i32 to index
      %swap3A_231 = arith.constant 16 : index
      %swap3A_232 = tpu.vector_load %arg13[%swap3A_230, %swap3A_231] {strides = array<i32>} : memref<40x128xf32, #tpu.memory_space<vmem>>, vector<1x16xf32>,
      %swap3A_233 = vector.shape_cast %swap3A_232 : vector<1x16xf32> to vector<16xf32>
      %swap3A_234 = vector.shape_cast %max3A_227 : vector<16xf32> to vector<1x16xf32>
      tpu.vector_store %arg13[%swap3A_230, %swap3A_231], %swap3A_234 {strides = array<i32>} : memref<40x128xf32, #tpu.memory_space<vmem>>, vector<1x16xf32>,
      %add3A_235 = arith.constant 0 : i32
      %add3A_236 = arith.addi %add3A_191, %add3A_235 : i32
      %get3A_237 = arith.index_cast %add3A_236 : i32 to index
      %get3A_238 = arith.constant 32 : index
      %get3A_239 = tpu.vector_load %arg13[%get3A_237, %get3A_238] {strides = array<i32>} : memref<40x128xf32, #tpu.memory_space<vmem>>, vector<1x16xf32>,
      %get3A_240 = vector.shape_cast %get3A_239 : vector<1x16xf32> to vector<16xf32>
      %add3A_241 = arith.constant 0 : i32
      %add3A_242 = arith.addi %add3A_191, %add3A_241 : i32
      %get3A_243 = arith.index_cast %add3A_242 : i32 to index
      %get3A_244 = arith.constant 32 : index
      %get3A_245 = tpu.vector_load %arg16[%get3A_243, %get3A_244] {strides = array<i32>} : memref<40x128xf32, #tpu.memory_space<vmem>>, vector<1x16xf32>,
      %get3A_246 = vector.shape_cast %get3A_245 : vector<1x16xf32> to vector<16xf32>
      %add3A_247 = arith.addf %get3A_240, %get3A_246 : vector<16xf32>
      %max3A_248 = arith.constant 0.000000e+00 : f32
      %max3A_249 = vector.broadcast %max3A_248 : f32 to vector<16xf32>
      %max3A_250 = arith.maximumf %add3A_247, %max3A_249 : vector<16xf32>
      %add3A_251 = arith.constant 0 : i32
      %add3A_252 = arith.addi %add3A_191, %add3A_251 : i32
      %swap3A_253 = arith.index_cast %add3A_252 : i32 to index
      %swap3A_254 = arith.constant 32 : index
      %swap3A_255 = tpu.vector_load %arg13[%swap3A_253, %swap3A_254] {strides = array<i32>} : memref<40x128xf32, #tpu.memory_space<vmem>>, vector<1x16xf32>,
      %swap3A_256 = vector.shape_cast %swap3A_255 : vector<1x16xf32> to vector<16xf32>
      %swap3A_257 = vector.shape_cast %max3A_250 : vector<16xf32> to vector<1x16xf32>
      tpu.vector_store %arg13[%swap3A_253, %swap3A_254], %swap3A_257 {strides = array<i32>} : memref<40x128xf32, #tpu.memory_space<vmem>>, vector<1x16xf32>,
      %add3A_258 = arith.constant 0 : i32
      %add3A_259 = arith.addi %add3A_191, %add3A_258 : i32
      %get3A_260 = arith.index_cast %add3A_259 : i32 to index
      %get3A_261 = arith.constant 48 : index
      %get3A_262 = tpu.vector_load %arg13[%get3A_260, %get3A_261] {strides = array<i32>} : memref<40x128xf32, #tpu.memory_space<vmem>>, vector<1x16xf32>,
      %get3A_263 = vector.shape_cast %get3A_262 : vector<1x16xf32> to vector<16xf32>
      %add3A_264 = arith.constant 0 : i32
      %add3A_265 = arith.addi %add3A_191, %add3A_264 : i32
      %get3A_266 = arith.index_cast %add3A_265 : i32 to index
      %get3A_267 = arith.constant 48 : index
      %get3A_268 = tpu.vector_load %arg16[%get3A_266, %get3A_267] {strides = array<i32>} : memref<40x128xf32, #tpu.memory_space<vmem>>, vector<1x16xf32>,
      %get3A_269 = vector.shape_cast %get3A_268 : vector<1x16xf32> to vector<16xf32>
      %add3A_270 = arith.addf %get3A_263, %get3A_269 : vector<16xf32>
      %max3A_271 = arith.constant 0.000000e+00 : f32
      %max3A_272 = vector.broadcast %max3A_271 : f32 to vector<16xf32>
      %max3A_273 = arith.maximumf %add3A_270, %max3A_272 : vector<16xf32>
      %add3A_274 = arith.constant 0 : i32
      %add3A_275 = arith.addi %add3A_191, %add3A_274 : i32
      %swap3A_276 = arith.index_cast %add3A_275 : i32 to index
      %swap3A_277 = arith.constant 48 : index
      %swap3A_278 = tpu.vector_load %arg13[%swap3A_276, %swap3A_277] {strides = array<i32>} : memref<40x128xf32, #tpu.memory_space<vmem>>, vector<1x16xf32>,
      %swap3A_279 = vector.shape_cast %swap3A_278 : vector<1x16xf32> to vector<16xf32>
      %swap3A_280 = vector.shape_cast %max3A_273 : vector<16xf32> to vector<1x16xf32>
      tpu.vector_store %arg13[%swap3A_276, %swap3A_277], %swap3A_280 {strides = array<i32>} : memref<40x128xf32, #tpu.memory_space<vmem>>, vector<1x16xf32>,
      %add3A_281 = arith.constant 0 : i32
      %add3A_282 = arith.addi %add3A_191, %add3A_281 : i32
      %get3A_283 = arith.index_cast %add3A_282 : i32 to index
      %get3A_284 = arith.constant 64 : index
      %get3A_285 = tpu.vector_load %arg13[%get3A_283, %get3A_284] {strides = array<i32>} : memref<40x128xf32, #tpu.memory_space<vmem>>, vector<1x16xf32>,
      %get3A_286 = vector.shape_cast %get3A_285 : vector<1x16xf32> to vector<16xf32>
      %add3A_287 = arith.constant 0 : i32
      %add3A_288 = arith.addi %add3A_191, %add3A_287 : i32
      %get3A_289 = arith.index_cast %add3A_288 : i32 to index
      %get3A_290 = arith.constant 64 : index
      %get3A_291 = tpu.vector_load %arg16[%get3A_289, %get3A_290] {strides = array<i32>} : memref<40x128xf32, #tpu.memory_space<vmem>>, vector<1x16xf32>,
      %get3A_292 = vector.shape_cast %get3A_291 : vector<1x16xf32> to vector<16xf32>
      %add3A_293 = arith.addf %get3A_286, %get3A_292 : vector<16xf32>
      %max3A_294 = arith.constant 0.000000e+00 : f32
      %max3A_295 = vector.broadcast %max3A_294 : f32 to vector<16xf32>
      %max3A_296 = arith.maximumf %add3A_293, %max3A_295 : vector<16xf32>
      %add3A_297 = arith.constant 0 : i32
      %add3A_298 = arith.addi %add3A_191, %add3A_297 : i32
      %swap3A_299 = arith.index_cast %add3A_298 : i32 to index
      %swap3A_300 = arith.constant 64 : index
      %swap3A_301 = tpu.vector_load %arg13[%swap3A_299, %swap3A_300] {strides = array<i32>} : memref<40x128xf32, #tpu.memory_space<vmem>>, vector<1x16xf32>,
      %swap3A_302 = vector.shape_cast %swap3A_301 : vector<1x16xf32> to vector<16xf32>
      %swap3A_303 = vector.shape_cast %max3A_296 : vector<16xf32> to vector<1x16xf32>
      tpu.vector_store %arg13[%swap3A_299, %swap3A_300], %swap3A_303 {strides = array<i32>} : memref<40x128xf32, #tpu.memory_space<vmem>>, vector<1x16xf32>,
      %add3A_304 = arith.constant 0 : i32
      %add3A_305 = arith.addi %add3A_191, %add3A_304 : i32
      %get3A_306 = arith.index_cast %add3A_305 : i32 to index
      %get3A_307 = arith.constant 80 : index
      %get3A_308 = tpu.vector_load %arg13[%get3A_306, %get3A_307] {strides = array<i32>} : memref<40x128xf32, #tpu.memory_space<vmem>>, vector<1x16xf32>,
      %get3A_309 = vector.shape_cast %get3A_308 : vector<1x16xf32> to vector<16xf32>
      %add3A_310 = arith.constant 0 : i32
      %add3A_311 = arith.addi %add3A_191, %add3A_310 : i32
      %get3A_312 = arith.index_cast %add3A_311 : i32 to index
      %get3A_313 = arith.constant 80 : index
      %get3A_314 = tpu.vector_load %arg16[%get3A_312, %get3A_313] {strides = array<i32>} : memref<40x128xf32, #tpu.memory_space<vmem>>, vector<1x16xf32>,
      %get3A_315 = vector.shape_cast %get3A_314 : vector<1x16xf32> to vector<16xf32>
      %add3A_316 = arith.addf %get3A_309, %get3A_315 : vector<16xf32>
      %max3A_317 = arith.constant 0.000000e+00 : f32
      %max3A_318 = vector.broadcast %max3A_317 : f32 to vector<16xf32>
      %max3A_319 = arith.maximumf %add3A_316, %max3A_318 : vector<16xf32>
      %add3A_320 = arith.constant 0 : i32
      %add3A_321 = arith.addi %add3A_191, %add3A_320 : i32
      %swap3A_322 = arith.index_cast %add3A_321 : i32 to index
      %swap3A_323 = arith.constant 80 : index
      %swap3A_324 = tpu.vector_load %arg13[%swap3A_322, %swap3A_323] {strides = array<i32>} : memref<40x128xf32, #tpu.memory_space<vmem>>, vector<1x16xf32>,
      %swap3A_325 = vector.shape_cast %swap3A_324 : vector<1x16xf32> to vector<16xf32>
      %swap3A_326 = vector.shape_cast %max3A_319 : vector<16xf32> to vector<1x16xf32>
      tpu.vector_store %arg13[%swap3A_322, %swap3A_323], %swap3A_326 {strides = array<i32>} : memref<40x128xf32, #tpu.memory_space<vmem>>, vector<1x16xf32>,
      %add3A_327 = arith.constant 0 : i32
      %add3A_328 = arith.addi %add3A_191, %add3A_327 : i32
      %get3A_329 = arith.index_cast %add3A_328 : i32 to index
      %get3A_330 = arith.constant 96 : index
      %get3A_331 = tpu.vector_load %arg13[%get3A_329, %get3A_330] {strides = array<i32>} : memref<40x128xf32, #tpu.memory_space<vmem>>, vector<1x16xf32>,
      %get3A_332 = vector.shape_cast %get3A_331 : vector<1x16xf32> to vector<16xf32>
      %add3A_333 = arith.constant 0 : i32
      %add3A_334 = arith.addi %add3A_191, %add3A_333 : i32
      %get3A_335 = arith.index_cast %add3A_334 : i32 to index
      %get3A_336 = arith.constant 96 : index
      %get3A_337 = tpu.vector_load %arg16[%get3A_335, %get3A_336] {strides = array<i32>} : memref<40x128xf32, #tpu.memory_space<vmem>>, vector<1x16xf32>,
      %get3A_338 = vector.shape_cast %get3A_337 : vector<1x16xf32> to vector<16xf32>
      %add3A_339 = arith.addf %get3A_332, %get3A_338 : vector<16xf32>
      %max3A_340 = arith.constant 0.000000e+00 : f32
      %max3A_341 = vector.broadcast %max3A_340 : f32 to vector<16xf32>
      %max3A_342 = arith.maximumf %add3A_339, %max3A_341 : vector<16xf32>
      %add3A_343 = arith.constant 0 : i32
      %add3A_344 = arith.addi %add3A_191, %add3A_343 : i32
      %swap3A_345 = arith.index_cast %add3A_344 : i32 to index
      %swap3A_346 = arith.constant 96 : index
      %swap3A_347 = tpu.vector_load %arg13[%swap3A_345, %swap3A_346] {strides = array<i32>} : memref<40x128xf32, #tpu.memory_space<vmem>>, vector<1x16xf32>,
      %swap3A_348 = vector.shape_cast %swap3A_347 : vector<1x16xf32> to vector<16xf32>
      %swap3A_349 = vector.shape_cast %max3A_342 : vector<16xf32> to vector<1x16xf32>
      tpu.vector_store %arg13[%swap3A_345, %swap3A_346], %swap3A_349 {strides = array<i32>} : memref<40x128xf32, #tpu.memory_space<vmem>>, vector<1x16xf32>,
      %add3A_350 = arith.constant 0 : i32
      %add3A_351 = arith.addi %add3A_191, %add3A_350 : i32
      %get3A_352 = arith.index_cast %add3A_351 : i32 to index
      %get3A_353 = arith.constant 112 : index
      %get3A_354 = tpu.vector_load %arg13[%get3A_352, %get3A_353] {strides = array<i32>} : memref<40x128xf32, #tpu.memory_space<vmem>>, vector<1x16xf32>,
      %get3A_355 = vector.shape_cast %get3A_354 : vector<1x16xf32> to vector<16xf32>
      %add3A_356 = arith.constant 0 : i32
      %add3A_357 = arith.addi %add3A_191, %add3A_356 : i32
      %get3A_358 = arith.index_cast %add3A_357 : i32 to index
      %get3A_359 = arith.constant 112 : index
      %get3A_360 = tpu.vector_load %arg16[%get3A_358, %get3A_359] {strides = array<i32>} : memref<40x128xf32, #tpu.memory_space<vmem>>, vector<1x16xf32>,
      %get3A_361 = vector.shape_cast %get3A_360 : vector<1x16xf32> to vector<16xf32>
      %add3A_362 = arith.addf %get3A_355, %get3A_361 : vector<16xf32>
      %max3A_363 = arith.constant 0.000000e+00 : f32
      %max3A_364 = vector.broadcast %max3A_363 : f32 to vector<16xf32>
      %max3A_365 = arith.maximumf %add3A_362, %max3A_364 : vector<16xf32>
      %add3A_366 = arith.constant 0 : i32
      %add3A_367 = arith.addi %add3A_191, %add3A_366 : i32
      %swap3A_368 = arith.index_cast %add3A_367 : i32 to index
      %swap3A_369 = arith.constant 112 : index
      %swap3A_370 = tpu.vector_load %arg13[%swap3A_368, %swap3A_369] {strides = array<i32>} : memref<40x128xf32, #tpu.memory_space<vmem>>, vector<1x16xf32>,
      %swap3A_371 = vector.shape_cast %swap3A_370 : vector<1x16xf32> to vector<16xf32>
      %swap3A_372 = vector.shape_cast %max3A_365 : vector<16xf32> to vector<1x16xf32>
      tpu.vector_store %arg13[%swap3A_368, %swap3A_369], %swap3A_372 {strides = array<i32>} : memref<40x128xf32, #tpu.memory_space<vmem>>, vector<1x16xf32>,
      %add3A_373 = arith.constant 1 : i32
      %add3A_374 = arith.addi %add3A_191, %add3A_373 : i32
      %get3A_375 = arith.index_cast %add3A_374 : i32 to index
      %get3A_376 = arith.constant 0 : index
      %get3A_377 = tpu.vector_load %arg13[%get3A_375, %get3A_376] {strides = array<i32>} : memref<40x128xf32, #tpu.memory_space<vmem>>, vector<1x16xf32>,
      %get3A_378 = vector.shape_cast %get3A_377 : vector<1x16xf32> to vector<16xf32>
      %add3A_379 = arith.constant 1 : i32
      %add3A_380 = arith.addi %add3A_191, %add3A_379 : i32
      %get3A_381 = arith.index_cast %add3A_380 : i32 to index
      %get3A_382 = arith.constant 0 : index
      %get3A_383 = tpu.vector_load %arg16[%get3A_381, %get3A_382] {strides = array<i32>} : memref<40x128xf32, #tpu.memory_space<vmem>>, vector<1x16xf32>,
      %get3A_384 = vector.shape_cast %get3A_383 : vector<1x16xf32> to vector<16xf32>
      %add3A_385 = arith.addf %get3A_378, %get3A_384 : vector<16xf32>
      %max3A_386 = arith.constant 0.000000e+00 : f32
      %max3A_387 = vector.broadcast %max3A_386 : f32 to vector<16xf32>
      %max3A_388 = arith.maximumf %add3A_385, %max3A_387 : vector<16xf32>
      %add3A_389 = arith.constant 1 : i32
      %add3A_390 = arith.addi %add3A_191, %add3A_389 : i32
      %swap3A_391 = arith.index_cast %add3A_390 : i32 to index
      %swap3A_392 = arith.constant 0 : index
      %swap3A_393 = tpu.vector_load %arg13[%swap3A_391, %swap3A_392] {strides = array<i32>} : memref<40x128xf32, #tpu.memory_space<vmem>>, vector<1x16xf32>,
      %swap3A_394 = vector.shape_cast %swap3A_393 : vector<1x16xf32> to vector<16xf32>
      %swap3A_395 = vector.shape_cast %max3A_388 : vector<16xf32> to vector<1x16xf32>
      tpu.vector_store %arg13[%swap3A_391, %swap3A_392], %swap3A_395 {strides = array<i32>} : memref<40x128xf32, #tpu.memory_space<vmem>>, vector<1x16xf32>,
      %add3A_396 = arith.constant 1 : i32
      %add3A_397 = arith.addi %add3A_191, %add3A_396 : i32
      %get3A_398 = arith.index_cast %add3A_397 : i32 to index
      %get3A_399 = arith.constant 16 : index
      %get3A_400 = tpu.vector_load %arg13[%get3A_398, %get3A_399] {strides = array<i32>} : memref<40x128xf32, #tpu.memory_space<vmem>>, vector<1x16xf32>,
      %get3A_401 = vector.shape_cast %get3A_400 : vector<1x16xf32> to vector<16xf32>
      %add3A_402 = arith.constant 1 : i32
      %add3A_403 = arith.addi %add3A_191, %add3A_402 : i32
      %get3A_404 = arith.index_cast %add3A_403 : i32 to index
      %get3A_405 = arith.constant 16 : index
      %get3A_406 = tpu.vector_load %arg16[%get3A_404, %get3A_405] {strides = array<i32>} : memref<40x128xf32, #tpu.memory_space<vmem>>, vector<1x16xf32>,
      %get3A_407 = vector.shape_cast %get3A_406 : vector<1x16xf32> to vector<16xf32>
      %add3A_408 = arith.addf %get3A_401, %get3A_407 : vector<16xf32>
      %max3A_409 = arith.constant 0.000000e+00 : f32
      %max3A_410 = vector.broadcast %max3A_409 : f32 to vector<16xf32>
      %max3A_411 = arith.maximumf %add3A_408, %max3A_410 : vector<16xf32>
      %add3A_412 = arith.constant 1 : i32
      %add3A_413 = arith.addi %add3A_191, %add3A_412 : i32
      %swap3A_414 = arith.index_cast %add3A_413 : i32 to index
      %swap3A_415 = arith.constant 16 : index
      %swap3A_416 = tpu.vector_load %arg13[%swap3A_414, %swap3A_415] {strides = array<i32>} : memref<40x128xf32, #tpu.memory_space<vmem>>, vector<1x16xf32>,
      %swap3A_417 = vector.shape_cast %swap3A_416 : vector<1x16xf32> to vector<16xf32>
      %swap3A_418 = vector.shape_cast %max3A_411 : vector<16xf32> to vector<1x16xf32>
      tpu.vector_store %arg13[%swap3A_414, %swap3A_415], %swap3A_418 {strides = array<i32>} : memref<40x128xf32, #tpu.memory_space<vmem>>, vector<1x16xf32>,
      %add3A_419 = arith.constant 1 : i32
      %add3A_420 = arith.addi %add3A_191, %add3A_419 : i32
      %get3A_421 = arith.index_cast %add3A_420 : i32 to index
      %get3A_422 = arith.constant 32 : index
      %get3A_423 = tpu.vector_load %arg13[%get3A_421, %get3A_422] {strides = array<i32>} : memref<40x128xf32, #tpu.memory_space<vmem>>, vector<1x16xf32>,
      %get3A_424 = vector.shape_cast %get3A_423 : vector<1x16xf32> to vector<16xf32>
      %add3A_425 = arith.constant 1 : i32
      %add3A_426 = arith.addi %add3A_191, %add3A_425 : i32
      %get3A_427 = arith.index_cast %add3A_426 : i32 to index
      %get3A_428 = arith.constant 32 : index
      %get3A_429 = tpu.vector_load %arg16[%get3A_427, %get3A_428] {strides = array<i32>} : memref<40x128xf32, #tpu.memory_space<vmem>>, vector<1x16xf32>,
      %get3A_430 = vector.shape_cast %get3A_429 : vector<1x16xf32> to vector<16xf32>
      %add3A_431 = arith.addf %get3A_424, %get3A_430 : vector<16xf32>
      %max3A_432 = arith.constant 0.000000e+00 : f32
      %max3A_433 = vector.broadcast %max3A_432 : f32 to vector<16xf32>
      %max3A_434 = arith.maximumf %add3A_431, %max3A_433 : vector<16xf32>
      %add3A_435 = arith.constant 1 : i32
      %add3A_436 = arith.addi %add3A_191, %add3A_435 : i32
      %swap3A_437 = arith.index_cast %add3A_436 : i32 to index
      %swap3A_438 = arith.constant 32 : index
      %swap3A_439 = tpu.vector_load %arg13[%swap3A_437, %swap3A_438] {strides = array<i32>} : memref<40x128xf32, #tpu.memory_space<vmem>>, vector<1x16xf32>,
      %swap3A_440 = vector.shape_cast %swap3A_439 : vector<1x16xf32> to vector<16xf32>
      %swap3A_441 = vector.shape_cast %max3A_434 : vector<16xf32> to vector<1x16xf32>
      tpu.vector_store %arg13[%swap3A_437, %swap3A_438], %swap3A_441 {strides = array<i32>} : memref<40x128xf32, #tpu.memory_space<vmem>>, vector<1x16xf32>,
      %add3A_442 = arith.constant 1 : i32
      %add3A_443 = arith.addi %add3A_191, %add3A_442 : i32
      %get3A_444 = arith.index_cast %add3A_443 : i32 to index
      %get3A_445 = arith.constant 48 : index
      %get3A_446 = tpu.vector_load %arg13[%get3A_444, %get3A_445] {strides = array<i32>} : memref<40x128xf32, #tpu.memory_space<vmem>>, vector<1x16xf32>,
      %get3A_447 = vector.shape_cast %get3A_446 : vector<1x16xf32> to vector<16xf32>
      %add3A_448 = arith.constant 1 : i32
      %add3A_449 = arith.addi %add3A_191, %add3A_448 : i32
      %get3A_450 = arith.index_cast %add3A_449 : i32 to index
      %get3A_451 = arith.constant 48 : index
      %get3A_452 = tpu.vector_load %arg16[%get3A_450, %get3A_451] {strides = array<i32>} : memref<40x128xf32, #tpu.memory_space<vmem>>, vector<1x16xf32>,
      %get3A_453 = vector.shape_cast %get3A_452 : vector<1x16xf32> to vector<16xf32>
      %add3A_454 = arith.addf %get3A_447, %get3A_453 : vector<16xf32>
      %max3A_455 = arith.constant 0.000000e+00 : f32
      %max3A_456 = vector.broadcast %max3A_455 : f32 to vector<16xf32>
      %max3A_457 = arith.maximumf %add3A_454, %max3A_456 : vector<16xf32>
      %add3A_458 = arith.constant 1 : i32
      %add3A_459 = arith.addi %add3A_191, %add3A_458 : i32
      %swap3A_460 = arith.index_cast %add3A_459 : i32 to index
      %swap3A_461 = arith.constant 48 : index
      %swap3A_462 = tpu.vector_load %arg13[%swap3A_460, %swap3A_461] {strides = array<i32>} : memref<40x128xf32, #tpu.memory_space<vmem>>, vector<1x16xf32>,
      %swap3A_463 = vector.shape_cast %swap3A_462 : vector<1x16xf32> to vector<16xf32>
      %swap3A_464 = vector.shape_cast %max3A_457 : vector<16xf32> to vector<1x16xf32>
      tpu.vector_store %arg13[%swap3A_460, %swap3A_461], %swap3A_464 {strides = array<i32>} : memref<40x128xf32, #tpu.memory_space<vmem>>, vector<1x16xf32>,
      %add3A_465 = arith.constant 1 : i32
      %add3A_466 = arith.addi %add3A_191, %add3A_465 : i32
      %get3A_467 = arith.index_cast %add3A_466 : i32 to index
      %get3A_468 = arith.constant 64 : index
      %get3A_469 = tpu.vector_load %arg13[%get3A_467, %get3A_468] {strides = array<i32>} : memref<40x128xf32, #tpu.memory_space<vmem>>, vector<1x16xf32>,
      %get3A_470 = vector.shape_cast %get3A_469 : vector<1x16xf32> to vector<16xf32>
      %add3A_471 = arith.constant 1 : i32
      %add3A_472 = arith.addi %add3A_191, %add3A_471 : i32
      %get3A_473 = arith.index_cast %add3A_472 : i32 to index
      %get3A_474 = arith.constant 64 : index
      %get3A_475 = tpu.vector_load %arg16[%get3A_473, %get3A_474] {strides = array<i32>} : memref<40x128xf32, #tpu.memory_space<vmem>>, vector<1x16xf32>,
      %get3A_476 = vector.shape_cast %get3A_475 : vector<1x16xf32> to vector<16xf32>
      %add3A_477 = arith.addf %get3A_470, %get3A_476 : vector<16xf32>
      %max3A_478 = arith.constant 0.000000e+00 : f32
      %max3A_479 = vector.broadcast %max3A_478 : f32 to vector<16xf32>
      %max3A_480 = arith.maximumf %add3A_477, %max3A_479 : vector<16xf32>
      %add3A_481 = arith.constant 1 : i32
      %add3A_482 = arith.addi %add3A_191, %add3A_481 : i32
      %swap3A_483 = arith.index_cast %add3A_482 : i32 to index
      %swap3A_484 = arith.constant 64 : index
      %swap3A_485 = tpu.vector_load %arg13[%swap3A_483, %swap3A_484] {strides = array<i32>} : memref<40x128xf32, #tpu.memory_space<vmem>>, vector<1x16xf32>,
      %swap3A_486 = vector.shape_cast %swap3A_485 : vector<1x16xf32> to vector<16xf32>
      %swap3A_487 = vector.shape_cast %max3A_480 : vector<16xf32> to vector<1x16xf32>
      tpu.vector_store %arg13[%swap3A_483, %swap3A_484], %swap3A_487 {strides = array<i32>} : memref<40x128xf32, #tpu.memory_space<vmem>>, vector<1x16xf32>,
      %add3A_488 = arith.constant 1 : i32
      %add3A_489 = arith.addi %add3A_191, %add3A_488 : i32
      %get3A_490 = arith.index_cast %add3A_489 : i32 to index
      %get3A_491 = arith.constant 80 : index
      %get3A_492 = tpu.vector_load %arg13[%get3A_490, %get3A_491] {strides = array<i32>} : memref<40x128xf32, #tpu.memory_space<vmem>>, vector<1x16xf32>,
      %get3A_493 = vector.shape_cast %get3A_492 : vector<1x16xf32> to vector<16xf32>
      %add3A_494 = arith.constant 1 : i32
      %add3A_495 = arith.addi %add3A_191, %add3A_494 : i32
      %get3A_496 = arith.index_cast %add3A_495 : i32 to index
      %get3A_497 = arith.constant 80 : index
      %get3A_498 = tpu.vector_load %arg16[%get3A_496, %get3A_497] {strides = array<i32>} : memref<40x128xf32, #tpu.memory_space<vmem>>, vector<1x16xf32>,
      %get3A_499 = vector.shape_cast %get3A_498 : vector<1x16xf32> to vector<16xf32>
      %add3A_500 = arith.addf %get3A_493, %get3A_499 : vector<16xf32>
      %max3A_501 = arith.constant 0.000000e+00 : f32
      %max3A_502 = vector.broadcast %max3A_501 : f32 to vector<16xf32>
      %max3A_503 = arith.maximumf %add3A_500, %max3A_502 : vector<16xf32>
      %add3A_504 = arith.constant 1 : i32
      %add3A_505 = arith.addi %add3A_191, %add3A_504 : i32
      %swap3A_506 = arith.index_cast %add3A_505 : i32 to index
      %swap3A_507 = arith.constant 80 : index
      %swap3A_508 = tpu.vector_load %arg13[%swap3A_506, %swap3A_507] {strides = array<i32>} : memref<40x128xf32, #tpu.memory_space<vmem>>, vector<1x16xf32>,
      %swap3A_509 = vector.shape_cast %swap3A_508 : vector<1x16xf32> to vector<16xf32>
      %swap3A_510 = vector.shape_cast %max3A_503 : vector<16xf32> to vector<1x16xf32>
      tpu.vector_store %arg13[%swap3A_506, %swap3A_507], %swap3A_510 {strides = array<i32>} : memref<40x128xf32, #tpu.memory_space<vmem>>, vector<1x16xf32>,
      %add3A_511 = arith.constant 1 : i32
      %add3A_512 = arith.addi %add3A_191, %add3A_511 : i32
      %get3A_513 = arith.index_cast %add3A_512 : i32 to index
      %get3A_514 = arith.constant 96 : index
      %get3A_515 = tpu.vector_load %arg13[%get3A_513, %get3A_514] {strides = array<i32>} : memref<40x128xf32, #tpu.memory_space<vmem>>, vector<1x16xf32>,
      %get3A_516 = vector.shape_cast %get3A_515 : vector<1x16xf32> to vector<16xf32>
      %add3A_517 = arith.constant 1 : i32
      %add3A_518 = arith.addi %add3A_191, %add3A_517 : i32
      %get3A_519 = arith.index_cast %add3A_518 : i32 to index
      %get3A_520 = arith.constant 96 : index
      %get3A_521 = tpu.vector_load %arg16[%get3A_519, %get3A_520] {strides = array<i32>} : memref<40x128xf32, #tpu.memory_space<vmem>>, vector<1x16xf32>,
      %get3A_522 = vector.shape_cast %get3A_521 : vector<1x16xf32> to vector<16xf32>
      %add3A_523 = arith.addf %get3A_516, %get3A_522 : vector<16xf32>
      %max3A_524 = arith.constant 0.000000e+00 : f32
      %max3A_525 = vector.broadcast %max3A_524 : f32 to vector<16xf32>
      %max3A_526 = arith.maximumf %add3A_523, %max3A_525 : vector<16xf32>
      %add3A_527 = arith.constant 1 : i32
      %add3A_528 = arith.addi %add3A_191, %add3A_527 : i32
      %swap3A_529 = arith.index_cast %add3A_528 : i32 to index
      %swap3A_530 = arith.constant 96 : index
      %swap3A_531 = tpu.vector_load %arg13[%swap3A_529, %swap3A_530] {strides = array<i32>} : memref<40x128xf32, #tpu.memory_space<vmem>>, vector<1x16xf32>,
      %swap3A_532 = vector.shape_cast %swap3A_531 : vector<1x16xf32> to vector<16xf32>
      %swap3A_533 = vector.shape_cast %max3A_526 : vector<16xf32> to vector<1x16xf32>
      tpu.vector_store %arg13[%swap3A_529, %swap3A_530], %swap3A_533 {strides = array<i32>} : memref<40x128xf32, #tpu.memory_space<vmem>>, vector<1x16xf32>,
      %add3A_534 = arith.constant 1 : i32
      %add3A_535 = arith.addi %add3A_191, %add3A_534 : i32
      %get3A_536 = arith.index_cast %add3A_535 : i32 to index
      %get3A_537 = arith.constant 112 : index
      %get3A_538 = tpu.vector_load %arg13[%get3A_536, %get3A_537] {strides = array<i32>} : memref<40x128xf32, #tpu.memory_space<vmem>>, vector<1x16xf32>,
      %get3A_539 = vector.shape_cast %get3A_538 : vector<1x16xf32> to vector<16xf32>
      %add3A_540 = arith.constant 1 : i32
      %add3A_541 = arith.addi %add3A_191, %add3A_540 : i32
      %get3A_542 = arith.index_cast %add3A_541 : i32 to index
      %get3A_543 = arith.constant 112 : index
      %get3A_544 = tpu.vector_load %arg16[%get3A_542, %get3A_543] {strides = array<i32>} : memref<40x128xf32, #tpu.memory_space<vmem>>, vector<1x16xf32>,
      %get3A_545 = vector.shape_cast %get3A_544 : vector<1x16xf32> to vector<16xf32>
      %add3A_546 = arith.addf %get3A_539, %get3A_545 : vector<16xf32>
      %max3A_547 = arith.constant 0.000000e+00 : f32
      %max3A_548 = vector.broadcast %max3A_547 : f32 to vector<16xf32>
      %max3A_549 = arith.maximumf %add3A_546, %max3A_548 : vector<16xf32>
      %add3A_550 = arith.constant 1 : i32
      %add3A_551 = arith.addi %add3A_191, %add3A_550 : i32
      %swap3A_552 = arith.index_cast %add3A_551 : i32 to index
      %swap3A_553 = arith.constant 112 : index
      %swap3A_554 = tpu.vector_load %arg13[%swap3A_552, %swap3A_553] {strides = array<i32>} : memref<40x128xf32, #tpu.memory_space<vmem>>, vector<1x16xf32>,
      %swap3A_555 = vector.shape_cast %swap3A_554 : vector<1x16xf32> to vector<16xf32>
      %swap3A_556 = vector.shape_cast %max3A_549 : vector<16xf32> to vector<1x16xf32>
      tpu.vector_store %arg13[%swap3A_552, %swap3A_553], %swap3A_556 {strides = array<i32>} : memref<40x128xf32, #tpu.memory_space<vmem>>, vector<1x16xf32>,
    }
    %scan3A_70 = arith.constant 20 : i32
    %dma_wait3A_71 = arith.constant 0 : i32
    %dma_wait3A_72 = tpu.memref_slice %arg4[%dma_wait3A_71] : memref<320000xi32, #tpu.memory_space<hbm>> -> memref<40xi32, #tpu.memory_space<hbm>>
    %dma_wait3A_73 = arith.constant 0 : i32
    %dma_wait3A_74 = tpu.memref_slice %arg4[%dma_wait3A_73] : memref<320000xi32, #tpu.memory_space<hbm>> -> memref<40xi32, #tpu.memory_space<hbm>>
    tpu.wait_dma2 semaphore(%arg23 : memref<!tpu.dma_semaphore, #tpu.memory_space<semaphore_mem>>) src(%dma_wait3A_74 : memref<40xi32, #tpu.memory_space<hbm>>) dst(%arg10 : memref<40xi32, #tpu.memory_space<vmem>>)
    %add3A_75 = arith.constant 80 : i32
    %add3A_76 = arith.addi %mul3A_2, %add3A_75 : i32
    %dma_start3A_77 = tpu.memref_slice %arg3[%add3A_76] : memref<320000xi32, #tpu.memory_space<hbm>> -> memref<40xi32, #tpu.memory_space<hbm>>
    %dma_start3A_78 = tpu.memref_slice %arg3[%add3A_76] : memref<320000xi32, #tpu.memory_space<hbm>> -> memref<40xi32, #tpu.memory_space<hbm>>
    tpu.enqueue_dma source(%dma_start3A_78 : memref<40xi32, #tpu.memory_space<hbm>>) target(%arg9 : memref<40xi32, #tpu.memory_space<vmem>>) target_semaphore(%arg22 : memref<!tpu.dma_semaphore, #tpu.memory_space<semaphore_mem>>)
    %dma_start3A_79 = tpu.memref_slice %arg4[%add3A_76] : memref<320000xi32, #tpu.memory_space<hbm>> -> memref<40xi32, #tpu.memory_space<hbm>>
    %dma_start3A_80 = tpu.memref_slice %arg4[%add3A_76] : memref<320000xi32, #tpu.memory_space<hbm>> -> memref<40xi32, #tpu.memory_space<hbm>>
    tpu.enqueue_dma source(%dma_start3A_80 : memref<40xi32, #tpu.memory_space<hbm>>) target(%arg12 : memref<40xi32, #tpu.memory_space<vmem>>) target_semaphore(%arg25 : memref<!tpu.dma_semaphore, #tpu.memory_space<semaphore_mem>>)
    %dma_start3A_81 = arith.constant 0 : i32
    %dma_start3A_82 = tpu.memref_slice %arg5[%add3A_76, %dma_start3A_81] : memref<320000x128xf32, #tpu.memory_space<hbm>> -> memref<40x128xf32, #tpu.memory_space<hbm>>
    %dma_start3A_83 = arith.constant 0 : i32
    %dma_start3A_84 = tpu.memref_slice %arg5[%add3A_76, %dma_start3A_83] : memref<320000x128xf32, #tpu.memory_space<hbm>> -> memref<40x128xf32, #tpu.memory_space<hbm>>
    tpu.enqueue_dma source(%dma_start3A_84 : memref<40x128xf32, #tpu.memory_space<hbm>>) target(%arg18 : memref<40x128xf32, #tpu.memory_space<vmem>>) target_semaphore(%arg31 : memref<!tpu.dma_semaphore, #tpu.memory_space<semaphore_mem>>)
    %dma_wait3A_85 = arith.constant 0 : i32
    %dma_wait3A_86 = tpu.memref_slice %arg3[%dma_wait3A_85] : memref<320000xi32, #tpu.memory_space<hbm>> -> memref<40xi32, #tpu.memory_space<hbm>>
    %dma_wait3A_87 = arith.constant 0 : i32
    %dma_wait3A_88 = tpu.memref_slice %arg3[%dma_wait3A_87] : memref<320000xi32, #tpu.memory_space<hbm>> -> memref<40xi32, #tpu.memory_space<hbm>>
    tpu.wait_dma2 semaphore(%arg22 : memref<!tpu.dma_semaphore, #tpu.memory_space<semaphore_mem>>) src(%dma_wait3A_88 : memref<40xi32, #tpu.memory_space<hbm>>) dst(%arg9 : memref<40xi32, #tpu.memory_space<vmem>>)
    %dma_start3A_89 = arith.constant 0 : i32
    %dma_start3A_90 = arith.constant 0 : i32
    %dma_start3A_91 = tpu.memref_slice %arg2[%dma_start3A_89, %dma_start3A_90] : memref<10000x128xf32, #tpu.memory_space<hbm>> -> memref<10000x128xf32, #tpu.memory_space<hbm>>
    tpu.enqueue_indirect_dma source(%dma_start3A_91 : memref<10000x128xf32, #tpu.memory_space<hbm>>) target(%arg15 : memref<40x128xf32, #tpu.memory_space<vmem>>) offsets(%arg9 : memref<40xi32, #tpu.memory_space<vmem>>) semaphore(%arg28 : memref<!tpu.dma_semaphore, #tpu.memory_space<semaphore_mem>>)
    %dma_wait3A_92 = arith.constant 0 : i32
    %dma_wait3A_93 = arith.constant 0 : i32
    %dma_wait3A_94 = tpu.memref_slice %arg5[%dma_wait3A_92, %dma_wait3A_93] : memref<320000x128xf32, #tpu.memory_space<hbm>> -> memref<40x128xf32, #tpu.memory_space<hbm>>
    %dma_wait3A_95 = arith.constant 0 : i32
    %dma_wait3A_96 = arith.constant 0 : i32
    %dma_wait3A_97 = tpu.memref_slice %arg5[%dma_wait3A_95, %dma_wait3A_96] : memref<320000x128xf32, #tpu.memory_space<hbm>> -> memref<40x128xf32, #tpu.memory_space<hbm>>
    tpu.wait_dma2 semaphore(%arg30 : memref<!tpu.dma_semaphore, #tpu.memory_space<semaphore_mem>>) src(%dma_wait3A_97 : memref<40x128xf32, #tpu.memory_space<hbm>>) dst(%arg17 : memref<40x128xf32, #tpu.memory_space<vmem>>)
    %dma_wait3A_98 = arith.constant 0 : i32
    %dma_wait3A_99 = arith.constant 0 : i32
    %dma_wait3A_100 = tpu.memref_slice %arg2[%dma_wait3A_98, %dma_wait3A_99] : memref<10000x128xf32, #tpu.memory_space<hbm>> -> memref<10000x128xf32, #tpu.memory_space<hbm>>
    tpu.wait_indirect_dma semaphore(%arg27 : memref<!tpu.dma_semaphore, #tpu.memory_space<semaphore_mem>>) src(%dma_wait3A_100 : memref<10000x128xf32, #tpu.memory_space<hbm>>) dst(%arg14 : memref<40x128xf32, #tpu.memory_space<vmem>>)
    %scan3A_101 = arith.constant 0 : i32
    %scan3A_102 = arith.constant 20 : i32
    %scan3A_103 = arith.addi %scan3A_101, %scan3A_102 : i32
    %scan3A_104 = arith.constant 1 : i32
    scf.for %scan3A_187 = %scan3A_101 to %scan3A_103 step %scan3A_104  : i32 {
      %mul3A_188 = arith.constant 2 : i32
      %mul3A_189 = arith.muli %scan3A_187, %mul3A_188 : i32
      %add3A_190 = arith.constant 0 : i32
      %add3A_191 = arith.addi %add3A_190, %mul3A_189 : i32
      %add3A_192 = arith.constant 0 : i32
      %add3A_193 = arith.addi %add3A_191, %add3A_192 : i32
      %get3A = arith.index_cast %add3A_193 : i32 to index
      %get3A_194 = arith.constant 0 : index
      %get3A_195 = tpu.vector_load %arg14[%get3A, %get3A_194] {strides = array<i32>} : memref<40x128xf32, #tpu.memory_space<vmem>>, vector<1x16xf32>,
      %get3A_196 = vector.shape_cast %get3A_195 : vector<1x16xf32> to vector<16xf32>
      %add3A_197 = arith.constant 0 : i32
      %add3A_198 = arith.addi %add3A_191, %add3A_197 : i32
      %get3A_199 = arith.index_cast %add3A_198 : i32 to index
      %get3A_200 = arith.constant 0 : index
      %get3A_201 = tpu.vector_load %arg17[%get3A_199, %get3A_200] {strides = array<i32>} : memref<40x128xf32, #tpu.memory_space<vmem>>, vector<1x16xf32>,
      %get3A_202 = vector.shape_cast %get3A_201 : vector<1x16xf32> to vector<16xf32>
      %add3A_203 = arith.addf %get3A_196, %get3A_202 : vector<16xf32>
      %max3A = arith.constant 0.000000e+00 : f32
      %max3A_204 = vector.broadcast %max3A : f32 to vector<16xf32>
      %max3A_205 = arith.maximumf %add3A_203, %max3A_204 : vector<16xf32>
      %add3A_206 = arith.constant 0 : i32
      %add3A_207 = arith.addi %add3A_191, %add3A_206 : i32
      %swap3A = arith.index_cast %add3A_207 : i32 to index
      %swap3A_208 = arith.constant 0 : index
      %swap3A_209 = tpu.vector_load %arg14[%swap3A, %swap3A_208] {strides = array<i32>} : memref<40x128xf32, #tpu.memory_space<vmem>>, vector<1x16xf32>,
      %swap3A_210 = vector.shape_cast %swap3A_209 : vector<1x16xf32> to vector<16xf32>
      %swap3A_211 = vector.shape_cast %max3A_205 : vector<16xf32> to vector<1x16xf32>
      tpu.vector_store %arg14[%swap3A, %swap3A_208], %swap3A_211 {strides = array<i32>} : memref<40x128xf32, #tpu.memory_space<vmem>>, vector<1x16xf32>,
      %add3A_212 = arith.constant 0 : i32
      %add3A_213 = arith.addi %add3A_191, %add3A_212 : i32
      %get3A_214 = arith.index_cast %add3A_213 : i32 to index
      %get3A_215 = arith.constant 16 : index
      %get3A_216 = tpu.vector_load %arg14[%get3A_214, %get3A_215] {strides = array<i32>} : memref<40x128xf32, #tpu.memory_space<vmem>>, vector<1x16xf32>,
      %get3A_217 = vector.shape_cast %get3A_216 : vector<1x16xf32> to vector<16xf32>
      %add3A_218 = arith.constant 0 : i32
      %add3A_219 = arith.addi %add3A_191, %add3A_218 : i32
      %get3A_220 = arith.index_cast %add3A_219 : i32 to index
      %get3A_221 = arith.constant 16 : index
      %get3A_222 = tpu.vector_load %arg17[%get3A_220, %get3A_221] {strides = array<i32>} : memref<40x128xf32, #tpu.memory_space<vmem>>, vector<1x16xf32>,
      %get3A_223 = vector.shape_cast %get3A_222 : vector<1x16xf32> to vector<16xf32>
      %add3A_224 = arith.addf %get3A_217, %get3A_223 : vector<16xf32>
      %max3A_225 = arith.constant 0.000000e+00 : f32
      %max3A_226 = vector.broadcast %max3A_225 : f32 to vector<16xf32>
      %max3A_227 = arith.maximumf %add3A_224, %max3A_226 : vector<16xf32>
      %add3A_228 = arith.constant 0 : i32
      %add3A_229 = arith.addi %add3A_191, %add3A_228 : i32
      %swap3A_230 = arith.index_cast %add3A_229 : i32 to index
      %swap3A_231 = arith.constant 16 : index
      %swap3A_232 = tpu.vector_load %arg14[%swap3A_230, %swap3A_231] {strides = array<i32>} : memref<40x128xf32, #tpu.memory_space<vmem>>, vector<1x16xf32>,
      %swap3A_233 = vector.shape_cast %swap3A_232 : vector<1x16xf32> to vector<16xf32>
      %swap3A_234 = vector.shape_cast %max3A_227 : vector<16xf32> to vector<1x16xf32>
      tpu.vector_store %arg14[%swap3A_230, %swap3A_231], %swap3A_234 {strides = array<i32>} : memref<40x128xf32, #tpu.memory_space<vmem>>, vector<1x16xf32>,
      %add3A_235 = arith.constant 0 : i32
      %add3A_236 = arith.addi %add3A_191, %add3A_235 : i32
      %get3A_237 = arith.index_cast %add3A_236 : i32 to index
      %get3A_238 = arith.constant 32 : index
      %get3A_239 = tpu.vector_load %arg14[%get3A_237, %get3A_238] {strides = array<i32>} : memref<40x128xf32, #tpu.memory_space<vmem>>, vector<1x16xf32>,
      %get3A_240 = vector.shape_cast %get3A_239 : vector<1x16xf32> to vector<16xf32>
      %add3A_241 = arith.constant 0 : i32
      %add3A_242 = arith.addi %add3A_191, %add3A_241 : i32
      %get3A_243 = arith.index_cast %add3A_242 : i32 to index
      %get3A_244 = arith.constant 32 : index
      %get3A_245 = tpu.vector_load %arg17[%get3A_243, %get3A_244] {strides = array<i32>} : memref<40x128xf32, #tpu.memory_space<vmem>>, vector<1x16xf32>,
      %get3A_246 = vector.shape_cast %get3A_245 : vector<1x16xf32> to vector<16xf32>
      %add3A_247 = arith.addf %get3A_240, %get3A_246 : vector<16xf32>
      %max3A_248 = arith.constant 0.000000e+00 : f32
      %max3A_249 = vector.broadcast %max3A_248 : f32 to vector<16xf32>
      %max3A_250 = arith.maximumf %add3A_247, %max3A_249 : vector<16xf32>
      %add3A_251 = arith.constant 0 : i32
      %add3A_252 = arith.addi %add3A_191, %add3A_251 : i32
      %swap3A_253 = arith.index_cast %add3A_252 : i32 to index
      %swap3A_254 = arith.constant 32 : index
      %swap3A_255 = tpu.vector_load %arg14[%swap3A_253, %swap3A_254] {strides = array<i32>} : memref<40x128xf32, #tpu.memory_space<vmem>>, vector<1x16xf32>,
      %swap3A_256 = vector.shape_cast %swap3A_255 : vector<1x16xf32> to vector<16xf32>
      %swap3A_257 = vector.shape_cast %max3A_250 : vector<16xf32> to vector<1x16xf32>
      tpu.vector_store %arg14[%swap3A_253, %swap3A_254], %swap3A_257 {strides = array<i32>} : memref<40x128xf32, #tpu.memory_space<vmem>>, vector<1x16xf32>,
      %add3A_258 = arith.constant 0 : i32
      %add3A_259 = arith.addi %add3A_191, %add3A_258 : i32
      %get3A_260 = arith.index_cast %add3A_259 : i32 to index
      %get3A_261 = arith.constant 48 : index
      %get3A_262 = tpu.vector_load %arg14[%get3A_260, %get3A_261] {strides = array<i32>} : memref<40x128xf32, #tpu.memory_space<vmem>>, vector<1x16xf32>,
      %get3A_263 = vector.shape_cast %get3A_262 : vector<1x16xf32> to vector<16xf32>
      %add3A_264 = arith.constant 0 : i32
      %add3A_265 = arith.addi %add3A_191, %add3A_264 : i32
      %get3A_266 = arith.index_cast %add3A_265 : i32 to index
      %get3A_267 = arith.constant 48 : index
      %get3A_268 = tpu.vector_load %arg17[%get3A_266, %get3A_267] {strides = array<i32>} : memref<40x128xf32, #tpu.memory_space<vmem>>, vector<1x16xf32>,
      %get3A_269 = vector.shape_cast %get3A_268 : vector<1x16xf32> to vector<16xf32>
      %add3A_270 = arith.addf %get3A_263, %get3A_269 : vector<16xf32>
      %max3A_271 = arith.constant 0.000000e+00 : f32
      %max3A_272 = vector.broadcast %max3A_271 : f32 to vector<16xf32>
      %max3A_273 = arith.maximumf %add3A_270, %max3A_272 : vector<16xf32>
      %add3A_274 = arith.constant 0 : i32
      %add3A_275 = arith.addi %add3A_191, %add3A_274 : i32
      %swap3A_276 = arith.index_cast %add3A_275 : i32 to index
      %swap3A_277 = arith.constant 48 : index
      %swap3A_278 = tpu.vector_load %arg14[%swap3A_276, %swap3A_277] {strides = array<i32>} : memref<40x128xf32, #tpu.memory_space<vmem>>, vector<1x16xf32>,
      %swap3A_279 = vector.shape_cast %swap3A_278 : vector<1x16xf32> to vector<16xf32>
      %swap3A_280 = vector.shape_cast %max3A_273 : vector<16xf32> to vector<1x16xf32>
      tpu.vector_store %arg14[%swap3A_276, %swap3A_277], %swap3A_280 {strides = array<i32>} : memref<40x128xf32, #tpu.memory_space<vmem>>, vector<1x16xf32>,
      %add3A_281 = arith.constant 0 : i32
      %add3A_282 = arith.addi %add3A_191, %add3A_281 : i32
      %get3A_283 = arith.index_cast %add3A_282 : i32 to index
      %get3A_284 = arith.constant 64 : index
      %get3A_285 = tpu.vector_load %arg14[%get3A_283, %get3A_284] {strides = array<i32>} : memref<40x128xf32, #tpu.memory_space<vmem>>, vector<1x16xf32>,
      %get3A_286 = vector.shape_cast %get3A_285 : vector<1x16xf32> to vector<16xf32>
      %add3A_287 = arith.constant 0 : i32
      %add3A_288 = arith.addi %add3A_191, %add3A_287 : i32
      %get3A_289 = arith.index_cast %add3A_288 : i32 to index
      %get3A_290 = arith.constant 64 : index
      %get3A_291 = tpu.vector_load %arg17[%get3A_289, %get3A_290] {strides = array<i32>} : memref<40x128xf32, #tpu.memory_space<vmem>>, vector<1x16xf32>,
      %get3A_292 = vector.shape_cast %get3A_291 : vector<1x16xf32> to vector<16xf32>
      %add3A_293 = arith.addf %get3A_286, %get3A_292 : vector<16xf32>
      %max3A_294 = arith.constant 0.000000e+00 : f32
      %max3A_295 = vector.broadcast %max3A_294 : f32 to vector<16xf32>
      %max3A_296 = arith.maximumf %add3A_293, %max3A_295 : vector<16xf32>
      %add3A_297 = arith.constant 0 : i32
      %add3A_298 = arith.addi %add3A_191, %add3A_297 : i32
      %swap3A_299 = arith.index_cast %add3A_298 : i32 to index
      %swap3A_300 = arith.constant 64 : index
      %swap3A_301 = tpu.vector_load %arg14[%swap3A_299, %swap3A_300] {strides = array<i32>} : memref<40x128xf32, #tpu.memory_space<vmem>>, vector<1x16xf32>,
      %swap3A_302 = vector.shape_cast %swap3A_301 : vector<1x16xf32> to vector<16xf32>
      %swap3A_303 = vector.shape_cast %max3A_296 : vector<16xf32> to vector<1x16xf32>
      tpu.vector_store %arg14[%swap3A_299, %swap3A_300], %swap3A_303 {strides = array<i32>} : memref<40x128xf32, #tpu.memory_space<vmem>>, vector<1x16xf32>,
      %add3A_304 = arith.constant 0 : i32
      %add3A_305 = arith.addi %add3A_191, %add3A_304 : i32
      %get3A_306 = arith.index_cast %add3A_305 : i32 to index
      %get3A_307 = arith.constant 80 : index
      %get3A_308 = tpu.vector_load %arg14[%get3A_306, %get3A_307] {strides = array<i32>} : memref<40x128xf32, #tpu.memory_space<vmem>>, vector<1x16xf32>,
      %get3A_309 = vector.shape_cast %get3A_308 : vector<1x16xf32> to vector<16xf32>
      %add3A_310 = arith.constant 0 : i32
      %add3A_311 = arith.addi %add3A_191, %add3A_310 : i32
      %get3A_312 = arith.index_cast %add3A_311 : i32 to index
      %get3A_313 = arith.constant 80 : index
      %get3A_314 = tpu.vector_load %arg17[%get3A_312, %get3A_313] {strides = array<i32>} : memref<40x128xf32, #tpu.memory_space<vmem>>, vector<1x16xf32>,
      %get3A_315 = vector.shape_cast %get3A_314 : vector<1x16xf32> to vector<16xf32>
      %add3A_316 = arith.addf %get3A_309, %get3A_315 : vector<16xf32>
      %max3A_317 = arith.constant 0.000000e+00 : f32
      %max3A_318 = vector.broadcast %max3A_317 : f32 to vector<16xf32>
      %max3A_319 = arith.maximumf %add3A_316, %max3A_318 : vector<16xf32>
      %add3A_320 = arith.constant 0 : i32
      %add3A_321 = arith.addi %add3A_191, %add3A_320 : i32
      %swap3A_322 = arith.index_cast %add3A_321 : i32 to index
      %swap3A_323 = arith.constant 80 : index
      %swap3A_324 = tpu.vector_load %arg14[%swap3A_322, %swap3A_323] {strides = array<i32>} : memref<40x128xf32, #tpu.memory_space<vmem>>, vector<1x16xf32>,
      %swap3A_325 = vector.shape_cast %swap3A_324 : vector<1x16xf32> to vector<16xf32>
      %swap3A_326 = vector.shape_cast %max3A_319 : vector<16xf32> to vector<1x16xf32>
      tpu.vector_store %arg14[%swap3A_322, %swap3A_323], %swap3A_326 {strides = array<i32>} : memref<40x128xf32, #tpu.memory_space<vmem>>, vector<1x16xf32>,
      %add3A_327 = arith.constant 0 : i32
      %add3A_328 = arith.addi %add3A_191, %add3A_327 : i32
      %get3A_329 = arith.index_cast %add3A_328 : i32 to index
      %get3A_330 = arith.constant 96 : index
      %get3A_331 = tpu.vector_load %arg14[%get3A_329, %get3A_330] {strides = array<i32>} : memref<40x128xf32, #tpu.memory_space<vmem>>, vector<1x16xf32>,
      %get3A_332 = vector.shape_cast %get3A_331 : vector<1x16xf32> to vector<16xf32>
      %add3A_333 = arith.constant 0 : i32
      %add3A_334 = arith.addi %add3A_191, %add3A_333 : i32
      %get3A_335 = arith.index_cast %add3A_334 : i32 to index
      %get3A_336 = arith.constant 96 : index
      %get3A_337 = tpu.vector_load %arg17[%get3A_335, %get3A_336] {strides = array<i32>} : memref<40x128xf32, #tpu.memory_space<vmem>>, vector<1x16xf32>,
      %get3A_338 = vector.shape_cast %get3A_337 : vector<1x16xf32> to vector<16xf32>
      %add3A_339 = arith.addf %get3A_332, %get3A_338 : vector<16xf32>
      %max3A_340 = arith.constant 0.000000e+00 : f32
      %max3A_341 = vector.broadcast %max3A_340 : f32 to vector<16xf32>
      %max3A_342 = arith.maximumf %add3A_339, %max3A_341 : vector<16xf32>
      %add3A_343 = arith.constant 0 : i32
      %add3A_344 = arith.addi %add3A_191, %add3A_343 : i32
      %swap3A_345 = arith.index_cast %add3A_344 : i32 to index
      %swap3A_346 = arith.constant 96 : index
      %swap3A_347 = tpu.vector_load %arg14[%swap3A_345, %swap3A_346] {strides = array<i32>} : memref<40x128xf32, #tpu.memory_space<vmem>>, vector<1x16xf32>,
      %swap3A_348 = vector.shape_cast %swap3A_347 : vector<1x16xf32> to vector<16xf32>
      %swap3A_349 = vector.shape_cast %max3A_342 : vector<16xf32> to vector<1x16xf32>
      tpu.vector_store %arg14[%swap3A_345, %swap3A_346], %swap3A_349 {strides = array<i32>} : memref<40x128xf32, #tpu.memory_space<vmem>>, vector<1x16xf32>,
      %add3A_350 = arith.constant 0 : i32
      %add3A_351 = arith.addi %add3A_191, %add3A_350 : i32
      %get3A_352 = arith.index_cast %add3A_351 : i32 to index
      %get3A_353 = arith.constant 112 : index
      %get3A_354 = tpu.vector_load %arg14[%get3A_352, %get3A_353] {strides = array<i32>} : memref<40x128xf32, #tpu.memory_space<vmem>>, vector<1x16xf32>,
      %get3A_355 = vector.shape_cast %get3A_354 : vector<1x16xf32> to vector<16xf32>
      %add3A_356 = arith.constant 0 : i32
      %add3A_357 = arith.addi %add3A_191, %add3A_356 : i32
      %get3A_358 = arith.index_cast %add3A_357 : i32 to index
      %get3A_359 = arith.constant 112 : index
      %get3A_360 = tpu.vector_load %arg17[%get3A_358, %get3A_359] {strides = array<i32>} : memref<40x128xf32, #tpu.memory_space<vmem>>, vector<1x16xf32>,
      %get3A_361 = vector.shape_cast %get3A_360 : vector<1x16xf32> to vector<16xf32>
      %add3A_362 = arith.addf %get3A_355, %get3A_361 : vector<16xf32>
      %max3A_363 = arith.constant 0.000000e+00 : f32
      %max3A_364 = vector.broadcast %max3A_363 : f32 to vector<16xf32>
      %max3A_365 = arith.maximumf %add3A_362, %max3A_364 : vector<16xf32>
      %add3A_366 = arith.constant 0 : i32
      %add3A_367 = arith.addi %add3A_191, %add3A_366 : i32
      %swap3A_368 = arith.index_cast %add3A_367 : i32 to index
      %swap3A_369 = arith.constant 112 : index
      %swap3A_370 = tpu.vector_load %arg14[%swap3A_368, %swap3A_369] {strides = array<i32>} : memref<40x128xf32, #tpu.memory_space<vmem>>, vector<1x16xf32>,
      %swap3A_371 = vector.shape_cast %swap3A_370 : vector<1x16xf32> to vector<16xf32>
      %swap3A_372 = vector.shape_cast %max3A_365 : vector<16xf32> to vector<1x16xf32>
      tpu.vector_store %arg14[%swap3A_368, %swap3A_369], %swap3A_372 {strides = array<i32>} : memref<40x128xf32, #tpu.memory_space<vmem>>, vector<1x16xf32>,
      %add3A_373 = arith.constant 1 : i32
      %add3A_374 = arith.addi %add3A_191, %add3A_373 : i32
      %get3A_375 = arith.index_cast %add3A_374 : i32 to index
      %get3A_376 = arith.constant 0 : index
      %get3A_377 = tpu.vector_load %arg14[%get3A_375, %get3A_376] {strides = array<i32>} : memref<40x128xf32, #tpu.memory_space<vmem>>, vector<1x16xf32>,
      %get3A_378 = vector.shape_cast %get3A_377 : vector<1x16xf32> to vector<16xf32>
      %add3A_379 = arith.constant 1 : i32
      %add3A_380 = arith.addi %add3A_191, %add3A_379 : i32
      %get3A_381 = arith.index_cast %add3A_380 : i32 to index
      %get3A_382 = arith.constant 0 : index
      %get3A_383 = tpu.vector_load %arg17[%get3A_381, %get3A_382] {strides = array<i32>} : memref<40x128xf32, #tpu.memory_space<vmem>>, vector<1x16xf32>,
      %get3A_384 = vector.shape_cast %get3A_383 : vector<1x16xf32> to vector<16xf32>
      %add3A_385 = arith.addf %get3A_378, %get3A_384 : vector<16xf32>
      %max3A_386 = arith.constant 0.000000e+00 : f32
      %max3A_387 = vector.broadcast %max3A_386 : f32 to vector<16xf32>
      %max3A_388 = arith.maximumf %add3A_385, %max3A_387 : vector<16xf32>
      %add3A_389 = arith.constant 1 : i32
      %add3A_390 = arith.addi %add3A_191, %add3A_389 : i32
      %swap3A_391 = arith.index_cast %add3A_390 : i32 to index
      %swap3A_392 = arith.constant 0 : index
      %swap3A_393 = tpu.vector_load %arg14[%swap3A_391, %swap3A_392] {strides = array<i32>} : memref<40x128xf32, #tpu.memory_space<vmem>>, vector<1x16xf32>,
      %swap3A_394 = vector.shape_cast %swap3A_393 : vector<1x16xf32> to vector<16xf32>
      %swap3A_395 = vector.shape_cast %max3A_388 : vector<16xf32> to vector<1x16xf32>
      tpu.vector_store %arg14[%swap3A_391, %swap3A_392], %swap3A_395 {strides = array<i32>} : memref<40x128xf32, #tpu.memory_space<vmem>>, vector<1x16xf32>,
      %add3A_396 = arith.constant 1 : i32
      %add3A_397 = arith.addi %add3A_191, %add3A_396 : i32
      %get3A_398 = arith.index_cast %add3A_397 : i32 to index
      %get3A_399 = arith.constant 16 : index
      %get3A_400 = tpu.vector_load %arg14[%get3A_398, %get3A_399] {strides = array<i32>} : memref<40x128xf32, #tpu.memory_space<vmem>>, vector<1x16xf32>,
      %get3A_401 = vector.shape_cast %get3A_400 : vector<1x16xf32> to vector<16xf32>
      %add3A_402 = arith.constant 1 : i32
      %add3A_403 = arith.addi %add3A_191, %add3A_402 : i32
      %get3A_404 = arith.index_cast %add3A_403 : i32 to index
      %get3A_405 = arith.constant 16 : index
      %get3A_406 = tpu.vector_load %arg17[%get3A_404, %get3A_405] {strides = array<i32>} : memref<40x128xf32, #tpu.memory_space<vmem>>, vector<1x16xf32>,
      %get3A_407 = vector.shape_cast %get3A_406 : vector<1x16xf32> to vector<16xf32>
      %add3A_408 = arith.addf %get3A_401, %get3A_407 : vector<16xf32>
      %max3A_409 = arith.constant 0.000000e+00 : f32
      %max3A_410 = vector.broadcast %max3A_409 : f32 to vector<16xf32>
      %max3A_411 = arith.maximumf %add3A_408, %max3A_410 : vector<16xf32>
      %add3A_412 = arith.constant 1 : i32
      %add3A_413 = arith.addi %add3A_191, %add3A_412 : i32
      %swap3A_414 = arith.index_cast %add3A_413 : i32 to index
      %swap3A_415 = arith.constant 16 : index
      %swap3A_416 = tpu.vector_load %arg14[%swap3A_414, %swap3A_415] {strides = array<i32>} : memref<40x128xf32, #tpu.memory_space<vmem>>, vector<1x16xf32>,
      %swap3A_417 = vector.shape_cast %swap3A_416 : vector<1x16xf32> to vector<16xf32>
      %swap3A_418 = vector.shape_cast %max3A_411 : vector<16xf32> to vector<1x16xf32>
      tpu.vector_store %arg14[%swap3A_414, %swap3A_415], %swap3A_418 {strides = array<i32>} : memref<40x128xf32, #tpu.memory_space<vmem>>, vector<1x16xf32>,
      %add3A_419 = arith.constant 1 : i32
      %add3A_420 = arith.addi %add3A_191, %add3A_419 : i32
      %get3A_421 = arith.index_cast %add3A_420 : i32 to index
      %get3A_422 = arith.constant 32 : index
      %get3A_423 = tpu.vector_load %arg14[%get3A_421, %get3A_422] {strides = array<i32>} : memref<40x128xf32, #tpu.memory_space<vmem>>, vector<1x16xf32>,
      %get3A_424 = vector.shape_cast %get3A_423 : vector<1x16xf32> to vector<16xf32>
      %add3A_425 = arith.constant 1 : i32
      %add3A_426 = arith.addi %add3A_191, %add3A_425 : i32
      %get3A_427 = arith.index_cast %add3A_426 : i32 to index
      %get3A_428 = arith.constant 32 : index
      %get3A_429 = tpu.vector_load %arg17[%get3A_427, %get3A_428] {strides = array<i32>} : memref<40x128xf32, #tpu.memory_space<vmem>>, vector<1x16xf32>,
      %get3A_430 = vector.shape_cast %get3A_429 : vector<1x16xf32> to vector<16xf32>
      %add3A_431 = arith.addf %get3A_424, %get3A_430 : vector<16xf32>
      %max3A_432 = arith.constant 0.000000e+00 : f32
      %max3A_433 = vector.broadcast %max3A_432 : f32 to vector<16xf32>
      %max3A_434 = arith.maximumf %add3A_431, %max3A_433 : vector<16xf32>
      %add3A_435 = arith.constant 1 : i32
      %add3A_436 = arith.addi %add3A_191, %add3A_435 : i32
      %swap3A_437 = arith.index_cast %add3A_436 : i32 to index
      %swap3A_438 = arith.constant 32 : index
      %swap3A_439 = tpu.vector_load %arg14[%swap3A_437, %swap3A_438] {strides = array<i32>} : memref<40x128xf32, #tpu.memory_space<vmem>>, vector<1x16xf32>,
      %swap3A_440 = vector.shape_cast %swap3A_439 : vector<1x16xf32> to vector<16xf32>
      %swap3A_441 = vector.shape_cast %max3A_434 : vector<16xf32> to vector<1x16xf32>
      tpu.vector_store %arg14[%swap3A_437, %swap3A_438], %swap3A_441 {strides = array<i32>} : memref<40x128xf32, #tpu.memory_space<vmem>>, vector<1x16xf32>,
      %add3A_442 = arith.constant 1 : i32
      %add3A_443 = arith.addi %add3A_191, %add3A_442 : i32
      %get3A_444 = arith.index_cast %add3A_443 : i32 to index
      %get3A_445 = arith.constant 48 : index
      %get3A_446 = tpu.vector_load %arg14[%get3A_444, %get3A_445] {strides = array<i32>} : memref<40x128xf32, #tpu.memory_space<vmem>>, vector<1x16xf32>,
      %get3A_447 = vector.shape_cast %get3A_446 : vector<1x16xf32> to vector<16xf32>
      %add3A_448 = arith.constant 1 : i32
      %add3A_449 = arith.addi %add3A_191, %add3A_448 : i32
      %get3A_450 = arith.index_cast %add3A_449 : i32 to index
      %get3A_451 = arith.constant 48 : index
      %get3A_452 = tpu.vector_load %arg17[%get3A_450, %get3A_451] {strides = array<i32>} : memref<40x128xf32, #tpu.memory_space<vmem>>, vector<1x16xf32>,
      %get3A_453 = vector.shape_cast %get3A_452 : vector<1x16xf32> to vector<16xf32>
      %add3A_454 = arith.addf %get3A_447, %get3A_453 : vector<16xf32>
      %max3A_455 = arith.constant 0.000000e+00 : f32
      %max3A_456 = vector.broadcast %max3A_455 : f32 to vector<16xf32>
      %max3A_457 = arith.maximumf %add3A_454, %max3A_456 : vector<16xf32>
      %add3A_458 = arith.constant 1 : i32
      %add3A_459 = arith.addi %add3A_191, %add3A_458 : i32
      %swap3A_460 = arith.index_cast %add3A_459 : i32 to index
      %swap3A_461 = arith.constant 48 : index
      %swap3A_462 = tpu.vector_load %arg14[%swap3A_460, %swap3A_461] {strides = array<i32>} : memref<40x128xf32, #tpu.memory_space<vmem>>, vector<1x16xf32>,
      %swap3A_463 = vector.shape_cast %swap3A_462 : vector<1x16xf32> to vector<16xf32>
      %swap3A_464 = vector.shape_cast %max3A_457 : vector<16xf32> to vector<1x16xf32>
      tpu.vector_store %arg14[%swap3A_460, %swap3A_461], %swap3A_464 {strides = array<i32>} : memref<40x128xf32, #tpu.memory_space<vmem>>, vector<1x16xf32>,
      %add3A_465 = arith.constant 1 : i32
      %add3A_466 = arith.addi %add3A_191, %add3A_465 : i32
      %get3A_467 = arith.index_cast %add3A_466 : i32 to index
      %get3A_468 = arith.constant 64 : index
      %get3A_469 = tpu.vector_load %arg14[%get3A_467, %get3A_468] {strides = array<i32>} : memref<40x128xf32, #tpu.memory_space<vmem>>, vector<1x16xf32>,
      %get3A_470 = vector.shape_cast %get3A_469 : vector<1x16xf32> to vector<16xf32>
      %add3A_471 = arith.constant 1 : i32
      %add3A_472 = arith.addi %add3A_191, %add3A_471 : i32
      %get3A_473 = arith.index_cast %add3A_472 : i32 to index
      %get3A_474 = arith.constant 64 : index
      %get3A_475 = tpu.vector_load %arg17[%get3A_473, %get3A_474] {strides = array<i32>} : memref<40x128xf32, #tpu.memory_space<vmem>>, vector<1x16xf32>,
      %get3A_476 = vector.shape_cast %get3A_475 : vector<1x16xf32> to vector<16xf32>
      %add3A_477 = arith.addf %get3A_470, %get3A_476 : vector<16xf32>
      %max3A_478 = arith.constant 0.000000e+00 : f32
      %max3A_479 = vector.broadcast %max3A_478 : f32 to vector<16xf32>
      %max3A_480 = arith.maximumf %add3A_477, %max3A_479 : vector<16xf32>
      %add3A_481 = arith.constant 1 : i32
      %add3A_482 = arith.addi %add3A_191, %add3A_481 : i32
      %swap3A_483 = arith.index_cast %add3A_482 : i32 to index
      %swap3A_484 = arith.constant 64 : index
      %swap3A_485 = tpu.vector_load %arg14[%swap3A_483, %swap3A_484] {strides = array<i32>} : memref<40x128xf32, #tpu.memory_space<vmem>>, vector<1x16xf32>,
      %swap3A_486 = vector.shape_cast %swap3A_485 : vector<1x16xf32> to vector<16xf32>
      %swap3A_487 = vector.shape_cast %max3A_480 : vector<16xf32> to vector<1x16xf32>
      tpu.vector_store %arg14[%swap3A_483, %swap3A_484], %swap3A_487 {strides = array<i32>} : memref<40x128xf32, #tpu.memory_space<vmem>>, vector<1x16xf32>,
      %add3A_488 = arith.constant 1 : i32
      %add3A_489 = arith.addi %add3A_191, %add3A_488 : i32
      %get3A_490 = arith.index_cast %add3A_489 : i32 to index
      %get3A_491 = arith.constant 80 : index
      %get3A_492 = tpu.vector_load %arg14[%get3A_490, %get3A_491] {strides = array<i32>} : memref<40x128xf32, #tpu.memory_space<vmem>>, vector<1x16xf32>,
      %get3A_493 = vector.shape_cast %get3A_492 : vector<1x16xf32> to vector<16xf32>
      %add3A_494 = arith.constant 1 : i32
      %add3A_495 = arith.addi %add3A_191, %add3A_494 : i32
      %get3A_496 = arith.index_cast %add3A_495 : i32 to index
      %get3A_497 = arith.constant 80 : index
      %get3A_498 = tpu.vector_load %arg17[%get3A_496, %get3A_497] {strides = array<i32>} : memref<40x128xf32, #tpu.memory_space<vmem>>, vector<1x16xf32>,
      %get3A_499 = vector.shape_cast %get3A_498 : vector<1x16xf32> to vector<16xf32>
      %add3A_500 = arith.addf %get3A_493, %get3A_499 : vector<16xf32>
      %max3A_501 = arith.constant 0.000000e+00 : f32
      %max3A_502 = vector.broadcast %max3A_501 : f32 to vector<16xf32>
      %max3A_503 = arith.maximumf %add3A_500, %max3A_502 : vector<16xf32>
      %add3A_504 = arith.constant 1 : i32
      %add3A_505 = arith.addi %add3A_191, %add3A_504 : i32
      %swap3A_506 = arith.index_cast %add3A_505 : i32 to index
      %swap3A_507 = arith.constant 80 : index
      %swap3A_508 = tpu.vector_load %arg14[%swap3A_506, %swap3A_507] {strides = array<i32>} : memref<40x128xf32, #tpu.memory_space<vmem>>, vector<1x16xf32>,
      %swap3A_509 = vector.shape_cast %swap3A_508 : vector<1x16xf32> to vector<16xf32>
      %swap3A_510 = vector.shape_cast %max3A_503 : vector<16xf32> to vector<1x16xf32>
      tpu.vector_store %arg14[%swap3A_506, %swap3A_507], %swap3A_510 {strides = array<i32>} : memref<40x128xf32, #tpu.memory_space<vmem>>, vector<1x16xf32>,
      %add3A_511 = arith.constant 1 : i32
      %add3A_512 = arith.addi %add3A_191, %add3A_511 : i32
      %get3A_513 = arith.index_cast %add3A_512 : i32 to index
      %get3A_514 = arith.constant 96 : index
      %get3A_515 = tpu.vector_load %arg14[%get3A_513, %get3A_514] {strides = array<i32>} : memref<40x128xf32, #tpu.memory_space<vmem>>, vector<1x16xf32>,
      %get3A_516 = vector.shape_cast %get3A_515 : vector<1x16xf32> to vector<16xf32>
      %add3A_517 = arith.constant 1 : i32
      %add3A_518 = arith.addi %add3A_191, %add3A_517 : i32
      %get3A_519 = arith.index_cast %add3A_518 : i32 to index
      %get3A_520 = arith.constant 96 : index
      %get3A_521 = tpu.vector_load %arg17[%get3A_519, %get3A_520] {strides = array<i32>} : memref<40x128xf32, #tpu.memory_space<vmem>>, vector<1x16xf32>,
      %get3A_522 = vector.shape_cast %get3A_521 : vector<1x16xf32> to vector<16xf32>
      %add3A_523 = arith.addf %get3A_516, %get3A_522 : vector<16xf32>
      %max3A_524 = arith.constant 0.000000e+00 : f32
      %max3A_525 = vector.broadcast %max3A_524 : f32 to vector<16xf32>
      %max3A_526 = arith.maximumf %add3A_523, %max3A_525 : vector<16xf32>
      %add3A_527 = arith.constant 1 : i32
      %add3A_528 = arith.addi %add3A_191, %add3A_527 : i32
      %swap3A_529 = arith.index_cast %add3A_528 : i32 to index
      %swap3A_530 = arith.constant 96 : index
      %swap3A_531 = tpu.vector_load %arg14[%swap3A_529, %swap3A_530] {strides = array<i32>} : memref<40x128xf32, #tpu.memory_space<vmem>>, vector<1x16xf32>,
      %swap3A_532 = vector.shape_cast %swap3A_531 : vector<1x16xf32> to vector<16xf32>
      %swap3A_533 = vector.shape_cast %max3A_526 : vector<16xf32> to vector<1x16xf32>
      tpu.vector_store %arg14[%swap3A_529, %swap3A_530], %swap3A_533 {strides = array<i32>} : memref<40x128xf32, #tpu.memory_space<vmem>>, vector<1x16xf32>,
      %add3A_534 = arith.constant 1 : i32
      %add3A_535 = arith.addi %add3A_191, %add3A_534 : i32
      %get3A_536 = arith.index_cast %add3A_535 : i32 to index
      %get3A_537 = arith.constant 112 : index
      %get3A_538 = tpu.vector_load %arg14[%get3A_536, %get3A_537] {strides = array<i32>} : memref<40x128xf32, #tpu.memory_space<vmem>>, vector<1x16xf32>,
      %get3A_539 = vector.shape_cast %get3A_538 : vector<1x16xf32> to vector<16xf32>
      %add3A_540 = arith.constant 1 : i32
      %add3A_541 = arith.addi %add3A_191, %add3A_540 : i32
      %get3A_542 = arith.index_cast %add3A_541 : i32 to index
      %get3A_543 = arith.constant 112 : index
      %get3A_544 = tpu.vector_load %arg17[%get3A_542, %get3A_543] {strides = array<i32>} : memref<40x128xf32, #tpu.memory_space<vmem>>, vector<1x16xf32>,
      %get3A_545 = vector.shape_cast %get3A_544 : vector<1x16xf32> to vector<16xf32>
      %add3A_546 = arith.addf %get3A_539, %get3A_545 : vector<16xf32>
      %max3A_547 = arith.constant 0.000000e+00 : f32
      %max3A_548 = vector.broadcast %max3A_547 : f32 to vector<16xf32>
      %max3A_549 = arith.maximumf %add3A_546, %max3A_548 : vector<16xf32>
      %add3A_550 = arith.constant 1 : i32
      %add3A_551 = arith.addi %add3A_191, %add3A_550 : i32
      %swap3A_552 = arith.index_cast %add3A_551 : i32 to index
      %swap3A_553 = arith.constant 112 : index
      %swap3A_554 = tpu.vector_load %arg14[%swap3A_552, %swap3A_553] {strides = array<i32>} : memref<40x128xf32, #tpu.memory_space<vmem>>, vector<1x16xf32>,
      %swap3A_555 = vector.shape_cast %swap3A_554 : vector<1x16xf32> to vector<16xf32>
      %swap3A_556 = vector.shape_cast %max3A_549 : vector<16xf32> to vector<1x16xf32>
      tpu.vector_store %arg14[%swap3A_552, %swap3A_553], %swap3A_556 {strides = array<i32>} : memref<40x128xf32, #tpu.memory_space<vmem>>, vector<1x16xf32>,
    }
    %scan3A_105 = arith.constant 20 : i32
    %dma_wait3A_106 = arith.constant 0 : i32
    %dma_wait3A_107 = tpu.memref_slice %arg4[%dma_wait3A_106] : memref<320000xi32, #tpu.memory_space<hbm>> -> memref<40xi32, #tpu.memory_space<hbm>>
    %dma_wait3A_108 = arith.constant 0 : i32
    %dma_wait3A_109 = tpu.memref_slice %arg4[%dma_wait3A_108] : memref<320000xi32, #tpu.memory_space<hbm>> -> memref<40xi32, #tpu.memory_space<hbm>>
    tpu.wait_dma2 semaphore(%arg24 : memref<!tpu.dma_semaphore, #tpu.memory_space<semaphore_mem>>) src(%dma_wait3A_109 : memref<40xi32, #tpu.memory_space<hbm>>) dst(%arg11 : memref<40xi32, #tpu.memory_space<vmem>>)
    %add3A_110 = arith.constant 120 : i32
    %add3A_111 = arith.addi %mul3A_2, %add3A_110 : i32
    %dma_start3A_112 = tpu.memref_slice %arg3[%add3A_111] : memref<320000xi32, #tpu.memory_space<hbm>> -> memref<40xi32, #tpu.memory_space<hbm>>
    %dma_start3A_113 = tpu.memref_slice %arg3[%add3A_111] : memref<320000xi32, #tpu.memory_space<hbm>> -> memref<40xi32, #tpu.memory_space<hbm>>
    tpu.enqueue_dma source(%dma_start3A_113 : memref<40xi32, #tpu.memory_space<hbm>>) target(%arg7 : memref<40xi32, #tpu.memory_space<vmem>>) target_semaphore(%arg20 : memref<!tpu.dma_semaphore, #tpu.memory_space<semaphore_mem>>)
    %dma_start3A_114 = tpu.memref_slice %arg4[%add3A_111] : memref<320000xi32, #tpu.memory_space<hbm>> -> memref<40xi32, #tpu.memory_space<hbm>>
    %dma_start3A_115 = tpu.memref_slice %arg4[%add3A_111] : memref<320000xi32, #tpu.memory_space<hbm>> -> memref<40xi32, #tpu.memory_space<hbm>>
    tpu.enqueue_dma source(%dma_start3A_115 : memref<40xi32, #tpu.memory_space<hbm>>) target(%arg10 : memref<40xi32, #tpu.memory_space<vmem>>) target_semaphore(%arg23 : memref<!tpu.dma_semaphore, #tpu.memory_space<semaphore_mem>>)
    %dma_start3A_116 = arith.constant 0 : i32
    %dma_start3A_117 = tpu.memref_slice %arg5[%add3A_111, %dma_start3A_116] : memref<320000x128xf32, #tpu.memory_space<hbm>> -> memref<40x128xf32, #tpu.memory_space<hbm>>
    %dma_start3A_118 = arith.constant 0 : i32
    %dma_start3A_119 = tpu.memref_slice %arg5[%add3A_111, %dma_start3A_118] : memref<320000x128xf32, #tpu.memory_space<hbm>> -> memref<40x128xf32, #tpu.memory_space<hbm>>
    tpu.enqueue_dma source(%dma_start3A_119 : memref<40x128xf32, #tpu.memory_space<hbm>>) target(%arg16 : memref<40x128xf32, #tpu.memory_space<vmem>>) target_semaphore(%arg29 : memref<!tpu.dma_semaphore, #tpu.memory_space<semaphore_mem>>)
    %scan3A_120 = arith.constant 0 : i32
    %scan3A_121 = arith.constant 82 : i32
    %scan3A_122 = arith.addi %scan3A_120, %scan3A_121 : i32
    %scan3A_123 = arith.constant 1 : i32
    scf.for %scan3A_187 = %scan3A_120 to %scan3A_122 step %scan3A_123  : i32 {
      %mul3A_188 = arith.constant 1 : i32
      %mul3A_189 = arith.muli %scan3A_187, %mul3A_188 : i32
      %add3A_190 = arith.constant 0 : i32
      %add3A_191 = arith.addi %add3A_190, %mul3A_189 : i32
      %mul3A_192 = arith.constant 3 : i32
      %mul3A_193 = arith.muli %mul3A_192, %add3A_191 : i32
      %add3A_194 = arith.constant 2 : i32
      %add3A_195 = arith.addi %mul3A_193, %add3A_194 : i32
      %add3A_196 = arith.constant 2 : i32
      %add3A_197 = arith.addi %add3A_195, %add3A_196 : i32
      %dma_wait3A_198 = arith.constant 0 : i32
      %dma_wait3A_199 = tpu.memref_slice %arg3[%dma_wait3A_198] : memref<320000xi32, #tpu.memory_space<hbm>> -> memref<40xi32, #tpu.memory_space<hbm>>
      %dma_wait3A_200 = arith.constant 0 : i32
      %dma_wait3A_201 = tpu.memref_slice %arg3[%dma_wait3A_200] : memref<320000xi32, #tpu.memory_space<hbm>> -> memref<40xi32, #tpu.memory_space<hbm>>
      tpu.wait_dma2 semaphore(%arg20 : memref<!tpu.dma_semaphore, #tpu.memory_space<semaphore_mem>>) src(%dma_wait3A_201 : memref<40xi32, #tpu.memory_space<hbm>>) dst(%arg7 : memref<40xi32, #tpu.memory_space<vmem>>)
      %dma_start3A_202 = arith.constant 0 : i32
      %dma_start3A_203 = arith.constant 0 : i32
      %dma_start3A_204 = tpu.memref_slice %arg2[%dma_start3A_202, %dma_start3A_203] : memref<10000x128xf32, #tpu.memory_space<hbm>> -> memref<10000x128xf32, #tpu.memory_space<hbm>>
      tpu.enqueue_indirect_dma source(%dma_start3A_204 : memref<10000x128xf32, #tpu.memory_space<hbm>>) target(%arg13 : memref<40x128xf32, #tpu.memory_space<vmem>>) offsets(%arg7 : memref<40xi32, #tpu.memory_space<vmem>>) semaphore(%arg26 : memref<!tpu.dma_semaphore, #tpu.memory_space<semaphore_mem>>)
      %dma_wait3A_205 = arith.constant 0 : i32
      %dma_wait3A_206 = arith.constant 0 : i32
      %dma_wait3A_207 = tpu.memref_slice %arg5[%dma_wait3A_205, %dma_wait3A_206] : memref<320000x128xf32, #tpu.memory_space<hbm>> -> memref<40x128xf32, #tpu.memory_space<hbm>>
      %dma_wait3A_208 = arith.constant 0 : i32
      %dma_wait3A_209 = arith.constant 0 : i32
      %dma_wait3A_210 = tpu.memref_slice %arg5[%dma_wait3A_208, %dma_wait3A_209] : memref<320000x128xf32, #tpu.memory_space<hbm>> -> memref<40x128xf32, #tpu.memory_space<hbm>>
      tpu.wait_dma2 semaphore(%arg31 : memref<!tpu.dma_semaphore, #tpu.memory_space<semaphore_mem>>) src(%dma_wait3A_210 : memref<40x128xf32, #tpu.memory_space<hbm>>) dst(%arg18 : memref<40x128xf32, #tpu.memory_space<vmem>>)
      %dma_wait3A_211 = arith.constant 0 : i32
      %dma_wait3A_212 = arith.constant 0 : i32
      %dma_wait3A_213 = tpu.memref_slice %arg2[%dma_wait3A_211, %dma_wait3A_212] : memref<10000x128xf32, #tpu.memory_space<hbm>> -> memref<10000x128xf32, #tpu.memory_space<hbm>>
      tpu.wait_indirect_dma semaphore(%arg28 : memref<!tpu.dma_semaphore, #tpu.memory_space<semaphore_mem>>) src(%dma_wait3A_213 : memref<10000x128xf32, #tpu.memory_space<hbm>>) dst(%arg15 : memref<40x128xf32, #tpu.memory_space<vmem>>)
      %scan3A_214 = arith.constant 0 : i32
      %scan3A_215 = arith.constant 20 : i32
      %scan3A_216 = arith.addi %scan3A_214, %scan3A_215 : i32
      %scan3A_217 = arith.constant 1 : i32
      scf.for %scan3A_310 = %scan3A_214 to %scan3A_216 step %scan3A_217  : i32 {
        %mul3A_311 = arith.constant 2 : i32
        %mul3A_312 = arith.muli %scan3A_310, %mul3A_311 : i32
        %add3A_313 = arith.constant 0 : i32
        %add3A_314 = arith.addi %add3A_313, %mul3A_312 : i32
        %add3A_315 = arith.constant 0 : i32
        %add3A_316 = arith.addi %add3A_314, %add3A_315 : i32
        %get3A = arith.index_cast %add3A_316 : i32 to index
        %get3A_317 = arith.constant 0 : index
        %get3A_318 = tpu.vector_load %arg15[%get3A, %get3A_317] {strides = array<i32>} : memref<40x128xf32, #tpu.memory_space<vmem>>, vector<1x16xf32>,
        %get3A_319 = vector.shape_cast %get3A_318 : vector<1x16xf32> to vector<16xf32>
        %add3A_320 = arith.constant 0 : i32
        %add3A_321 = arith.addi %add3A_314, %add3A_320 : i32
        %get3A_322 = arith.index_cast %add3A_321 : i32 to index
        %get3A_323 = arith.constant 0 : index
        %get3A_324 = tpu.vector_load %arg18[%get3A_322, %get3A_323] {strides = array<i32>} : memref<40x128xf32, #tpu.memory_space<vmem>>, vector<1x16xf32>,
        %get3A_325 = vector.shape_cast %get3A_324 : vector<1x16xf32> to vector<16xf32>
        %add3A_326 = arith.addf %get3A_319, %get3A_325 : vector<16xf32>
        %max3A = arith.constant 0.000000e+00 : f32
        %max3A_327 = vector.broadcast %max3A : f32 to vector<16xf32>
        %max3A_328 = arith.maximumf %add3A_326, %max3A_327 : vector<16xf32>
        %add3A_329 = arith.constant 0 : i32
        %add3A_330 = arith.addi %add3A_314, %add3A_329 : i32
        %swap3A = arith.index_cast %add3A_330 : i32 to index
        %swap3A_331 = arith.constant 0 : index
        %swap3A_332 = tpu.vector_load %arg15[%swap3A, %swap3A_331] {strides = array<i32>} : memref<40x128xf32, #tpu.memory_space<vmem>>, vector<1x16xf32>,
        %swap3A_333 = vector.shape_cast %swap3A_332 : vector<1x16xf32> to vector<16xf32>
        %swap3A_334 = vector.shape_cast %max3A_328 : vector<16xf32> to vector<1x16xf32>
        tpu.vector_store %arg15[%swap3A, %swap3A_331], %swap3A_334 {strides = array<i32>} : memref<40x128xf32, #tpu.memory_space<vmem>>, vector<1x16xf32>,
        %add3A_335 = arith.constant 0 : i32
        %add3A_336 = arith.addi %add3A_314, %add3A_335 : i32
        %get3A_337 = arith.index_cast %add3A_336 : i32 to index
        %get3A_338 = arith.constant 16 : index
        %get3A_339 = tpu.vector_load %arg15[%get3A_337, %get3A_338] {strides = array<i32>} : memref<40x128xf32, #tpu.memory_space<vmem>>, vector<1x16xf32>,
        %get3A_340 = vector.shape_cast %get3A_339 : vector<1x16xf32> to vector<16xf32>
        %add3A_341 = arith.constant 0 : i32
        %add3A_342 = arith.addi %add3A_314, %add3A_341 : i32
        %get3A_343 = arith.index_cast %add3A_342 : i32 to index
        %get3A_344 = arith.constant 16 : index
        %get3A_345 = tpu.vector_load %arg18[%get3A_343, %get3A_344] {strides = array<i32>} : memref<40x128xf32, #tpu.memory_space<vmem>>, vector<1x16xf32>,
        %get3A_346 = vector.shape_cast %get3A_345 : vector<1x16xf32> to vector<16xf32>
        %add3A_347 = arith.addf %get3A_340, %get3A_346 : vector<16xf32>
        %max3A_348 = arith.constant 0.000000e+00 : f32
        %max3A_349 = vector.broadcast %max3A_348 : f32 to vector<16xf32>
        %max3A_350 = arith.maximumf %add3A_347, %max3A_349 : vector<16xf32>
        %add3A_351 = arith.constant 0 : i32
        %add3A_352 = arith.addi %add3A_314, %add3A_351 : i32
        %swap3A_353 = arith.index_cast %add3A_352 : i32 to index
        %swap3A_354 = arith.constant 16 : index
        %swap3A_355 = tpu.vector_load %arg15[%swap3A_353, %swap3A_354] {strides = array<i32>} : memref<40x128xf32, #tpu.memory_space<vmem>>, vector<1x16xf32>,
        %swap3A_356 = vector.shape_cast %swap3A_355 : vector<1x16xf32> to vector<16xf32>
        %swap3A_357 = vector.shape_cast %max3A_350 : vector<16xf32> to vector<1x16xf32>
        tpu.vector_store %arg15[%swap3A_353, %swap3A_354], %swap3A_357 {strides = array<i32>} : memref<40x128xf32, #tpu.memory_space<vmem>>, vector<1x16xf32>,
        %add3A_358 = arith.constant 0 : i32
        %add3A_359 = arith.addi %add3A_314, %add3A_358 : i32
        %get3A_360 = arith.index_cast %add3A_359 : i32 to index
        %get3A_361 = arith.constant 32 : index
        %get3A_362 = tpu.vector_load %arg15[%get3A_360, %get3A_361] {strides = array<i32>} : memref<40x128xf32, #tpu.memory_space<vmem>>, vector<1x16xf32>,
        %get3A_363 = vector.shape_cast %get3A_362 : vector<1x16xf32> to vector<16xf32>
        %add3A_364 = arith.constant 0 : i32
        %add3A_365 = arith.addi %add3A_314, %add3A_364 : i32
        %get3A_366 = arith.index_cast %add3A_365 : i32 to index
        %get3A_367 = arith.constant 32 : index
        %get3A_368 = tpu.vector_load %arg18[%get3A_366, %get3A_367] {strides = array<i32>} : memref<40x128xf32, #tpu.memory_space<vmem>>, vector<1x16xf32>,
        %get3A_369 = vector.shape_cast %get3A_368 : vector<1x16xf32> to vector<16xf32>
        %add3A_370 = arith.addf %get3A_363, %get3A_369 : vector<16xf32>
        %max3A_371 = arith.constant 0.000000e+00 : f32
        %max3A_372 = vector.broadcast %max3A_371 : f32 to vector<16xf32>
        %max3A_373 = arith.maximumf %add3A_370, %max3A_372 : vector<16xf32>
        %add3A_374 = arith.constant 0 : i32
        %add3A_375 = arith.addi %add3A_314, %add3A_374 : i32
        %swap3A_376 = arith.index_cast %add3A_375 : i32 to index
        %swap3A_377 = arith.constant 32 : index
        %swap3A_378 = tpu.vector_load %arg15[%swap3A_376, %swap3A_377] {strides = array<i32>} : memref<40x128xf32, #tpu.memory_space<vmem>>, vector<1x16xf32>,
        %swap3A_379 = vector.shape_cast %swap3A_378 : vector<1x16xf32> to vector<16xf32>
        %swap3A_380 = vector.shape_cast %max3A_373 : vector<16xf32> to vector<1x16xf32>
        tpu.vector_store %arg15[%swap3A_376, %swap3A_377], %swap3A_380 {strides = array<i32>} : memref<40x128xf32, #tpu.memory_space<vmem>>, vector<1x16xf32>,
        %add3A_381 = arith.constant 0 : i32
        %add3A_382 = arith.addi %add3A_314, %add3A_381 : i32
        %get3A_383 = arith.index_cast %add3A_382 : i32 to index
        %get3A_384 = arith.constant 48 : index
        %get3A_385 = tpu.vector_load %arg15[%get3A_383, %get3A_384] {strides = array<i32>} : memref<40x128xf32, #tpu.memory_space<vmem>>, vector<1x16xf32>,
        %get3A_386 = vector.shape_cast %get3A_385 : vector<1x16xf32> to vector<16xf32>
        %add3A_387 = arith.constant 0 : i32
        %add3A_388 = arith.addi %add3A_314, %add3A_387 : i32
        %get3A_389 = arith.index_cast %add3A_388 : i32 to index
        %get3A_390 = arith.constant 48 : index
        %get3A_391 = tpu.vector_load %arg18[%get3A_389, %get3A_390] {strides = array<i32>} : memref<40x128xf32, #tpu.memory_space<vmem>>, vector<1x16xf32>,
        %get3A_392 = vector.shape_cast %get3A_391 : vector<1x16xf32> to vector<16xf32>
        %add3A_393 = arith.addf %get3A_386, %get3A_392 : vector<16xf32>
        %max3A_394 = arith.constant 0.000000e+00 : f32
        %max3A_395 = vector.broadcast %max3A_394 : f32 to vector<16xf32>
        %max3A_396 = arith.maximumf %add3A_393, %max3A_395 : vector<16xf32>
        %add3A_397 = arith.constant 0 : i32
        %add3A_398 = arith.addi %add3A_314, %add3A_397 : i32
        %swap3A_399 = arith.index_cast %add3A_398 : i32 to index
        %swap3A_400 = arith.constant 48 : index
        %swap3A_401 = tpu.vector_load %arg15[%swap3A_399, %swap3A_400] {strides = array<i32>} : memref<40x128xf32, #tpu.memory_space<vmem>>, vector<1x16xf32>,
        %swap3A_402 = vector.shape_cast %swap3A_401 : vector<1x16xf32> to vector<16xf32>
        %swap3A_403 = vector.shape_cast %max3A_396 : vector<16xf32> to vector<1x16xf32>
        tpu.vector_store %arg15[%swap3A_399, %swap3A_400], %swap3A_403 {strides = array<i32>} : memref<40x128xf32, #tpu.memory_space<vmem>>, vector<1x16xf32>,
        %add3A_404 = arith.constant 0 : i32
        %add3A_405 = arith.addi %add3A_314, %add3A_404 : i32
        %get3A_406 = arith.index_cast %add3A_405 : i32 to index
        %get3A_407 = arith.constant 64 : index
        %get3A_408 = tpu.vector_load %arg15[%get3A_406, %get3A_407] {strides = array<i32>} : memref<40x128xf32, #tpu.memory_space<vmem>>, vector<1x16xf32>,
        %get3A_409 = vector.shape_cast %get3A_408 : vector<1x16xf32> to vector<16xf32>
        %add3A_410 = arith.constant 0 : i32
        %add3A_411 = arith.addi %add3A_314, %add3A_410 : i32
        %get3A_412 = arith.index_cast %add3A_411 : i32 to index
        %get3A_413 = arith.constant 64 : index
        %get3A_414 = tpu.vector_load %arg18[%get3A_412, %get3A_413] {strides = array<i32>} : memref<40x128xf32, #tpu.memory_space<vmem>>, vector<1x16xf32>,
        %get3A_415 = vector.shape_cast %get3A_414 : vector<1x16xf32> to vector<16xf32>
        %add3A_416 = arith.addf %get3A_409, %get3A_415 : vector<16xf32>
        %max3A_417 = arith.constant 0.000000e+00 : f32
        %max3A_418 = vector.broadcast %max3A_417 : f32 to vector<16xf32>
        %max3A_419 = arith.maximumf %add3A_416, %max3A_418 : vector<16xf32>
        %add3A_420 = arith.constant 0 : i32
        %add3A_421 = arith.addi %add3A_314, %add3A_420 : i32
        %swap3A_422 = arith.index_cast %add3A_421 : i32 to index
        %swap3A_423 = arith.constant 64 : index
        %swap3A_424 = tpu.vector_load %arg15[%swap3A_422, %swap3A_423] {strides = array<i32>} : memref<40x128xf32, #tpu.memory_space<vmem>>, vector<1x16xf32>,
        %swap3A_425 = vector.shape_cast %swap3A_424 : vector<1x16xf32> to vector<16xf32>
        %swap3A_426 = vector.shape_cast %max3A_419 : vector<16xf32> to vector<1x16xf32>
        tpu.vector_store %arg15[%swap3A_422, %swap3A_423], %swap3A_426 {strides = array<i32>} : memref<40x128xf32, #tpu.memory_space<vmem>>, vector<1x16xf32>,
        %add3A_427 = arith.constant 0 : i32
        %add3A_428 = arith.addi %add3A_314, %add3A_427 : i32
        %get3A_429 = arith.index_cast %add3A_428 : i32 to index
        %get3A_430 = arith.constant 80 : index
        %get3A_431 = tpu.vector_load %arg15[%get3A_429, %get3A_430] {strides = array<i32>} : memref<40x128xf32, #tpu.memory_space<vmem>>, vector<1x16xf32>,
        %get3A_432 = vector.shape_cast %get3A_431 : vector<1x16xf32> to vector<16xf32>
        %add3A_433 = arith.constant 0 : i32
        %add3A_434 = arith.addi %add3A_314, %add3A_433 : i32
        %get3A_435 = arith.index_cast %add3A_434 : i32 to index
        %get3A_436 = arith.constant 80 : index
        %get3A_437 = tpu.vector_load %arg18[%get3A_435, %get3A_436] {strides = array<i32>} : memref<40x128xf32, #tpu.memory_space<vmem>>, vector<1x16xf32>,
        %get3A_438 = vector.shape_cast %get3A_437 : vector<1x16xf32> to vector<16xf32>
        %add3A_439 = arith.addf %get3A_432, %get3A_438 : vector<16xf32>
        %max3A_440 = arith.constant 0.000000e+00 : f32
        %max3A_441 = vector.broadcast %max3A_440 : f32 to vector<16xf32>
        %max3A_442 = arith.maximumf %add3A_439, %max3A_441 : vector<16xf32>
        %add3A_443 = arith.constant 0 : i32
        %add3A_444 = arith.addi %add3A_314, %add3A_443 : i32
        %swap3A_445 = arith.index_cast %add3A_444 : i32 to index
        %swap3A_446 = arith.constant 80 : index
        %swap3A_447 = tpu.vector_load %arg15[%swap3A_445, %swap3A_446] {strides = array<i32>} : memref<40x128xf32, #tpu.memory_space<vmem>>, vector<1x16xf32>,
        %swap3A_448 = vector.shape_cast %swap3A_447 : vector<1x16xf32> to vector<16xf32>
        %swap3A_449 = vector.shape_cast %max3A_442 : vector<16xf32> to vector<1x16xf32>
        tpu.vector_store %arg15[%swap3A_445, %swap3A_446], %swap3A_449 {strides = array<i32>} : memref<40x128xf32, #tpu.memory_space<vmem>>, vector<1x16xf32>,
        %add3A_450 = arith.constant 0 : i32
        %add3A_451 = arith.addi %add3A_314, %add3A_450 : i32
        %get3A_452 = arith.index_cast %add3A_451 : i32 to index
        %get3A_453 = arith.constant 96 : index
        %get3A_454 = tpu.vector_load %arg15[%get3A_452, %get3A_453] {strides = array<i32>} : memref<40x128xf32, #tpu.memory_space<vmem>>, vector<1x16xf32>,
        %get3A_455 = vector.shape_cast %get3A_454 : vector<1x16xf32> to vector<16xf32>
        %add3A_456 = arith.constant 0 : i32
        %add3A_457 = arith.addi %add3A_314, %add3A_456 : i32
        %get3A_458 = arith.index_cast %add3A_457 : i32 to index
        %get3A_459 = arith.constant 96 : index
        %get3A_460 = tpu.vector_load %arg18[%get3A_458, %get3A_459] {strides = array<i32>} : memref<40x128xf32, #tpu.memory_space<vmem>>, vector<1x16xf32>,
        %get3A_461 = vector.shape_cast %get3A_460 : vector<1x16xf32> to vector<16xf32>
        %add3A_462 = arith.addf %get3A_455, %get3A_461 : vector<16xf32>
        %max3A_463 = arith.constant 0.000000e+00 : f32
        %max3A_464 = vector.broadcast %max3A_463 : f32 to vector<16xf32>
        %max3A_465 = arith.maximumf %add3A_462, %max3A_464 : vector<16xf32>
        %add3A_466 = arith.constant 0 : i32
        %add3A_467 = arith.addi %add3A_314, %add3A_466 : i32
        %swap3A_468 = arith.index_cast %add3A_467 : i32 to index
        %swap3A_469 = arith.constant 96 : index
        %swap3A_470 = tpu.vector_load %arg15[%swap3A_468, %swap3A_469] {strides = array<i32>} : memref<40x128xf32, #tpu.memory_space<vmem>>, vector<1x16xf32>,
        %swap3A_471 = vector.shape_cast %swap3A_470 : vector<1x16xf32> to vector<16xf32>
        %swap3A_472 = vector.shape_cast %max3A_465 : vector<16xf32> to vector<1x16xf32>
        tpu.vector_store %arg15[%swap3A_468, %swap3A_469], %swap3A_472 {strides = array<i32>} : memref<40x128xf32, #tpu.memory_space<vmem>>, vector<1x16xf32>,
        %add3A_473 = arith.constant 0 : i32
        %add3A_474 = arith.addi %add3A_314, %add3A_473 : i32
        %get3A_475 = arith.index_cast %add3A_474 : i32 to index
        %get3A_476 = arith.constant 112 : index
        %get3A_477 = tpu.vector_load %arg15[%get3A_475, %get3A_476] {strides = array<i32>} : memref<40x128xf32, #tpu.memory_space<vmem>>, vector<1x16xf32>,
        %get3A_478 = vector.shape_cast %get3A_477 : vector<1x16xf32> to vector<16xf32>
        %add3A_479 = arith.constant 0 : i32
        %add3A_480 = arith.addi %add3A_314, %add3A_479 : i32
        %get3A_481 = arith.index_cast %add3A_480 : i32 to index
        %get3A_482 = arith.constant 112 : index
        %get3A_483 = tpu.vector_load %arg18[%get3A_481, %get3A_482] {strides = array<i32>} : memref<40x128xf32, #tpu.memory_space<vmem>>, vector<1x16xf32>,
        %get3A_484 = vector.shape_cast %get3A_483 : vector<1x16xf32> to vector<16xf32>
        %add3A_485 = arith.addf %get3A_478, %get3A_484 : vector<16xf32>
        %max3A_486 = arith.constant 0.000000e+00 : f32
        %max3A_487 = vector.broadcast %max3A_486 : f32 to vector<16xf32>
        %max3A_488 = arith.maximumf %add3A_485, %max3A_487 : vector<16xf32>
        %add3A_489 = arith.constant 0 : i32
        %add3A_490 = arith.addi %add3A_314, %add3A_489 : i32
        %swap3A_491 = arith.index_cast %add3A_490 : i32 to index
        %swap3A_492 = arith.constant 112 : index
        %swap3A_493 = tpu.vector_load %arg15[%swap3A_491, %swap3A_492] {strides = array<i32>} : memref<40x128xf32, #tpu.memory_space<vmem>>, vector<1x16xf32>,
        %swap3A_494 = vector.shape_cast %swap3A_493 : vector<1x16xf32> to vector<16xf32>
        %swap3A_495 = vector.shape_cast %max3A_488 : vector<16xf32> to vector<1x16xf32>
        tpu.vector_store %arg15[%swap3A_491, %swap3A_492], %swap3A_495 {strides = array<i32>} : memref<40x128xf32, #tpu.memory_space<vmem>>, vector<1x16xf32>,
        %add3A_496 = arith.constant 1 : i32
        %add3A_497 = arith.addi %add3A_314, %add3A_496 : i32
        %get3A_498 = arith.index_cast %add3A_497 : i32 to index
        %get3A_499 = arith.constant 0 : index
        %get3A_500 = tpu.vector_load %arg15[%get3A_498, %get3A_499] {strides = array<i32>} : memref<40x128xf32, #tpu.memory_space<vmem>>, vector<1x16xf32>,
        %get3A_501 = vector.shape_cast %get3A_500 : vector<1x16xf32> to vector<16xf32>
        %add3A_502 = arith.constant 1 : i32
        %add3A_503 = arith.addi %add3A_314, %add3A_502 : i32
        %get3A_504 = arith.index_cast %add3A_503 : i32 to index
        %get3A_505 = arith.constant 0 : index
        %get3A_506 = tpu.vector_load %arg18[%get3A_504, %get3A_505] {strides = array<i32>} : memref<40x128xf32, #tpu.memory_space<vmem>>, vector<1x16xf32>,
        %get3A_507 = vector.shape_cast %get3A_506 : vector<1x16xf32> to vector<16xf32>
        %add3A_508 = arith.addf %get3A_501, %get3A_507 : vector<16xf32>
        %max3A_509 = arith.constant 0.000000e+00 : f32
        %max3A_510 = vector.broadcast %max3A_509 : f32 to vector<16xf32>
        %max3A_511 = arith.maximumf %add3A_508, %max3A_510 : vector<16xf32>
        %add3A_512 = arith.constant 1 : i32
        %add3A_513 = arith.addi %add3A_314, %add3A_512 : i32
        %swap3A_514 = arith.index_cast %add3A_513 : i32 to index
        %swap3A_515 = arith.constant 0 : index
        %swap3A_516 = tpu.vector_load %arg15[%swap3A_514, %swap3A_515] {strides = array<i32>} : memref<40x128xf32, #tpu.memory_space<vmem>>, vector<1x16xf32>,
        %swap3A_517 = vector.shape_cast %swap3A_516 : vector<1x16xf32> to vector<16xf32>
        %swap3A_518 = vector.shape_cast %max3A_511 : vector<16xf32> to vector<1x16xf32>
        tpu.vector_store %arg15[%swap3A_514, %swap3A_515], %swap3A_518 {strides = array<i32>} : memref<40x128xf32, #tpu.memory_space<vmem>>, vector<1x16xf32>,
        %add3A_519 = arith.constant 1 : i32
        %add3A_520 = arith.addi %add3A_314, %add3A_519 : i32
        %get3A_521 = arith.index_cast %add3A_520 : i32 to index
        %get3A_522 = arith.constant 16 : index
        %get3A_523 = tpu.vector_load %arg15[%get3A_521, %get3A_522] {strides = array<i32>} : memref<40x128xf32, #tpu.memory_space<vmem>>, vector<1x16xf32>,
        %get3A_524 = vector.shape_cast %get3A_523 : vector<1x16xf32> to vector<16xf32>
        %add3A_525 = arith.constant 1 : i32
        %add3A_526 = arith.addi %add3A_314, %add3A_525 : i32
        %get3A_527 = arith.index_cast %add3A_526 : i32 to index
        %get3A_528 = arith.constant 16 : index
        %get3A_529 = tpu.vector_load %arg18[%get3A_527, %get3A_528] {strides = array<i32>} : memref<40x128xf32, #tpu.memory_space<vmem>>, vector<1x16xf32>,
        %get3A_530 = vector.shape_cast %get3A_529 : vector<1x16xf32> to vector<16xf32>
        %add3A_531 = arith.addf %get3A_524, %get3A_530 : vector<16xf32>
        %max3A_532 = arith.constant 0.000000e+00 : f32
        %max3A_533 = vector.broadcast %max3A_532 : f32 to vector<16xf32>
        %max3A_534 = arith.maximumf %add3A_531, %max3A_533 : vector<16xf32>
        %add3A_535 = arith.constant 1 : i32
        %add3A_536 = arith.addi %add3A_314, %add3A_535 : i32
        %swap3A_537 = arith.index_cast %add3A_536 : i32 to index
        %swap3A_538 = arith.constant 16 : index
        %swap3A_539 = tpu.vector_load %arg15[%swap3A_537, %swap3A_538] {strides = array<i32>} : memref<40x128xf32, #tpu.memory_space<vmem>>, vector<1x16xf32>,
        %swap3A_540 = vector.shape_cast %swap3A_539 : vector<1x16xf32> to vector<16xf32>
        %swap3A_541 = vector.shape_cast %max3A_534 : vector<16xf32> to vector<1x16xf32>
        tpu.vector_store %arg15[%swap3A_537, %swap3A_538], %swap3A_541 {strides = array<i32>} : memref<40x128xf32, #tpu.memory_space<vmem>>, vector<1x16xf32>,
        %add3A_542 = arith.constant 1 : i32
        %add3A_543 = arith.addi %add3A_314, %add3A_542 : i32
        %get3A_544 = arith.index_cast %add3A_543 : i32 to index
        %get3A_545 = arith.constant 32 : index
        %get3A_546 = tpu.vector_load %arg15[%get3A_544, %get3A_545] {strides = array<i32>} : memref<40x128xf32, #tpu.memory_space<vmem>>, vector<1x16xf32>,
        %get3A_547 = vector.shape_cast %get3A_546 : vector<1x16xf32> to vector<16xf32>
        %add3A_548 = arith.constant 1 : i32
        %add3A_549 = arith.addi %add3A_314, %add3A_548 : i32
        %get3A_550 = arith.index_cast %add3A_549 : i32 to index
        %get3A_551 = arith.constant 32 : index
        %get3A_552 = tpu.vector_load %arg18[%get3A_550, %get3A_551] {strides = array<i32>} : memref<40x128xf32, #tpu.memory_space<vmem>>, vector<1x16xf32>,
        %get3A_553 = vector.shape_cast %get3A_552 : vector<1x16xf32> to vector<16xf32>
        %add3A_554 = arith.addf %get3A_547, %get3A_553 : vector<16xf32>
        %max3A_555 = arith.constant 0.000000e+00 : f32
        %max3A_556 = vector.broadcast %max3A_555 : f32 to vector<16xf32>
        %max3A_557 = arith.maximumf %add3A_554, %max3A_556 : vector<16xf32>
        %add3A_558 = arith.constant 1 : i32
        %add3A_559 = arith.addi %add3A_314, %add3A_558 : i32
        %swap3A_560 = arith.index_cast %add3A_559 : i32 to index
        %swap3A_561 = arith.constant 32 : index
        %swap3A_562 = tpu.vector_load %arg15[%swap3A_560, %swap3A_561] {strides = array<i32>} : memref<40x128xf32, #tpu.memory_space<vmem>>, vector<1x16xf32>,
        %swap3A_563 = vector.shape_cast %swap3A_562 : vector<1x16xf32> to vector<16xf32>
        %swap3A_564 = vector.shape_cast %max3A_557 : vector<16xf32> to vector<1x16xf32>
        tpu.vector_store %arg15[%swap3A_560, %swap3A_561], %swap3A_564 {strides = array<i32>} : memref<40x128xf32, #tpu.memory_space<vmem>>, vector<1x16xf32>,
        %add3A_565 = arith.constant 1 : i32
        %add3A_566 = arith.addi %add3A_314, %add3A_565 : i32
        %get3A_567 = arith.index_cast %add3A_566 : i32 to index
        %get3A_568 = arith.constant 48 : index
        %get3A_569 = tpu.vector_load %arg15[%get3A_567, %get3A_568] {strides = array<i32>} : memref<40x128xf32, #tpu.memory_space<vmem>>, vector<1x16xf32>,
        %get3A_570 = vector.shape_cast %get3A_569 : vector<1x16xf32> to vector<16xf32>
        %add3A_571 = arith.constant 1 : i32
        %add3A_572 = arith.addi %add3A_314, %add3A_571 : i32
        %get3A_573 = arith.index_cast %add3A_572 : i32 to index
        %get3A_574 = arith.constant 48 : index
        %get3A_575 = tpu.vector_load %arg18[%get3A_573, %get3A_574] {strides = array<i32>} : memref<40x128xf32, #tpu.memory_space<vmem>>, vector<1x16xf32>,
        %get3A_576 = vector.shape_cast %get3A_575 : vector<1x16xf32> to vector<16xf32>
        %add3A_577 = arith.addf %get3A_570, %get3A_576 : vector<16xf32>
        %max3A_578 = arith.constant 0.000000e+00 : f32
        %max3A_579 = vector.broadcast %max3A_578 : f32 to vector<16xf32>
        %max3A_580 = arith.maximumf %add3A_577, %max3A_579 : vector<16xf32>
        %add3A_581 = arith.constant 1 : i32
        %add3A_582 = arith.addi %add3A_314, %add3A_581 : i32
        %swap3A_583 = arith.index_cast %add3A_582 : i32 to index
        %swap3A_584 = arith.constant 48 : index
        %swap3A_585 = tpu.vector_load %arg15[%swap3A_583, %swap3A_584] {strides = array<i32>} : memref<40x128xf32, #tpu.memory_space<vmem>>, vector<1x16xf32>,
        %swap3A_586 = vector.shape_cast %swap3A_585 : vector<1x16xf32> to vector<16xf32>
        %swap3A_587 = vector.shape_cast %max3A_580 : vector<16xf32> to vector<1x16xf32>
        tpu.vector_store %arg15[%swap3A_583, %swap3A_584], %swap3A_587 {strides = array<i32>} : memref<40x128xf32, #tpu.memory_space<vmem>>, vector<1x16xf32>,
        %add3A_588 = arith.constant 1 : i32
        %add3A_589 = arith.addi %add3A_314, %add3A_588 : i32
        %get3A_590 = arith.index_cast %add3A_589 : i32 to index
        %get3A_591 = arith.constant 64 : index
        %get3A_592 = tpu.vector_load %arg15[%get3A_590, %get3A_591] {strides = array<i32>} : memref<40x128xf32, #tpu.memory_space<vmem>>, vector<1x16xf32>,
        %get3A_593 = vector.shape_cast %get3A_592 : vector<1x16xf32> to vector<16xf32>
        %add3A_594 = arith.constant 1 : i32
        %add3A_595 = arith.addi %add3A_314, %add3A_594 : i32
        %get3A_596 = arith.index_cast %add3A_595 : i32 to index
        %get3A_597 = arith.constant 64 : index
        %get3A_598 = tpu.vector_load %arg18[%get3A_596, %get3A_597] {strides = array<i32>} : memref<40x128xf32, #tpu.memory_space<vmem>>, vector<1x16xf32>,
        %get3A_599 = vector.shape_cast %get3A_598 : vector<1x16xf32> to vector<16xf32>
        %add3A_600 = arith.addf %get3A_593, %get3A_599 : vector<16xf32>
        %max3A_601 = arith.constant 0.000000e+00 : f32
        %max3A_602 = vector.broadcast %max3A_601 : f32 to vector<16xf32>
        %max3A_603 = arith.maximumf %add3A_600, %max3A_602 : vector<16xf32>
        %add3A_604 = arith.constant 1 : i32
        %add3A_605 = arith.addi %add3A_314, %add3A_604 : i32
        %swap3A_606 = arith.index_cast %add3A_605 : i32 to index
        %swap3A_607 = arith.constant 64 : index
        %swap3A_608 = tpu.vector_load %arg15[%swap3A_606, %swap3A_607] {strides = array<i32>} : memref<40x128xf32, #tpu.memory_space<vmem>>, vector<1x16xf32>,
        %swap3A_609 = vector.shape_cast %swap3A_608 : vector<1x16xf32> to vector<16xf32>
        %swap3A_610 = vector.shape_cast %max3A_603 : vector<16xf32> to vector<1x16xf32>
        tpu.vector_store %arg15[%swap3A_606, %swap3A_607], %swap3A_610 {strides = array<i32>} : memref<40x128xf32, #tpu.memory_space<vmem>>, vector<1x16xf32>,
        %add3A_611 = arith.constant 1 : i32
        %add3A_612 = arith.addi %add3A_314, %add3A_611 : i32
        %get3A_613 = arith.index_cast %add3A_612 : i32 to index
        %get3A_614 = arith.constant 80 : index
        %get3A_615 = tpu.vector_load %arg15[%get3A_613, %get3A_614] {strides = array<i32>} : memref<40x128xf32, #tpu.memory_space<vmem>>, vector<1x16xf32>,
        %get3A_616 = vector.shape_cast %get3A_615 : vector<1x16xf32> to vector<16xf32>
        %add3A_617 = arith.constant 1 : i32
        %add3A_618 = arith.addi %add3A_314, %add3A_617 : i32
        %get3A_619 = arith.index_cast %add3A_618 : i32 to index
        %get3A_620 = arith.constant 80 : index
        %get3A_621 = tpu.vector_load %arg18[%get3A_619, %get3A_620] {strides = array<i32>} : memref<40x128xf32, #tpu.memory_space<vmem>>, vector<1x16xf32>,
        %get3A_622 = vector.shape_cast %get3A_621 : vector<1x16xf32> to vector<16xf32>
        %add3A_623 = arith.addf %get3A_616, %get3A_622 : vector<16xf32>
        %max3A_624 = arith.constant 0.000000e+00 : f32
        %max3A_625 = vector.broadcast %max3A_624 : f32 to vector<16xf32>
        %max3A_626 = arith.maximumf %add3A_623, %max3A_625 : vector<16xf32>
        %add3A_627 = arith.constant 1 : i32
        %add3A_628 = arith.addi %add3A_314, %add3A_627 : i32
        %swap3A_629 = arith.index_cast %add3A_628 : i32 to index
        %swap3A_630 = arith.constant 80 : index
        %swap3A_631 = tpu.vector_load %arg15[%swap3A_629, %swap3A_630] {strides = array<i32>} : memref<40x128xf32, #tpu.memory_space<vmem>>, vector<1x16xf32>,
        %swap3A_632 = vector.shape_cast %swap3A_631 : vector<1x16xf32> to vector<16xf32>
        %swap3A_633 = vector.shape_cast %max3A_626 : vector<16xf32> to vector<1x16xf32>
        tpu.vector_store %arg15[%swap3A_629, %swap3A_630], %swap3A_633 {strides = array<i32>} : memref<40x128xf32, #tpu.memory_space<vmem>>, vector<1x16xf32>,
        %add3A_634 = arith.constant 1 : i32
        %add3A_635 = arith.addi %add3A_314, %add3A_634 : i32
        %get3A_636 = arith.index_cast %add3A_635 : i32 to index
        %get3A_637 = arith.constant 96 : index
        %get3A_638 = tpu.vector_load %arg15[%get3A_636, %get3A_637] {strides = array<i32>} : memref<40x128xf32, #tpu.memory_space<vmem>>, vector<1x16xf32>,
        %get3A_639 = vector.shape_cast %get3A_638 : vector<1x16xf32> to vector<16xf32>
        %add3A_640 = arith.constant 1 : i32
        %add3A_641 = arith.addi %add3A_314, %add3A_640 : i32
        %get3A_642 = arith.index_cast %add3A_641 : i32 to index
        %get3A_643 = arith.constant 96 : index
        %get3A_644 = tpu.vector_load %arg18[%get3A_642, %get3A_643] {strides = array<i32>} : memref<40x128xf32, #tpu.memory_space<vmem>>, vector<1x16xf32>,
        %get3A_645 = vector.shape_cast %get3A_644 : vector<1x16xf32> to vector<16xf32>
        %add3A_646 = arith.addf %get3A_639, %get3A_645 : vector<16xf32>
        %max3A_647 = arith.constant 0.000000e+00 : f32
        %max3A_648 = vector.broadcast %max3A_647 : f32 to vector<16xf32>
        %max3A_649 = arith.maximumf %add3A_646, %max3A_648 : vector<16xf32>
        %add3A_650 = arith.constant 1 : i32
        %add3A_651 = arith.addi %add3A_314, %add3A_650 : i32
        %swap3A_652 = arith.index_cast %add3A_651 : i32 to index
        %swap3A_653 = arith.constant 96 : index
        %swap3A_654 = tpu.vector_load %arg15[%swap3A_652, %swap3A_653] {strides = array<i32>} : memref<40x128xf32, #tpu.memory_space<vmem>>, vector<1x16xf32>,
        %swap3A_655 = vector.shape_cast %swap3A_654 : vector<1x16xf32> to vector<16xf32>
        %swap3A_656 = vector.shape_cast %max3A_649 : vector<16xf32> to vector<1x16xf32>
        tpu.vector_store %arg15[%swap3A_652, %swap3A_653], %swap3A_656 {strides = array<i32>} : memref<40x128xf32, #tpu.memory_space<vmem>>, vector<1x16xf32>,
        %add3A_657 = arith.constant 1 : i32
        %add3A_658 = arith.addi %add3A_314, %add3A_657 : i32
        %get3A_659 = arith.index_cast %add3A_658 : i32 to index
        %get3A_660 = arith.constant 112 : index
        %get3A_661 = tpu.vector_load %arg15[%get3A_659, %get3A_660] {strides = array<i32>} : memref<40x128xf32, #tpu.memory_space<vmem>>, vector<1x16xf32>,
        %get3A_662 = vector.shape_cast %get3A_661 : vector<1x16xf32> to vector<16xf32>
        %add3A_663 = arith.constant 1 : i32
        %add3A_664 = arith.addi %add3A_314, %add3A_663 : i32
        %get3A_665 = arith.index_cast %add3A_664 : i32 to index
        %get3A_666 = arith.constant 112 : index
        %get3A_667 = tpu.vector_load %arg18[%get3A_665, %get3A_666] {strides = array<i32>} : memref<40x128xf32, #tpu.memory_space<vmem>>, vector<1x16xf32>,
        %get3A_668 = vector.shape_cast %get3A_667 : vector<1x16xf32> to vector<16xf32>
        %add3A_669 = arith.addf %get3A_662, %get3A_668 : vector<16xf32>
        %max3A_670 = arith.constant 0.000000e+00 : f32
        %max3A_671 = vector.broadcast %max3A_670 : f32 to vector<16xf32>
        %max3A_672 = arith.maximumf %add3A_669, %max3A_671 : vector<16xf32>
        %add3A_673 = arith.constant 1 : i32
        %add3A_674 = arith.addi %add3A_314, %add3A_673 : i32
        %swap3A_675 = arith.index_cast %add3A_674 : i32 to index
        %swap3A_676 = arith.constant 112 : index
        %swap3A_677 = tpu.vector_load %arg15[%swap3A_675, %swap3A_676] {strides = array<i32>} : memref<40x128xf32, #tpu.memory_space<vmem>>, vector<1x16xf32>,
        %swap3A_678 = vector.shape_cast %swap3A_677 : vector<1x16xf32> to vector<16xf32>
        %swap3A_679 = vector.shape_cast %max3A_672 : vector<16xf32> to vector<1x16xf32>
        tpu.vector_store %arg15[%swap3A_675, %swap3A_676], %swap3A_679 {strides = array<i32>} : memref<40x128xf32, #tpu.memory_space<vmem>>, vector<1x16xf32>,
      }
      %scan3A_218 = arith.constant 20 : i32
      %dma_wait3A_219 = arith.constant 0 : i32
      %dma_wait3A_220 = tpu.memref_slice %arg4[%dma_wait3A_219] : memref<320000xi32, #tpu.memory_space<hbm>> -> memref<40xi32, #tpu.memory_space<hbm>>
      %dma_wait3A_221 = arith.constant 0 : i32
      %dma_wait3A_222 = tpu.memref_slice %arg4[%dma_wait3A_221] : memref<320000xi32, #tpu.memory_space<hbm>> -> memref<40xi32, #tpu.memory_space<hbm>>
      tpu.wait_dma2 semaphore(%arg25 : memref<!tpu.dma_semaphore, #tpu.memory_space<semaphore_mem>>) src(%dma_wait3A_222 : memref<40xi32, #tpu.memory_space<hbm>>) dst(%arg12 : memref<40xi32, #tpu.memory_space<vmem>>)
      %mul3A_223 = arith.constant 40 : i32
      %mul3A_224 = arith.muli %add3A_197, %mul3A_223 : i32
      %add3A_225 = arith.addi %mul3A_2, %mul3A_224 : i32
      %dma_start3A_226 = tpu.memref_slice %arg3[%add3A_225] : memref<320000xi32, #tpu.memory_space<hbm>> -> memref<40xi32, #tpu.memory_space<hbm>>
      %dma_start3A_227 = tpu.memref_slice %arg3[%add3A_225] : memref<320000xi32, #tpu.memory_space<hbm>> -> memref<40xi32, #tpu.memory_space<hbm>>
      tpu.enqueue_dma source(%dma_start3A_227 : memref<40xi32, #tpu.memory_space<hbm>>) target(%arg8 : memref<40xi32, #tpu.memory_space<vmem>>) target_semaphore(%arg21 : memref<!tpu.dma_semaphore, #tpu.memory_space<semaphore_mem>>)
      %dma_start3A_228 = tpu.memref_slice %arg4[%add3A_225] : memref<320000xi32, #tpu.memory_space<hbm>> -> memref<40xi32, #tpu.memory_space<hbm>>
      %dma_start3A_229 = tpu.memref_slice %arg4[%add3A_225] : memref<320000xi32, #tpu.memory_space<hbm>> -> memref<40xi32, #tpu.memory_space<hbm>>
      tpu.enqueue_dma source(%dma_start3A_229 : memref<40xi32, #tpu.memory_space<hbm>>) target(%arg11 : memref<40xi32, #tpu.memory_space<vmem>>) target_semaphore(%arg24 : memref<!tpu.dma_semaphore, #tpu.memory_space<semaphore_mem>>)
      %dma_start3A_230 = arith.constant 0 : i32
      %dma_start3A_231 = tpu.memref_slice %arg5[%add3A_225, %dma_start3A_230] : memref<320000x128xf32, #tpu.memory_space<hbm>> -> memref<40x128xf32, #tpu.memory_space<hbm>>
      %dma_start3A_232 = arith.constant 0 : i32
      %dma_start3A_233 = tpu.memref_slice %arg5[%add3A_225, %dma_start3A_232] : memref<320000x128xf32, #tpu.memory_space<hbm>> -> memref<40x128xf32, #tpu.memory_space<hbm>>
      tpu.enqueue_dma source(%dma_start3A_233 : memref<40x128xf32, #tpu.memory_space<hbm>>) target(%arg17 : memref<40x128xf32, #tpu.memory_space<vmem>>) target_semaphore(%arg30 : memref<!tpu.dma_semaphore, #tpu.memory_space<semaphore_mem>>)
      %add3A_234 = arith.constant 3 : i32
      %add3A_235 = arith.addi %add3A_195, %add3A_234 : i32
      %dma_wait3A_236 = arith.constant 0 : i32
      %dma_wait3A_237 = tpu.memref_slice %arg3[%dma_wait3A_236] : memref<320000xi32, #tpu.memory_space<hbm>> -> memref<40xi32, #tpu.memory_space<hbm>>
      %dma_wait3A_238 = arith.constant 0 : i32
      %dma_wait3A_239 = tpu.memref_slice %arg3[%dma_wait3A_238] : memref<320000xi32, #tpu.memory_space<hbm>> -> memref<40xi32, #tpu.memory_space<hbm>>
      tpu.wait_dma2 semaphore(%arg21 : memref<!tpu.dma_semaphore, #tpu.memory_space<semaphore_mem>>) src(%dma_wait3A_239 : memref<40xi32, #tpu.memory_space<hbm>>) dst(%arg8 : memref<40xi32, #tpu.memory_space<vmem>>)
      %dma_start3A_240 = arith.constant 0 : i32
      %dma_start3A_241 = arith.constant 0 : i32
      %dma_start3A_242 = tpu.memref_slice %arg2[%dma_start3A_240, %dma_start3A_241] : memref<10000x128xf32, #tpu.memory_space<hbm>> -> memref<10000x128xf32, #tpu.memory_space<hbm>>
      tpu.enqueue_indirect_dma source(%dma_start3A_242 : memref<10000x128xf32, #tpu.memory_space<hbm>>) target(%arg14 : memref<40x128xf32, #tpu.memory_space<vmem>>) offsets(%arg8 : memref<40xi32, #tpu.memory_space<vmem>>) semaphore(%arg27 : memref<!tpu.dma_semaphore, #tpu.memory_space<semaphore_mem>>)
      %dma_wait3A_243 = arith.constant 0 : i32
      %dma_wait3A_244 = arith.constant 0 : i32
      %dma_wait3A_245 = tpu.memref_slice %arg5[%dma_wait3A_243, %dma_wait3A_244] : memref<320000x128xf32, #tpu.memory_space<hbm>> -> memref<40x128xf32, #tpu.memory_space<hbm>>
      %dma_wait3A_246 = arith.constant 0 : i32
      %dma_wait3A_247 = arith.constant 0 : i32
      %dma_wait3A_248 = tpu.memref_slice %arg5[%dma_wait3A_246, %dma_wait3A_247] : memref<320000x128xf32, #tpu.memory_space<hbm>> -> memref<40x128xf32, #tpu.memory_space<hbm>>
      tpu.wait_dma2 semaphore(%arg29 : memref<!tpu.dma_semaphore, #tpu.memory_space<semaphore_mem>>) src(%dma_wait3A_248 : memref<40x128xf32, #tpu.memory_space<hbm>>) dst(%arg16 : memref<40x128xf32, #tpu.memory_space<vmem>>)
      %dma_wait3A_249 = arith.constant 0 : i32
      %dma_wait3A_250 = arith.constant 0 : i32
      %dma_wait3A_251 = tpu.memref_slice %arg2[%dma_wait3A_249, %dma_wait3A_250] : memref<10000x128xf32, #tpu.memory_space<hbm>> -> memref<10000x128xf32, #tpu.memory_space<hbm>>
      tpu.wait_indirect_dma semaphore(%arg26 : memref<!tpu.dma_semaphore, #tpu.memory_space<semaphore_mem>>) src(%dma_wait3A_251 : memref<10000x128xf32, #tpu.memory_space<hbm>>) dst(%arg13 : memref<40x128xf32, #tpu.memory_space<vmem>>)
      %scan3A_252 = arith.constant 0 : i32
      %scan3A_253 = arith.constant 20 : i32
      %scan3A_254 = arith.addi %scan3A_252, %scan3A_253 : i32
      %scan3A_255 = arith.constant 1 : i32
      scf.for %scan3A_310 = %scan3A_252 to %scan3A_254 step %scan3A_255  : i32 {
        %mul3A_311 = arith.constant 2 : i32
        %mul3A_312 = arith.muli %scan3A_310, %mul3A_311 : i32
        %add3A_313 = arith.constant 0 : i32
        %add3A_314 = arith.addi %add3A_313, %mul3A_312 : i32
        %add3A_315 = arith.constant 0 : i32
        %add3A_316 = arith.addi %add3A_314, %add3A_315 : i32
        %get3A = arith.index_cast %add3A_316 : i32 to index
        %get3A_317 = arith.constant 0 : index
        %get3A_318 = tpu.vector_load %arg13[%get3A, %get3A_317] {strides = array<i32>} : memref<40x128xf32, #tpu.memory_space<vmem>>, vector<1x16xf32>,
        %get3A_319 = vector.shape_cast %get3A_318 : vector<1x16xf32> to vector<16xf32>
        %add3A_320 = arith.constant 0 : i32
        %add3A_321 = arith.addi %add3A_314, %add3A_320 : i32
        %get3A_322 = arith.index_cast %add3A_321 : i32 to index
        %get3A_323 = arith.constant 0 : index
        %get3A_324 = tpu.vector_load %arg16[%get3A_322, %get3A_323] {strides = array<i32>} : memref<40x128xf32, #tpu.memory_space<vmem>>, vector<1x16xf32>,
        %get3A_325 = vector.shape_cast %get3A_324 : vector<1x16xf32> to vector<16xf32>
        %add3A_326 = arith.addf %get3A_319, %get3A_325 : vector<16xf32>
        %max3A = arith.constant 0.000000e+00 : f32
        %max3A_327 = vector.broadcast %max3A : f32 to vector<16xf32>
        %max3A_328 = arith.maximumf %add3A_326, %max3A_327 : vector<16xf32>
        %add3A_329 = arith.constant 0 : i32
        %add3A_330 = arith.addi %add3A_314, %add3A_329 : i32
        %swap3A = arith.index_cast %add3A_330 : i32 to index
        %swap3A_331 = arith.constant 0 : index
        %swap3A_332 = tpu.vector_load %arg13[%swap3A, %swap3A_331] {strides = array<i32>} : memref<40x128xf32, #tpu.memory_space<vmem>>, vector<1x16xf32>,
        %swap3A_333 = vector.shape_cast %swap3A_332 : vector<1x16xf32> to vector<16xf32>
        %swap3A_334 = vector.shape_cast %max3A_328 : vector<16xf32> to vector<1x16xf32>
        tpu.vector_store %arg13[%swap3A, %swap3A_331], %swap3A_334 {strides = array<i32>} : memref<40x128xf32, #tpu.memory_space<vmem>>, vector<1x16xf32>,
        %add3A_335 = arith.constant 0 : i32
        %add3A_336 = arith.addi %add3A_314, %add3A_335 : i32
        %get3A_337 = arith.index_cast %add3A_336 : i32 to index
        %get3A_338 = arith.constant 16 : index
        %get3A_339 = tpu.vector_load %arg13[%get3A_337, %get3A_338] {strides = array<i32>} : memref<40x128xf32, #tpu.memory_space<vmem>>, vector<1x16xf32>,
        %get3A_340 = vector.shape_cast %get3A_339 : vector<1x16xf32> to vector<16xf32>
        %add3A_341 = arith.constant 0 : i32
        %add3A_342 = arith.addi %add3A_314, %add3A_341 : i32
        %get3A_343 = arith.index_cast %add3A_342 : i32 to index
        %get3A_344 = arith.constant 16 : index
        %get3A_345 = tpu.vector_load %arg16[%get3A_343, %get3A_344] {strides = array<i32>} : memref<40x128xf32, #tpu.memory_space<vmem>>, vector<1x16xf32>,
        %get3A_346 = vector.shape_cast %get3A_345 : vector<1x16xf32> to vector<16xf32>
        %add3A_347 = arith.addf %get3A_340, %get3A_346 : vector<16xf32>
        %max3A_348 = arith.constant 0.000000e+00 : f32
        %max3A_349 = vector.broadcast %max3A_348 : f32 to vector<16xf32>
        %max3A_350 = arith.maximumf %add3A_347, %max3A_349 : vector<16xf32>
        %add3A_351 = arith.constant 0 : i32
        %add3A_352 = arith.addi %add3A_314, %add3A_351 : i32
        %swap3A_353 = arith.index_cast %add3A_352 : i32 to index
        %swap3A_354 = arith.constant 16 : index
        %swap3A_355 = tpu.vector_load %arg13[%swap3A_353, %swap3A_354] {strides = array<i32>} : memref<40x128xf32, #tpu.memory_space<vmem>>, vector<1x16xf32>,
        %swap3A_356 = vector.shape_cast %swap3A_355 : vector<1x16xf32> to vector<16xf32>
        %swap3A_357 = vector.shape_cast %max3A_350 : vector<16xf32> to vector<1x16xf32>
        tpu.vector_store %arg13[%swap3A_353, %swap3A_354], %swap3A_357 {strides = array<i32>} : memref<40x128xf32, #tpu.memory_space<vmem>>, vector<1x16xf32>,
        %add3A_358 = arith.constant 0 : i32
        %add3A_359 = arith.addi %add3A_314, %add3A_358 : i32
        %get3A_360 = arith.index_cast %add3A_359 : i32 to index
        %get3A_361 = arith.constant 32 : index
        %get3A_362 = tpu.vector_load %arg13[%get3A_360, %get3A_361] {strides = array<i32>} : memref<40x128xf32, #tpu.memory_space<vmem>>, vector<1x16xf32>,
        %get3A_363 = vector.shape_cast %get3A_362 : vector<1x16xf32> to vector<16xf32>
        %add3A_364 = arith.constant 0 : i32
        %add3A_365 = arith.addi %add3A_314, %add3A_364 : i32
        %get3A_366 = arith.index_cast %add3A_365 : i32 to index
        %get3A_367 = arith.constant 32 : index
        %get3A_368 = tpu.vector_load %arg16[%get3A_366, %get3A_367] {strides = array<i32>} : memref<40x128xf32, #tpu.memory_space<vmem>>, vector<1x16xf32>,
        %get3A_369 = vector.shape_cast %get3A_368 : vector<1x16xf32> to vector<16xf32>
        %add3A_370 = arith.addf %get3A_363, %get3A_369 : vector<16xf32>
        %max3A_371 = arith.constant 0.000000e+00 : f32
        %max3A_372 = vector.broadcast %max3A_371 : f32 to vector<16xf32>
        %max3A_373 = arith.maximumf %add3A_370, %max3A_372 : vector<16xf32>
        %add3A_374 = arith.constant 0 : i32
        %add3A_375 = arith.addi %add3A_314, %add3A_374 : i32
        %swap3A_376 = arith.index_cast %add3A_375 : i32 to index
        %swap3A_377 = arith.constant 32 : index
        %swap3A_378 = tpu.vector_load %arg13[%swap3A_376, %swap3A_377] {strides = array<i32>} : memref<40x128xf32, #tpu.memory_space<vmem>>, vector<1x16xf32>,
        %swap3A_379 = vector.shape_cast %swap3A_378 : vector<1x16xf32> to vector<16xf32>
        %swap3A_380 = vector.shape_cast %max3A_373 : vector<16xf32> to vector<1x16xf32>
        tpu.vector_store %arg13[%swap3A_376, %swap3A_377], %swap3A_380 {strides = array<i32>} : memref<40x128xf32, #tpu.memory_space<vmem>>, vector<1x16xf32>,
        %add3A_381 = arith.constant 0 : i32
        %add3A_382 = arith.addi %add3A_314, %add3A_381 : i32
        %get3A_383 = arith.index_cast %add3A_382 : i32 to index
        %get3A_384 = arith.constant 48 : index
        %get3A_385 = tpu.vector_load %arg13[%get3A_383, %get3A_384] {strides = array<i32>} : memref<40x128xf32, #tpu.memory_space<vmem>>, vector<1x16xf32>,
        %get3A_386 = vector.shape_cast %get3A_385 : vector<1x16xf32> to vector<16xf32>
        %add3A_387 = arith.constant 0 : i32
        %add3A_388 = arith.addi %add3A_314, %add3A_387 : i32
        %get3A_389 = arith.index_cast %add3A_388 : i32 to index
        %get3A_390 = arith.constant 48 : index
        %get3A_391 = tpu.vector_load %arg16[%get3A_389, %get3A_390] {strides = array<i32>} : memref<40x128xf32, #tpu.memory_space<vmem>>, vector<1x16xf32>,
        %get3A_392 = vector.shape_cast %get3A_391 : vector<1x16xf32> to vector<16xf32>
        %add3A_393 = arith.addf %get3A_386, %get3A_392 : vector<16xf32>
        %max3A_394 = arith.constant 0.000000e+00 : f32
        %max3A_395 = vector.broadcast %max3A_394 : f32 to vector<16xf32>
        %max3A_396 = arith.maximumf %add3A_393, %max3A_395 : vector<16xf32>
        %add3A_397 = arith.constant 0 : i32
        %add3A_398 = arith.addi %add3A_314, %add3A_397 : i32
        %swap3A_399 = arith.index_cast %add3A_398 : i32 to index
        %swap3A_400 = arith.constant 48 : index
        %swap3A_401 = tpu.vector_load %arg13[%swap3A_399, %swap3A_400] {strides = array<i32>} : memref<40x128xf32, #tpu.memory_space<vmem>>, vector<1x16xf32>,
        %swap3A_402 = vector.shape_cast %swap3A_401 : vector<1x16xf32> to vector<16xf32>
        %swap3A_403 = vector.shape_cast %max3A_396 : vector<16xf32> to vector<1x16xf32>
        tpu.vector_store %arg13[%swap3A_399, %swap3A_400], %swap3A_403 {strides = array<i32>} : memref<40x128xf32, #tpu.memory_space<vmem>>, vector<1x16xf32>,
        %add3A_404 = arith.constant 0 : i32
        %add3A_405 = arith.addi %add3A_314, %add3A_404 : i32
        %get3A_406 = arith.index_cast %add3A_405 : i32 to index
        %get3A_407 = arith.constant 64 : index
        %get3A_408 = tpu.vector_load %arg13[%get3A_406, %get3A_407] {strides = array<i32>} : memref<40x128xf32, #tpu.memory_space<vmem>>, vector<1x16xf32>,
        %get3A_409 = vector.shape_cast %get3A_408 : vector<1x16xf32> to vector<16xf32>
        %add3A_410 = arith.constant 0 : i32
        %add3A_411 = arith.addi %add3A_314, %add3A_410 : i32
        %get3A_412 = arith.index_cast %add3A_411 : i32 to index
        %get3A_413 = arith.constant 64 : index
        %get3A_414 = tpu.vector_load %arg16[%get3A_412, %get3A_413] {strides = array<i32>} : memref<40x128xf32, #tpu.memory_space<vmem>>, vector<1x16xf32>,
        %get3A_415 = vector.shape_cast %get3A_414 : vector<1x16xf32> to vector<16xf32>
        %add3A_416 = arith.addf %get3A_409, %get3A_415 : vector<16xf32>
        %max3A_417 = arith.constant 0.000000e+00 : f32
        %max3A_418 = vector.broadcast %max3A_417 : f32 to vector<16xf32>
        %max3A_419 = arith.maximumf %add3A_416, %max3A_418 : vector<16xf32>
        %add3A_420 = arith.constant 0 : i32
        %add3A_421 = arith.addi %add3A_314, %add3A_420 : i32
        %swap3A_422 = arith.index_cast %add3A_421 : i32 to index
        %swap3A_423 = arith.constant 64 : index
        %swap3A_424 = tpu.vector_load %arg13[%swap3A_422, %swap3A_423] {strides = array<i32>} : memref<40x128xf32, #tpu.memory_space<vmem>>, vector<1x16xf32>,
        %swap3A_425 = vector.shape_cast %swap3A_424 : vector<1x16xf32> to vector<16xf32>
        %swap3A_426 = vector.shape_cast %max3A_419 : vector<16xf32> to vector<1x16xf32>
        tpu.vector_store %arg13[%swap3A_422, %swap3A_423], %swap3A_426 {strides = array<i32>} : memref<40x128xf32, #tpu.memory_space<vmem>>, vector<1x16xf32>,
        %add3A_427 = arith.constant 0 : i32
        %add3A_428 = arith.addi %add3A_314, %add3A_427 : i32
        %get3A_429 = arith.index_cast %add3A_428 : i32 to index
        %get3A_430 = arith.constant 80 : index
        %get3A_431 = tpu.vector_load %arg13[%get3A_429, %get3A_430] {strides = array<i32>} : memref<40x128xf32, #tpu.memory_space<vmem>>, vector<1x16xf32>,
        %get3A_432 = vector.shape_cast %get3A_431 : vector<1x16xf32> to vector<16xf32>
        %add3A_433 = arith.constant 0 : i32
        %add3A_434 = arith.addi %add3A_314, %add3A_433 : i32
        %get3A_435 = arith.index_cast %add3A_434 : i32 to index
        %get3A_436 = arith.constant 80 : index
        %get3A_437 = tpu.vector_load %arg16[%get3A_435, %get3A_436] {strides = array<i32>} : memref<40x128xf32, #tpu.memory_space<vmem>>, vector<1x16xf32>,
        %get3A_438 = vector.shape_cast %get3A_437 : vector<1x16xf32> to vector<16xf32>
        %add3A_439 = arith.addf %get3A_432, %get3A_438 : vector<16xf32>
        %max3A_440 = arith.constant 0.000000e+00 : f32
        %max3A_441 = vector.broadcast %max3A_440 : f32 to vector<16xf32>
        %max3A_442 = arith.maximumf %add3A_439, %max3A_441 : vector<16xf32>
        %add3A_443 = arith.constant 0 : i32
        %add3A_444 = arith.addi %add3A_314, %add3A_443 : i32
        %swap3A_445 = arith.index_cast %add3A_444 : i32 to index
        %swap3A_446 = arith.constant 80 : index
        %swap3A_447 = tpu.vector_load %arg13[%swap3A_445, %swap3A_446] {strides = array<i32>} : memref<40x128xf32, #tpu.memory_space<vmem>>, vector<1x16xf32>,
        %swap3A_448 = vector.shape_cast %swap3A_447 : vector<1x16xf32> to vector<16xf32>
        %swap3A_449 = vector.shape_cast %max3A_442 : vector<16xf32> to vector<1x16xf32>
        tpu.vector_store %arg13[%swap3A_445, %swap3A_446], %swap3A_449 {strides = array<i32>} : memref<40x128xf32, #tpu.memory_space<vmem>>, vector<1x16xf32>,
        %add3A_450 = arith.constant 0 : i32
        %add3A_451 = arith.addi %add3A_314, %add3A_450 : i32
        %get3A_452 = arith.index_cast %add3A_451 : i32 to index
        %get3A_453 = arith.constant 96 : index
        %get3A_454 = tpu.vector_load %arg13[%get3A_452, %get3A_453] {strides = array<i32>} : memref<40x128xf32, #tpu.memory_space<vmem>>, vector<1x16xf32>,
        %get3A_455 = vector.shape_cast %get3A_454 : vector<1x16xf32> to vector<16xf32>
        %add3A_456 = arith.constant 0 : i32
        %add3A_457 = arith.addi %add3A_314, %add3A_456 : i32
        %get3A_458 = arith.index_cast %add3A_457 : i32 to index
        %get3A_459 = arith.constant 96 : index
        %get3A_460 = tpu.vector_load %arg16[%get3A_458, %get3A_459] {strides = array<i32>} : memref<40x128xf32, #tpu.memory_space<vmem>>, vector<1x16xf32>,
        %get3A_461 = vector.shape_cast %get3A_460 : vector<1x16xf32> to vector<16xf32>
        %add3A_462 = arith.addf %get3A_455, %get3A_461 : vector<16xf32>
        %max3A_463 = arith.constant 0.000000e+00 : f32
        %max3A_464 = vector.broadcast %max3A_463 : f32 to vector<16xf32>
        %max3A_465 = arith.maximumf %add3A_462, %max3A_464 : vector<16xf32>
        %add3A_466 = arith.constant 0 : i32
        %add3A_467 = arith.addi %add3A_314, %add3A_466 : i32
        %swap3A_468 = arith.index_cast %add3A_467 : i32 to index
        %swap3A_469 = arith.constant 96 : index
        %swap3A_470 = tpu.vector_load %arg13[%swap3A_468, %swap3A_469] {strides = array<i32>} : memref<40x128xf32, #tpu.memory_space<vmem>>, vector<1x16xf32>,
        %swap3A_471 = vector.shape_cast %swap3A_470 : vector<1x16xf32> to vector<16xf32>
        %swap3A_472 = vector.shape_cast %max3A_465 : vector<16xf32> to vector<1x16xf32>
        tpu.vector_store %arg13[%swap3A_468, %swap3A_469], %swap3A_472 {strides = array<i32>} : memref<40x128xf32, #tpu.memory_space<vmem>>, vector<1x16xf32>,
        %add3A_473 = arith.constant 0 : i32
        %add3A_474 = arith.addi %add3A_314, %add3A_473 : i32
        %get3A_475 = arith.index_cast %add3A_474 : i32 to index
        %get3A_476 = arith.constant 112 : index
        %get3A_477 = tpu.vector_load %arg13[%get3A_475, %get3A_476] {strides = array<i32>} : memref<40x128xf32, #tpu.memory_space<vmem>>, vector<1x16xf32>,
        %get3A_478 = vector.shape_cast %get3A_477 : vector<1x16xf32> to vector<16xf32>
        %add3A_479 = arith.constant 0 : i32
        %add3A_480 = arith.addi %add3A_314, %add3A_479 : i32
        %get3A_481 = arith.index_cast %add3A_480 : i32 to index
        %get3A_482 = arith.constant 112 : index
        %get3A_483 = tpu.vector_load %arg16[%get3A_481, %get3A_482] {strides = array<i32>} : memref<40x128xf32, #tpu.memory_space<vmem>>, vector<1x16xf32>,
        %get3A_484 = vector.shape_cast %get3A_483 : vector<1x16xf32> to vector<16xf32>
        %add3A_485 = arith.addf %get3A_478, %get3A_484 : vector<16xf32>
        %max3A_486 = arith.constant 0.000000e+00 : f32
        %max3A_487 = vector.broadcast %max3A_486 : f32 to vector<16xf32>
        %max3A_488 = arith.maximumf %add3A_485, %max3A_487 : vector<16xf32>
        %add3A_489 = arith.constant 0 : i32
        %add3A_490 = arith.addi %add3A_314, %add3A_489 : i32
        %swap3A_491 = arith.index_cast %add3A_490 : i32 to index
        %swap3A_492 = arith.constant 112 : index
        %swap3A_493 = tpu.vector_load %arg13[%swap3A_491, %swap3A_492] {strides = array<i32>} : memref<40x128xf32, #tpu.memory_space<vmem>>, vector<1x16xf32>,
        %swap3A_494 = vector.shape_cast %swap3A_493 : vector<1x16xf32> to vector<16xf32>
        %swap3A_495 = vector.shape_cast %max3A_488 : vector<16xf32> to vector<1x16xf32>
        tpu.vector_store %arg13[%swap3A_491, %swap3A_492], %swap3A_495 {strides = array<i32>} : memref<40x128xf32, #tpu.memory_space<vmem>>, vector<1x16xf32>,
        %add3A_496 = arith.constant 1 : i32
        %add3A_497 = arith.addi %add3A_314, %add3A_496 : i32
        %get3A_498 = arith.index_cast %add3A_497 : i32 to index
        %get3A_499 = arith.constant 0 : index
        %get3A_500 = tpu.vector_load %arg13[%get3A_498, %get3A_499] {strides = array<i32>} : memref<40x128xf32, #tpu.memory_space<vmem>>, vector<1x16xf32>,
        %get3A_501 = vector.shape_cast %get3A_500 : vector<1x16xf32> to vector<16xf32>
        %add3A_502 = arith.constant 1 : i32
        %add3A_503 = arith.addi %add3A_314, %add3A_502 : i32
        %get3A_504 = arith.index_cast %add3A_503 : i32 to index
        %get3A_505 = arith.constant 0 : index
        %get3A_506 = tpu.vector_load %arg16[%get3A_504, %get3A_505] {strides = array<i32>} : memref<40x128xf32, #tpu.memory_space<vmem>>, vector<1x16xf32>,
        %get3A_507 = vector.shape_cast %get3A_506 : vector<1x16xf32> to vector<16xf32>
        %add3A_508 = arith.addf %get3A_501, %get3A_507 : vector<16xf32>
        %max3A_509 = arith.constant 0.000000e+00 : f32
        %max3A_510 = vector.broadcast %max3A_509 : f32 to vector<16xf32>
        %max3A_511 = arith.maximumf %add3A_508, %max3A_510 : vector<16xf32>
        %add3A_512 = arith.constant 1 : i32
        %add3A_513 = arith.addi %add3A_314, %add3A_512 : i32
        %swap3A_514 = arith.index_cast %add3A_513 : i32 to index
        %swap3A_515 = arith.constant 0 : index
        %swap3A_516 = tpu.vector_load %arg13[%swap3A_514, %swap3A_515] {strides = array<i32>} : memref<40x128xf32, #tpu.memory_space<vmem>>, vector<1x16xf32>,
        %swap3A_517 = vector.shape_cast %swap3A_516 : vector<1x16xf32> to vector<16xf32>
        %swap3A_518 = vector.shape_cast %max3A_511 : vector<16xf32> to vector<1x16xf32>
        tpu.vector_store %arg13[%swap3A_514, %swap3A_515], %swap3A_518 {strides = array<i32>} : memref<40x128xf32, #tpu.memory_space<vmem>>, vector<1x16xf32>,
        %add3A_519 = arith.constant 1 : i32
        %add3A_520 = arith.addi %add3A_314, %add3A_519 : i32
        %get3A_521 = arith.index_cast %add3A_520 : i32 to index
        %get3A_522 = arith.constant 16 : index
        %get3A_523 = tpu.vector_load %arg13[%get3A_521, %get3A_522] {strides = array<i32>} : memref<40x128xf32, #tpu.memory_space<vmem>>, vector<1x16xf32>,
        %get3A_524 = vector.shape_cast %get3A_523 : vector<1x16xf32> to vector<16xf32>
        %add3A_525 = arith.constant 1 : i32
        %add3A_526 = arith.addi %add3A_314, %add3A_525 : i32
        %get3A_527 = arith.index_cast %add3A_526 : i32 to index
        %get3A_528 = arith.constant 16 : index
        %get3A_529 = tpu.vector_load %arg16[%get3A_527, %get3A_528] {strides = array<i32>} : memref<40x128xf32, #tpu.memory_space<vmem>>, vector<1x16xf32>,
        %get3A_530 = vector.shape_cast %get3A_529 : vector<1x16xf32> to vector<16xf32>
        %add3A_531 = arith.addf %get3A_524, %get3A_530 : vector<16xf32>
        %max3A_532 = arith.constant 0.000000e+00 : f32
        %max3A_533 = vector.broadcast %max3A_532 : f32 to vector<16xf32>
        %max3A_534 = arith.maximumf %add3A_531, %max3A_533 : vector<16xf32>
        %add3A_535 = arith.constant 1 : i32
        %add3A_536 = arith.addi %add3A_314, %add3A_535 : i32
        %swap3A_537 = arith.index_cast %add3A_536 : i32 to index
        %swap3A_538 = arith.constant 16 : index
        %swap3A_539 = tpu.vector_load %arg13[%swap3A_537, %swap3A_538] {strides = array<i32>} : memref<40x128xf32, #tpu.memory_space<vmem>>, vector<1x16xf32>,
        %swap3A_540 = vector.shape_cast %swap3A_539 : vector<1x16xf32> to vector<16xf32>
        %swap3A_541 = vector.shape_cast %max3A_534 : vector<16xf32> to vector<1x16xf32>
        tpu.vector_store %arg13[%swap3A_537, %swap3A_538], %swap3A_541 {strides = array<i32>} : memref<40x128xf32, #tpu.memory_space<vmem>>, vector<1x16xf32>,
        %add3A_542 = arith.constant 1 : i32
        %add3A_543 = arith.addi %add3A_314, %add3A_542 : i32
        %get3A_544 = arith.index_cast %add3A_543 : i32 to index
        %get3A_545 = arith.constant 32 : index
        %get3A_546 = tpu.vector_load %arg13[%get3A_544, %get3A_545] {strides = array<i32>} : memref<40x128xf32, #tpu.memory_space<vmem>>, vector<1x16xf32>,
        %get3A_547 = vector.shape_cast %get3A_546 : vector<1x16xf32> to vector<16xf32>
        %add3A_548 = arith.constant 1 : i32
        %add3A_549 = arith.addi %add3A_314, %add3A_548 : i32
        %get3A_550 = arith.index_cast %add3A_549 : i32 to index
        %get3A_551 = arith.constant 32 : index
        %get3A_552 = tpu.vector_load %arg16[%get3A_550, %get3A_551] {strides = array<i32>} : memref<40x128xf32, #tpu.memory_space<vmem>>, vector<1x16xf32>,
        %get3A_553 = vector.shape_cast %get3A_552 : vector<1x16xf32> to vector<16xf32>
        %add3A_554 = arith.addf %get3A_547, %get3A_553 : vector<16xf32>
        %max3A_555 = arith.constant 0.000000e+00 : f32
        %max3A_556 = vector.broadcast %max3A_555 : f32 to vector<16xf32>
        %max3A_557 = arith.maximumf %add3A_554, %max3A_556 : vector<16xf32>
        %add3A_558 = arith.constant 1 : i32
        %add3A_559 = arith.addi %add3A_314, %add3A_558 : i32
        %swap3A_560 = arith.index_cast %add3A_559 : i32 to index
        %swap3A_561 = arith.constant 32 : index
        %swap3A_562 = tpu.vector_load %arg13[%swap3A_560, %swap3A_561] {strides = array<i32>} : memref<40x128xf32, #tpu.memory_space<vmem>>, vector<1x16xf32>,
        %swap3A_563 = vector.shape_cast %swap3A_562 : vector<1x16xf32> to vector<16xf32>
        %swap3A_564 = vector.shape_cast %max3A_557 : vector<16xf32> to vector<1x16xf32>
        tpu.vector_store %arg13[%swap3A_560, %swap3A_561], %swap3A_564 {strides = array<i32>} : memref<40x128xf32, #tpu.memory_space<vmem>>, vector<1x16xf32>,
        %add3A_565 = arith.constant 1 : i32
        %add3A_566 = arith.addi %add3A_314, %add3A_565 : i32
        %get3A_567 = arith.index_cast %add3A_566 : i32 to index
        %get3A_568 = arith.constant 48 : index
        %get3A_569 = tpu.vector_load %arg13[%get3A_567, %get3A_568] {strides = array<i32>} : memref<40x128xf32, #tpu.memory_space<vmem>>, vector<1x16xf32>,
        %get3A_570 = vector.shape_cast %get3A_569 : vector<1x16xf32> to vector<16xf32>
        %add3A_571 = arith.constant 1 : i32
        %add3A_572 = arith.addi %add3A_314, %add3A_571 : i32
        %get3A_573 = arith.index_cast %add3A_572 : i32 to index
        %get3A_574 = arith.constant 48 : index
        %get3A_575 = tpu.vector_load %arg16[%get3A_573, %get3A_574] {strides = array<i32>} : memref<40x128xf32, #tpu.memory_space<vmem>>, vector<1x16xf32>,
        %get3A_576 = vector.shape_cast %get3A_575 : vector<1x16xf32> to vector<16xf32>
        %add3A_577 = arith.addf %get3A_570, %get3A_576 : vector<16xf32>
        %max3A_578 = arith.constant 0.000000e+00 : f32
        %max3A_579 = vector.broadcast %max3A_578 : f32 to vector<16xf32>
        %max3A_580 = arith.maximumf %add3A_577, %max3A_579 : vector<16xf32>
        %add3A_581 = arith.constant 1 : i32
        %add3A_582 = arith.addi %add3A_314, %add3A_581 : i32
        %swap3A_583 = arith.index_cast %add3A_582 : i32 to index
        %swap3A_584 = arith.constant 48 : index
        %swap3A_585 = tpu.vector_load %arg13[%swap3A_583, %swap3A_584] {strides = array<i32>} : memref<40x128xf32, #tpu.memory_space<vmem>>, vector<1x16xf32>,
        %swap3A_586 = vector.shape_cast %swap3A_585 : vector<1x16xf32> to vector<16xf32>
        %swap3A_587 = vector.shape_cast %max3A_580 : vector<16xf32> to vector<1x16xf32>
        tpu.vector_store %arg13[%swap3A_583, %swap3A_584], %swap3A_587 {strides = array<i32>} : memref<40x128xf32, #tpu.memory_space<vmem>>, vector<1x16xf32>,
        %add3A_588 = arith.constant 1 : i32
        %add3A_589 = arith.addi %add3A_314, %add3A_588 : i32
        %get3A_590 = arith.index_cast %add3A_589 : i32 to index
        %get3A_591 = arith.constant 64 : index
        %get3A_592 = tpu.vector_load %arg13[%get3A_590, %get3A_591] {strides = array<i32>} : memref<40x128xf32, #tpu.memory_space<vmem>>, vector<1x16xf32>,
        %get3A_593 = vector.shape_cast %get3A_592 : vector<1x16xf32> to vector<16xf32>
        %add3A_594 = arith.constant 1 : i32
        %add3A_595 = arith.addi %add3A_314, %add3A_594 : i32
        %get3A_596 = arith.index_cast %add3A_595 : i32 to index
        %get3A_597 = arith.constant 64 : index
        %get3A_598 = tpu.vector_load %arg16[%get3A_596, %get3A_597] {strides = array<i32>} : memref<40x128xf32, #tpu.memory_space<vmem>>, vector<1x16xf32>,
        %get3A_599 = vector.shape_cast %get3A_598 : vector<1x16xf32> to vector<16xf32>
        %add3A_600 = arith.addf %get3A_593, %get3A_599 : vector<16xf32>
        %max3A_601 = arith.constant 0.000000e+00 : f32
        %max3A_602 = vector.broadcast %max3A_601 : f32 to vector<16xf32>
        %max3A_603 = arith.maximumf %add3A_600, %max3A_602 : vector<16xf32>
        %add3A_604 = arith.constant 1 : i32
        %add3A_605 = arith.addi %add3A_314, %add3A_604 : i32
        %swap3A_606 = arith.index_cast %add3A_605 : i32 to index
        %swap3A_607 = arith.constant 64 : index
        %swap3A_608 = tpu.vector_load %arg13[%swap3A_606, %swap3A_607] {strides = array<i32>} : memref<40x128xf32, #tpu.memory_space<vmem>>, vector<1x16xf32>,
        %swap3A_609 = vector.shape_cast %swap3A_608 : vector<1x16xf32> to vector<16xf32>
        %swap3A_610 = vector.shape_cast %max3A_603 : vector<16xf32> to vector<1x16xf32>
        tpu.vector_store %arg13[%swap3A_606, %swap3A_607], %swap3A_610 {strides = array<i32>} : memref<40x128xf32, #tpu.memory_space<vmem>>, vector<1x16xf32>,
        %add3A_611 = arith.constant 1 : i32
        %add3A_612 = arith.addi %add3A_314, %add3A_611 : i32
        %get3A_613 = arith.index_cast %add3A_612 : i32 to index
        %get3A_614 = arith.constant 80 : index
        %get3A_615 = tpu.vector_load %arg13[%get3A_613, %get3A_614] {strides = array<i32>} : memref<40x128xf32, #tpu.memory_space<vmem>>, vector<1x16xf32>,
        %get3A_616 = vector.shape_cast %get3A_615 : vector<1x16xf32> to vector<16xf32>
        %add3A_617 = arith.constant 1 : i32
        %add3A_618 = arith.addi %add3A_314, %add3A_617 : i32
        %get3A_619 = arith.index_cast %add3A_618 : i32 to index
        %get3A_620 = arith.constant 80 : index
        %get3A_621 = tpu.vector_load %arg16[%get3A_619, %get3A_620] {strides = array<i32>} : memref<40x128xf32, #tpu.memory_space<vmem>>, vector<1x16xf32>,
        %get3A_622 = vector.shape_cast %get3A_621 : vector<1x16xf32> to vector<16xf32>
        %add3A_623 = arith.addf %get3A_616, %get3A_622 : vector<16xf32>
        %max3A_624 = arith.constant 0.000000e+00 : f32
        %max3A_625 = vector.broadcast %max3A_624 : f32 to vector<16xf32>
        %max3A_626 = arith.maximumf %add3A_623, %max3A_625 : vector<16xf32>
        %add3A_627 = arith.constant 1 : i32
        %add3A_628 = arith.addi %add3A_314, %add3A_627 : i32
        %swap3A_629 = arith.index_cast %add3A_628 : i32 to index
        %swap3A_630 = arith.constant 80 : index
        %swap3A_631 = tpu.vector_load %arg13[%swap3A_629, %swap3A_630] {strides = array<i32>} : memref<40x128xf32, #tpu.memory_space<vmem>>, vector<1x16xf32>,
        %swap3A_632 = vector.shape_cast %swap3A_631 : vector<1x16xf32> to vector<16xf32>
        %swap3A_633 = vector.shape_cast %max3A_626 : vector<16xf32> to vector<1x16xf32>
        tpu.vector_store %arg13[%swap3A_629, %swap3A_630], %swap3A_633 {strides = array<i32>} : memref<40x128xf32, #tpu.memory_space<vmem>>, vector<1x16xf32>,
        %add3A_634 = arith.constant 1 : i32
        %add3A_635 = arith.addi %add3A_314, %add3A_634 : i32
        %get3A_636 = arith.index_cast %add3A_635 : i32 to index
        %get3A_637 = arith.constant 96 : index
        %get3A_638 = tpu.vector_load %arg13[%get3A_636, %get3A_637] {strides = array<i32>} : memref<40x128xf32, #tpu.memory_space<vmem>>, vector<1x16xf32>,
        %get3A_639 = vector.shape_cast %get3A_638 : vector<1x16xf32> to vector<16xf32>
        %add3A_640 = arith.constant 1 : i32
        %add3A_641 = arith.addi %add3A_314, %add3A_640 : i32
        %get3A_642 = arith.index_cast %add3A_641 : i32 to index
        %get3A_643 = arith.constant 96 : index
        %get3A_644 = tpu.vector_load %arg16[%get3A_642, %get3A_643] {strides = array<i32>} : memref<40x128xf32, #tpu.memory_space<vmem>>, vector<1x16xf32>,
        %get3A_645 = vector.shape_cast %get3A_644 : vector<1x16xf32> to vector<16xf32>
        %add3A_646 = arith.addf %get3A_639, %get3A_645 : vector<16xf32>
        %max3A_647 = arith.constant 0.000000e+00 : f32
        %max3A_648 = vector.broadcast %max3A_647 : f32 to vector<16xf32>
        %max3A_649 = arith.maximumf %add3A_646, %max3A_648 : vector<16xf32>
        %add3A_650 = arith.constant 1 : i32
        %add3A_651 = arith.addi %add3A_314, %add3A_650 : i32
        %swap3A_652 = arith.index_cast %add3A_651 : i32 to index
        %swap3A_653 = arith.constant 96 : index
        %swap3A_654 = tpu.vector_load %arg13[%swap3A_652, %swap3A_653] {strides = array<i32>} : memref<40x128xf32, #tpu.memory_space<vmem>>, vector<1x16xf32>,
        %swap3A_655 = vector.shape_cast %swap3A_654 : vector<1x16xf32> to vector<16xf32>
        %swap3A_656 = vector.shape_cast %max3A_649 : vector<16xf32> to vector<1x16xf32>
        tpu.vector_store %arg13[%swap3A_652, %swap3A_653], %swap3A_656 {strides = array<i32>} : memref<40x128xf32, #tpu.memory_space<vmem>>, vector<1x16xf32>,
        %add3A_657 = arith.constant 1 : i32
        %add3A_658 = arith.addi %add3A_314, %add3A_657 : i32
        %get3A_659 = arith.index_cast %add3A_658 : i32 to index
        %get3A_660 = arith.constant 112 : index
        %get3A_661 = tpu.vector_load %arg13[%get3A_659, %get3A_660] {strides = array<i32>} : memref<40x128xf32, #tpu.memory_space<vmem>>, vector<1x16xf32>,
        %get3A_662 = vector.shape_cast %get3A_661 : vector<1x16xf32> to vector<16xf32>
        %add3A_663 = arith.constant 1 : i32
        %add3A_664 = arith.addi %add3A_314, %add3A_663 : i32
        %get3A_665 = arith.index_cast %add3A_664 : i32 to index
        %get3A_666 = arith.constant 112 : index
        %get3A_667 = tpu.vector_load %arg16[%get3A_665, %get3A_666] {strides = array<i32>} : memref<40x128xf32, #tpu.memory_space<vmem>>, vector<1x16xf32>,
        %get3A_668 = vector.shape_cast %get3A_667 : vector<1x16xf32> to vector<16xf32>
        %add3A_669 = arith.addf %get3A_662, %get3A_668 : vector<16xf32>
        %max3A_670 = arith.constant 0.000000e+00 : f32
        %max3A_671 = vector.broadcast %max3A_670 : f32 to vector<16xf32>
        %max3A_672 = arith.maximumf %add3A_669, %max3A_671 : vector<16xf32>
        %add3A_673 = arith.constant 1 : i32
        %add3A_674 = arith.addi %add3A_314, %add3A_673 : i32
        %swap3A_675 = arith.index_cast %add3A_674 : i32 to index
        %swap3A_676 = arith.constant 112 : index
        %swap3A_677 = tpu.vector_load %arg13[%swap3A_675, %swap3A_676] {strides = array<i32>} : memref<40x128xf32, #tpu.memory_space<vmem>>, vector<1x16xf32>,
        %swap3A_678 = vector.shape_cast %swap3A_677 : vector<1x16xf32> to vector<16xf32>
        %swap3A_679 = vector.shape_cast %max3A_672 : vector<16xf32> to vector<1x16xf32>
        tpu.vector_store %arg13[%swap3A_675, %swap3A_676], %swap3A_679 {strides = array<i32>} : memref<40x128xf32, #tpu.memory_space<vmem>>, vector<1x16xf32>,
      }
      %scan3A_256 = arith.constant 20 : i32
      %dma_wait3A_257 = arith.constant 0 : i32
      %dma_wait3A_258 = tpu.memref_slice %arg4[%dma_wait3A_257] : memref<320000xi32, #tpu.memory_space<hbm>> -> memref<40xi32, #tpu.memory_space<hbm>>
      %dma_wait3A_259 = arith.constant 0 : i32
      %dma_wait3A_260 = tpu.memref_slice %arg4[%dma_wait3A_259] : memref<320000xi32, #tpu.memory_space<hbm>> -> memref<40xi32, #tpu.memory_space<hbm>>
      tpu.wait_dma2 semaphore(%arg23 : memref<!tpu.dma_semaphore, #tpu.memory_space<semaphore_mem>>) src(%dma_wait3A_260 : memref<40xi32, #tpu.memory_space<hbm>>) dst(%arg10 : memref<40xi32, #tpu.memory_space<vmem>>)
      %mul3A_261 = arith.constant 40 : i32
      %mul3A_262 = arith.muli %add3A_235, %mul3A_261 : i32
      %add3A_263 = arith.addi %mul3A_2, %mul3A_262 : i32
      %dma_start3A_264 = tpu.memref_slice %arg3[%add3A_263] : memref<320000xi32, #tpu.memory_space<hbm>> -> memref<40xi32, #tpu.memory_space<hbm>>
      %dma_start3A_265 = tpu.memref_slice %arg3[%add3A_263] : memref<320000xi32, #tpu.memory_space<hbm>> -> memref<40xi32, #tpu.memory_space<hbm>>
      tpu.enqueue_dma source(%dma_start3A_265 : memref<40xi32, #tpu.memory_space<hbm>>) target(%arg9 : memref<40xi32, #tpu.memory_space<vmem>>) target_semaphore(%arg22 : memref<!tpu.dma_semaphore, #tpu.memory_space<semaphore_mem>>)
      %dma_start3A_266 = tpu.memref_slice %arg4[%add3A_263] : memref<320000xi32, #tpu.memory_space<hbm>> -> memref<40xi32, #tpu.memory_space<hbm>>
      %dma_start3A_267 = tpu.memref_slice %arg4[%add3A_263] : memref<320000xi32, #tpu.memory_space<hbm>> -> memref<40xi32, #tpu.memory_space<hbm>>
      tpu.enqueue_dma source(%dma_start3A_267 : memref<40xi32, #tpu.memory_space<hbm>>) target(%arg12 : memref<40xi32, #tpu.memory_space<vmem>>) target_semaphore(%arg25 : memref<!tpu.dma_semaphore, #tpu.memory_space<semaphore_mem>>)
      %dma_start3A_268 = arith.constant 0 : i32
      %dma_start3A_269 = tpu.memref_slice %arg5[%add3A_263, %dma_start3A_268] : memref<320000x128xf32, #tpu.memory_space<hbm>> -> memref<40x128xf32, #tpu.memory_space<hbm>>
      %dma_start3A_270 = arith.constant 0 : i32
      %dma_start3A_271 = tpu.memref_slice %arg5[%add3A_263, %dma_start3A_270] : memref<320000x128xf32, #tpu.memory_space<hbm>> -> memref<40x128xf32, #tpu.memory_space<hbm>>
      tpu.enqueue_dma source(%dma_start3A_271 : memref<40x128xf32, #tpu.memory_space<hbm>>) target(%arg18 : memref<40x128xf32, #tpu.memory_space<vmem>>) target_semaphore(%arg31 : memref<!tpu.dma_semaphore, #tpu.memory_space<semaphore_mem>>)
      %add3A_272 = arith.constant 4 : i32
      %add3A_273 = arith.addi %add3A_195, %add3A_272 : i32
      %dma_wait3A_274 = arith.constant 0 : i32
      %dma_wait3A_275 = tpu.memref_slice %arg3[%dma_wait3A_274] : memref<320000xi32, #tpu.memory_space<hbm>> -> memref<40xi32, #tpu.memory_space<hbm>>
      %dma_wait3A_276 = arith.constant 0 : i32
      %dma_wait3A_277 = tpu.memref_slice %arg3[%dma_wait3A_276] : memref<320000xi32, #tpu.memory_space<hbm>> -> memref<40xi32, #tpu.memory_space<hbm>>
      tpu.wait_dma2 semaphore(%arg22 : memref<!tpu.dma_semaphore, #tpu.memory_space<semaphore_mem>>) src(%dma_wait3A_277 : memref<40xi32, #tpu.memory_space<hbm>>) dst(%arg9 : memref<40xi32, #tpu.memory_space<vmem>>)
      %dma_start3A_278 = arith.constant 0 : i32
      %dma_start3A_279 = arith.constant 0 : i32
      %dma_start3A_280 = tpu.memref_slice %arg2[%dma_start3A_278, %dma_start3A_279] : memref<10000x128xf32, #tpu.memory_space<hbm>> -> memref<10000x128xf32, #tpu.memory_space<hbm>>
      tpu.enqueue_indirect_dma source(%dma_start3A_280 : memref<10000x128xf32, #tpu.memory_space<hbm>>) target(%arg15 : memref<40x128xf32, #tpu.memory_space<vmem>>) offsets(%arg9 : memref<40xi32, #tpu.memory_space<vmem>>) semaphore(%arg28 : memref<!tpu.dma_semaphore, #tpu.memory_space<semaphore_mem>>)
      %dma_wait3A_281 = arith.constant 0 : i32
      %dma_wait3A_282 = arith.constant 0 : i32
      %dma_wait3A_283 = tpu.memref_slice %arg5[%dma_wait3A_281, %dma_wait3A_282] : memref<320000x128xf32, #tpu.memory_space<hbm>> -> memref<40x128xf32, #tpu.memory_space<hbm>>
      %dma_wait3A_284 = arith.constant 0 : i32
      %dma_wait3A_285 = arith.constant 0 : i32
      %dma_wait3A_286 = tpu.memref_slice %arg5[%dma_wait3A_284, %dma_wait3A_285] : memref<320000x128xf32, #tpu.memory_space<hbm>> -> memref<40x128xf32, #tpu.memory_space<hbm>>
      tpu.wait_dma2 semaphore(%arg30 : memref<!tpu.dma_semaphore, #tpu.memory_space<semaphore_mem>>) src(%dma_wait3A_286 : memref<40x128xf32, #tpu.memory_space<hbm>>) dst(%arg17 : memref<40x128xf32, #tpu.memory_space<vmem>>)
      %dma_wait3A_287 = arith.constant 0 : i32
      %dma_wait3A_288 = arith.constant 0 : i32
      %dma_wait3A_289 = tpu.memref_slice %arg2[%dma_wait3A_287, %dma_wait3A_288] : memref<10000x128xf32, #tpu.memory_space<hbm>> -> memref<10000x128xf32, #tpu.memory_space<hbm>>
      tpu.wait_indirect_dma semaphore(%arg27 : memref<!tpu.dma_semaphore, #tpu.memory_space<semaphore_mem>>) src(%dma_wait3A_289 : memref<10000x128xf32, #tpu.memory_space<hbm>>) dst(%arg14 : memref<40x128xf32, #tpu.memory_space<vmem>>)
      %scan3A_290 = arith.constant 0 : i32
      %scan3A_291 = arith.constant 20 : i32
      %scan3A_292 = arith.addi %scan3A_290, %scan3A_291 : i32
      %scan3A_293 = arith.constant 1 : i32
      scf.for %scan3A_310 = %scan3A_290 to %scan3A_292 step %scan3A_293  : i32 {
        %mul3A_311 = arith.constant 2 : i32
        %mul3A_312 = arith.muli %scan3A_310, %mul3A_311 : i32
        %add3A_313 = arith.constant 0 : i32
        %add3A_314 = arith.addi %add3A_313, %mul3A_312 : i32
        %add3A_315 = arith.constant 0 : i32
        %add3A_316 = arith.addi %add3A_314, %add3A_315 : i32
        %get3A = arith.index_cast %add3A_316 : i32 to index
        %get3A_317 = arith.constant 0 : index
        %get3A_318 = tpu.vector_load %arg14[%get3A, %get3A_317] {strides = array<i32>} : memref<40x128xf32, #tpu.memory_space<vmem>>, vector<1x16xf32>,
        %get3A_319 = vector.shape_cast %get3A_318 : vector<1x16xf32> to vector<16xf32>
        %add3A_320 = arith.constant 0 : i32
        %add3A_321 = arith.addi %add3A_314, %add3A_320 : i32
        %get3A_322 = arith.index_cast %add3A_321 : i32 to index
        %get3A_323 = arith.constant 0 : index
        %get3A_324 = tpu.vector_load %arg17[%get3A_322, %get3A_323] {strides = array<i32>} : memref<40x128xf32, #tpu.memory_space<vmem>>, vector<1x16xf32>,
        %get3A_325 = vector.shape_cast %get3A_324 : vector<1x16xf32> to vector<16xf32>
        %add3A_326 = arith.addf %get3A_319, %get3A_325 : vector<16xf32>
        %max3A = arith.constant 0.000000e+00 : f32
        %max3A_327 = vector.broadcast %max3A : f32 to vector<16xf32>
        %max3A_328 = arith.maximumf %add3A_326, %max3A_327 : vector<16xf32>
        %add3A_329 = arith.constant 0 : i32
        %add3A_330 = arith.addi %add3A_314, %add3A_329 : i32
        %swap3A = arith.index_cast %add3A_330 : i32 to index
        %swap3A_331 = arith.constant 0 : index
        %swap3A_332 = tpu.vector_load %arg14[%swap3A, %swap3A_331] {strides = array<i32>} : memref<40x128xf32, #tpu.memory_space<vmem>>, vector<1x16xf32>,
        %swap3A_333 = vector.shape_cast %swap3A_332 : vector<1x16xf32> to vector<16xf32>
        %swap3A_334 = vector.shape_cast %max3A_328 : vector<16xf32> to vector<1x16xf32>
        tpu.vector_store %arg14[%swap3A, %swap3A_331], %swap3A_334 {strides = array<i32>} : memref<40x128xf32, #tpu.memory_space<vmem>>, vector<1x16xf32>,
        %add3A_335 = arith.constant 0 : i32
        %add3A_336 = arith.addi %add3A_314, %add3A_335 : i32
        %get3A_337 = arith.index_cast %add3A_336 : i32 to index
        %get3A_338 = arith.constant 16 : index
        %get3A_339 = tpu.vector_load %arg14[%get3A_337, %get3A_338] {strides = array<i32>} : memref<40x128xf32, #tpu.memory_space<vmem>>, vector<1x16xf32>,
        %get3A_340 = vector.shape_cast %get3A_339 : vector<1x16xf32> to vector<16xf32>
        %add3A_341 = arith.constant 0 : i32
        %add3A_342 = arith.addi %add3A_314, %add3A_341 : i32
        %get3A_343 = arith.index_cast %add3A_342 : i32 to index
        %get3A_344 = arith.constant 16 : index
        %get3A_345 = tpu.vector_load %arg17[%get3A_343, %get3A_344] {strides = array<i32>} : memref<40x128xf32, #tpu.memory_space<vmem>>, vector<1x16xf32>,
        %get3A_346 = vector.shape_cast %get3A_345 : vector<1x16xf32> to vector<16xf32>
        %add3A_347 = arith.addf %get3A_340, %get3A_346 : vector<16xf32>
        %max3A_348 = arith.constant 0.000000e+00 : f32
        %max3A_349 = vector.broadcast %max3A_348 : f32 to vector<16xf32>
        %max3A_350 = arith.maximumf %add3A_347, %max3A_349 : vector<16xf32>
        %add3A_351 = arith.constant 0 : i32
        %add3A_352 = arith.addi %add3A_314, %add3A_351 : i32
        %swap3A_353 = arith.index_cast %add3A_352 : i32 to index
        %swap3A_354 = arith.constant 16 : index
        %swap3A_355 = tpu.vector_load %arg14[%swap3A_353, %swap3A_354] {strides = array<i32>} : memref<40x128xf32, #tpu.memory_space<vmem>>, vector<1x16xf32>,
        %swap3A_356 = vector.shape_cast %swap3A_355 : vector<1x16xf32> to vector<16xf32>
        %swap3A_357 = vector.shape_cast %max3A_350 : vector<16xf32> to vector<1x16xf32>
        tpu.vector_store %arg14[%swap3A_353, %swap3A_354], %swap3A_357 {strides = array<i32>} : memref<40x128xf32, #tpu.memory_space<vmem>>, vector<1x16xf32>,
        %add3A_358 = arith.constant 0 : i32
        %add3A_359 = arith.addi %add3A_314, %add3A_358 : i32
        %get3A_360 = arith.index_cast %add3A_359 : i32 to index
        %get3A_361 = arith.constant 32 : index
        %get3A_362 = tpu.vector_load %arg14[%get3A_360, %get3A_361] {strides = array<i32>} : memref<40x128xf32, #tpu.memory_space<vmem>>, vector<1x16xf32>,
        %get3A_363 = vector.shape_cast %get3A_362 : vector<1x16xf32> to vector<16xf32>
        %add3A_364 = arith.constant 0 : i32
        %add3A_365 = arith.addi %add3A_314, %add3A_364 : i32
        %get3A_366 = arith.index_cast %add3A_365 : i32 to index
        %get3A_367 = arith.constant 32 : index
        %get3A_368 = tpu.vector_load %arg17[%get3A_366, %get3A_367] {strides = array<i32>} : memref<40x128xf32, #tpu.memory_space<vmem>>, vector<1x16xf32>,
        %get3A_369 = vector.shape_cast %get3A_368 : vector<1x16xf32> to vector<16xf32>
        %add3A_370 = arith.addf %get3A_363, %get3A_369 : vector<16xf32>
        %max3A_371 = arith.constant 0.000000e+00 : f32
        %max3A_372 = vector.broadcast %max3A_371 : f32 to vector<16xf32>
        %max3A_373 = arith.maximumf %add3A_370, %max3A_372 : vector<16xf32>
        %add3A_374 = arith.constant 0 : i32
        %add3A_375 = arith.addi %add3A_314, %add3A_374 : i32
        %swap3A_376 = arith.index_cast %add3A_375 : i32 to index
        %swap3A_377 = arith.constant 32 : index
        %swap3A_378 = tpu.vector_load %arg14[%swap3A_376, %swap3A_377] {strides = array<i32>} : memref<40x128xf32, #tpu.memory_space<vmem>>, vector<1x16xf32>,
        %swap3A_379 = vector.shape_cast %swap3A_378 : vector<1x16xf32> to vector<16xf32>
        %swap3A_380 = vector.shape_cast %max3A_373 : vector<16xf32> to vector<1x16xf32>
        tpu.vector_store %arg14[%swap3A_376, %swap3A_377], %swap3A_380 {strides = array<i32>} : memref<40x128xf32, #tpu.memory_space<vmem>>, vector<1x16xf32>,
        %add3A_381 = arith.constant 0 : i32
        %add3A_382 = arith.addi %add3A_314, %add3A_381 : i32
        %get3A_383 = arith.index_cast %add3A_382 : i32 to index
        %get3A_384 = arith.constant 48 : index
        %get3A_385 = tpu.vector_load %arg14[%get3A_383, %get3A_384] {strides = array<i32>} : memref<40x128xf32, #tpu.memory_space<vmem>>, vector<1x16xf32>,
        %get3A_386 = vector.shape_cast %get3A_385 : vector<1x16xf32> to vector<16xf32>
        %add3A_387 = arith.constant 0 : i32
        %add3A_388 = arith.addi %add3A_314, %add3A_387 : i32
        %get3A_389 = arith.index_cast %add3A_388 : i32 to index
        %get3A_390 = arith.constant 48 : index
        %get3A_391 = tpu.vector_load %arg17[%get3A_389, %get3A_390] {strides = array<i32>} : memref<40x128xf32, #tpu.memory_space<vmem>>, vector<1x16xf32>,
        %get3A_392 = vector.shape_cast %get3A_391 : vector<1x16xf32> to vector<16xf32>
        %add3A_393 = arith.addf %get3A_386, %get3A_392 : vector<16xf32>
        %max3A_394 = arith.constant 0.000000e+00 : f32
        %max3A_395 = vector.broadcast %max3A_394 : f32 to vector<16xf32>
        %max3A_396 = arith.maximumf %add3A_393, %max3A_395 : vector<16xf32>
        %add3A_397 = arith.constant 0 : i32
        %add3A_398 = arith.addi %add3A_314, %add3A_397 : i32
        %swap3A_399 = arith.index_cast %add3A_398 : i32 to index
        %swap3A_400 = arith.constant 48 : index
        %swap3A_401 = tpu.vector_load %arg14[%swap3A_399, %swap3A_400] {strides = array<i32>} : memref<40x128xf32, #tpu.memory_space<vmem>>, vector<1x16xf32>,
        %swap3A_402 = vector.shape_cast %swap3A_401 : vector<1x16xf32> to vector<16xf32>
        %swap3A_403 = vector.shape_cast %max3A_396 : vector<16xf32> to vector<1x16xf32>
        tpu.vector_store %arg14[%swap3A_399, %swap3A_400], %swap3A_403 {strides = array<i32>} : memref<40x128xf32, #tpu.memory_space<vmem>>, vector<1x16xf32>,
        %add3A_404 = arith.constant 0 : i32
        %add3A_405 = arith.addi %add3A_314, %add3A_404 : i32
        %get3A_406 = arith.index_cast %add3A_405 : i32 to index
        %get3A_407 = arith.constant 64 : index
        %get3A_408 = tpu.vector_load %arg14[%get3A_406, %get3A_407] {strides = array<i32>} : memref<40x128xf32, #tpu.memory_space<vmem>>, vector<1x16xf32>,
        %get3A_409 = vector.shape_cast %get3A_408 : vector<1x16xf32> to vector<16xf32>
        %add3A_410 = arith.constant 0 : i32
        %add3A_411 = arith.addi %add3A_314, %add3A_410 : i32
        %get3A_412 = arith.index_cast %add3A_411 : i32 to index
        %get3A_413 = arith.constant 64 : index
        %get3A_414 = tpu.vector_load %arg17[%get3A_412, %get3A_413] {strides = array<i32>} : memref<40x128xf32, #tpu.memory_space<vmem>>, vector<1x16xf32>,
        %get3A_415 = vector.shape_cast %get3A_414 : vector<1x16xf32> to vector<16xf32>
        %add3A_416 = arith.addf %get3A_409, %get3A_415 : vector<16xf32>
        %max3A_417 = arith.constant 0.000000e+00 : f32
        %max3A_418 = vector.broadcast %max3A_417 : f32 to vector<16xf32>
        %max3A_419 = arith.maximumf %add3A_416, %max3A_418 : vector<16xf32>
        %add3A_420 = arith.constant 0 : i32
        %add3A_421 = arith.addi %add3A_314, %add3A_420 : i32
        %swap3A_422 = arith.index_cast %add3A_421 : i32 to index
        %swap3A_423 = arith.constant 64 : index
        %swap3A_424 = tpu.vector_load %arg14[%swap3A_422, %swap3A_423] {strides = array<i32>} : memref<40x128xf32, #tpu.memory_space<vmem>>, vector<1x16xf32>,
        %swap3A_425 = vector.shape_cast %swap3A_424 : vector<1x16xf32> to vector<16xf32>
        %swap3A_426 = vector.shape_cast %max3A_419 : vector<16xf32> to vector<1x16xf32>
        tpu.vector_store %arg14[%swap3A_422, %swap3A_423], %swap3A_426 {strides = array<i32>} : memref<40x128xf32, #tpu.memory_space<vmem>>, vector<1x16xf32>,
        %add3A_427 = arith.constant 0 : i32
        %add3A_428 = arith.addi %add3A_314, %add3A_427 : i32
        %get3A_429 = arith.index_cast %add3A_428 : i32 to index
        %get3A_430 = arith.constant 80 : index
        %get3A_431 = tpu.vector_load %arg14[%get3A_429, %get3A_430] {strides = array<i32>} : memref<40x128xf32, #tpu.memory_space<vmem>>, vector<1x16xf32>,
        %get3A_432 = vector.shape_cast %get3A_431 : vector<1x16xf32> to vector<16xf32>
        %add3A_433 = arith.constant 0 : i32
        %add3A_434 = arith.addi %add3A_314, %add3A_433 : i32
        %get3A_435 = arith.index_cast %add3A_434 : i32 to index
        %get3A_436 = arith.constant 80 : index
        %get3A_437 = tpu.vector_load %arg17[%get3A_435, %get3A_436] {strides = array<i32>} : memref<40x128xf32, #tpu.memory_space<vmem>>, vector<1x16xf32>,
        %get3A_438 = vector.shape_cast %get3A_437 : vector<1x16xf32> to vector<16xf32>
        %add3A_439 = arith.addf %get3A_432, %get3A_438 : vector<16xf32>
        %max3A_440 = arith.constant 0.000000e+00 : f32
        %max3A_441 = vector.broadcast %max3A_440 : f32 to vector<16xf32>
        %max3A_442 = arith.maximumf %add3A_439, %max3A_441 : vector<16xf32>
        %add3A_443 = arith.constant 0 : i32
        %add3A_444 = arith.addi %add3A_314, %add3A_443 : i32
        %swap3A_445 = arith.index_cast %add3A_444 : i32 to index
        %swap3A_446 = arith.constant 80 : index
        %swap3A_447 = tpu.vector_load %arg14[%swap3A_445, %swap3A_446] {strides = array<i32>} : memref<40x128xf32, #tpu.memory_space<vmem>>, vector<1x16xf32>,
        %swap3A_448 = vector.shape_cast %swap3A_447 : vector<1x16xf32> to vector<16xf32>
        %swap3A_449 = vector.shape_cast %max3A_442 : vector<16xf32> to vector<1x16xf32>
        tpu.vector_store %arg14[%swap3A_445, %swap3A_446], %swap3A_449 {strides = array<i32>} : memref<40x128xf32, #tpu.memory_space<vmem>>, vector<1x16xf32>,
        %add3A_450 = arith.constant 0 : i32
        %add3A_451 = arith.addi %add3A_314, %add3A_450 : i32
        %get3A_452 = arith.index_cast %add3A_451 : i32 to index
        %get3A_453 = arith.constant 96 : index
        %get3A_454 = tpu.vector_load %arg14[%get3A_452, %get3A_453] {strides = array<i32>} : memref<40x128xf32, #tpu.memory_space<vmem>>, vector<1x16xf32>,
        %get3A_455 = vector.shape_cast %get3A_454 : vector<1x16xf32> to vector<16xf32>
        %add3A_456 = arith.constant 0 : i32
        %add3A_457 = arith.addi %add3A_314, %add3A_456 : i32
        %get3A_458 = arith.index_cast %add3A_457 : i32 to index
        %get3A_459 = arith.constant 96 : index
        %get3A_460 = tpu.vector_load %arg17[%get3A_458, %get3A_459] {strides = array<i32>} : memref<40x128xf32, #tpu.memory_space<vmem>>, vector<1x16xf32>,
        %get3A_461 = vector.shape_cast %get3A_460 : vector<1x16xf32> to vector<16xf32>
        %add3A_462 = arith.addf %get3A_455, %get3A_461 : vector<16xf32>
        %max3A_463 = arith.constant 0.000000e+00 : f32
        %max3A_464 = vector.broadcast %max3A_463 : f32 to vector<16xf32>
        %max3A_465 = arith.maximumf %add3A_462, %max3A_464 : vector<16xf32>
        %add3A_466 = arith.constant 0 : i32
        %add3A_467 = arith.addi %add3A_314, %add3A_466 : i32
        %swap3A_468 = arith.index_cast %add3A_467 : i32 to index
        %swap3A_469 = arith.constant 96 : index
        %swap3A_470 = tpu.vector_load %arg14[%swap3A_468, %swap3A_469] {strides = array<i32>} : memref<40x128xf32, #tpu.memory_space<vmem>>, vector<1x16xf32>,
        %swap3A_471 = vector.shape_cast %swap3A_470 : vector<1x16xf32> to vector<16xf32>
        %swap3A_472 = vector.shape_cast %max3A_465 : vector<16xf32> to vector<1x16xf32>
        tpu.vector_store %arg14[%swap3A_468, %swap3A_469], %swap3A_472 {strides = array<i32>} : memref<40x128xf32, #tpu.memory_space<vmem>>, vector<1x16xf32>,
        %add3A_473 = arith.constant 0 : i32
        %add3A_474 = arith.addi %add3A_314, %add3A_473 : i32
        %get3A_475 = arith.index_cast %add3A_474 : i32 to index
        %get3A_476 = arith.constant 112 : index
        %get3A_477 = tpu.vector_load %arg14[%get3A_475, %get3A_476] {strides = array<i32>} : memref<40x128xf32, #tpu.memory_space<vmem>>, vector<1x16xf32>,
        %get3A_478 = vector.shape_cast %get3A_477 : vector<1x16xf32> to vector<16xf32>
        %add3A_479 = arith.constant 0 : i32
        %add3A_480 = arith.addi %add3A_314, %add3A_479 : i32
        %get3A_481 = arith.index_cast %add3A_480 : i32 to index
        %get3A_482 = arith.constant 112 : index
        %get3A_483 = tpu.vector_load %arg17[%get3A_481, %get3A_482] {strides = array<i32>} : memref<40x128xf32, #tpu.memory_space<vmem>>, vector<1x16xf32>,
        %get3A_484 = vector.shape_cast %get3A_483 : vector<1x16xf32> to vector<16xf32>
        %add3A_485 = arith.addf %get3A_478, %get3A_484 : vector<16xf32>
        %max3A_486 = arith.constant 0.000000e+00 : f32
        %max3A_487 = vector.broadcast %max3A_486 : f32 to vector<16xf32>
        %max3A_488 = arith.maximumf %add3A_485, %max3A_487 : vector<16xf32>
        %add3A_489 = arith.constant 0 : i32
        %add3A_490 = arith.addi %add3A_314, %add3A_489 : i32
        %swap3A_491 = arith.index_cast %add3A_490 : i32 to index
        %swap3A_492 = arith.constant 112 : index
        %swap3A_493 = tpu.vector_load %arg14[%swap3A_491, %swap3A_492] {strides = array<i32>} : memref<40x128xf32, #tpu.memory_space<vmem>>, vector<1x16xf32>,
        %swap3A_494 = vector.shape_cast %swap3A_493 : vector<1x16xf32> to vector<16xf32>
        %swap3A_495 = vector.shape_cast %max3A_488 : vector<16xf32> to vector<1x16xf32>
        tpu.vector_store %arg14[%swap3A_491, %swap3A_492], %swap3A_495 {strides = array<i32>} : memref<40x128xf32, #tpu.memory_space<vmem>>, vector<1x16xf32>,
        %add3A_496 = arith.constant 1 : i32
        %add3A_497 = arith.addi %add3A_314, %add3A_496 : i32
        %get3A_498 = arith.index_cast %add3A_497 : i32 to index
        %get3A_499 = arith.constant 0 : index
        %get3A_500 = tpu.vector_load %arg14[%get3A_498, %get3A_499] {strides = array<i32>} : memref<40x128xf32, #tpu.memory_space<vmem>>, vector<1x16xf32>,
        %get3A_501 = vector.shape_cast %get3A_500 : vector<1x16xf32> to vector<16xf32>
        %add3A_502 = arith.constant 1 : i32
        %add3A_503 = arith.addi %add3A_314, %add3A_502 : i32
        %get3A_504 = arith.index_cast %add3A_503 : i32 to index
        %get3A_505 = arith.constant 0 : index
        %get3A_506 = tpu.vector_load %arg17[%get3A_504, %get3A_505] {strides = array<i32>} : memref<40x128xf32, #tpu.memory_space<vmem>>, vector<1x16xf32>,
        %get3A_507 = vector.shape_cast %get3A_506 : vector<1x16xf32> to vector<16xf32>
        %add3A_508 = arith.addf %get3A_501, %get3A_507 : vector<16xf32>
        %max3A_509 = arith.constant 0.000000e+00 : f32
        %max3A_510 = vector.broadcast %max3A_509 : f32 to vector<16xf32>
        %max3A_511 = arith.maximumf %add3A_508, %max3A_510 : vector<16xf32>
        %add3A_512 = arith.constant 1 : i32
        %add3A_513 = arith.addi %add3A_314, %add3A_512 : i32
        %swap3A_514 = arith.index_cast %add3A_513 : i32 to index
        %swap3A_515 = arith.constant 0 : index
        %swap3A_516 = tpu.vector_load %arg14[%swap3A_514, %swap3A_515] {strides = array<i32>} : memref<40x128xf32, #tpu.memory_space<vmem>>, vector<1x16xf32>,
        %swap3A_517 = vector.shape_cast %swap3A_516 : vector<1x16xf32> to vector<16xf32>
        %swap3A_518 = vector.shape_cast %max3A_511 : vector<16xf32> to vector<1x16xf32>
        tpu.vector_store %arg14[%swap3A_514, %swap3A_515], %swap3A_518 {strides = array<i32>} : memref<40x128xf32, #tpu.memory_space<vmem>>, vector<1x16xf32>,
        %add3A_519 = arith.constant 1 : i32
        %add3A_520 = arith.addi %add3A_314, %add3A_519 : i32
        %get3A_521 = arith.index_cast %add3A_520 : i32 to index
        %get3A_522 = arith.constant 16 : index
        %get3A_523 = tpu.vector_load %arg14[%get3A_521, %get3A_522] {strides = array<i32>} : memref<40x128xf32, #tpu.memory_space<vmem>>, vector<1x16xf32>,
        %get3A_524 = vector.shape_cast %get3A_523 : vector<1x16xf32> to vector<16xf32>
        %add3A_525 = arith.constant 1 : i32
        %add3A_526 = arith.addi %add3A_314, %add3A_525 : i32
        %get3A_527 = arith.index_cast %add3A_526 : i32 to index
        %get3A_528 = arith.constant 16 : index
        %get3A_529 = tpu.vector_load %arg17[%get3A_527, %get3A_528] {strides = array<i32>} : memref<40x128xf32, #tpu.memory_space<vmem>>, vector<1x16xf32>,
        %get3A_530 = vector.shape_cast %get3A_529 : vector<1x16xf32> to vector<16xf32>
        %add3A_531 = arith.addf %get3A_524, %get3A_530 : vector<16xf32>
        %max3A_532 = arith.constant 0.000000e+00 : f32
        %max3A_533 = vector.broadcast %max3A_532 : f32 to vector<16xf32>
        %max3A_534 = arith.maximumf %add3A_531, %max3A_533 : vector<16xf32>
        %add3A_535 = arith.constant 1 : i32
        %add3A_536 = arith.addi %add3A_314, %add3A_535 : i32
        %swap3A_537 = arith.index_cast %add3A_536 : i32 to index
        %swap3A_538 = arith.constant 16 : index
        %swap3A_539 = tpu.vector_load %arg14[%swap3A_537, %swap3A_538] {strides = array<i32>} : memref<40x128xf32, #tpu.memory_space<vmem>>, vector<1x16xf32>,
        %swap3A_540 = vector.shape_cast %swap3A_539 : vector<1x16xf32> to vector<16xf32>
        %swap3A_541 = vector.shape_cast %max3A_534 : vector<16xf32> to vector<1x16xf32>
        tpu.vector_store %arg14[%swap3A_537, %swap3A_538], %swap3A_541 {strides = array<i32>} : memref<40x128xf32, #tpu.memory_space<vmem>>, vector<1x16xf32>,
        %add3A_542 = arith.constant 1 : i32
        %add3A_543 = arith.addi %add3A_314, %add3A_542 : i32
        %get3A_544 = arith.index_cast %add3A_543 : i32 to index
        %get3A_545 = arith.constant 32 : index
        %get3A_546 = tpu.vector_load %arg14[%get3A_544, %get3A_545] {strides = array<i32>} : memref<40x128xf32, #tpu.memory_space<vmem>>, vector<1x16xf32>,
        %get3A_547 = vector.shape_cast %get3A_546 : vector<1x16xf32> to vector<16xf32>
        %add3A_548 = arith.constant 1 : i32
        %add3A_549 = arith.addi %add3A_314, %add3A_548 : i32
        %get3A_550 = arith.index_cast %add3A_549 : i32 to index
        %get3A_551 = arith.constant 32 : index
        %get3A_552 = tpu.vector_load %arg17[%get3A_550, %get3A_551] {strides = array<i32>} : memref<40x128xf32, #tpu.memory_space<vmem>>, vector<1x16xf32>,
        %get3A_553 = vector.shape_cast %get3A_552 : vector<1x16xf32> to vector<16xf32>
        %add3A_554 = arith.addf %get3A_547, %get3A_553 : vector<16xf32>
        %max3A_555 = arith.constant 0.000000e+00 : f32
        %max3A_556 = vector.broadcast %max3A_555 : f32 to vector<16xf32>
        %max3A_557 = arith.maximumf %add3A_554, %max3A_556 : vector<16xf32>
        %add3A_558 = arith.constant 1 : i32
        %add3A_559 = arith.addi %add3A_314, %add3A_558 : i32
        %swap3A_560 = arith.index_cast %add3A_559 : i32 to index
        %swap3A_561 = arith.constant 32 : index
        %swap3A_562 = tpu.vector_load %arg14[%swap3A_560, %swap3A_561] {strides = array<i32>} : memref<40x128xf32, #tpu.memory_space<vmem>>, vector<1x16xf32>,
        %swap3A_563 = vector.shape_cast %swap3A_562 : vector<1x16xf32> to vector<16xf32>
        %swap3A_564 = vector.shape_cast %max3A_557 : vector<16xf32> to vector<1x16xf32>
        tpu.vector_store %arg14[%swap3A_560, %swap3A_561], %swap3A_564 {strides = array<i32>} : memref<40x128xf32, #tpu.memory_space<vmem>>, vector<1x16xf32>,
        %add3A_565 = arith.constant 1 : i32
        %add3A_566 = arith.addi %add3A_314, %add3A_565 : i32
        %get3A_567 = arith.index_cast %add3A_566 : i32 to index
        %get3A_568 = arith.constant 48 : index
        %get3A_569 = tpu.vector_load %arg14[%get3A_567, %get3A_568] {strides = array<i32>} : memref<40x128xf32, #tpu.memory_space<vmem>>, vector<1x16xf32>,
        %get3A_570 = vector.shape_cast %get3A_569 : vector<1x16xf32> to vector<16xf32>
        %add3A_571 = arith.constant 1 : i32
        %add3A_572 = arith.addi %add3A_314, %add3A_571 : i32
        %get3A_573 = arith.index_cast %add3A_572 : i32 to index
        %get3A_574 = arith.constant 48 : index
        %get3A_575 = tpu.vector_load %arg17[%get3A_573, %get3A_574] {strides = array<i32>} : memref<40x128xf32, #tpu.memory_space<vmem>>, vector<1x16xf32>,
        %get3A_576 = vector.shape_cast %get3A_575 : vector<1x16xf32> to vector<16xf32>
        %add3A_577 = arith.addf %get3A_570, %get3A_576 : vector<16xf32>
        %max3A_578 = arith.constant 0.000000e+00 : f32
        %max3A_579 = vector.broadcast %max3A_578 : f32 to vector<16xf32>
        %max3A_580 = arith.maximumf %add3A_577, %max3A_579 : vector<16xf32>
        %add3A_581 = arith.constant 1 : i32
        %add3A_582 = arith.addi %add3A_314, %add3A_581 : i32
        %swap3A_583 = arith.index_cast %add3A_582 : i32 to index
        %swap3A_584 = arith.constant 48 : index
        %swap3A_585 = tpu.vector_load %arg14[%swap3A_583, %swap3A_584] {strides = array<i32>} : memref<40x128xf32, #tpu.memory_space<vmem>>, vector<1x16xf32>,
        %swap3A_586 = vector.shape_cast %swap3A_585 : vector<1x16xf32> to vector<16xf32>
        %swap3A_587 = vector.shape_cast %max3A_580 : vector<16xf32> to vector<1x16xf32>
        tpu.vector_store %arg14[%swap3A_583, %swap3A_584], %swap3A_587 {strides = array<i32>} : memref<40x128xf32, #tpu.memory_space<vmem>>, vector<1x16xf32>,
        %add3A_588 = arith.constant 1 : i32
        %add3A_589 = arith.addi %add3A_314, %add3A_588 : i32
        %get3A_590 = arith.index_cast %add3A_589 : i32 to index
        %get3A_591 = arith.constant 64 : index
        %get3A_592 = tpu.vector_load %arg14[%get3A_590, %get3A_591] {strides = array<i32>} : memref<40x128xf32, #tpu.memory_space<vmem>>, vector<1x16xf32>,
        %get3A_593 = vector.shape_cast %get3A_592 : vector<1x16xf32> to vector<16xf32>
        %add3A_594 = arith.constant 1 : i32
        %add3A_595 = arith.addi %add3A_314, %add3A_594 : i32
        %get3A_596 = arith.index_cast %add3A_595 : i32 to index
        %get3A_597 = arith.constant 64 : index
        %get3A_598 = tpu.vector_load %arg17[%get3A_596, %get3A_597] {strides = array<i32>} : memref<40x128xf32, #tpu.memory_space<vmem>>, vector<1x16xf32>,
        %get3A_599 = vector.shape_cast %get3A_598 : vector<1x16xf32> to vector<16xf32>
        %add3A_600 = arith.addf %get3A_593, %get3A_599 : vector<16xf32>
        %max3A_601 = arith.constant 0.000000e+00 : f32
        %max3A_602 = vector.broadcast %max3A_601 : f32 to vector<16xf32>
        %max3A_603 = arith.maximumf %add3A_600, %max3A_602 : vector<16xf32>
        %add3A_604 = arith.constant 1 : i32
        %add3A_605 = arith.addi %add3A_314, %add3A_604 : i32
        %swap3A_606 = arith.index_cast %add3A_605 : i32 to index
        %swap3A_607 = arith.constant 64 : index
        %swap3A_608 = tpu.vector_load %arg14[%swap3A_606, %swap3A_607] {strides = array<i32>} : memref<40x128xf32, #tpu.memory_space<vmem>>, vector<1x16xf32>,
        %swap3A_609 = vector.shape_cast %swap3A_608 : vector<1x16xf32> to vector<16xf32>
        %swap3A_610 = vector.shape_cast %max3A_603 : vector<16xf32> to vector<1x16xf32>
        tpu.vector_store %arg14[%swap3A_606, %swap3A_607], %swap3A_610 {strides = array<i32>} : memref<40x128xf32, #tpu.memory_space<vmem>>, vector<1x16xf32>,
        %add3A_611 = arith.constant 1 : i32
        %add3A_612 = arith.addi %add3A_314, %add3A_611 : i32
        %get3A_613 = arith.index_cast %add3A_612 : i32 to index
        %get3A_614 = arith.constant 80 : index
        %get3A_615 = tpu.vector_load %arg14[%get3A_613, %get3A_614] {strides = array<i32>} : memref<40x128xf32, #tpu.memory_space<vmem>>, vector<1x16xf32>,
        %get3A_616 = vector.shape_cast %get3A_615 : vector<1x16xf32> to vector<16xf32>
        %add3A_617 = arith.constant 1 : i32
        %add3A_618 = arith.addi %add3A_314, %add3A_617 : i32
        %get3A_619 = arith.index_cast %add3A_618 : i32 to index
        %get3A_620 = arith.constant 80 : index
        %get3A_621 = tpu.vector_load %arg17[%get3A_619, %get3A_620] {strides = array<i32>} : memref<40x128xf32, #tpu.memory_space<vmem>>, vector<1x16xf32>,
        %get3A_622 = vector.shape_cast %get3A_621 : vector<1x16xf32> to vector<16xf32>
        %add3A_623 = arith.addf %get3A_616, %get3A_622 : vector<16xf32>
        %max3A_624 = arith.constant 0.000000e+00 : f32
        %max3A_625 = vector.broadcast %max3A_624 : f32 to vector<16xf32>
        %max3A_626 = arith.maximumf %add3A_623, %max3A_625 : vector<16xf32>
        %add3A_627 = arith.constant 1 : i32
        %add3A_628 = arith.addi %add3A_314, %add3A_627 : i32
        %swap3A_629 = arith.index_cast %add3A_628 : i32 to index
        %swap3A_630 = arith.constant 80 : index
        %swap3A_631 = tpu.vector_load %arg14[%swap3A_629, %swap3A_630] {strides = array<i32>} : memref<40x128xf32, #tpu.memory_space<vmem>>, vector<1x16xf32>,
        %swap3A_632 = vector.shape_cast %swap3A_631 : vector<1x16xf32> to vector<16xf32>
        %swap3A_633 = vector.shape_cast %max3A_626 : vector<16xf32> to vector<1x16xf32>
        tpu.vector_store %arg14[%swap3A_629, %swap3A_630], %swap3A_633 {strides = array<i32>} : memref<40x128xf32, #tpu.memory_space<vmem>>, vector<1x16xf32>,
        %add3A_634 = arith.constant 1 : i32
        %add3A_635 = arith.addi %add3A_314, %add3A_634 : i32
        %get3A_636 = arith.index_cast %add3A_635 : i32 to index
        %get3A_637 = arith.constant 96 : index
        %get3A_638 = tpu.vector_load %arg14[%get3A_636, %get3A_637] {strides = array<i32>} : memref<40x128xf32, #tpu.memory_space<vmem>>, vector<1x16xf32>,
        %get3A_639 = vector.shape_cast %get3A_638 : vector<1x16xf32> to vector<16xf32>
        %add3A_640 = arith.constant 1 : i32
        %add3A_641 = arith.addi %add3A_314, %add3A_640 : i32
        %get3A_642 = arith.index_cast %add3A_641 : i32 to index
        %get3A_643 = arith.constant 96 : index
        %get3A_644 = tpu.vector_load %arg17[%get3A_642, %get3A_643] {strides = array<i32>} : memref<40x128xf32, #tpu.memory_space<vmem>>, vector<1x16xf32>,
        %get3A_645 = vector.shape_cast %get3A_644 : vector<1x16xf32> to vector<16xf32>
        %add3A_646 = arith.addf %get3A_639, %get3A_645 : vector<16xf32>
        %max3A_647 = arith.constant 0.000000e+00 : f32
        %max3A_648 = vector.broadcast %max3A_647 : f32 to vector<16xf32>
        %max3A_649 = arith.maximumf %add3A_646, %max3A_648 : vector<16xf32>
        %add3A_650 = arith.constant 1 : i32
        %add3A_651 = arith.addi %add3A_314, %add3A_650 : i32
        %swap3A_652 = arith.index_cast %add3A_651 : i32 to index
        %swap3A_653 = arith.constant 96 : index
        %swap3A_654 = tpu.vector_load %arg14[%swap3A_652, %swap3A_653] {strides = array<i32>} : memref<40x128xf32, #tpu.memory_space<vmem>>, vector<1x16xf32>,
        %swap3A_655 = vector.shape_cast %swap3A_654 : vector<1x16xf32> to vector<16xf32>
        %swap3A_656 = vector.shape_cast %max3A_649 : vector<16xf32> to vector<1x16xf32>
        tpu.vector_store %arg14[%swap3A_652, %swap3A_653], %swap3A_656 {strides = array<i32>} : memref<40x128xf32, #tpu.memory_space<vmem>>, vector<1x16xf32>,
        %add3A_657 = arith.constant 1 : i32
        %add3A_658 = arith.addi %add3A_314, %add3A_657 : i32
        %get3A_659 = arith.index_cast %add3A_658 : i32 to index
        %get3A_660 = arith.constant 112 : index
        %get3A_661 = tpu.vector_load %arg14[%get3A_659, %get3A_660] {strides = array<i32>} : memref<40x128xf32, #tpu.memory_space<vmem>>, vector<1x16xf32>,
        %get3A_662 = vector.shape_cast %get3A_661 : vector<1x16xf32> to vector<16xf32>
        %add3A_663 = arith.constant 1 : i32
        %add3A_664 = arith.addi %add3A_314, %add3A_663 : i32
        %get3A_665 = arith.index_cast %add3A_664 : i32 to index
        %get3A_666 = arith.constant 112 : index
        %get3A_667 = tpu.vector_load %arg17[%get3A_665, %get3A_666] {strides = array<i32>} : memref<40x128xf32, #tpu.memory_space<vmem>>, vector<1x16xf32>,
        %get3A_668 = vector.shape_cast %get3A_667 : vector<1x16xf32> to vector<16xf32>
        %add3A_669 = arith.addf %get3A_662, %get3A_668 : vector<16xf32>
        %max3A_670 = arith.constant 0.000000e+00 : f32
        %max3A_671 = vector.broadcast %max3A_670 : f32 to vector<16xf32>
        %max3A_672 = arith.maximumf %add3A_669, %max3A_671 : vector<16xf32>
        %add3A_673 = arith.constant 1 : i32
        %add3A_674 = arith.addi %add3A_314, %add3A_673 : i32
        %swap3A_675 = arith.index_cast %add3A_674 : i32 to index
        %swap3A_676 = arith.constant 112 : index
        %swap3A_677 = tpu.vector_load %arg14[%swap3A_675, %swap3A_676] {strides = array<i32>} : memref<40x128xf32, #tpu.memory_space<vmem>>, vector<1x16xf32>,
        %swap3A_678 = vector.shape_cast %swap3A_677 : vector<1x16xf32> to vector<16xf32>
        %swap3A_679 = vector.shape_cast %max3A_672 : vector<16xf32> to vector<1x16xf32>
        tpu.vector_store %arg14[%swap3A_675, %swap3A_676], %swap3A_679 {strides = array<i32>} : memref<40x128xf32, #tpu.memory_space<vmem>>, vector<1x16xf32>,
      }
      %scan3A_294 = arith.constant 20 : i32
      %dma_wait3A_295 = arith.constant 0 : i32
      %dma_wait3A_296 = tpu.memref_slice %arg4[%dma_wait3A_295] : memref<320000xi32, #tpu.memory_space<hbm>> -> memref<40xi32, #tpu.memory_space<hbm>>
      %dma_wait3A_297 = arith.constant 0 : i32
      %dma_wait3A_298 = tpu.memref_slice %arg4[%dma_wait3A_297] : memref<320000xi32, #tpu.memory_space<hbm>> -> memref<40xi32, #tpu.memory_space<hbm>>
      tpu.wait_dma2 semaphore(%arg24 : memref<!tpu.dma_semaphore, #tpu.memory_space<semaphore_mem>>) src(%dma_wait3A_298 : memref<40xi32, #tpu.memory_space<hbm>>) dst(%arg11 : memref<40xi32, #tpu.memory_space<vmem>>)
      %mul3A_299 = arith.constant 40 : i32
      %mul3A_300 = arith.muli %add3A_273, %mul3A_299 : i32
      %add3A_301 = arith.addi %mul3A_2, %mul3A_300 : i32
      %dma_start3A_302 = tpu.memref_slice %arg3[%add3A_301] : memref<320000xi32, #tpu.memory_space<hbm>> -> memref<40xi32, #tpu.memory_space<hbm>>
      %dma_start3A_303 = tpu.memref_slice %arg3[%add3A_301] : memref<320000xi32, #tpu.memory_space<hbm>> -> memref<40xi32, #tpu.memory_space<hbm>>
      tpu.enqueue_dma source(%dma_start3A_303 : memref<40xi32, #tpu.memory_space<hbm>>) target(%arg7 : memref<40xi32, #tpu.memory_space<vmem>>) target_semaphore(%arg20 : memref<!tpu.dma_semaphore, #tpu.memory_space<semaphore_mem>>)
      %dma_start3A_304 = tpu.memref_slice %arg4[%add3A_301] : memref<320000xi32, #tpu.memory_space<hbm>> -> memref<40xi32, #tpu.memory_space<hbm>>
      %dma_start3A_305 = tpu.memref_slice %arg4[%add3A_301] : memref<320000xi32, #tpu.memory_space<hbm>> -> memref<40xi32, #tpu.memory_space<hbm>>
      tpu.enqueue_dma source(%dma_start3A_305 : memref<40xi32, #tpu.memory_space<hbm>>) target(%arg10 : memref<40xi32, #tpu.memory_space<vmem>>) target_semaphore(%arg23 : memref<!tpu.dma_semaphore, #tpu.memory_space<semaphore_mem>>)
      %dma_start3A_306 = arith.constant 0 : i32
      %dma_start3A_307 = tpu.memref_slice %arg5[%add3A_301, %dma_start3A_306] : memref<320000x128xf32, #tpu.memory_space<hbm>> -> memref<40x128xf32, #tpu.memory_space<hbm>>
      %dma_start3A_308 = arith.constant 0 : i32
      %dma_start3A_309 = tpu.memref_slice %arg5[%add3A_301, %dma_start3A_308] : memref<320000x128xf32, #tpu.memory_space<hbm>> -> memref<40x128xf32, #tpu.memory_space<hbm>>
      tpu.enqueue_dma source(%dma_start3A_309 : memref<40x128xf32, #tpu.memory_space<hbm>>) target(%arg16 : memref<40x128xf32, #tpu.memory_space<vmem>>) target_semaphore(%arg29 : memref<!tpu.dma_semaphore, #tpu.memory_space<semaphore_mem>>)
    }
    %scan3A_124 = arith.constant 82 : i32
    %dma_wait3A_125 = arith.constant 0 : i32
    %dma_wait3A_126 = tpu.memref_slice %arg3[%dma_wait3A_125] : memref<320000xi32, #tpu.memory_space<hbm>> -> memref<40xi32, #tpu.memory_space<hbm>>
    %dma_wait3A_127 = arith.constant 0 : i32
    %dma_wait3A_128 = tpu.memref_slice %arg3[%dma_wait3A_127] : memref<320000xi32, #tpu.memory_space<hbm>> -> memref<40xi32, #tpu.memory_space<hbm>>
    tpu.wait_dma2 semaphore(%arg20 : memref<!tpu.dma_semaphore, #tpu.memory_space<semaphore_mem>>) src(%dma_wait3A_128 : memref<40xi32, #tpu.memory_space<hbm>>) dst(%arg7 : memref<40xi32, #tpu.memory_space<vmem>>)
    %dma_start3A_129 = arith.constant 0 : i32
    %dma_start3A_130 = arith.constant 0 : i32
    %dma_start3A_131 = tpu.memref_slice %arg2[%dma_start3A_129, %dma_start3A_130] : memref<10000x128xf32, #tpu.memory_space<hbm>> -> memref<10000x128xf32, #tpu.memory_space<hbm>>
    tpu.enqueue_indirect_dma source(%dma_start3A_131 : memref<10000x128xf32, #tpu.memory_space<hbm>>) target(%arg13 : memref<40x128xf32, #tpu.memory_space<vmem>>) offsets(%arg7 : memref<40xi32, #tpu.memory_space<vmem>>) semaphore(%arg26 : memref<!tpu.dma_semaphore, #tpu.memory_space<semaphore_mem>>)
    %dma_wait3A_132 = arith.constant 0 : i32
    %dma_wait3A_133 = arith.constant 0 : i32
    %dma_wait3A_134 = tpu.memref_slice %arg5[%dma_wait3A_132, %dma_wait3A_133] : memref<320000x128xf32, #tpu.memory_space<hbm>> -> memref<40x128xf32, #tpu.memory_space<hbm>>
    %dma_wait3A_135 = arith.constant 0 : i32
    %dma_wait3A_136 = arith.constant 0 : i32
    %dma_wait3A_137 = tpu.memref_slice %arg5[%dma_wait3A_135, %dma_wait3A_136] : memref<320000x128xf32, #tpu.memory_space<hbm>> -> memref<40x128xf32, #tpu.memory_space<hbm>>
    tpu.wait_dma2 semaphore(%arg31 : memref<!tpu.dma_semaphore, #tpu.memory_space<semaphore_mem>>) src(%dma_wait3A_137 : memref<40x128xf32, #tpu.memory_space<hbm>>) dst(%arg18 : memref<40x128xf32, #tpu.memory_space<vmem>>)
    %dma_wait3A_138 = arith.constant 0 : i32
    %dma_wait3A_139 = arith.constant 0 : i32
    %dma_wait3A_140 = tpu.memref_slice %arg2[%dma_wait3A_138, %dma_wait3A_139] : memref<10000x128xf32, #tpu.memory_space<hbm>> -> memref<10000x128xf32, #tpu.memory_space<hbm>>
    tpu.wait_indirect_dma semaphore(%arg28 : memref<!tpu.dma_semaphore, #tpu.memory_space<semaphore_mem>>) src(%dma_wait3A_140 : memref<10000x128xf32, #tpu.memory_space<hbm>>) dst(%arg15 : memref<40x128xf32, #tpu.memory_space<vmem>>)
    %scan3A_141 = arith.constant 0 : i32
    %scan3A_142 = arith.constant 20 : i32
    %scan3A_143 = arith.addi %scan3A_141, %scan3A_142 : i32
    %scan3A_144 = arith.constant 1 : i32
    scf.for %scan3A_187 = %scan3A_141 to %scan3A_143 step %scan3A_144  : i32 {
      %mul3A_188 = arith.constant 2 : i32
      %mul3A_189 = arith.muli %scan3A_187, %mul3A_188 : i32
      %add3A_190 = arith.constant 0 : i32
      %add3A_191 = arith.addi %add3A_190, %mul3A_189 : i32
      %add3A_192 = arith.constant 0 : i32
      %add3A_193 = arith.addi %add3A_191, %add3A_192 : i32
      %get3A = arith.index_cast %add3A_193 : i32 to index
      %get3A_194 = arith.constant 0 : index
      %get3A_195 = tpu.vector_load %arg15[%get3A, %get3A_194] {strides = array<i32>} : memref<40x128xf32, #tpu.memory_space<vmem>>, vector<1x16xf32>,
      %get3A_196 = vector.shape_cast %get3A_195 : vector<1x16xf32> to vector<16xf32>
      %add3A_197 = arith.constant 0 : i32
      %add3A_198 = arith.addi %add3A_191, %add3A_197 : i32
      %get3A_199 = arith.index_cast %add3A_198 : i32 to index
      %get3A_200 = arith.constant 0 : index
      %get3A_201 = tpu.vector_load %arg18[%get3A_199, %get3A_200] {strides = array<i32>} : memref<40x128xf32, #tpu.memory_space<vmem>>, vector<1x16xf32>,
      %get3A_202 = vector.shape_cast %get3A_201 : vector<1x16xf32> to vector<16xf32>
      %add3A_203 = arith.addf %get3A_196, %get3A_202 : vector<16xf32>
      %max3A = arith.constant 0.000000e+00 : f32
      %max3A_204 = vector.broadcast %max3A : f32 to vector<16xf32>
      %max3A_205 = arith.maximumf %add3A_203, %max3A_204 : vector<16xf32>
      %add3A_206 = arith.constant 0 : i32
      %add3A_207 = arith.addi %add3A_191, %add3A_206 : i32
      %swap3A = arith.index_cast %add3A_207 : i32 to index
      %swap3A_208 = arith.constant 0 : index
      %swap3A_209 = tpu.vector_load %arg15[%swap3A, %swap3A_208] {strides = array<i32>} : memref<40x128xf32, #tpu.memory_space<vmem>>, vector<1x16xf32>,
      %swap3A_210 = vector.shape_cast %swap3A_209 : vector<1x16xf32> to vector<16xf32>
      %swap3A_211 = vector.shape_cast %max3A_205 : vector<16xf32> to vector<1x16xf32>
      tpu.vector_store %arg15[%swap3A, %swap3A_208], %swap3A_211 {strides = array<i32>} : memref<40x128xf32, #tpu.memory_space<vmem>>, vector<1x16xf32>,
      %add3A_212 = arith.constant 0 : i32
      %add3A_213 = arith.addi %add3A_191, %add3A_212 : i32
      %get3A_214 = arith.index_cast %add3A_213 : i32 to index
      %get3A_215 = arith.constant 16 : index
      %get3A_216 = tpu.vector_load %arg15[%get3A_214, %get3A_215] {strides = array<i32>} : memref<40x128xf32, #tpu.memory_space<vmem>>, vector<1x16xf32>,
      %get3A_217 = vector.shape_cast %get3A_216 : vector<1x16xf32> to vector<16xf32>
      %add3A_218 = arith.constant 0 : i32
      %add3A_219 = arith.addi %add3A_191, %add3A_218 : i32
      %get3A_220 = arith.index_cast %add3A_219 : i32 to index
      %get3A_221 = arith.constant 16 : index
      %get3A_222 = tpu.vector_load %arg18[%get3A_220, %get3A_221] {strides = array<i32>} : memref<40x128xf32, #tpu.memory_space<vmem>>, vector<1x16xf32>,
      %get3A_223 = vector.shape_cast %get3A_222 : vector<1x16xf32> to vector<16xf32>
      %add3A_224 = arith.addf %get3A_217, %get3A_223 : vector<16xf32>
      %max3A_225 = arith.constant 0.000000e+00 : f32
      %max3A_226 = vector.broadcast %max3A_225 : f32 to vector<16xf32>
      %max3A_227 = arith.maximumf %add3A_224, %max3A_226 : vector<16xf32>
      %add3A_228 = arith.constant 0 : i32
      %add3A_229 = arith.addi %add3A_191, %add3A_228 : i32
      %swap3A_230 = arith.index_cast %add3A_229 : i32 to index
      %swap3A_231 = arith.constant 16 : index
      %swap3A_232 = tpu.vector_load %arg15[%swap3A_230, %swap3A_231] {strides = array<i32>} : memref<40x128xf32, #tpu.memory_space<vmem>>, vector<1x16xf32>,
      %swap3A_233 = vector.shape_cast %swap3A_232 : vector<1x16xf32> to vector<16xf32>
      %swap3A_234 = vector.shape_cast %max3A_227 : vector<16xf32> to vector<1x16xf32>
      tpu.vector_store %arg15[%swap3A_230, %swap3A_231], %swap3A_234 {strides = array<i32>} : memref<40x128xf32, #tpu.memory_space<vmem>>, vector<1x16xf32>,
      %add3A_235 = arith.constant 0 : i32
      %add3A_236 = arith.addi %add3A_191, %add3A_235 : i32
      %get3A_237 = arith.index_cast %add3A_236 : i32 to index
      %get3A_238 = arith.constant 32 : index
      %get3A_239 = tpu.vector_load %arg15[%get3A_237, %get3A_238] {strides = array<i32>} : memref<40x128xf32, #tpu.memory_space<vmem>>, vector<1x16xf32>,
      %get3A_240 = vector.shape_cast %get3A_239 : vector<1x16xf32> to vector<16xf32>
      %add3A_241 = arith.constant 0 : i32
      %add3A_242 = arith.addi %add3A_191, %add3A_241 : i32
      %get3A_243 = arith.index_cast %add3A_242 : i32 to index
      %get3A_244 = arith.constant 32 : index
      %get3A_245 = tpu.vector_load %arg18[%get3A_243, %get3A_244] {strides = array<i32>} : memref<40x128xf32, #tpu.memory_space<vmem>>, vector<1x16xf32>,
      %get3A_246 = vector.shape_cast %get3A_245 : vector<1x16xf32> to vector<16xf32>
      %add3A_247 = arith.addf %get3A_240, %get3A_246 : vector<16xf32>
      %max3A_248 = arith.constant 0.000000e+00 : f32
      %max3A_249 = vector.broadcast %max3A_248 : f32 to vector<16xf32>
      %max3A_250 = arith.maximumf %add3A_247, %max3A_249 : vector<16xf32>
      %add3A_251 = arith.constant 0 : i32
      %add3A_252 = arith.addi %add3A_191, %add3A_251 : i32
      %swap3A_253 = arith.index_cast %add3A_252 : i32 to index
      %swap3A_254 = arith.constant 32 : index
      %swap3A_255 = tpu.vector_load %arg15[%swap3A_253, %swap3A_254] {strides = array<i32>} : memref<40x128xf32, #tpu.memory_space<vmem>>, vector<1x16xf32>,
      %swap3A_256 = vector.shape_cast %swap3A_255 : vector<1x16xf32> to vector<16xf32>
      %swap3A_257 = vector.shape_cast %max3A_250 : vector<16xf32> to vector<1x16xf32>
      tpu.vector_store %arg15[%swap3A_253, %swap3A_254], %swap3A_257 {strides = array<i32>} : memref<40x128xf32, #tpu.memory_space<vmem>>, vector<1x16xf32>,
      %add3A_258 = arith.constant 0 : i32
      %add3A_259 = arith.addi %add3A_191, %add3A_258 : i32
      %get3A_260 = arith.index_cast %add3A_259 : i32 to index
      %get3A_261 = arith.constant 48 : index
      %get3A_262 = tpu.vector_load %arg15[%get3A_260, %get3A_261] {strides = array<i32>} : memref<40x128xf32, #tpu.memory_space<vmem>>, vector<1x16xf32>,
      %get3A_263 = vector.shape_cast %get3A_262 : vector<1x16xf32> to vector<16xf32>
      %add3A_264 = arith.constant 0 : i32
      %add3A_265 = arith.addi %add3A_191, %add3A_264 : i32
      %get3A_266 = arith.index_cast %add3A_265 : i32 to index
      %get3A_267 = arith.constant 48 : index
      %get3A_268 = tpu.vector_load %arg18[%get3A_266, %get3A_267] {strides = array<i32>} : memref<40x128xf32, #tpu.memory_space<vmem>>, vector<1x16xf32>,
      %get3A_269 = vector.shape_cast %get3A_268 : vector<1x16xf32> to vector<16xf32>
      %add3A_270 = arith.addf %get3A_263, %get3A_269 : vector<16xf32>
      %max3A_271 = arith.constant 0.000000e+00 : f32
      %max3A_272 = vector.broadcast %max3A_271 : f32 to vector<16xf32>
      %max3A_273 = arith.maximumf %add3A_270, %max3A_272 : vector<16xf32>
      %add3A_274 = arith.constant 0 : i32
      %add3A_275 = arith.addi %add3A_191, %add3A_274 : i32
      %swap3A_276 = arith.index_cast %add3A_275 : i32 to index
      %swap3A_277 = arith.constant 48 : index
      %swap3A_278 = tpu.vector_load %arg15[%swap3A_276, %swap3A_277] {strides = array<i32>} : memref<40x128xf32, #tpu.memory_space<vmem>>, vector<1x16xf32>,
      %swap3A_279 = vector.shape_cast %swap3A_278 : vector<1x16xf32> to vector<16xf32>
      %swap3A_280 = vector.shape_cast %max3A_273 : vector<16xf32> to vector<1x16xf32>
      tpu.vector_store %arg15[%swap3A_276, %swap3A_277], %swap3A_280 {strides = array<i32>} : memref<40x128xf32, #tpu.memory_space<vmem>>, vector<1x16xf32>,
      %add3A_281 = arith.constant 0 : i32
      %add3A_282 = arith.addi %add3A_191, %add3A_281 : i32
      %get3A_283 = arith.index_cast %add3A_282 : i32 to index
      %get3A_284 = arith.constant 64 : index
      %get3A_285 = tpu.vector_load %arg15[%get3A_283, %get3A_284] {strides = array<i32>} : memref<40x128xf32, #tpu.memory_space<vmem>>, vector<1x16xf32>,
      %get3A_286 = vector.shape_cast %get3A_285 : vector<1x16xf32> to vector<16xf32>
      %add3A_287 = arith.constant 0 : i32
      %add3A_288 = arith.addi %add3A_191, %add3A_287 : i32
      %get3A_289 = arith.index_cast %add3A_288 : i32 to index
      %get3A_290 = arith.constant 64 : index
      %get3A_291 = tpu.vector_load %arg18[%get3A_289, %get3A_290] {strides = array<i32>} : memref<40x128xf32, #tpu.memory_space<vmem>>, vector<1x16xf32>,
      %get3A_292 = vector.shape_cast %get3A_291 : vector<1x16xf32> to vector<16xf32>
      %add3A_293 = arith.addf %get3A_286, %get3A_292 : vector<16xf32>
      %max3A_294 = arith.constant 0.000000e+00 : f32
      %max3A_295 = vector.broadcast %max3A_294 : f32 to vector<16xf32>
      %max3A_296 = arith.maximumf %add3A_293, %max3A_295 : vector<16xf32>
      %add3A_297 = arith.constant 0 : i32
      %add3A_298 = arith.addi %add3A_191, %add3A_297 : i32
      %swap3A_299 = arith.index_cast %add3A_298 : i32 to index
      %swap3A_300 = arith.constant 64 : index
      %swap3A_301 = tpu.vector_load %arg15[%swap3A_299, %swap3A_300] {strides = array<i32>} : memref<40x128xf32, #tpu.memory_space<vmem>>, vector<1x16xf32>,
      %swap3A_302 = vector.shape_cast %swap3A_301 : vector<1x16xf32> to vector<16xf32>
      %swap3A_303 = vector.shape_cast %max3A_296 : vector<16xf32> to vector<1x16xf32>
      tpu.vector_store %arg15[%swap3A_299, %swap3A_300], %swap3A_303 {strides = array<i32>} : memref<40x128xf32, #tpu.memory_space<vmem>>, vector<1x16xf32>,
      %add3A_304 = arith.constant 0 : i32
      %add3A_305 = arith.addi %add3A_191, %add3A_304 : i32
      %get3A_306 = arith.index_cast %add3A_305 : i32 to index
      %get3A_307 = arith.constant 80 : index
      %get3A_308 = tpu.vector_load %arg15[%get3A_306, %get3A_307] {strides = array<i32>} : memref<40x128xf32, #tpu.memory_space<vmem>>, vector<1x16xf32>,
      %get3A_309 = vector.shape_cast %get3A_308 : vector<1x16xf32> to vector<16xf32>
      %add3A_310 = arith.constant 0 : i32
      %add3A_311 = arith.addi %add3A_191, %add3A_310 : i32
      %get3A_312 = arith.index_cast %add3A_311 : i32 to index
      %get3A_313 = arith.constant 80 : index
      %get3A_314 = tpu.vector_load %arg18[%get3A_312, %get3A_313] {strides = array<i32>} : memref<40x128xf32, #tpu.memory_space<vmem>>, vector<1x16xf32>,
      %get3A_315 = vector.shape_cast %get3A_314 : vector<1x16xf32> to vector<16xf32>
      %add3A_316 = arith.addf %get3A_309, %get3A_315 : vector<16xf32>
      %max3A_317 = arith.constant 0.000000e+00 : f32
      %max3A_318 = vector.broadcast %max3A_317 : f32 to vector<16xf32>
      %max3A_319 = arith.maximumf %add3A_316, %max3A_318 : vector<16xf32>
      %add3A_320 = arith.constant 0 : i32
      %add3A_321 = arith.addi %add3A_191, %add3A_320 : i32
      %swap3A_322 = arith.index_cast %add3A_321 : i32 to index
      %swap3A_323 = arith.constant 80 : index
      %swap3A_324 = tpu.vector_load %arg15[%swap3A_322, %swap3A_323] {strides = array<i32>} : memref<40x128xf32, #tpu.memory_space<vmem>>, vector<1x16xf32>,
      %swap3A_325 = vector.shape_cast %swap3A_324 : vector<1x16xf32> to vector<16xf32>
      %swap3A_326 = vector.shape_cast %max3A_319 : vector<16xf32> to vector<1x16xf32>
      tpu.vector_store %arg15[%swap3A_322, %swap3A_323], %swap3A_326 {strides = array<i32>} : memref<40x128xf32, #tpu.memory_space<vmem>>, vector<1x16xf32>,
      %add3A_327 = arith.constant 0 : i32
      %add3A_328 = arith.addi %add3A_191, %add3A_327 : i32
      %get3A_329 = arith.index_cast %add3A_328 : i32 to index
      %get3A_330 = arith.constant 96 : index
      %get3A_331 = tpu.vector_load %arg15[%get3A_329, %get3A_330] {strides = array<i32>} : memref<40x128xf32, #tpu.memory_space<vmem>>, vector<1x16xf32>,
      %get3A_332 = vector.shape_cast %get3A_331 : vector<1x16xf32> to vector<16xf32>
      %add3A_333 = arith.constant 0 : i32
      %add3A_334 = arith.addi %add3A_191, %add3A_333 : i32
      %get3A_335 = arith.index_cast %add3A_334 : i32 to index
      %get3A_336 = arith.constant 96 : index
      %get3A_337 = tpu.vector_load %arg18[%get3A_335, %get3A_336] {strides = array<i32>} : memref<40x128xf32, #tpu.memory_space<vmem>>, vector<1x16xf32>,
      %get3A_338 = vector.shape_cast %get3A_337 : vector<1x16xf32> to vector<16xf32>
      %add3A_339 = arith.addf %get3A_332, %get3A_338 : vector<16xf32>
      %max3A_340 = arith.constant 0.000000e+00 : f32
      %max3A_341 = vector.broadcast %max3A_340 : f32 to vector<16xf32>
      %max3A_342 = arith.maximumf %add3A_339, %max3A_341 : vector<16xf32>
      %add3A_343 = arith.constant 0 : i32
      %add3A_344 = arith.addi %add3A_191, %add3A_343 : i32
      %swap3A_345 = arith.index_cast %add3A_344 : i32 to index
      %swap3A_346 = arith.constant 96 : index
      %swap3A_347 = tpu.vector_load %arg15[%swap3A_345, %swap3A_346] {strides = array<i32>} : memref<40x128xf32, #tpu.memory_space<vmem>>, vector<1x16xf32>,
      %swap3A_348 = vector.shape_cast %swap3A_347 : vector<1x16xf32> to vector<16xf32>
      %swap3A_349 = vector.shape_cast %max3A_342 : vector<16xf32> to vector<1x16xf32>
      tpu.vector_store %arg15[%swap3A_345, %swap3A_346], %swap3A_349 {strides = array<i32>} : memref<40x128xf32, #tpu.memory_space<vmem>>, vector<1x16xf32>,
      %add3A_350 = arith.constant 0 : i32
      %add3A_351 = arith.addi %add3A_191, %add3A_350 : i32
      %get3A_352 = arith.index_cast %add3A_351 : i32 to index
      %get3A_353 = arith.constant 112 : index
      %get3A_354 = tpu.vector_load %arg15[%get3A_352, %get3A_353] {strides = array<i32>} : memref<40x128xf32, #tpu.memory_space<vmem>>, vector<1x16xf32>,
      %get3A_355 = vector.shape_cast %get3A_354 : vector<1x16xf32> to vector<16xf32>
      %add3A_356 = arith.constant 0 : i32
      %add3A_357 = arith.addi %add3A_191, %add3A_356 : i32
      %get3A_358 = arith.index_cast %add3A_357 : i32 to index
      %get3A_359 = arith.constant 112 : index
      %get3A_360 = tpu.vector_load %arg18[%get3A_358, %get3A_359] {strides = array<i32>} : memref<40x128xf32, #tpu.memory_space<vmem>>, vector<1x16xf32>,
      %get3A_361 = vector.shape_cast %get3A_360 : vector<1x16xf32> to vector<16xf32>
      %add3A_362 = arith.addf %get3A_355, %get3A_361 : vector<16xf32>
      %max3A_363 = arith.constant 0.000000e+00 : f32
      %max3A_364 = vector.broadcast %max3A_363 : f32 to vector<16xf32>
      %max3A_365 = arith.maximumf %add3A_362, %max3A_364 : vector<16xf32>
      %add3A_366 = arith.constant 0 : i32
      %add3A_367 = arith.addi %add3A_191, %add3A_366 : i32
      %swap3A_368 = arith.index_cast %add3A_367 : i32 to index
      %swap3A_369 = arith.constant 112 : index
      %swap3A_370 = tpu.vector_load %arg15[%swap3A_368, %swap3A_369] {strides = array<i32>} : memref<40x128xf32, #tpu.memory_space<vmem>>, vector<1x16xf32>,
      %swap3A_371 = vector.shape_cast %swap3A_370 : vector<1x16xf32> to vector<16xf32>
      %swap3A_372 = vector.shape_cast %max3A_365 : vector<16xf32> to vector<1x16xf32>
      tpu.vector_store %arg15[%swap3A_368, %swap3A_369], %swap3A_372 {strides = array<i32>} : memref<40x128xf32, #tpu.memory_space<vmem>>, vector<1x16xf32>,
      %add3A_373 = arith.constant 1 : i32
      %add3A_374 = arith.addi %add3A_191, %add3A_373 : i32
      %get3A_375 = arith.index_cast %add3A_374 : i32 to index
      %get3A_376 = arith.constant 0 : index
      %get3A_377 = tpu.vector_load %arg15[%get3A_375, %get3A_376] {strides = array<i32>} : memref<40x128xf32, #tpu.memory_space<vmem>>, vector<1x16xf32>,
      %get3A_378 = vector.shape_cast %get3A_377 : vector<1x16xf32> to vector<16xf32>
      %add3A_379 = arith.constant 1 : i32
      %add3A_380 = arith.addi %add3A_191, %add3A_379 : i32
      %get3A_381 = arith.index_cast %add3A_380 : i32 to index
      %get3A_382 = arith.constant 0 : index
      %get3A_383 = tpu.vector_load %arg18[%get3A_381, %get3A_382] {strides = array<i32>} : memref<40x128xf32, #tpu.memory_space<vmem>>, vector<1x16xf32>,
      %get3A_384 = vector.shape_cast %get3A_383 : vector<1x16xf32> to vector<16xf32>
      %add3A_385 = arith.addf %get3A_378, %get3A_384 : vector<16xf32>
      %max3A_386 = arith.constant 0.000000e+00 : f32
      %max3A_387 = vector.broadcast %max3A_386 : f32 to vector<16xf32>
      %max3A_388 = arith.maximumf %add3A_385, %max3A_387 : vector<16xf32>
      %add3A_389 = arith.constant 1 : i32
      %add3A_390 = arith.addi %add3A_191, %add3A_389 : i32
      %swap3A_391 = arith.index_cast %add3A_390 : i32 to index
      %swap3A_392 = arith.constant 0 : index
      %swap3A_393 = tpu.vector_load %arg15[%swap3A_391, %swap3A_392] {strides = array<i32>} : memref<40x128xf32, #tpu.memory_space<vmem>>, vector<1x16xf32>,
      %swap3A_394 = vector.shape_cast %swap3A_393 : vector<1x16xf32> to vector<16xf32>
      %swap3A_395 = vector.shape_cast %max3A_388 : vector<16xf32> to vector<1x16xf32>
      tpu.vector_store %arg15[%swap3A_391, %swap3A_392], %swap3A_395 {strides = array<i32>} : memref<40x128xf32, #tpu.memory_space<vmem>>, vector<1x16xf32>,
      %add3A_396 = arith.constant 1 : i32
      %add3A_397 = arith.addi %add3A_191, %add3A_396 : i32
      %get3A_398 = arith.index_cast %add3A_397 : i32 to index
      %get3A_399 = arith.constant 16 : index
      %get3A_400 = tpu.vector_load %arg15[%get3A_398, %get3A_399] {strides = array<i32>} : memref<40x128xf32, #tpu.memory_space<vmem>>, vector<1x16xf32>,
      %get3A_401 = vector.shape_cast %get3A_400 : vector<1x16xf32> to vector<16xf32>
      %add3A_402 = arith.constant 1 : i32
      %add3A_403 = arith.addi %add3A_191, %add3A_402 : i32
      %get3A_404 = arith.index_cast %add3A_403 : i32 to index
      %get3A_405 = arith.constant 16 : index
      %get3A_406 = tpu.vector_load %arg18[%get3A_404, %get3A_405] {strides = array<i32>} : memref<40x128xf32, #tpu.memory_space<vmem>>, vector<1x16xf32>,
      %get3A_407 = vector.shape_cast %get3A_406 : vector<1x16xf32> to vector<16xf32>
      %add3A_408 = arith.addf %get3A_401, %get3A_407 : vector<16xf32>
      %max3A_409 = arith.constant 0.000000e+00 : f32
      %max3A_410 = vector.broadcast %max3A_409 : f32 to vector<16xf32>
      %max3A_411 = arith.maximumf %add3A_408, %max3A_410 : vector<16xf32>
      %add3A_412 = arith.constant 1 : i32
      %add3A_413 = arith.addi %add3A_191, %add3A_412 : i32
      %swap3A_414 = arith.index_cast %add3A_413 : i32 to index
      %swap3A_415 = arith.constant 16 : index
      %swap3A_416 = tpu.vector_load %arg15[%swap3A_414, %swap3A_415] {strides = array<i32>} : memref<40x128xf32, #tpu.memory_space<vmem>>, vector<1x16xf32>,
      %swap3A_417 = vector.shape_cast %swap3A_416 : vector<1x16xf32> to vector<16xf32>
      %swap3A_418 = vector.shape_cast %max3A_411 : vector<16xf32> to vector<1x16xf32>
      tpu.vector_store %arg15[%swap3A_414, %swap3A_415], %swap3A_418 {strides = array<i32>} : memref<40x128xf32, #tpu.memory_space<vmem>>, vector<1x16xf32>,
      %add3A_419 = arith.constant 1 : i32
      %add3A_420 = arith.addi %add3A_191, %add3A_419 : i32
      %get3A_421 = arith.index_cast %add3A_420 : i32 to index
      %get3A_422 = arith.constant 32 : index
      %get3A_423 = tpu.vector_load %arg15[%get3A_421, %get3A_422] {strides = array<i32>} : memref<40x128xf32, #tpu.memory_space<vmem>>, vector<1x16xf32>,
      %get3A_424 = vector.shape_cast %get3A_423 : vector<1x16xf32> to vector<16xf32>
      %add3A_425 = arith.constant 1 : i32
      %add3A_426 = arith.addi %add3A_191, %add3A_425 : i32
      %get3A_427 = arith.index_cast %add3A_426 : i32 to index
      %get3A_428 = arith.constant 32 : index
      %get3A_429 = tpu.vector_load %arg18[%get3A_427, %get3A_428] {strides = array<i32>} : memref<40x128xf32, #tpu.memory_space<vmem>>, vector<1x16xf32>,
      %get3A_430 = vector.shape_cast %get3A_429 : vector<1x16xf32> to vector<16xf32>
      %add3A_431 = arith.addf %get3A_424, %get3A_430 : vector<16xf32>
      %max3A_432 = arith.constant 0.000000e+00 : f32
      %max3A_433 = vector.broadcast %max3A_432 : f32 to vector<16xf32>
      %max3A_434 = arith.maximumf %add3A_431, %max3A_433 : vector<16xf32>
      %add3A_435 = arith.constant 1 : i32
      %add3A_436 = arith.addi %add3A_191, %add3A_435 : i32
      %swap3A_437 = arith.index_cast %add3A_436 : i32 to index
      %swap3A_438 = arith.constant 32 : index
      %swap3A_439 = tpu.vector_load %arg15[%swap3A_437, %swap3A_438] {strides = array<i32>} : memref<40x128xf32, #tpu.memory_space<vmem>>, vector<1x16xf32>,
      %swap3A_440 = vector.shape_cast %swap3A_439 : vector<1x16xf32> to vector<16xf32>
      %swap3A_441 = vector.shape_cast %max3A_434 : vector<16xf32> to vector<1x16xf32>
      tpu.vector_store %arg15[%swap3A_437, %swap3A_438], %swap3A_441 {strides = array<i32>} : memref<40x128xf32, #tpu.memory_space<vmem>>, vector<1x16xf32>,
      %add3A_442 = arith.constant 1 : i32
      %add3A_443 = arith.addi %add3A_191, %add3A_442 : i32
      %get3A_444 = arith.index_cast %add3A_443 : i32 to index
      %get3A_445 = arith.constant 48 : index
      %get3A_446 = tpu.vector_load %arg15[%get3A_444, %get3A_445] {strides = array<i32>} : memref<40x128xf32, #tpu.memory_space<vmem>>, vector<1x16xf32>,
      %get3A_447 = vector.shape_cast %get3A_446 : vector<1x16xf32> to vector<16xf32>
      %add3A_448 = arith.constant 1 : i32
      %add3A_449 = arith.addi %add3A_191, %add3A_448 : i32
      %get3A_450 = arith.index_cast %add3A_449 : i32 to index
      %get3A_451 = arith.constant 48 : index
      %get3A_452 = tpu.vector_load %arg18[%get3A_450, %get3A_451] {strides = array<i32>} : memref<40x128xf32, #tpu.memory_space<vmem>>, vector<1x16xf32>,
      %get3A_453 = vector.shape_cast %get3A_452 : vector<1x16xf32> to vector<16xf32>
      %add3A_454 = arith.addf %get3A_447, %get3A_453 : vector<16xf32>
      %max3A_455 = arith.constant 0.000000e+00 : f32
      %max3A_456 = vector.broadcast %max3A_455 : f32 to vector<16xf32>
      %max3A_457 = arith.maximumf %add3A_454, %max3A_456 : vector<16xf32>
      %add3A_458 = arith.constant 1 : i32
      %add3A_459 = arith.addi %add3A_191, %add3A_458 : i32
      %swap3A_460 = arith.index_cast %add3A_459 : i32 to index
      %swap3A_461 = arith.constant 48 : index
      %swap3A_462 = tpu.vector_load %arg15[%swap3A_460, %swap3A_461] {strides = array<i32>} : memref<40x128xf32, #tpu.memory_space<vmem>>, vector<1x16xf32>,
      %swap3A_463 = vector.shape_cast %swap3A_462 : vector<1x16xf32> to vector<16xf32>
      %swap3A_464 = vector.shape_cast %max3A_457 : vector<16xf32> to vector<1x16xf32>
      tpu.vector_store %arg15[%swap3A_460, %swap3A_461], %swap3A_464 {strides = array<i32>} : memref<40x128xf32, #tpu.memory_space<vmem>>, vector<1x16xf32>,
      %add3A_465 = arith.constant 1 : i32
      %add3A_466 = arith.addi %add3A_191, %add3A_465 : i32
      %get3A_467 = arith.index_cast %add3A_466 : i32 to index
      %get3A_468 = arith.constant 64 : index
      %get3A_469 = tpu.vector_load %arg15[%get3A_467, %get3A_468] {strides = array<i32>} : memref<40x128xf32, #tpu.memory_space<vmem>>, vector<1x16xf32>,
      %get3A_470 = vector.shape_cast %get3A_469 : vector<1x16xf32> to vector<16xf32>
      %add3A_471 = arith.constant 1 : i32
      %add3A_472 = arith.addi %add3A_191, %add3A_471 : i32
      %get3A_473 = arith.index_cast %add3A_472 : i32 to index
      %get3A_474 = arith.constant 64 : index
      %get3A_475 = tpu.vector_load %arg18[%get3A_473, %get3A_474] {strides = array<i32>} : memref<40x128xf32, #tpu.memory_space<vmem>>, vector<1x16xf32>,
      %get3A_476 = vector.shape_cast %get3A_475 : vector<1x16xf32> to vector<16xf32>
      %add3A_477 = arith.addf %get3A_470, %get3A_476 : vector<16xf32>
      %max3A_478 = arith.constant 0.000000e+00 : f32
      %max3A_479 = vector.broadcast %max3A_478 : f32 to vector<16xf32>
      %max3A_480 = arith.maximumf %add3A_477, %max3A_479 : vector<16xf32>
      %add3A_481 = arith.constant 1 : i32
      %add3A_482 = arith.addi %add3A_191, %add3A_481 : i32
      %swap3A_483 = arith.index_cast %add3A_482 : i32 to index
      %swap3A_484 = arith.constant 64 : index
      %swap3A_485 = tpu.vector_load %arg15[%swap3A_483, %swap3A_484] {strides = array<i32>} : memref<40x128xf32, #tpu.memory_space<vmem>>, vector<1x16xf32>,
      %swap3A_486 = vector.shape_cast %swap3A_485 : vector<1x16xf32> to vector<16xf32>
      %swap3A_487 = vector.shape_cast %max3A_480 : vector<16xf32> to vector<1x16xf32>
      tpu.vector_store %arg15[%swap3A_483, %swap3A_484], %swap3A_487 {strides = array<i32>} : memref<40x128xf32, #tpu.memory_space<vmem>>, vector<1x16xf32>,
      %add3A_488 = arith.constant 1 : i32
      %add3A_489 = arith.addi %add3A_191, %add3A_488 : i32
      %get3A_490 = arith.index_cast %add3A_489 : i32 to index
      %get3A_491 = arith.constant 80 : index
      %get3A_492 = tpu.vector_load %arg15[%get3A_490, %get3A_491] {strides = array<i32>} : memref<40x128xf32, #tpu.memory_space<vmem>>, vector<1x16xf32>,
      %get3A_493 = vector.shape_cast %get3A_492 : vector<1x16xf32> to vector<16xf32>
      %add3A_494 = arith.constant 1 : i32
      %add3A_495 = arith.addi %add3A_191, %add3A_494 : i32
      %get3A_496 = arith.index_cast %add3A_495 : i32 to index
      %get3A_497 = arith.constant 80 : index
      %get3A_498 = tpu.vector_load %arg18[%get3A_496, %get3A_497] {strides = array<i32>} : memref<40x128xf32, #tpu.memory_space<vmem>>, vector<1x16xf32>,
      %get3A_499 = vector.shape_cast %get3A_498 : vector<1x16xf32> to vector<16xf32>
      %add3A_500 = arith.addf %get3A_493, %get3A_499 : vector<16xf32>
      %max3A_501 = arith.constant 0.000000e+00 : f32
      %max3A_502 = vector.broadcast %max3A_501 : f32 to vector<16xf32>
      %max3A_503 = arith.maximumf %add3A_500, %max3A_502 : vector<16xf32>
      %add3A_504 = arith.constant 1 : i32
      %add3A_505 = arith.addi %add3A_191, %add3A_504 : i32
      %swap3A_506 = arith.index_cast %add3A_505 : i32 to index
      %swap3A_507 = arith.constant 80 : index
      %swap3A_508 = tpu.vector_load %arg15[%swap3A_506, %swap3A_507] {strides = array<i32>} : memref<40x128xf32, #tpu.memory_space<vmem>>, vector<1x16xf32>,
      %swap3A_509 = vector.shape_cast %swap3A_508 : vector<1x16xf32> to vector<16xf32>
      %swap3A_510 = vector.shape_cast %max3A_503 : vector<16xf32> to vector<1x16xf32>
      tpu.vector_store %arg15[%swap3A_506, %swap3A_507], %swap3A_510 {strides = array<i32>} : memref<40x128xf32, #tpu.memory_space<vmem>>, vector<1x16xf32>,
      %add3A_511 = arith.constant 1 : i32
      %add3A_512 = arith.addi %add3A_191, %add3A_511 : i32
      %get3A_513 = arith.index_cast %add3A_512 : i32 to index
      %get3A_514 = arith.constant 96 : index
      %get3A_515 = tpu.vector_load %arg15[%get3A_513, %get3A_514] {strides = array<i32>} : memref<40x128xf32, #tpu.memory_space<vmem>>, vector<1x16xf32>,
      %get3A_516 = vector.shape_cast %get3A_515 : vector<1x16xf32> to vector<16xf32>
      %add3A_517 = arith.constant 1 : i32
      %add3A_518 = arith.addi %add3A_191, %add3A_517 : i32
      %get3A_519 = arith.index_cast %add3A_518 : i32 to index
      %get3A_520 = arith.constant 96 : index
      %get3A_521 = tpu.vector_load %arg18[%get3A_519, %get3A_520] {strides = array<i32>} : memref<40x128xf32, #tpu.memory_space<vmem>>, vector<1x16xf32>,
      %get3A_522 = vector.shape_cast %get3A_521 : vector<1x16xf32> to vector<16xf32>
      %add3A_523 = arith.addf %get3A_516, %get3A_522 : vector<16xf32>
      %max3A_524 = arith.constant 0.000000e+00 : f32
      %max3A_525 = vector.broadcast %max3A_524 : f32 to vector<16xf32>
      %max3A_526 = arith.maximumf %add3A_523, %max3A_525 : vector<16xf32>
      %add3A_527 = arith.constant 1 : i32
      %add3A_528 = arith.addi %add3A_191, %add3A_527 : i32
      %swap3A_529 = arith.index_cast %add3A_528 : i32 to index
      %swap3A_530 = arith.constant 96 : index
      %swap3A_531 = tpu.vector_load %arg15[%swap3A_529, %swap3A_530] {strides = array<i32>} : memref<40x128xf32, #tpu.memory_space<vmem>>, vector<1x16xf32>,
      %swap3A_532 = vector.shape_cast %swap3A_531 : vector<1x16xf32> to vector<16xf32>
      %swap3A_533 = vector.shape_cast %max3A_526 : vector<16xf32> to vector<1x16xf32>
      tpu.vector_store %arg15[%swap3A_529, %swap3A_530], %swap3A_533 {strides = array<i32>} : memref<40x128xf32, #tpu.memory_space<vmem>>, vector<1x16xf32>,
      %add3A_534 = arith.constant 1 : i32
      %add3A_535 = arith.addi %add3A_191, %add3A_534 : i32
      %get3A_536 = arith.index_cast %add3A_535 : i32 to index
      %get3A_537 = arith.constant 112 : index
      %get3A_538 = tpu.vector_load %arg15[%get3A_536, %get3A_537] {strides = array<i32>} : memref<40x128xf32, #tpu.memory_space<vmem>>, vector<1x16xf32>,
      %get3A_539 = vector.shape_cast %get3A_538 : vector<1x16xf32> to vector<16xf32>
      %add3A_540 = arith.constant 1 : i32
      %add3A_541 = arith.addi %add3A_191, %add3A_540 : i32
      %get3A_542 = arith.index_cast %add3A_541 : i32 to index
      %get3A_543 = arith.constant 112 : index
      %get3A_544 = tpu.vector_load %arg18[%get3A_542, %get3A_543] {strides = array<i32>} : memref<40x128xf32, #tpu.memory_space<vmem>>, vector<1x16xf32>,
      %get3A_545 = vector.shape_cast %get3A_544 : vector<1x16xf32> to vector<16xf32>
      %add3A_546 = arith.addf %get3A_539, %get3A_545 : vector<16xf32>
      %max3A_547 = arith.constant 0.000000e+00 : f32
      %max3A_548 = vector.broadcast %max3A_547 : f32 to vector<16xf32>
      %max3A_549 = arith.maximumf %add3A_546, %max3A_548 : vector<16xf32>
      %add3A_550 = arith.constant 1 : i32
      %add3A_551 = arith.addi %add3A_191, %add3A_550 : i32
      %swap3A_552 = arith.index_cast %add3A_551 : i32 to index
      %swap3A_553 = arith.constant 112 : index
      %swap3A_554 = tpu.vector_load %arg15[%swap3A_552, %swap3A_553] {strides = array<i32>} : memref<40x128xf32, #tpu.memory_space<vmem>>, vector<1x16xf32>,
      %swap3A_555 = vector.shape_cast %swap3A_554 : vector<1x16xf32> to vector<16xf32>
      %swap3A_556 = vector.shape_cast %max3A_549 : vector<16xf32> to vector<1x16xf32>
      tpu.vector_store %arg15[%swap3A_552, %swap3A_553], %swap3A_556 {strides = array<i32>} : memref<40x128xf32, #tpu.memory_space<vmem>>, vector<1x16xf32>,
    }
    %scan3A_145 = arith.constant 20 : i32
    %dma_wait3A_146 = arith.constant 0 : i32
    %dma_wait3A_147 = tpu.memref_slice %arg4[%dma_wait3A_146] : memref<320000xi32, #tpu.memory_space<hbm>> -> memref<40xi32, #tpu.memory_space<hbm>>
    %dma_wait3A_148 = arith.constant 0 : i32
    %dma_wait3A_149 = tpu.memref_slice %arg4[%dma_wait3A_148] : memref<320000xi32, #tpu.memory_space<hbm>> -> memref<40xi32, #tpu.memory_space<hbm>>
    tpu.wait_dma2 semaphore(%arg25 : memref<!tpu.dma_semaphore, #tpu.memory_space<semaphore_mem>>) src(%dma_wait3A_149 : memref<40xi32, #tpu.memory_space<hbm>>) dst(%arg12 : memref<40xi32, #tpu.memory_space<vmem>>)
    %dma_wait3A_150 = arith.constant 0 : i32
    %dma_wait3A_151 = arith.constant 0 : i32
    %dma_wait3A_152 = tpu.memref_slice %arg5[%dma_wait3A_150, %dma_wait3A_151] : memref<320000x128xf32, #tpu.memory_space<hbm>> -> memref<40x128xf32, #tpu.memory_space<hbm>>
    %dma_wait3A_153 = arith.constant 0 : i32
    %dma_wait3A_154 = arith.constant 0 : i32
    %dma_wait3A_155 = tpu.memref_slice %arg5[%dma_wait3A_153, %dma_wait3A_154] : memref<320000x128xf32, #tpu.memory_space<hbm>> -> memref<40x128xf32, #tpu.memory_space<hbm>>
    tpu.wait_dma2 semaphore(%arg29 : memref<!tpu.dma_semaphore, #tpu.memory_space<semaphore_mem>>) src(%dma_wait3A_155 : memref<40x128xf32, #tpu.memory_space<hbm>>) dst(%arg16 : memref<40x128xf32, #tpu.memory_space<vmem>>)
    %dma_wait3A_156 = arith.constant 0 : i32
    %dma_wait3A_157 = arith.constant 0 : i32
    %dma_wait3A_158 = tpu.memref_slice %arg2[%dma_wait3A_156, %dma_wait3A_157] : memref<10000x128xf32, #tpu.memory_space<hbm>> -> memref<10000x128xf32, #tpu.memory_space<hbm>>
    tpu.wait_indirect_dma semaphore(%arg26 : memref<!tpu.dma_semaphore, #tpu.memory_space<semaphore_mem>>) src(%dma_wait3A_158 : memref<10000x128xf32, #tpu.memory_space<hbm>>) dst(%arg13 : memref<40x128xf32, #tpu.memory_space<vmem>>)
    %scan3A_159 = arith.constant 0 : i32
    %scan3A_160 = arith.constant 20 : i32
    %scan3A_161 = arith.addi %scan3A_159, %scan3A_160 : i32
    %scan3A_162 = arith.constant 1 : i32
    scf.for %scan3A_187 = %scan3A_159 to %scan3A_161 step %scan3A_162  : i32 {
      %mul3A_188 = arith.constant 2 : i32
      %mul3A_189 = arith.muli %scan3A_187, %mul3A_188 : i32
      %add3A_190 = arith.constant 0 : i32
      %add3A_191 = arith.addi %add3A_190, %mul3A_189 : i32
      %add3A_192 = arith.constant 0 : i32
      %add3A_193 = arith.addi %add3A_191, %add3A_192 : i32
      %get3A = arith.index_cast %add3A_193 : i32 to index
      %get3A_194 = arith.constant 0 : index
      %get3A_195 = tpu.vector_load %arg13[%get3A, %get3A_194] {strides = array<i32>} : memref<40x128xf32, #tpu.memory_space<vmem>>, vector<1x16xf32>,
      %get3A_196 = vector.shape_cast %get3A_195 : vector<1x16xf32> to vector<16xf32>
      %add3A_197 = arith.constant 0 : i32
      %add3A_198 = arith.addi %add3A_191, %add3A_197 : i32
      %get3A_199 = arith.index_cast %add3A_198 : i32 to index
      %get3A_200 = arith.constant 0 : index
      %get3A_201 = tpu.vector_load %arg16[%get3A_199, %get3A_200] {strides = array<i32>} : memref<40x128xf32, #tpu.memory_space<vmem>>, vector<1x16xf32>,
      %get3A_202 = vector.shape_cast %get3A_201 : vector<1x16xf32> to vector<16xf32>
      %add3A_203 = arith.addf %get3A_196, %get3A_202 : vector<16xf32>
      %max3A = arith.constant 0.000000e+00 : f32
      %max3A_204 = vector.broadcast %max3A : f32 to vector<16xf32>
      %max3A_205 = arith.maximumf %add3A_203, %max3A_204 : vector<16xf32>
      %add3A_206 = arith.constant 0 : i32
      %add3A_207 = arith.addi %add3A_191, %add3A_206 : i32
      %swap3A = arith.index_cast %add3A_207 : i32 to index
      %swap3A_208 = arith.constant 0 : index
      %swap3A_209 = tpu.vector_load %arg13[%swap3A, %swap3A_208] {strides = array<i32>} : memref<40x128xf32, #tpu.memory_space<vmem>>, vector<1x16xf32>,
      %swap3A_210 = vector.shape_cast %swap3A_209 : vector<1x16xf32> to vector<16xf32>
      %swap3A_211 = vector.shape_cast %max3A_205 : vector<16xf32> to vector<1x16xf32>
      tpu.vector_store %arg13[%swap3A, %swap3A_208], %swap3A_211 {strides = array<i32>} : memref<40x128xf32, #tpu.memory_space<vmem>>, vector<1x16xf32>,
      %add3A_212 = arith.constant 0 : i32
      %add3A_213 = arith.addi %add3A_191, %add3A_212 : i32
      %get3A_214 = arith.index_cast %add3A_213 : i32 to index
      %get3A_215 = arith.constant 16 : index
      %get3A_216 = tpu.vector_load %arg13[%get3A_214, %get3A_215] {strides = array<i32>} : memref<40x128xf32, #tpu.memory_space<vmem>>, vector<1x16xf32>,
      %get3A_217 = vector.shape_cast %get3A_216 : vector<1x16xf32> to vector<16xf32>
      %add3A_218 = arith.constant 0 : i32
      %add3A_219 = arith.addi %add3A_191, %add3A_218 : i32
      %get3A_220 = arith.index_cast %add3A_219 : i32 to index
      %get3A_221 = arith.constant 16 : index
      %get3A_222 = tpu.vector_load %arg16[%get3A_220, %get3A_221] {strides = array<i32>} : memref<40x128xf32, #tpu.memory_space<vmem>>, vector<1x16xf32>,
      %get3A_223 = vector.shape_cast %get3A_222 : vector<1x16xf32> to vector<16xf32>
      %add3A_224 = arith.addf %get3A_217, %get3A_223 : vector<16xf32>
      %max3A_225 = arith.constant 0.000000e+00 : f32
      %max3A_226 = vector.broadcast %max3A_225 : f32 to vector<16xf32>
      %max3A_227 = arith.maximumf %add3A_224, %max3A_226 : vector<16xf32>
      %add3A_228 = arith.constant 0 : i32
      %add3A_229 = arith.addi %add3A_191, %add3A_228 : i32
      %swap3A_230 = arith.index_cast %add3A_229 : i32 to index
      %swap3A_231 = arith.constant 16 : index
      %swap3A_232 = tpu.vector_load %arg13[%swap3A_230, %swap3A_231] {strides = array<i32>} : memref<40x128xf32, #tpu.memory_space<vmem>>, vector<1x16xf32>,
      %swap3A_233 = vector.shape_cast %swap3A_232 : vector<1x16xf32> to vector<16xf32>
      %swap3A_234 = vector.shape_cast %max3A_227 : vector<16xf32> to vector<1x16xf32>
      tpu.vector_store %arg13[%swap3A_230, %swap3A_231], %swap3A_234 {strides = array<i32>} : memref<40x128xf32, #tpu.memory_space<vmem>>, vector<1x16xf32>,
      %add3A_235 = arith.constant 0 : i32
      %add3A_236 = arith.addi %add3A_191, %add3A_235 : i32
      %get3A_237 = arith.index_cast %add3A_236 : i32 to index
      %get3A_238 = arith.constant 32 : index
      %get3A_239 = tpu.vector_load %arg13[%get3A_237, %get3A_238] {strides = array<i32>} : memref<40x128xf32, #tpu.memory_space<vmem>>, vector<1x16xf32>,
      %get3A_240 = vector.shape_cast %get3A_239 : vector<1x16xf32> to vector<16xf32>
      %add3A_241 = arith.constant 0 : i32
      %add3A_242 = arith.addi %add3A_191, %add3A_241 : i32
      %get3A_243 = arith.index_cast %add3A_242 : i32 to index
      %get3A_244 = arith.constant 32 : index
      %get3A_245 = tpu.vector_load %arg16[%get3A_243, %get3A_244] {strides = array<i32>} : memref<40x128xf32, #tpu.memory_space<vmem>>, vector<1x16xf32>,
      %get3A_246 = vector.shape_cast %get3A_245 : vector<1x16xf32> to vector<16xf32>
      %add3A_247 = arith.addf %get3A_240, %get3A_246 : vector<16xf32>
      %max3A_248 = arith.constant 0.000000e+00 : f32
      %max3A_249 = vector.broadcast %max3A_248 : f32 to vector<16xf32>
      %max3A_250 = arith.maximumf %add3A_247, %max3A_249 : vector<16xf32>
      %add3A_251 = arith.constant 0 : i32
      %add3A_252 = arith.addi %add3A_191, %add3A_251 : i32
      %swap3A_253 = arith.index_cast %add3A_252 : i32 to index
      %swap3A_254 = arith.constant 32 : index
      %swap3A_255 = tpu.vector_load %arg13[%swap3A_253, %swap3A_254] {strides = array<i32>} : memref<40x128xf32, #tpu.memory_space<vmem>>, vector<1x16xf32>,
      %swap3A_256 = vector.shape_cast %swap3A_255 : vector<1x16xf32> to vector<16xf32>
      %swap3A_257 = vector.shape_cast %max3A_250 : vector<16xf32> to vector<1x16xf32>
      tpu.vector_store %arg13[%swap3A_253, %swap3A_254], %swap3A_257 {strides = array<i32>} : memref<40x128xf32, #tpu.memory_space<vmem>>, vector<1x16xf32>,
      %add3A_258 = arith.constant 0 : i32
      %add3A_259 = arith.addi %add3A_191, %add3A_258 : i32
      %get3A_260 = arith.index_cast %add3A_259 : i32 to index
      %get3A_261 = arith.constant 48 : index
      %get3A_262 = tpu.vector_load %arg13[%get3A_260, %get3A_261] {strides = array<i32>} : memref<40x128xf32, #tpu.memory_space<vmem>>, vector<1x16xf32>,
      %get3A_263 = vector.shape_cast %get3A_262 : vector<1x16xf32> to vector<16xf32>
      %add3A_264 = arith.constant 0 : i32
      %add3A_265 = arith.addi %add3A_191, %add3A_264 : i32
      %get3A_266 = arith.index_cast %add3A_265 : i32 to index
      %get3A_267 = arith.constant 48 : index
      %get3A_268 = tpu.vector_load %arg16[%get3A_266, %get3A_267] {strides = array<i32>} : memref<40x128xf32, #tpu.memory_space<vmem>>, vector<1x16xf32>,
      %get3A_269 = vector.shape_cast %get3A_268 : vector<1x16xf32> to vector<16xf32>
      %add3A_270 = arith.addf %get3A_263, %get3A_269 : vector<16xf32>
      %max3A_271 = arith.constant 0.000000e+00 : f32
      %max3A_272 = vector.broadcast %max3A_271 : f32 to vector<16xf32>
      %max3A_273 = arith.maximumf %add3A_270, %max3A_272 : vector<16xf32>
      %add3A_274 = arith.constant 0 : i32
      %add3A_275 = arith.addi %add3A_191, %add3A_274 : i32
      %swap3A_276 = arith.index_cast %add3A_275 : i32 to index
      %swap3A_277 = arith.constant 48 : index
      %swap3A_278 = tpu.vector_load %arg13[%swap3A_276, %swap3A_277] {strides = array<i32>} : memref<40x128xf32, #tpu.memory_space<vmem>>, vector<1x16xf32>,
      %swap3A_279 = vector.shape_cast %swap3A_278 : vector<1x16xf32> to vector<16xf32>
      %swap3A_280 = vector.shape_cast %max3A_273 : vector<16xf32> to vector<1x16xf32>
      tpu.vector_store %arg13[%swap3A_276, %swap3A_277], %swap3A_280 {strides = array<i32>} : memref<40x128xf32, #tpu.memory_space<vmem>>, vector<1x16xf32>,
      %add3A_281 = arith.constant 0 : i32
      %add3A_282 = arith.addi %add3A_191, %add3A_281 : i32
      %get3A_283 = arith.index_cast %add3A_282 : i32 to index
      %get3A_284 = arith.constant 64 : index
      %get3A_285 = tpu.vector_load %arg13[%get3A_283, %get3A_284] {strides = array<i32>} : memref<40x128xf32, #tpu.memory_space<vmem>>, vector<1x16xf32>,
      %get3A_286 = vector.shape_cast %get3A_285 : vector<1x16xf32> to vector<16xf32>
      %add3A_287 = arith.constant 0 : i32
      %add3A_288 = arith.addi %add3A_191, %add3A_287 : i32
      %get3A_289 = arith.index_cast %add3A_288 : i32 to index
      %get3A_290 = arith.constant 64 : index
      %get3A_291 = tpu.vector_load %arg16[%get3A_289, %get3A_290] {strides = array<i32>} : memref<40x128xf32, #tpu.memory_space<vmem>>, vector<1x16xf32>,
      %get3A_292 = vector.shape_cast %get3A_291 : vector<1x16xf32> to vector<16xf32>
      %add3A_293 = arith.addf %get3A_286, %get3A_292 : vector<16xf32>
      %max3A_294 = arith.constant 0.000000e+00 : f32
      %max3A_295 = vector.broadcast %max3A_294 : f32 to vector<16xf32>
      %max3A_296 = arith.maximumf %add3A_293, %max3A_295 : vector<16xf32>
      %add3A_297 = arith.constant 0 : i32
      %add3A_298 = arith.addi %add3A_191, %add3A_297 : i32
      %swap3A_299 = arith.index_cast %add3A_298 : i32 to index
      %swap3A_300 = arith.constant 64 : index
      %swap3A_301 = tpu.vector_load %arg13[%swap3A_299, %swap3A_300] {strides = array<i32>} : memref<40x128xf32, #tpu.memory_space<vmem>>, vector<1x16xf32>,
      %swap3A_302 = vector.shape_cast %swap3A_301 : vector<1x16xf32> to vector<16xf32>
      %swap3A_303 = vector.shape_cast %max3A_296 : vector<16xf32> to vector<1x16xf32>
      tpu.vector_store %arg13[%swap3A_299, %swap3A_300], %swap3A_303 {strides = array<i32>} : memref<40x128xf32, #tpu.memory_space<vmem>>, vector<1x16xf32>,
      %add3A_304 = arith.constant 0 : i32
      %add3A_305 = arith.addi %add3A_191, %add3A_304 : i32
      %get3A_306 = arith.index_cast %add3A_305 : i32 to index
      %get3A_307 = arith.constant 80 : index
      %get3A_308 = tpu.vector_load %arg13[%get3A_306, %get3A_307] {strides = array<i32>} : memref<40x128xf32, #tpu.memory_space<vmem>>, vector<1x16xf32>,
      %get3A_309 = vector.shape_cast %get3A_308 : vector<1x16xf32> to vector<16xf32>
      %add3A_310 = arith.constant 0 : i32
      %add3A_311 = arith.addi %add3A_191, %add3A_310 : i32
      %get3A_312 = arith.index_cast %add3A_311 : i32 to index
      %get3A_313 = arith.constant 80 : index
      %get3A_314 = tpu.vector_load %arg16[%get3A_312, %get3A_313] {strides = array<i32>} : memref<40x128xf32, #tpu.memory_space<vmem>>, vector<1x16xf32>,
      %get3A_315 = vector.shape_cast %get3A_314 : vector<1x16xf32> to vector<16xf32>
      %add3A_316 = arith.addf %get3A_309, %get3A_315 : vector<16xf32>
      %max3A_317 = arith.constant 0.000000e+00 : f32
      %max3A_318 = vector.broadcast %max3A_317 : f32 to vector<16xf32>
      %max3A_319 = arith.maximumf %add3A_316, %max3A_318 : vector<16xf32>
      %add3A_320 = arith.constant 0 : i32
      %add3A_321 = arith.addi %add3A_191, %add3A_320 : i32
      %swap3A_322 = arith.index_cast %add3A_321 : i32 to index
      %swap3A_323 = arith.constant 80 : index
      %swap3A_324 = tpu.vector_load %arg13[%swap3A_322, %swap3A_323] {strides = array<i32>} : memref<40x128xf32, #tpu.memory_space<vmem>>, vector<1x16xf32>,
      %swap3A_325 = vector.shape_cast %swap3A_324 : vector<1x16xf32> to vector<16xf32>
      %swap3A_326 = vector.shape_cast %max3A_319 : vector<16xf32> to vector<1x16xf32>
      tpu.vector_store %arg13[%swap3A_322, %swap3A_323], %swap3A_326 {strides = array<i32>} : memref<40x128xf32, #tpu.memory_space<vmem>>, vector<1x16xf32>,
      %add3A_327 = arith.constant 0 : i32
      %add3A_328 = arith.addi %add3A_191, %add3A_327 : i32
      %get3A_329 = arith.index_cast %add3A_328 : i32 to index
      %get3A_330 = arith.constant 96 : index
      %get3A_331 = tpu.vector_load %arg13[%get3A_329, %get3A_330] {strides = array<i32>} : memref<40x128xf32, #tpu.memory_space<vmem>>, vector<1x16xf32>,
      %get3A_332 = vector.shape_cast %get3A_331 : vector<1x16xf32> to vector<16xf32>
      %add3A_333 = arith.constant 0 : i32
      %add3A_334 = arith.addi %add3A_191, %add3A_333 : i32
      %get3A_335 = arith.index_cast %add3A_334 : i32 to index
      %get3A_336 = arith.constant 96 : index
      %get3A_337 = tpu.vector_load %arg16[%get3A_335, %get3A_336] {strides = array<i32>} : memref<40x128xf32, #tpu.memory_space<vmem>>, vector<1x16xf32>,
      %get3A_338 = vector.shape_cast %get3A_337 : vector<1x16xf32> to vector<16xf32>
      %add3A_339 = arith.addf %get3A_332, %get3A_338 : vector<16xf32>
      %max3A_340 = arith.constant 0.000000e+00 : f32
      %max3A_341 = vector.broadcast %max3A_340 : f32 to vector<16xf32>
      %max3A_342 = arith.maximumf %add3A_339, %max3A_341 : vector<16xf32>
      %add3A_343 = arith.constant 0 : i32
      %add3A_344 = arith.addi %add3A_191, %add3A_343 : i32
      %swap3A_345 = arith.index_cast %add3A_344 : i32 to index
      %swap3A_346 = arith.constant 96 : index
      %swap3A_347 = tpu.vector_load %arg13[%swap3A_345, %swap3A_346] {strides = array<i32>} : memref<40x128xf32, #tpu.memory_space<vmem>>, vector<1x16xf32>,
      %swap3A_348 = vector.shape_cast %swap3A_347 : vector<1x16xf32> to vector<16xf32>
      %swap3A_349 = vector.shape_cast %max3A_342 : vector<16xf32> to vector<1x16xf32>
      tpu.vector_store %arg13[%swap3A_345, %swap3A_346], %swap3A_349 {strides = array<i32>} : memref<40x128xf32, #tpu.memory_space<vmem>>, vector<1x16xf32>,
      %add3A_350 = arith.constant 0 : i32
      %add3A_351 = arith.addi %add3A_191, %add3A_350 : i32
      %get3A_352 = arith.index_cast %add3A_351 : i32 to index
      %get3A_353 = arith.constant 112 : index
      %get3A_354 = tpu.vector_load %arg13[%get3A_352, %get3A_353] {strides = array<i32>} : memref<40x128xf32, #tpu.memory_space<vmem>>, vector<1x16xf32>,
      %get3A_355 = vector.shape_cast %get3A_354 : vector<1x16xf32> to vector<16xf32>
      %add3A_356 = arith.constant 0 : i32
      %add3A_357 = arith.addi %add3A_191, %add3A_356 : i32
      %get3A_358 = arith.index_cast %add3A_357 : i32 to index
      %get3A_359 = arith.constant 112 : index
      %get3A_360 = tpu.vector_load %arg16[%get3A_358, %get3A_359] {strides = array<i32>} : memref<40x128xf32, #tpu.memory_space<vmem>>, vector<1x16xf32>,
      %get3A_361 = vector.shape_cast %get3A_360 : vector<1x16xf32> to vector<16xf32>
      %add3A_362 = arith.addf %get3A_355, %get3A_361 : vector<16xf32>
      %max3A_363 = arith.constant 0.000000e+00 : f32
      %max3A_364 = vector.broadcast %max3A_363 : f32 to vector<16xf32>
      %max3A_365 = arith.maximumf %add3A_362, %max3A_364 : vector<16xf32>
      %add3A_366 = arith.constant 0 : i32
      %add3A_367 = arith.addi %add3A_191, %add3A_366 : i32
      %swap3A_368 = arith.index_cast %add3A_367 : i32 to index
      %swap3A_369 = arith.constant 112 : index
      %swap3A_370 = tpu.vector_load %arg13[%swap3A_368, %swap3A_369] {strides = array<i32>} : memref<40x128xf32, #tpu.memory_space<vmem>>, vector<1x16xf32>,
      %swap3A_371 = vector.shape_cast %swap3A_370 : vector<1x16xf32> to vector<16xf32>
      %swap3A_372 = vector.shape_cast %max3A_365 : vector<16xf32> to vector<1x16xf32>
      tpu.vector_store %arg13[%swap3A_368, %swap3A_369], %swap3A_372 {strides = array<i32>} : memref<40x128xf32, #tpu.memory_space<vmem>>, vector<1x16xf32>,
      %add3A_373 = arith.constant 1 : i32
      %add3A_374 = arith.addi %add3A_191, %add3A_373 : i32
      %get3A_375 = arith.index_cast %add3A_374 : i32 to index
      %get3A_376 = arith.constant 0 : index
      %get3A_377 = tpu.vector_load %arg13[%get3A_375, %get3A_376] {strides = array<i32>} : memref<40x128xf32, #tpu.memory_space<vmem>>, vector<1x16xf32>,
      %get3A_378 = vector.shape_cast %get3A_377 : vector<1x16xf32> to vector<16xf32>
      %add3A_379 = arith.constant 1 : i32
      %add3A_380 = arith.addi %add3A_191, %add3A_379 : i32
      %get3A_381 = arith.index_cast %add3A_380 : i32 to index
      %get3A_382 = arith.constant 0 : index
      %get3A_383 = tpu.vector_load %arg16[%get3A_381, %get3A_382] {strides = array<i32>} : memref<40x128xf32, #tpu.memory_space<vmem>>, vector<1x16xf32>,
      %get3A_384 = vector.shape_cast %get3A_383 : vector<1x16xf32> to vector<16xf32>
      %add3A_385 = arith.addf %get3A_378, %get3A_384 : vector<16xf32>
      %max3A_386 = arith.constant 0.000000e+00 : f32
      %max3A_387 = vector.broadcast %max3A_386 : f32 to vector<16xf32>
      %max3A_388 = arith.maximumf %add3A_385, %max3A_387 : vector<16xf32>
      %add3A_389 = arith.constant 1 : i32
      %add3A_390 = arith.addi %add3A_191, %add3A_389 : i32
      %swap3A_391 = arith.index_cast %add3A_390 : i32 to index
      %swap3A_392 = arith.constant 0 : index
      %swap3A_393 = tpu.vector_load %arg13[%swap3A_391, %swap3A_392] {strides = array<i32>} : memref<40x128xf32, #tpu.memory_space<vmem>>, vector<1x16xf32>,
      %swap3A_394 = vector.shape_cast %swap3A_393 : vector<1x16xf32> to vector<16xf32>
      %swap3A_395 = vector.shape_cast %max3A_388 : vector<16xf32> to vector<1x16xf32>
      tpu.vector_store %arg13[%swap3A_391, %swap3A_392], %swap3A_395 {strides = array<i32>} : memref<40x128xf32, #tpu.memory_space<vmem>>, vector<1x16xf32>,
      %add3A_396 = arith.constant 1 : i32
      %add3A_397 = arith.addi %add3A_191, %add3A_396 : i32
      %get3A_398 = arith.index_cast %add3A_397 : i32 to index
      %get3A_399 = arith.constant 16 : index
      %get3A_400 = tpu.vector_load %arg13[%get3A_398, %get3A_399] {strides = array<i32>} : memref<40x128xf32, #tpu.memory_space<vmem>>, vector<1x16xf32>,
      %get3A_401 = vector.shape_cast %get3A_400 : vector<1x16xf32> to vector<16xf32>
      %add3A_402 = arith.constant 1 : i32
      %add3A_403 = arith.addi %add3A_191, %add3A_402 : i32
      %get3A_404 = arith.index_cast %add3A_403 : i32 to index
      %get3A_405 = arith.constant 16 : index
      %get3A_406 = tpu.vector_load %arg16[%get3A_404, %get3A_405] {strides = array<i32>} : memref<40x128xf32, #tpu.memory_space<vmem>>, vector<1x16xf32>,
      %get3A_407 = vector.shape_cast %get3A_406 : vector<1x16xf32> to vector<16xf32>
      %add3A_408 = arith.addf %get3A_401, %get3A_407 : vector<16xf32>
      %max3A_409 = arith.constant 0.000000e+00 : f32
      %max3A_410 = vector.broadcast %max3A_409 : f32 to vector<16xf32>
      %max3A_411 = arith.maximumf %add3A_408, %max3A_410 : vector<16xf32>
      %add3A_412 = arith.constant 1 : i32
      %add3A_413 = arith.addi %add3A_191, %add3A_412 : i32
      %swap3A_414 = arith.index_cast %add3A_413 : i32 to index
      %swap3A_415 = arith.constant 16 : index
      %swap3A_416 = tpu.vector_load %arg13[%swap3A_414, %swap3A_415] {strides = array<i32>} : memref<40x128xf32, #tpu.memory_space<vmem>>, vector<1x16xf32>,
      %swap3A_417 = vector.shape_cast %swap3A_416 : vector<1x16xf32> to vector<16xf32>
      %swap3A_418 = vector.shape_cast %max3A_411 : vector<16xf32> to vector<1x16xf32>
      tpu.vector_store %arg13[%swap3A_414, %swap3A_415], %swap3A_418 {strides = array<i32>} : memref<40x128xf32, #tpu.memory_space<vmem>>, vector<1x16xf32>,
      %add3A_419 = arith.constant 1 : i32
      %add3A_420 = arith.addi %add3A_191, %add3A_419 : i32
      %get3A_421 = arith.index_cast %add3A_420 : i32 to index
      %get3A_422 = arith.constant 32 : index
      %get3A_423 = tpu.vector_load %arg13[%get3A_421, %get3A_422] {strides = array<i32>} : memref<40x128xf32, #tpu.memory_space<vmem>>, vector<1x16xf32>,
      %get3A_424 = vector.shape_cast %get3A_423 : vector<1x16xf32> to vector<16xf32>
      %add3A_425 = arith.constant 1 : i32
      %add3A_426 = arith.addi %add3A_191, %add3A_425 : i32
      %get3A_427 = arith.index_cast %add3A_426 : i32 to index
      %get3A_428 = arith.constant 32 : index
      %get3A_429 = tpu.vector_load %arg16[%get3A_427, %get3A_428] {strides = array<i32>} : memref<40x128xf32, #tpu.memory_space<vmem>>, vector<1x16xf32>,
      %get3A_430 = vector.shape_cast %get3A_429 : vector<1x16xf32> to vector<16xf32>
      %add3A_431 = arith.addf %get3A_424, %get3A_430 : vector<16xf32>
      %max3A_432 = arith.constant 0.000000e+00 : f32
      %max3A_433 = vector.broadcast %max3A_432 : f32 to vector<16xf32>
      %max3A_434 = arith.maximumf %add3A_431, %max3A_433 : vector<16xf32>
      %add3A_435 = arith.constant 1 : i32
      %add3A_436 = arith.addi %add3A_191, %add3A_435 : i32
      %swap3A_437 = arith.index_cast %add3A_436 : i32 to index
      %swap3A_438 = arith.constant 32 : index
      %swap3A_439 = tpu.vector_load %arg13[%swap3A_437, %swap3A_438] {strides = array<i32>} : memref<40x128xf32, #tpu.memory_space<vmem>>, vector<1x16xf32>,
      %swap3A_440 = vector.shape_cast %swap3A_439 : vector<1x16xf32> to vector<16xf32>
      %swap3A_441 = vector.shape_cast %max3A_434 : vector<16xf32> to vector<1x16xf32>
      tpu.vector_store %arg13[%swap3A_437, %swap3A_438], %swap3A_441 {strides = array<i32>} : memref<40x128xf32, #tpu.memory_space<vmem>>, vector<1x16xf32>,
      %add3A_442 = arith.constant 1 : i32
      %add3A_443 = arith.addi %add3A_191, %add3A_442 : i32
      %get3A_444 = arith.index_cast %add3A_443 : i32 to index
      %get3A_445 = arith.constant 48 : index
      %get3A_446 = tpu.vector_load %arg13[%get3A_444, %get3A_445] {strides = array<i32>} : memref<40x128xf32, #tpu.memory_space<vmem>>, vector<1x16xf32>,
      %get3A_447 = vector.shape_cast %get3A_446 : vector<1x16xf32> to vector<16xf32>
      %add3A_448 = arith.constant 1 : i32
      %add3A_449 = arith.addi %add3A_191, %add3A_448 : i32
      %get3A_450 = arith.index_cast %add3A_449 : i32 to index
      %get3A_451 = arith.constant 48 : index
      %get3A_452 = tpu.vector_load %arg16[%get3A_450, %get3A_451] {strides = array<i32>} : memref<40x128xf32, #tpu.memory_space<vmem>>, vector<1x16xf32>,
      %get3A_453 = vector.shape_cast %get3A_452 : vector<1x16xf32> to vector<16xf32>
      %add3A_454 = arith.addf %get3A_447, %get3A_453 : vector<16xf32>
      %max3A_455 = arith.constant 0.000000e+00 : f32
      %max3A_456 = vector.broadcast %max3A_455 : f32 to vector<16xf32>
      %max3A_457 = arith.maximumf %add3A_454, %max3A_456 : vector<16xf32>
      %add3A_458 = arith.constant 1 : i32
      %add3A_459 = arith.addi %add3A_191, %add3A_458 : i32
      %swap3A_460 = arith.index_cast %add3A_459 : i32 to index
      %swap3A_461 = arith.constant 48 : index
      %swap3A_462 = tpu.vector_load %arg13[%swap3A_460, %swap3A_461] {strides = array<i32>} : memref<40x128xf32, #tpu.memory_space<vmem>>, vector<1x16xf32>,
      %swap3A_463 = vector.shape_cast %swap3A_462 : vector<1x16xf32> to vector<16xf32>
      %swap3A_464 = vector.shape_cast %max3A_457 : vector<16xf32> to vector<1x16xf32>
      tpu.vector_store %arg13[%swap3A_460, %swap3A_461], %swap3A_464 {strides = array<i32>} : memref<40x128xf32, #tpu.memory_space<vmem>>, vector<1x16xf32>,
      %add3A_465 = arith.constant 1 : i32
      %add3A_466 = arith.addi %add3A_191, %add3A_465 : i32
      %get3A_467 = arith.index_cast %add3A_466 : i32 to index
      %get3A_468 = arith.constant 64 : index
      %get3A_469 = tpu.vector_load %arg13[%get3A_467, %get3A_468] {strides = array<i32>} : memref<40x128xf32, #tpu.memory_space<vmem>>, vector<1x16xf32>,
      %get3A_470 = vector.shape_cast %get3A_469 : vector<1x16xf32> to vector<16xf32>
      %add3A_471 = arith.constant 1 : i32
      %add3A_472 = arith.addi %add3A_191, %add3A_471 : i32
      %get3A_473 = arith.index_cast %add3A_472 : i32 to index
      %get3A_474 = arith.constant 64 : index
      %get3A_475 = tpu.vector_load %arg16[%get3A_473, %get3A_474] {strides = array<i32>} : memref<40x128xf32, #tpu.memory_space<vmem>>, vector<1x16xf32>,
      %get3A_476 = vector.shape_cast %get3A_475 : vector<1x16xf32> to vector<16xf32>
      %add3A_477 = arith.addf %get3A_470, %get3A_476 : vector<16xf32>
      %max3A_478 = arith.constant 0.000000e+00 : f32
      %max3A_479 = vector.broadcast %max3A_478 : f32 to vector<16xf32>
      %max3A_480 = arith.maximumf %add3A_477, %max3A_479 : vector<16xf32>
      %add3A_481 = arith.constant 1 : i32
      %add3A_482 = arith.addi %add3A_191, %add3A_481 : i32
      %swap3A_483 = arith.index_cast %add3A_482 : i32 to index
      %swap3A_484 = arith.constant 64 : index
      %swap3A_485 = tpu.vector_load %arg13[%swap3A_483, %swap3A_484] {strides = array<i32>} : memref<40x128xf32, #tpu.memory_space<vmem>>, vector<1x16xf32>,
      %swap3A_486 = vector.shape_cast %swap3A_485 : vector<1x16xf32> to vector<16xf32>
      %swap3A_487 = vector.shape_cast %max3A_480 : vector<16xf32> to vector<1x16xf32>
      tpu.vector_store %arg13[%swap3A_483, %swap3A_484], %swap3A_487 {strides = array<i32>} : memref<40x128xf32, #tpu.memory_space<vmem>>, vector<1x16xf32>,
      %add3A_488 = arith.constant 1 : i32
      %add3A_489 = arith.addi %add3A_191, %add3A_488 : i32
      %get3A_490 = arith.index_cast %add3A_489 : i32 to index
      %get3A_491 = arith.constant 80 : index
      %get3A_492 = tpu.vector_load %arg13[%get3A_490, %get3A_491] {strides = array<i32>} : memref<40x128xf32, #tpu.memory_space<vmem>>, vector<1x16xf32>,
      %get3A_493 = vector.shape_cast %get3A_492 : vector<1x16xf32> to vector<16xf32>
      %add3A_494 = arith.constant 1 : i32
      %add3A_495 = arith.addi %add3A_191, %add3A_494 : i32
      %get3A_496 = arith.index_cast %add3A_495 : i32 to index
      %get3A_497 = arith.constant 80 : index
      %get3A_498 = tpu.vector_load %arg16[%get3A_496, %get3A_497] {strides = array<i32>} : memref<40x128xf32, #tpu.memory_space<vmem>>, vector<1x16xf32>,
      %get3A_499 = vector.shape_cast %get3A_498 : vector<1x16xf32> to vector<16xf32>
      %add3A_500 = arith.addf %get3A_493, %get3A_499 : vector<16xf32>
      %max3A_501 = arith.constant 0.000000e+00 : f32
      %max3A_502 = vector.broadcast %max3A_501 : f32 to vector<16xf32>
      %max3A_503 = arith.maximumf %add3A_500, %max3A_502 : vector<16xf32>
      %add3A_504 = arith.constant 1 : i32
      %add3A_505 = arith.addi %add3A_191, %add3A_504 : i32
      %swap3A_506 = arith.index_cast %add3A_505 : i32 to index
      %swap3A_507 = arith.constant 80 : index
      %swap3A_508 = tpu.vector_load %arg13[%swap3A_506, %swap3A_507] {strides = array<i32>} : memref<40x128xf32, #tpu.memory_space<vmem>>, vector<1x16xf32>,
      %swap3A_509 = vector.shape_cast %swap3A_508 : vector<1x16xf32> to vector<16xf32>
      %swap3A_510 = vector.shape_cast %max3A_503 : vector<16xf32> to vector<1x16xf32>
      tpu.vector_store %arg13[%swap3A_506, %swap3A_507], %swap3A_510 {strides = array<i32>} : memref<40x128xf32, #tpu.memory_space<vmem>>, vector<1x16xf32>,
      %add3A_511 = arith.constant 1 : i32
      %add3A_512 = arith.addi %add3A_191, %add3A_511 : i32
      %get3A_513 = arith.index_cast %add3A_512 : i32 to index
      %get3A_514 = arith.constant 96 : index
      %get3A_515 = tpu.vector_load %arg13[%get3A_513, %get3A_514] {strides = array<i32>} : memref<40x128xf32, #tpu.memory_space<vmem>>, vector<1x16xf32>,
      %get3A_516 = vector.shape_cast %get3A_515 : vector<1x16xf32> to vector<16xf32>
      %add3A_517 = arith.constant 1 : i32
      %add3A_518 = arith.addi %add3A_191, %add3A_517 : i32
      %get3A_519 = arith.index_cast %add3A_518 : i32 to index
      %get3A_520 = arith.constant 96 : index
      %get3A_521 = tpu.vector_load %arg16[%get3A_519, %get3A_520] {strides = array<i32>} : memref<40x128xf32, #tpu.memory_space<vmem>>, vector<1x16xf32>,
      %get3A_522 = vector.shape_cast %get3A_521 : vector<1x16xf32> to vector<16xf32>
      %add3A_523 = arith.addf %get3A_516, %get3A_522 : vector<16xf32>
      %max3A_524 = arith.constant 0.000000e+00 : f32
      %max3A_525 = vector.broadcast %max3A_524 : f32 to vector<16xf32>
      %max3A_526 = arith.maximumf %add3A_523, %max3A_525 : vector<16xf32>
      %add3A_527 = arith.constant 1 : i32
      %add3A_528 = arith.addi %add3A_191, %add3A_527 : i32
      %swap3A_529 = arith.index_cast %add3A_528 : i32 to index
      %swap3A_530 = arith.constant 96 : index
      %swap3A_531 = tpu.vector_load %arg13[%swap3A_529, %swap3A_530] {strides = array<i32>} : memref<40x128xf32, #tpu.memory_space<vmem>>, vector<1x16xf32>,
      %swap3A_532 = vector.shape_cast %swap3A_531 : vector<1x16xf32> to vector<16xf32>
      %swap3A_533 = vector.shape_cast %max3A_526 : vector<16xf32> to vector<1x16xf32>
      tpu.vector_store %arg13[%swap3A_529, %swap3A_530], %swap3A_533 {strides = array<i32>} : memref<40x128xf32, #tpu.memory_space<vmem>>, vector<1x16xf32>,
      %add3A_534 = arith.constant 1 : i32
      %add3A_535 = arith.addi %add3A_191, %add3A_534 : i32
      %get3A_536 = arith.index_cast %add3A_535 : i32 to index
      %get3A_537 = arith.constant 112 : index
      %get3A_538 = tpu.vector_load %arg13[%get3A_536, %get3A_537] {strides = array<i32>} : memref<40x128xf32, #tpu.memory_space<vmem>>, vector<1x16xf32>,
      %get3A_539 = vector.shape_cast %get3A_538 : vector<1x16xf32> to vector<16xf32>
      %add3A_540 = arith.constant 1 : i32
      %add3A_541 = arith.addi %add3A_191, %add3A_540 : i32
      %get3A_542 = arith.index_cast %add3A_541 : i32 to index
      %get3A_543 = arith.constant 112 : index
      %get3A_544 = tpu.vector_load %arg16[%get3A_542, %get3A_543] {strides = array<i32>} : memref<40x128xf32, #tpu.memory_space<vmem>>, vector<1x16xf32>,
      %get3A_545 = vector.shape_cast %get3A_544 : vector<1x16xf32> to vector<16xf32>
      %add3A_546 = arith.addf %get3A_539, %get3A_545 : vector<16xf32>
      %max3A_547 = arith.constant 0.000000e+00 : f32
      %max3A_548 = vector.broadcast %max3A_547 : f32 to vector<16xf32>
      %max3A_549 = arith.maximumf %add3A_546, %max3A_548 : vector<16xf32>
      %add3A_550 = arith.constant 1 : i32
      %add3A_551 = arith.addi %add3A_191, %add3A_550 : i32
      %swap3A_552 = arith.index_cast %add3A_551 : i32 to index
      %swap3A_553 = arith.constant 112 : index
      %swap3A_554 = tpu.vector_load %arg13[%swap3A_552, %swap3A_553] {strides = array<i32>} : memref<40x128xf32, #tpu.memory_space<vmem>>, vector<1x16xf32>,
      %swap3A_555 = vector.shape_cast %swap3A_554 : vector<1x16xf32> to vector<16xf32>
      %swap3A_556 = vector.shape_cast %max3A_549 : vector<16xf32> to vector<1x16xf32>
      tpu.vector_store %arg13[%swap3A_552, %swap3A_553], %swap3A_556 {strides = array<i32>} : memref<40x128xf32, #tpu.memory_space<vmem>>, vector<1x16xf32>,
    }
    %scan3A_163 = arith.constant 20 : i32
    %dma_wait3A_164 = arith.constant 0 : i32
    %dma_wait3A_165 = tpu.memref_slice %arg4[%dma_wait3A_164] : memref<320000xi32, #tpu.memory_space<hbm>> -> memref<40xi32, #tpu.memory_space<hbm>>
    %dma_wait3A_166 = arith.constant 0 : i32
    %dma_wait3A_167 = tpu.memref_slice %arg4[%dma_wait3A_166] : memref<320000xi32, #tpu.memory_space<hbm>> -> memref<40xi32, #tpu.memory_space<hbm>>
    tpu.wait_dma2 semaphore(%arg23 : memref<!tpu.dma_semaphore, #tpu.memory_space<semaphore_mem>>) src(%dma_wait3A_167 : memref<40xi32, #tpu.memory_space<hbm>>) dst(%arg10 : memref<40xi32, #tpu.memory_space<vmem>>)
    %barrier3A_168 = arith.constant 0 : index
    tpu.barrier barrier_id(%barrier3A_168)
    %sub3A_169 = arith.constant 125 : i32
    %sub3A_170 = arith.subi %sub3A_169, %arg1 : i32
    %sub3A_171 = arith.constant 16 : i32
    %sub3A_172 = arith.constant 1 : i32
    %sub3A_173 = arith.subi %sub3A_171, %sub3A_172 : i32
    %add3A_174 = arith.addi %sub3A_170, %sub3A_173 : i32
    %div3A_175 = arith.constant 16 : i32
    %div3A_176 = arith.divsi %add3A_174, %div3A_175 : i32
    %while3A_177 = arith.constant 16 : i32
    %while3A_178 = arith.constant 0 : i32
    %while3A_179 = arith.subi %div3A_176, %while3A_178 : i32
    %while3A_180 = arith.addi %while3A_178, %while3A_179 : i32
    %while3A_181 = arith.constant 1 : i32
    %while3A_182 = arith.divsi %while3A_179, %while3A_181 : i32
    %while3A_183 = arith.muli %while3A_182, %while3A_181 : i32
    %while3A_184 = arith.addi %while3A_178, %while3A_183 : i32
    %while3A_185 = arith.constant 1 : i32
    scf.for %while3A_187 = %while3A_178 to %while3A_184 step %while3A_185  : i32 {
      %mul3A_188 = arith.muli %while3A_187, %while3A_177 : i32
      %add3A_189 = arith.addi %arg1, %mul3A_188 : i32
      %mul3A_190 = arith.constant 80 : i32
      %mul3A_191 = arith.muli %add3A_189, %mul3A_190 : i32
      %mul3A_192 = arith.constant 10000 : i32
      %mul3A_193 = arith.muli %arg0, %mul3A_192 : i32
      %mul3A_194 = arith.constant 80 : i32
      %mul3A_195 = arith.muli %add3A_189, %mul3A_194 : i32
      %add3A_196 = arith.addi %mul3A_193, %mul3A_195 : i32
      "tpu.region"() ({
        %run_scoped3A = tpu.sem_alloc : memref<!tpu.dma_semaphore, #tpu.memory_space<semaphore_mem>>
        %dma_start3A_197 = arith.constant 0 : i32
        %dma_start3A_198 = tpu.memref_slice %arg6[%add3A_196, %dma_start3A_197] : memref<20000x128xf32, #tpu.memory_space<hbm>> -> memref<80x128xf32, #tpu.memory_space<hbm>>
        %dma_start3A_199 = arith.constant 0 : i32
        %dma_start3A_200 = tpu.memref_slice %arg19[%mul3A_191, %dma_start3A_199] : memref<10000x128xf32, #tpu.memory_space<vmem_shared>> -> memref<80x128xf32, #tpu.memory_space<vmem_shared>>
        tpu.enqueue_dma source(%dma_start3A_200 : memref<80x128xf32, #tpu.memory_space<vmem_shared>>) target(%dma_start3A_198 : memref<80x128xf32, #tpu.memory_space<hbm>>) target_semaphore(%run_scoped3A : memref<!tpu.dma_semaphore, #tpu.memory_space<semaphore_mem>>)
        %dma_wait3A_201 = arith.constant 0 : i32
        %dma_wait3A_202 = tpu.memref_slice %arg6[%add3A_196, %dma_wait3A_201] : memref<20000x128xf32, #tpu.memory_space<hbm>> -> memref<80x128xf32, #tpu.memory_space<hbm>>
        %dma_wait3A_203 = arith.constant 0 : i32
        %dma_wait3A_204 = tpu.memref_slice %arg19[%mul3A_191, %dma_wait3A_203] : memref<10000x128xf32, #tpu.memory_space<vmem_shared>> -> memref<80x128xf32, #tpu.memory_space<vmem_shared>>
        tpu.wait_dma2 semaphore(%run_scoped3A : memref<!tpu.dma_semaphore, #tpu.memory_space<semaphore_mem>>) src(%dma_wait3A_204 : memref<80x128xf32, #tpu.memory_space<vmem_shared>>) dst(%dma_wait3A_202 : memref<80x128xf32, #tpu.memory_space<hbm>>)
        tpu.yield
      }) : () -> ()
    }
    %while3A_186 = arith.constant 1 : i32
    scf.for %while3A_187 = %while3A_184 to %while3A_180 step %while3A_186  : i32 {
      %mul3A_188 = arith.muli %while3A_187, %while3A_177 : i32
      %add3A_189 = arith.addi %arg1, %mul3A_188 : i32
      %mul3A_190 = arith.constant 80 : i32
      %mul3A_191 = arith.muli %add3A_189, %mul3A_190 : i32
      %mul3A_192 = arith.constant 10000 : i32
      %mul3A_193 = arith.muli %arg0, %mul3A_192 : i32
      %mul3A_194 = arith.constant 80 : i32
      %mul3A_195 = arith.muli %add3A_189, %mul3A_194 : i32
      %add3A_196 = arith.addi %mul3A_193, %mul3A_195 : i32
      "tpu.region"() ({
        %run_scoped3A = tpu.sem_alloc : memref<!tpu.dma_semaphore, #tpu.memory_space<semaphore_mem>>
        %dma_start3A_197 = arith.constant 0 : i32
        %dma_start3A_198 = tpu.memref_slice %arg6[%add3A_196, %dma_start3A_197] : memref<20000x128xf32, #tpu.memory_space<hbm>> -> memref<80x128xf32, #tpu.memory_space<hbm>>
        %dma_start3A_199 = arith.constant 0 : i32
        %dma_start3A_200 = tpu.memref_slice %arg19[%mul3A_191, %dma_start3A_199] : memref<10000x128xf32, #tpu.memory_space<vmem_shared>> -> memref<80x128xf32, #tpu.memory_space<vmem_shared>>
        tpu.enqueue_dma source(%dma_start3A_200 : memref<80x128xf32, #tpu.memory_space<vmem_shared>>) target(%dma_start3A_198 : memref<80x128xf32, #tpu.memory_space<hbm>>) target_semaphore(%run_scoped3A : memref<!tpu.dma_semaphore, #tpu.memory_space<semaphore_mem>>)
        %dma_wait3A_201 = arith.constant 0 : i32
        %dma_wait3A_202 = tpu.memref_slice %arg6[%add3A_196, %dma_wait3A_201] : memref<20000x128xf32, #tpu.memory_space<hbm>> -> memref<80x128xf32, #tpu.memory_space<hbm>>
        %dma_wait3A_203 = arith.constant 0 : i32
        %dma_wait3A_204 = tpu.memref_slice %arg19[%mul3A_191, %dma_wait3A_203] : memref<10000x128xf32, #tpu.memory_space<vmem_shared>> -> memref<80x128xf32, #tpu.memory_space<vmem_shared>>
        tpu.wait_dma2 semaphore(%run_scoped3A : memref<!tpu.dma_semaphore, #tpu.memory_space<semaphore_mem>>) src(%dma_wait3A_204 : memref<80x128xf32, #tpu.memory_space<vmem_shared>>) dst(%dma_wait3A_202 : memref<80x128xf32, #tpu.memory_space<hbm>>)
        tpu.yield
      }) : () -> ()
    }
    return
  }
}

module attributes {stable_mosaic.version = 14 : i64} {
  func.func @body(%arg0: i32, %arg1: memref<1x1x1000xi32, #tpu.memory_space<vmem>>, %arg2: memref<1x512xf32, #tpu.memory_space<vmem>>) attributes {dimension_semantics = [#tpu.dimension_semantics<arbitrary>], iteration_bounds = array<i64: 10>, scalar_prefetch = 0 : i64, scratch_operands = 0 : i64, tpu.core_type = #tpu.core_type<tc>, window_params = [{transform_indices = @transform_0, window_bounds = array<i64: 1, 1, 1000>}, {pipeline_mode = #tpu.pipeline_mode<synchronous>, transform_indices = @transform_1, window_bounds = array<i64: 1, 512>}]} {
    %eq3A = arith.constant 0 : i32
    %eq3A_0 = arith.cmpi eq, %arg0, %eq3A : i32
    %convert_element_type3A = arith.extui %eq3A_0 : i1 to i32
    %cond3A = arith.constant 0 : i32
    %cond3A_1 = arith.cmpi ne, %convert_element_type3A, %cond3A : i32
    scf.if %cond3A_1 {
      %broadcast_in_dim3A_17 = arith.constant 0.000000e+00 : f32
      %broadcast_in_dim3A_18 = vector.broadcast %broadcast_in_dim3A_17 : f32 to vector<1x512xf32>
      %swap3A_19 = arith.constant 0 : index
      %swap3A_20 = arith.constant 0 : index
      %swap3A_21 = vector.load %arg2[%swap3A_19, %swap3A_20] : memref<1x512xf32, #tpu.memory_space<vmem>>, vector<1x512xf32>
      tpu.vector_store %arg2[%swap3A_19, %swap3A_20], %broadcast_in_dim3A_18 {strides = array<i32>} : memref<1x512xf32, #tpu.memory_space<vmem>>, vector<1x512xf32>,
    } else {
    }
    %get3A = arith.constant 0 : index
    %get3A_2 = arith.constant 0 : index
    %get3A_3 = arith.constant 0 : index
    %get3A_4 = vector.load %arg1[%get3A, %get3A_2, %get3A_3] : memref<1x1x1000xi32, #tpu.memory_space<vmem>>, vector<1x1x1000xi32>
    %get3A_5 = vector.shape_cast %get3A_4 : vector<1x1x1000xi32> to vector<1000xi32>
    %broadcast_in_dim3A = vector.shape_cast %get3A_5 : vector<1000xi32> to vector<1000x1xi32>
    %iota3A = tpu.iota {dimensions = array<i32: 1>} : vector<1000x512xi32>
    %eq3A_6 = vector.broadcast %broadcast_in_dim3A : vector<1000x1xi32> to vector<1000x512xi32>
    %eq3A_7 = arith.cmpi eq, %eq3A_6, %iota3A : vector<1000x512xi32>
    %convert_element_type3A_8 = arith.extui %eq3A_7 : vector<1000x512xi1> to vector<1000x512xi32>
    %convert_element_type3A_9 = arith.sitofp %convert_element_type3A_8 : vector<1000x512xi32> to vector<1000x512xf32>
    %get3A_10 = arith.constant 0 : index
    %get3A_11 = arith.constant 0 : index
    %get3A_12 = vector.load %arg2[%get3A_10, %get3A_11] : memref<1x512xf32, #tpu.memory_space<vmem>>, vector<1x512xf32>
    %reduce_sum3A = arith.constant dense<0.000000e+00> : vector<512xf32>
    %reduce_sum3A_13 = vector.multi_reduction <add>, %convert_element_type3A_9, %reduce_sum3A [0] : vector<1000x512xf32> to vector<512xf32>
    %broadcast_in_dim3A_14 = vector.shape_cast %reduce_sum3A_13 : vector<512xf32> to vector<1x512xf32>
    %add3A = arith.addf %get3A_12, %broadcast_in_dim3A_14 : vector<1x512xf32>
    %swap3A = arith.constant 0 : index
    %swap3A_15 = arith.constant 0 : index
    %swap3A_16 = vector.load %arg2[%swap3A, %swap3A_15] : memref<1x512xf32, #tpu.memory_space<vmem>>, vector<1x512xf32>
    tpu.vector_store %arg2[%swap3A, %swap3A_15], %add3A {strides = array<i32>} : memref<1x512xf32, #tpu.memory_space<vmem>>, vector<1x512xf32>,
    return
  }
  func.func @transform_0(%arg0: i32) -> (i32, i32, i32) {
    %c0_i32 = arith.constant 0 : i32
    %c0_i32_0 = arith.constant 0 : i32
    %c0_i32_1 = arith.constant 0 : i32
    return %arg0, %c0_i32, %c0_i32_0 : i32, i32, i32
  }
  func.func @transform_1(%arg0: i32) -> (i32, i32) {
    %c0_i32 = arith.constant 0 : i32
    %c0_i32_0 = arith.constant 0 : i32
    %c0_i32_1 = arith.constant 0 : i32
    return %c0_i32, %c0_i32_0 : i32, i32
  }
}

module attributes {stable_mosaic.version = 14 : i64} {
  func.func @body(%arg0: i32, %arg1: memref<1000x128xf32, #tpu.memory_space<vmem>>, %arg2: memref<1000x128xf32, #tpu.memory_space<vmem>>, %arg3: memref<1000x128xf32, #tpu.memory_space<vmem>>, %arg4: memref<1x1x1000xi32, #tpu.memory_space<vmem>>, %arg5: memref<1x512xf32, #tpu.memory_space<vmem>>, %arg6: memref<128x256xf32, #tpu.memory_space<vmem>>, %arg7: memref<1x256xf32, #tpu.memory_space<vmem>>, %arg8: memref<256x128xf32, #tpu.memory_space<vmem>>, %arg9: memref<1x128xf32, #tpu.memory_space<vmem>>, %arg10: memref<1x128xf32, #tpu.memory_space<vmem>>, %arg11: memref<1x128xf32, #tpu.memory_space<vmem>>, %arg12: memref<1000x128xf32, #tpu.memory_space<vmem>>) attributes {dimension_semantics = [#tpu.dimension_semantics<arbitrary>], iteration_bounds = array<i64: 10>, scalar_prefetch = 0 : i64, scratch_operands = 0 : i64, tpu.core_type = #tpu.core_type<tc>, window_params = [{transform_indices = @transform_0, window_bounds = array<i64: 1000, 128>}, {transform_indices = @transform_1, window_bounds = array<i64: 1000, 128>}, {transform_indices = @transform_2, window_bounds = array<i64: 1000, 128>}, {transform_indices = @transform_3, window_bounds = array<i64: 1, 1, 1000>}, {pipeline_mode = #tpu.pipeline_mode<synchronous>, transform_indices = @transform_4, window_bounds = array<i64: 1, 512>}, {pipeline_mode = #tpu.pipeline_mode<synchronous>, transform_indices = @transform_5, window_bounds = array<i64: 128, 256>}, {pipeline_mode = #tpu.pipeline_mode<synchronous>, transform_indices = @transform_6, window_bounds = array<i64: 1, 256>}, {pipeline_mode = #tpu.pipeline_mode<synchronous>, transform_indices = @transform_7, window_bounds = array<i64: 256, 128>}, {pipeline_mode = #tpu.pipeline_mode<synchronous>, transform_indices = @transform_8, window_bounds = array<i64: 1, 128>}, {pipeline_mode = #tpu.pipeline_mode<synchronous>, transform_indices = @transform_9, window_bounds = array<i64: 1, 128>}, {pipeline_mode = #tpu.pipeline_mode<synchronous>, transform_indices = @transform_10, window_bounds = array<i64: 1, 128>}, {transform_indices = @transform_11, window_bounds = array<i64: 1000, 128>}]} {
    %get3A = arith.constant 0 : index
    %get3A_0 = arith.constant 0 : index
    %get3A_1 = vector.load %arg1[%get3A, %get3A_0] : memref<1000x128xf32, #tpu.memory_space<vmem>>, vector<1000x128xf32>
    %get3A_2 = arith.constant 0 : index
    %get3A_3 = arith.constant 0 : index
    %get3A_4 = vector.load %arg2[%get3A_2, %get3A_3] : memref<1000x128xf32, #tpu.memory_space<vmem>>, vector<1000x128xf32>
    %add3A = arith.addf %get3A_1, %get3A_4 : vector<1000x128xf32>
    %get3A_5 = arith.constant 0 : index
    %get3A_6 = arith.constant 0 : index
    %get3A_7 = vector.load %arg3[%get3A_5, %get3A_6] : memref<1000x128xf32, #tpu.memory_space<vmem>>, vector<1000x128xf32>
    %add3A_8 = arith.addf %add3A, %get3A_7 : vector<1000x128xf32>
    %get3A_9 = arith.constant 0 : index
    %get3A_10 = arith.constant 0 : index
    %get3A_11 = vector.load %arg6[%get3A_9, %get3A_10] : memref<128x256xf32, #tpu.memory_space<vmem>>, vector<128x256xf32>
    %dot_general3A = arith.constant dense<0.000000e+00> : vector<1000x256xf32>
    %dot_general3A_12 = tpu.matmul %add3A_8, %get3A_11, %dot_general3A {dimension_numbers = #tpu.dot_dimension_numbers<[1], [0], [0], [1], [0, 0, 1, 1], [], []>, transpose_lhs_hint = false} : vector<1000x128xf32>, vector<128x256xf32>, vector<1000x256xf32> -> vector<1000x256xf32>
    %get3A_13 = arith.constant 0 : index
    %get3A_14 = arith.constant 0 : index
    %get3A_15 = vector.load %arg7[%get3A_13, %get3A_14] : memref<1x256xf32, #tpu.memory_space<vmem>>, vector<1x256xf32>
    %add3A_16 = vector.broadcast %get3A_15 : vector<1x256xf32> to vector<1000x256xf32>
    %add3A_17 = arith.addf %dot_general3A_12, %add3A_16 : vector<1000x256xf32>
    %max3A = arith.constant 0.000000e+00 : f32
    %max3A_18 = vector.broadcast %max3A : f32 to vector<1000x256xf32>
    %max3A_19 = arith.maximumf %add3A_17, %max3A_18 : vector<1000x256xf32>
    %get3A_20 = arith.constant 0 : index
    %get3A_21 = arith.constant 0 : index
    %get3A_22 = vector.load %arg8[%get3A_20, %get3A_21] : memref<256x128xf32, #tpu.memory_space<vmem>>, vector<256x128xf32>
    %dot_general3A_23 = arith.constant dense<0.000000e+00> : vector<1000x128xf32>
    %dot_general3A_24 = tpu.matmul %max3A_19, %get3A_22, %dot_general3A_23 {dimension_numbers = #tpu.dot_dimension_numbers<[1], [0], [0], [1], [0, 0, 1, 1], [], []>, transpose_lhs_hint = false} : vector<1000x256xf32>, vector<256x128xf32>, vector<1000x128xf32> -> vector<1000x128xf32>
    %get3A_25 = arith.constant 0 : index
    %get3A_26 = arith.constant 0 : index
    %get3A_27 = vector.load %arg9[%get3A_25, %get3A_26] : memref<1x128xf32, #tpu.memory_space<vmem>>, vector<1x128xf32>
    %add3A_28 = vector.broadcast %get3A_27 : vector<1x128xf32> to vector<1000x128xf32>
    %add3A_29 = arith.addf %dot_general3A_24, %add3A_28 : vector<1000x128xf32>
    %reduce_sum3A = arith.constant dense<0.000000e+00> : vector<1000xf32>
    %reduce_sum3A_30 = vector.multi_reduction <add>, %add3A_29, %reduce_sum3A [1] : vector<1000x128xf32> to vector<1000xf32>
    %broadcast_in_dim3A = vector.shape_cast %reduce_sum3A_30 : vector<1000xf32> to vector<1000x1xf32>
    %div3A = arith.constant 1.280000e+02 : f32
    %div3A_31 = vector.broadcast %div3A : f32 to vector<1000x1xf32>
    %div3A_32 = arith.divf %broadcast_in_dim3A, %div3A_31 : vector<1000x1xf32>
    %sub3A = vector.broadcast %div3A_32 : vector<1000x1xf32> to vector<1000x128xf32>
    %sub3A_33 = arith.subf %add3A_29, %sub3A : vector<1000x128xf32>
    %mul3A = arith.mulf %sub3A_33, %sub3A_33 : vector<1000x128xf32>
    %reduce_sum3A_34 = arith.constant dense<0.000000e+00> : vector<1000xf32>
    %reduce_sum3A_35 = vector.multi_reduction <add>, %mul3A, %reduce_sum3A_34 [1] : vector<1000x128xf32> to vector<1000xf32>
    %broadcast_in_dim3A_36 = vector.shape_cast %reduce_sum3A_35 : vector<1000xf32> to vector<1000x1xf32>
    %div3A_37 = arith.constant 1.280000e+02 : f32
    %div3A_38 = vector.broadcast %div3A_37 : f32 to vector<1000x1xf32>
    %div3A_39 = arith.divf %broadcast_in_dim3A_36, %div3A_38 : vector<1000x1xf32>
    %add3A_40 = arith.constant 9.99999974E-6 : f32
    %add3A_41 = vector.broadcast %add3A_40 : f32 to vector<1000x1xf32>
    %add3A_42 = arith.addf %div3A_39, %add3A_41 : vector<1000x1xf32>
    %rsqrt3A = math.rsqrt %add3A_42 : vector<1000x1xf32>
    %mul3A_43 = vector.broadcast %rsqrt3A : vector<1000x1xf32> to vector<1000x128xf32>
    %mul3A_44 = arith.mulf %sub3A_33, %mul3A_43 : vector<1000x128xf32>
    %get3A_45 = arith.constant 0 : index
    %get3A_46 = arith.constant 0 : index
    %get3A_47 = vector.load %arg10[%get3A_45, %get3A_46] : memref<1x128xf32, #tpu.memory_space<vmem>>, vector<1x128xf32>
    %mul3A_48 = vector.broadcast %get3A_47 : vector<1x128xf32> to vector<1000x128xf32>
    %mul3A_49 = arith.mulf %mul3A_44, %mul3A_48 : vector<1000x128xf32>
    %get3A_50 = arith.constant 0 : index
    %get3A_51 = arith.constant 0 : index
    %get3A_52 = vector.load %arg11[%get3A_50, %get3A_51] : memref<1x128xf32, #tpu.memory_space<vmem>>, vector<1x128xf32>
    %add3A_53 = vector.broadcast %get3A_52 : vector<1x128xf32> to vector<1000x128xf32>
    %add3A_54 = arith.addf %mul3A_49, %add3A_53 : vector<1000x128xf32>
    %get3A_55 = arith.constant 0 : index
    %get3A_56 = arith.constant 0 : index
    %get3A_57 = arith.constant 0 : index
    %get3A_58 = vector.load %arg4[%get3A_55, %get3A_56, %get3A_57] : memref<1x1x1000xi32, #tpu.memory_space<vmem>>, vector<1x1x1000xi32>
    %get3A_59 = vector.shape_cast %get3A_58 : vector<1x1x1000xi32> to vector<1000xi32>
    %broadcast_in_dim3A_60 = vector.shape_cast %get3A_59 : vector<1000xi32> to vector<1000x1xi32>
    %iota3A = tpu.iota {dimensions = array<i32: 1>} : vector<1000x512xi32>
    %eq3A = vector.broadcast %broadcast_in_dim3A_60 : vector<1000x1xi32> to vector<1000x512xi32>
    %eq3A_61 = arith.cmpi eq, %eq3A, %iota3A : vector<1000x512xi32>
    %convert_element_type3A = arith.extui %eq3A_61 : vector<1000x512xi1> to vector<1000x512xi32>
    %convert_element_type3A_62 = arith.sitofp %convert_element_type3A : vector<1000x512xi32> to vector<1000x512xf32>
    %get3A_63 = arith.constant 0 : index
    %get3A_64 = arith.constant 0 : index
    %get3A_65 = vector.load %arg5[%get3A_63, %get3A_64] : memref<1x512xf32, #tpu.memory_space<vmem>>, vector<1x512xf32>
    %mul3A_66 = vector.broadcast %get3A_65 : vector<1x512xf32> to vector<1000x512xf32>
    %mul3A_67 = arith.mulf %convert_element_type3A_62, %mul3A_66 : vector<1000x512xf32>
    %reduce_sum3A_68 = arith.constant dense<0.000000e+00> : vector<1000xf32>
    %reduce_sum3A_69 = vector.multi_reduction <add>, %mul3A_67, %reduce_sum3A_68 [1] : vector<1000x512xf32> to vector<1000xf32>
    %broadcast_in_dim3A_70 = vector.shape_cast %reduce_sum3A_69 : vector<1000xf32> to vector<1000x1xf32>
    %rsqrt3A_71 = math.rsqrt %broadcast_in_dim3A_70 : vector<1000x1xf32>
    %mul3A_72 = vector.broadcast %rsqrt3A_71 : vector<1000x1xf32> to vector<1000x128xf32>
    %mul3A_73 = arith.mulf %add3A_54, %mul3A_72 : vector<1000x128xf32>
    %max3A_74 = arith.constant 0.000000e+00 : f32
    %max3A_75 = vector.broadcast %max3A_74 : f32 to vector<1000x128xf32>
    %max3A_76 = arith.maximumf %mul3A_73, %max3A_75 : vector<1000x128xf32>
    %add3A_77 = arith.addf %max3A_76, %get3A_1 : vector<1000x128xf32>
    %swap3A = arith.constant 0 : index
    %swap3A_78 = arith.constant 0 : index
    %swap3A_79 = vector.load %arg12[%swap3A, %swap3A_78] : memref<1000x128xf32, #tpu.memory_space<vmem>>, vector<1000x128xf32>
    tpu.vector_store %arg12[%swap3A, %swap3A_78], %add3A_77 {strides = array<i32>} : memref<1000x128xf32, #tpu.memory_space<vmem>>, vector<1000x128xf32>,
    return
  }
  func.func @transform_0(%arg0: i32) -> (i32, i32) {
    %c0_i32 = arith.constant 0 : i32
    %c0_i32_0 = arith.constant 0 : i32
    return %arg0, %c0_i32 : i32, i32
  }
  func.func @transform_1(%arg0: i32) -> (i32, i32) {
    %c0_i32 = arith.constant 0 : i32
    %c0_i32_0 = arith.constant 0 : i32
    return %arg0, %c0_i32 : i32, i32
  }
  func.func @transform_2(%arg0: i32) -> (i32, i32) {
    %c0_i32 = arith.constant 0 : i32
    %c0_i32_0 = arith.constant 0 : i32
    return %arg0, %c0_i32 : i32, i32
  }
  func.func @transform_3(%arg0: i32) -> (i32, i32, i32) {
    %c0_i32 = arith.constant 0 : i32
    %c0_i32_0 = arith.constant 0 : i32
    %c0_i32_1 = arith.constant 0 : i32
    return %arg0, %c0_i32, %c0_i32_0 : i32, i32, i32
  }
  func.func @transform_4(%arg0: i32) -> (i32, i32) {
    %c0_i32 = arith.constant 0 : i32
    %c0_i32_0 = arith.constant 0 : i32
    %c0_i32_1 = arith.constant 0 : i32
    return %c0_i32, %c0_i32_0 : i32, i32
  }
  func.func @transform_5(%arg0: i32) -> (i32, i32) {
    %c0_i32 = arith.constant 0 : i32
    %c0_i32_0 = arith.constant 0 : i32
    %c0_i32_1 = arith.constant 0 : i32
    return %c0_i32, %c0_i32_0 : i32, i32
  }
  func.func @transform_6(%arg0: i32) -> (i32, i32) {
    %c0_i32 = arith.constant 0 : i32
    %c0_i32_0 = arith.constant 0 : i32
    %c0_i32_1 = arith.constant 0 : i32
    return %c0_i32, %c0_i32_0 : i32, i32
  }
  func.func @transform_7(%arg0: i32) -> (i32, i32) {
    %c0_i32 = arith.constant 0 : i32
    %c0_i32_0 = arith.constant 0 : i32
    %c0_i32_1 = arith.constant 0 : i32
    return %c0_i32, %c0_i32_0 : i32, i32
  }
  func.func @transform_8(%arg0: i32) -> (i32, i32) {
    %c0_i32 = arith.constant 0 : i32
    %c0_i32_0 = arith.constant 0 : i32
    %c0_i32_1 = arith.constant 0 : i32
    return %c0_i32, %c0_i32_0 : i32, i32
  }
  func.func @transform_9(%arg0: i32) -> (i32, i32) {
    %c0_i32 = arith.constant 0 : i32
    %c0_i32_0 = arith.constant 0 : i32
    %c0_i32_1 = arith.constant 0 : i32
    return %c0_i32, %c0_i32_0 : i32, i32
  }
  func.func @transform_10(%arg0: i32) -> (i32, i32) {
    %c0_i32 = arith.constant 0 : i32
    %c0_i32_0 = arith.constant 0 : i32
    %c0_i32_1 = arith.constant 0 : i32
    return %c0_i32, %c0_i32_0 : i32, i32
  }
  func.func @transform_11(%arg0: i32) -> (i32, i32) {
    %c0_i32 = arith.constant 0 : i32
    %c0_i32_0 = arith.constant 0 : i32
    return %arg0, %c0_i32 : i32, i32
  }
}

</mosaic_0001>

<sc_bundles>
// kernel: kernel.5.cloned.1.call-start
scs
__scs_entry_jumppad:
0x0: {  	(pc) =	sbr.rel $0x88, $3  }
0x1: {  	(tag) =	ssettag $0x0;
	lr =	simm.s32 $0x1  }
0x2: {  	[smem:$0x3F97] =	sst lr;
	_ =	strace $0xD0000000  }
0x3: {  	_ = 	snop  }
0x4: {  	_ = 	snop  }
0x5: {  	_ = 	snop  }
0x6: {  	_ = 	snop  }
0x7: {  	_ = 	snop  }
__scs_overlays_trampoline_lowered:
0x8: {  	[smem:$0x3FA6] =	sst s0  }
0x9: {  	[smem:$0x3FA7] =	sst s1  }
0xa: {  	[smem:$0x3FA8] =	sst s2  }
0xb: {  	[smem:$0x3FA9] =	sst s3  }
0xc: {  	[smem:$0x3FAA] =	sst s4  }
0xd: {  	[smem:$0x3FAB] =	sst s5  }
0xe: {  	[smem:$0x3FAC] =	sst s6  }
0xf: {  	[smem:$0x3FAD] =	sst s7  }
0x10: {  	[smem:$0x3FAE] =	sst s8  }
0x11: {  	[smem:$0x3FAF] =	sst s9;
	s0 =	simm.s32 @!p0 $0x0  }
0x12: {  	s1 =	sld [smem:$0x3F95];
	s0 =	simm.s32 @p0 $0x1  }
0x13: {  	[smem:$0x3FB0] =	sst s0;
	s0 =	simm.s32 @!p1 $0x0  }
0x14: {  	s2 =	sld [smem:$0x3F94];
	s0 =	simm.s32 @p1 $0x1  }
0x15: {  	[smem:$0x3FB1] =	sst s0;
	s0 =	simm.s32 @!p2 $0x0  }
0x16: {  	s3 =	sld [smem:$0x3FDB];
	s0 =	simm.s32 @p2 $0x1  }
0x17: {  	s4 =	simm.s32 $0x1BF5;
	[smem:$0x3FB3] =	sst s0  }
0x18: {  	s0 =	sld [smem:$0x3F96];
	_ =	swait.ge [sflag:s4], $0x0  }
0x19: {  	s7 =	sld [smem:$0x3F97]  }
0x1a: {  	s8 =	sadd.s32 $0xFFFFE003, lr  }
0x1b: {  	s9 =	sadd.s32 $0xFFFFFEF7, lr;
	s5 =	simm.s32 $0xFFFFFFFF;
	p2 =	slt.u32 s8, $0xFFFFF086  }
0x1c: {  	p1 =	slt.u32 s9, $0xF7A;
	s5 =	simm.s32 @!p2 $0x0  }
0x1d: {  	s5 =	simm.s32 @p1 $0x1;
	p0 =	seq.s32 s7, s2  }
0x1e: {  	s7 =	smul.u32 @!p0 $0xF7A, s2;
	p2 =	seq.s32 @!p0 s5, $0x0  }
0x1f: {  	s9 =	smul.u32 $0xF7A, s1;
	s8 =	simm.s32 @!p0 $0x1BF5;
	p2 =	por !p2, p0  }
0x20: {  	[sflag:s8] =	ssyncset.s32 @!p0 $0xFFFFF086;
	s6 =	sadd.s32 @!p0 s3, s7;
	s7 =	simm.s32 @!p0 $0x108  }
0x21: {  	s3 =	sadd.s32 s3, s9;
	s6 =	sadd.s32 @!p0 $0x88, s6;
	s7 =	simm.s32 @p2 $0x1082  }
0x22: {  	[simem:s7], [sflag:s8] =	dma.local @!p0 [hbm:s6], $0xF7A  }
0x23: {  	s9 =	sor.u32 $0xD0000000, s2;
	s6 =	simm.s32 $0x108;
	_ =	swait.ge @!p0 [sflag:s8], $0x0  }
0x24: {  	s3 =	sadd.s32 $0x88, s3;
	s6 =	simm.s32 @!p1 $0x1082;
	[sflag:s4] =	ssyncset.s32 $0xFFFFF086  }
0x25: {  	[simem:s6], [sflag:s4] =	dma.local [hbm:s3], $0xF7A  }
0x26: {  	[smem:$0x3F97] =	sst s1;
	(tag) =	ssettag s2;
	_ =	strace s9  }
0x27: {  	s1 =	sld [smem:$0x3FA7]  }
0x28: {  	s2 =	sld [smem:$0x3FA8]  }
0x29: {  	s4 =	sld [smem:$0x3FAA]  }
0x2a: {  	p0 =	seq.s32 s5, $0x0;
	s5 =	sld [smem:$0x3FAB]  }
0x2b: {  	s6 =	sld [smem:$0x3FAC]  }
0x2c: {  	s7 =	sld [smem:$0x3FAD]  }
0x2d: {  	s3 =	simm.s32 $0x108;
	s8 =	sld [smem:$0x3FAE]  }
0x2e: {  	s3 =	simm.s32 @!p0 $0x1082;
	s9 =	sld [smem:$0x3FAF]  }
0x2f: {  	lr =	sadd.s32 s0, s3;
	s0 =	sld [smem:$0x3FA6]  }
0x30: {  	s3 =	sld [smem:$0x3FA9]  }
0x31: {  	[smem:$0x3FB2] =	sst s10  }
0x32: {  	s10 =	sld [smem:$0x3FB0];
	_ =	sdelay $0x3  }
0x33: {  	p0 =	seq.s32 s10, $0x1;
	s10 =	sld [smem:$0x3FB2];
	_ =	sdelay $0x3  }
0x34: {  	[smem:$0x3FB2] =	sst s10  }
0x35: {  	s10 =	sld [smem:$0x3FB1];
	_ =	sdelay $0x3  }
0x36: {  	p1 =	seq.s32 s10, $0x1;
	s10 =	sld [smem:$0x3FB2];
	_ =	sdelay $0x3  }
0x37: {  	[smem:$0x3FB2] =	sst s10  }
0x38: {  	s10 =	sld [smem:$0x3FB3]  }
0x39: {  	_ = 	snop;
	(pc) =	sbr.ind lr, $3  }
0x3a: {  	_ = 	snop  }
0x3b: {  	_ = 	snop  }
0x3c: {  	p2 =	seq.s32 s10, $0x1;
	s10 =	sld [smem:$0x3FB2]  }
0x3d: {  	_ =	shalt  }
0x3e: {  	_ =	shalt  }
0x3f: {  	_ =	shalt  }
0x40: {  	_ =	shalt  }
0x41: {  	_ =	shalt  }
0x42: {  	_ =	shalt  }
0x43: {  	_ =	shalt  }
0x44: {  	_ =	shalt  }
0x45: {  	_ =	shalt  }
0x46: {  	_ =	shalt  }
0x47: {  	_ =	shalt  }
0x48: {  	_ =	shalt  }
0x49: {  	_ =	shalt  }
0x4a: {  	_ =	shalt  }
0x4b: {  	_ =	shalt  }
0x4c: {  	_ =	shalt  }
0x4d: {  	_ =	shalt  }
0x4e: {  	_ =	shalt  }
0x4f: {  	_ =	shalt  }
0x50: {  	_ =	shalt  }
0x51: {  	_ =	shalt  }
0x52: {  	_ =	shalt  }
0x53: {  	_ =	shalt  }
0x54: {  	_ =	shalt  }
0x55: {  	_ =	shalt  }
0x56: {  	_ =	shalt  }
0x57: {  	_ =	shalt  }
0x58: {  	_ =	shalt  }
0x59: {  	_ =	shalt  }
0x5a: {  	_ =	shalt  }
0x5b: {  	_ =	shalt  }
0x5c: {  	_ =	shalt  }
0x5d: {  	_ =	shalt  }
0x5e: {  	_ =	shalt  }
0x5f: {  	_ =	shalt  }
0x60: {  	_ =	shalt  }
0x61: {  	_ =	shalt  }
0x62: {  	_ =	shalt  }
0x63: {  	_ =	shalt  }
0x64: {  	_ =	shalt  }
0x65: {  	_ =	shalt  }
0x66: {  	_ =	shalt  }
0x67: {  	_ =	shalt  }
0x68: {  	_ =	shalt  }
0x69: {  	_ =	shalt  }
0x6a: {  	_ =	shalt  }
0x6b: {  	_ =	shalt  }
0x6c: {  	_ =	shalt  }
0x6d: {  	_ =	shalt  }
0x6e: {  	_ =	shalt  }
0x6f: {  	_ =	shalt  }
0x70: {  	_ =	shalt  }
0x71: {  	_ =	shalt  }
0x72: {  	_ =	shalt  }
0x73: {  	_ =	shalt  }
0x74: {  	_ =	shalt  }
0x75: {  	_ =	shalt  }
0x76: {  	_ =	shalt  }
0x77: {  	_ =	shalt  }
0x78: {  	_ =	shalt  }
0x79: {  	_ =	shalt  }
0x7a: {  	_ =	shalt  }
0x7b: {  	_ =	shalt  }
0x7c: {  	_ =	shalt  }
0x7d: {  	_ =	shalt  }
0x7e: {  	_ =	shalt  }
0x7f: {  	_ =	shalt  }
0x80: {  	_ =	shalt  }
0x81: {  	_ =	shalt  }
0x82: {  	_ =	shalt  }
0x83: {  	_ =	shalt  }
0x84: {  	_ =	shalt  }
0x85: {  	_ =	shalt  }
0x86: {  	_ =	shalt  }
0x87: {  	_ =	shalt  }
.Lfunc_end0:
.L_simem_size_0:
called_computation_lowered:
.L_overlay_start_0:
0x88: {  	s2 =	sld [smem:$0x3FD9]  }
0x89: {  	s3 =	sld [smem:$0x3FFE];
	_ =	sdelay $0x1  }
0x8a: {  	s1 =	srdreg.scid  }
0x8b: {  	s0 =	sand.u32 $0x1, s1  }
0x8c: {  	s17 =	sshll.u32 s0, $0xA;
	s2 =	sadd.s32 s3, s2  }
0x8d: {  	s2 =	sadd.s32 s2, s17  }
0x8e: {  	[smem:$0x3FBE] =	sst s2  }
0x8f: {  	_ = 	snop  }
0x90: {  	s2 =	sld [smem:$0x3FC9]  }
0x91: {  	s18 =	sld [smem:$0x3FC7]  }
0x92: {  	s4 =	sld [smem:$0x3FD0];
	(tm) =	ssettm $0x1  }
0x93: {  	s5 =	sld [smem:$0x3FFB];
	_ =	sdelay $0x3  }
0x94: {  	_ =	strace s5  }
0x95: {  	s5 =	sld [smem:$0x3FFC];
	_ =	sdelay $0x3  }
0x96: {  	_ =	strace s5  }
0x97: {  	s5 =	sld [smem:$0x3FFD];
	_ =	sdelay $0x3  }
0x98: {  	_ =	strace s5  }
0x99: {  	_ =	strace $0x8FFFFFFF  }
0x9a: {  	s19 =	sld [smem:$0x3FDB];
	_ =	sdelay $0x1  }
0x9b: {  	s6 =	simm.s32 $_scs_section_size  }
0x9c: {  	s7 =	simm.s32 $_size__tile_overlayer_lowered;
	s8 =	simm.s32 $_tile_overlayer_lowered  }
0x9d: {  	s22 =	simm.s32 $0x1BFF;
	s21 =	sshll.u32 s8, $0x1;
	s5 =	sadd.s32 s6, s19  }
0x9e: {  	s9 =	simm.s32 $0x0;
	s20 =	sshll.u32 s7, $0x1;
	s7 =	sadd.s32 s21, s5  }
0x9f: {  	[timem:s9], [sflag:s22] =	dma.local [hbm:s7], s20  }
0xa0: {  	_ =	swait.ge [sflag:s22], s20  }
0xa1: {  	s6 =	ssub.s32 $0x0, s20;
	[sflag:s22] =	ssyncset.done $0x0  }
0xa2: {  	[sflag:s22] =	ssyncadd.s32 s6;
	_ =	sdelay $0x1  }
0xa3: {  	s23 =	simm.s32 $0x1B8B  }
0xa4: {  	_ =	swait.ge [sflag:s23], $0x1  }
0xa5: {  	[sflag:s23] =	ssyncset.done $0x0  }
0xa6: {  	s25 =	simm.s32 $0x1B8E;
	s24 =	sld [smem:$0x3FFE];
	[sflag:s23] =	ssyncadd.s32 $0xFFFFFFFF  }
0xa7: {  	s26 =	simm.s32 $execute0_lowered;
	[smem:$0x3FD2] =	sst s25  }
0xa8: {  	s7 =	sshll.u32 s26, $0x1;
	_ =	strace $0x80000046;
	[dreg:$0x1] =	wrdreg $0xFFFFFFFF  }
0xa9: {  	s28 =	simm.s32 $_size_execute0_lowered;
	s5 =	sadd.s32 s5, s7;
	[dreg:$0x0] =	wrdreg $0x0  }
0xaa: {  	s7 =	sshll.u32 s28, $0x1;
	[dreg:$0x2] =	wrdreg s5  }
0xab: {  	[dreg:$0x3] =	wrdreg s7  }
0xac: {  	[dreg:$0x4] =	wrdreg $0xC0  }
0xad: {  	_ =	task [dreg:s9], $0x5FFFF  }
0xae: {  	[dreg:$0x1] =	wrdreg $0xFFFFFFFF  }
0xaf: {  	[dreg:$0x0] =	wrdreg $0x60  }
0xb0: {  	[dreg:$0x2] =	wrdreg s2  }
0xb1: {  	[dreg:$0x3] =	wrdreg s24  }
0xb2: {  	[dreg:$0x4] =	wrdreg s4  }
0xb3: {  	[dreg:$0x5] =	wrdreg s18  }
0xb4: {  	[dreg:$0x6] =	wrdreg $0x7B000  }
0xb5: {  	[dreg:$0x7] =	wrdreg $0x9  }
0xb6: {  	_ =	task.clear_ibuf [dreg:s9], $0x8FFFF;
	_ =	strace $0x90000046  }
0xb7: {  	s29 =	simm.s32 $0x9;
	_ =	strace $0x80000048  }
0xb8: {  	_ =	swait.ge [sflag:s29], $0x1  }
0xb9: {  	[sflag:s29] =	ssyncadd.s32 $0xFFFFFFFF  }
0xba: {  	_ =	strace $0x90000048  }
0xbb: {  	_ =	sfence  }
0xbc: {  	s30 =	sld [smem:$0x0];
	_ =	sdelay $0x2  }
0xbd: {  	s31 =	sshll.u32 s1, $0xD;
	s1 =	sshrl.u32 s1, $0x2  }
0xbe: {  	s3 =	sand.u32 $0x4000, s31;
	s1 =	sadd.s32 s1, s30  }
0xbf: {  	s0 =	sor.u32 s3, s0;
	s1 =	sshll.u32 s1, $0x11  }
0xc0: {  	s0 =	sor.u32 s1, s0  }
0xc1: {  	s0 =	sadd.s32 $0x8F2B, s0  }
0xc2: {  	[sflag:s0] =	ssyncadd.remote.s32 $0x1  }
0xc3: {  	_ =	sfence.sel $0xFFFF  }
0xc4: {  	[dreg:$0x0] =	wrdreg $0xFFFFFFFF;
	(pc) =	sbr.abs _section_cstart, $3  }
0xc5: {  	[dreg:$0x1] =	wrdreg $0xFFFFFFFF  }
0xc6: {  	_ =	task.clear_ibuf [dreg:s9], $0x2FFFF;
	_ =	strace $0x9FFFFFFF  }
0xc7: {  	(tm) =	ssettm $0x7FFFFFFF  }
tec
execute0_lowered:
.L_overlay_start_1:
0x0: {  	(tag) =	ssettag $0x1  }
0x1: {  	s1 =	rddreg [dreg:$0x0]  }
0x2: {  	s0 =	rddreg [dreg:$0x1]  }
0x3: {  	s2 =	rddreg [dreg:$0x2]  }
0x4: {  	s3 =	rddreg [dreg:$0x3]  }
0x5: {  	s4 =	rddreg [dreg:$0x4]  }
0x6: {  	s5 =	simm.s32 $0x0;
	s6 =	srdreg.scid;
	s13 =	stileid.u32  }
0x7: {  	s29 =	simm.s32 $0x300;
	s30 =	simm.s32 $0xD;
	s31 =	simm.s32 $0x1700  }
0x8: {  	s28 =	simm.s32 $0xC;
	[smem:$0x7FF] =	sst s5;
	s6 =	sand.u32 $0x1, s6  }
0x9: {  	s7 =	sshll.u32 s13, $0x1;
	_ =	strace $0x80000047;
	s8 =	smul.u32 $0x27100, s6  }
0xa: {  	s9 =	ssub.s32 $0x2, s6;
	s10 =	sor.u32 s6, s7;
	s6 =	sadd.s32 $0x1400, s0  }
0xb: {  	s7 =	ssub.s32 $0x118, s7;
	s11 =	sshrl.u32 s9, $0x1;
	s12 =	smul.u32 $0x2710, s10  }
0xc: {  	s7 =	sshrl.u32 s7, $0x5;
	s21 =	smul.u32 $0x27100, s10;
	s10 =	simm.s32 $0x6  }
0xd: {  	s0 =	sadd.s32 s8, s0;
	s8 =	ssub.s32 s9, s11;
	[dreg:$0x6] =	wrdreg s7  }
0xe: {  	s11 =	simm.s32 $0x1;
	s20 =	sshrl.u32 s12, $0x3;
	s23 =	sadd.s32 $0x28, s12  }
0xf: {  	s9 =	sadd.s32 s3, s21;
	s25 =	sadd.s32 $0x50, s12;
	s18 =	sadd.s32 $0x78, s12  }
0x10: {  	s22 =	sadd.s32 s6, s20;
	s7 =	sadd.s32 s2, s20;
	[dreg:$0x9] =	wrdreg s9  }
0x11: {  	s24 =	sshrl.u32 s23, $0x3;
	s14 =	sshrl.u32 s25, $0x3;
	s17 =	sshll.u32 s25, $0x4  }
0x12: {  	s19 =	sshrl.u32 s18, $0x3;
	s20 =	smul.u32 $0xA000, s13;
	[dreg:$0x7] =	wrdreg s22  }
0x13: {  	s25 =	ssub.s32 $0x8C, s13;
	[dreg:$0x8] =	wrdreg s7;
	s26 =	sadd.s32 s6, s24  }
0x14: {  	s7 =	sshll.u32 s23, $0x4;
	s9 =	sadd.s32 s2, s24;
	[dreg:$0xa] =	wrdreg s26  }
0x15: {  	s15 =	sadd.s32 s6, s14;
	s16 =	sadd.s32 s2, s14;
	[dreg:$0xb] =	wrdreg s9  }
0x16: {  	s21 =	sadd.s32 s6, s19;
	s22 =	smul.u32 $0x500, s13;
	[dreg:$0xd] =	wrdreg s15  }
0x17: {  	s13 =	simm.s32 $0x2;
	s14 =	simm.s32 $0xA;
	[dreg:$0xe] =	wrdreg s16  }
0x18: {  	s7 =	sadd.s32 s3, s7;
	[dreg:$0x10] =	wrdreg s21;
	s9 =	sshll.u32 s18, $0x4  }
0x19: {  	s24 =	sshrl.u32 s20, $0x2;
	s21 =	sadd.s32 $0xA0, s12;
	s26 =	smax.u32 s8, $0x1  }
0x1a: {  	s8 =	simm.s32 $0x80;
	s15 =	simm.s32 $0x7;
	s16 =	simm.s32 $0x4  }
0x1b: {  	s20 =	simm.s32 $0x5;
	[dreg:$0xc] =	wrdreg s7;
	s7 =	sadd.s32 s3, s17  }
0x1c: {  	s23 =	sadd.s32 s3, s9;
	s0 =	sadd.s32 s22, s0;
	[dreg:$0x15] =	wrdreg s26  }
0x1d: {  	s22 =	sadd.s32 $0xC8, s12;
	s17 =	simm.s32 $0x100;
	[dreg:$0xf] =	wrdreg s7  }
0x1e: {  	s26 =	simm.s32 $0x8;
	s7 =	sadd.s32 s2, s19;
	[dreg:$0x12] =	wrdreg s23  }
0x1f: {  	s9 =	simm.s32 $0x9;
	s0 =	sadd.s32 $0xB200, s0;
	[dreg:$0x11] =	wrdreg s7  }
0x20: {  	s7 =	sadd.s32 s24, s4;
	s4 =	sshrl.u32 s25, $0x4;
	[dreg:$0x16] =	wrdreg s0  }
0x21: {  	s23 =	sadd.s32 $0xF0, s12;
	s12 =	simm.s32 $0x28;
	[dreg:$0x14] =	wrdreg s4  }
0x22: {  	s25 =	simm.s32 $0x3;
	[dreg:$0x13] =	wrdreg s7;
	s19 =	sadd.s32 $0x1400, s7  }
0x23: {  	v0 =	vimm.f32 $0.0e+00;
	s24 =	simm.s32 $0xB;
	s4 =	simm.s32 $0x0;
	[dreg:$0x17] =	wrdreg s19  }
.LBB2_1:
0x24: {  	[dreg:$0x18] =	wrdreg s4;
	s0 =	simm.s32 $0x0;
	s7 =	simm.s32 $0x200  }
.LBB2_2:
0x25: {  	p0 =	sne.s32 s7, $0x4E00;
	[tilespmem:s0+$0x1770] =	vst v0  }
0x26: {  	[tilespmem:s0+$0x300] =	vst v0  }
0x27: {  	[tilespmem:s0+$0x1700] =	vst v0  }
0x28: {  	[tilespmem:s0+$0x310] =	vst v0  }
0x29: {  	[tilespmem:s0+$0x1710] =	vst v0  }
0x2a: {  	[tilespmem:s0+$0x320] =	vst v0  }
0x2b: {  	[tilespmem:s0+$0x1720] =	vst v0  }
0x2c: {  	[tilespmem:s0+$0x330] =	vst v0  }
0x2d: {  	[tilespmem:s0+$0x1730] =	vst v0  }
0x2e: {  	[tilespmem:s0+$0x340] =	vst v0  }
0x2f: {  	[tilespmem:s0+$0x1740] =	vst v0  }
.Ltmp0:
0x30: {  	[tilespmem:s0+$0x350] =	vst v0;
	(pc) =	sbr.rel @p0 .LBB2_2-.Ltmp0, $4  }
0x31: {  	[tilespmem:s0+$0x1750] =	vst v0  }
0x32: {  	[tilespmem:s0+$0x360] =	vst v0  }
0x33: {  	[tilespmem:s0+$0x1760] =	vst v0  }
0x34: {  	[tilespmem:s0+$0x370] =	vst v0;
	s0 =	sshra.s32 s7, $0x2;
	s7 =	sadd.s32 $0x200, s7  }
0x35: {  	[tilespmem:s0+$0x1770] =	vst v0  }
0x36: {  	[tilespmem:s0+$0x300] =	vst v0  }
0x37: {  	[tilespmem:s0+$0x1700] =	vst v0  }
0x38: {  	[tilespmem:s0+$0x310] =	vst v0  }
0x39: {  	[tilespmem:s0+$0x1710] =	vst v0  }
0x3a: {  	[tilespmem:s0+$0x320] =	vst v0  }
0x3b: {  	[tilespmem:s0+$0x1720] =	vst v0  }
0x3c: {  	[tilespmem:s0+$0x330] =	vst v0  }
0x3d: {  	[tilespmem:s0+$0x1730] =	vst v0  }
0x3e: {  	[tilespmem:s0+$0x340] =	vst v0;
	s4 =	rddreg [dreg:$0x6]  }
0x3f: {  	[tilespmem:s0+$0x1740] =	vst v0;
	p1 =	sne.s32 s4, $0x1  }
.Ltmp1:
0x40: {  	[tilespmem:s0+$0x350] =	vst v0;
	(pc) =	sbr.rel @!p1 .LBB2_6-.Ltmp1, $4  }
0x41: {  	[tilespmem:s0+$0x1750] =	vst v0  }
0x42: {  	[tilespmem:s0+$0x360] =	vst v0  }
0x43: {  	[tilespmem:s0+$0x1760] =	vst v0  }
0x44: {  	[tilespmem:s0+$0x370] =	vst v0;
	p0 =	por $0x0, $0x0;
	s0 =	smov.u32 s19;
	s7 =	sadd.s32 $0xFFFFFFFF, s4  }
0x45: {  	s0 =	sadd.s32 $0xFFFFEC00, s19  }
0x46: {  	[spmem:s0] =	stream.linear.scatter [tilespmem:s29], [sflag:$0xD], $0x1400, $0x38;
	[tilespmem:$0x1B380] =	vst v63  }
0x47: {  	p1 =	sne.s32 s7, $0x1;
	_ =	swait.ge [sflag:s30], $0x1400  }
.Ltmp2:
0x48: {  	[sflag:s30] =	ssyncset.done $0x0;
	(pc) =	sbr.rel @!p1 .LBB2_6-.Ltmp2, $4  }
0x49: {  	[sflag:s30] =	ssyncadd.s32 $0xFFFFEC00  }
0x4a: {  	[spmem:s19] =	stream.linear.scatter [tilespmem:s31], [sflag:$0xD], $0x1400, $0x38;
	[tilespmem:$0x1B380] =	vst v63  }
0x4b: {  	s7 =	sadd.s32 $0xFFFFFFFF, s7;
	_ =	swait.ge [sflag:s30], $0x1400  }
0x4c: {  	p0 =	por $0x1, $0x1;
	s0 =	sadd.s32 $0x28000, s19;
	[sflag:s30] =	ssyncset.done $0x0  }
.LBB2_5:
0x4d: {  	p1 =	sne.s32 s7, $0x1;
	s18 =	sadd.s32 $0xFFFFEC00, s0;
	[sflag:s30] =	ssyncadd.s32 $0xFFFFEC00  }
0x4e: {  	[spmem:s18] =	stream.linear.scatter [tilespmem:s29], [sflag:$0xD], $0x1400, $0x38;
	[tilespmem:$0x1B380] =	vst v63  }
0x4f: {  	s7 =	sadd.s32 $0xFFFFFFFF, s7;
	_ =	swait.ge [sflag:s30], $0x1400  }
.Ltmp3:
0x50: {  	[sflag:s30] =	ssyncset.done $0x0;
	(pc) =	sbr.rel @p1 .LBB2_5-.Ltmp3, $4  }
0x51: {  	[sflag:s30] =	ssyncadd.s32 $0xFFFFEC00  }
0x52: {  	[spmem:s0] =	stream.linear.scatter [tilespmem:s31], [sflag:$0xD], $0x1400, $0x38;
	[tilespmem:$0x1B380] =	vst v63  }
0x53: {  	_ =	swait.ge [sflag:s30], $0x1400  }
0x54: {  	s0 =	sadd.s32 $0x28000, s0;
	[sflag:s30] =	ssyncset.done $0x0  }
.LBB2_6:
0x55: {  	s7 =	sadd.s32 $0xFFFFEC00, s0;
	[sflag:s30] =	ssyncadd.s32 @p0 $0xFFFFEC00  }
0x56: {  	[spmem:s7] =	stream.linear.scatter [tilespmem:s29], [sflag:$0xD], $0x1400, $0x38;
	[tilespmem:$0x1B380] =	vst v63  }
0x57: {  	_ =	swait.ge [sflag:s30], $0x1400  }
0x58: {  	[sflag:s30] =	ssyncset.done $0x0  }
0x59: {  	[sflag:s30] =	ssyncadd.s32 $0xFFFFEC00  }
0x5a: {  	[spmem:s0] =	stream.linear.scatter [tilespmem:s31], [sflag:$0xD], $0x1400, $0x38;
	[tilespmem:$0x1B380] =	vst v63  }
0x5b: {  	_ =	swait.ge [sflag:s30], $0x1400  }
0x5c: {  	[sflag:s30] =	ssyncset.done $0x0  }
0x5d: {  	[sflag:s30] =	ssyncadd.s32 $0xFFFFEC00  }
0x5e: {  	[bflag:$0x0] =	sbarrier.arrive $0xFFFF  }
0x5f: {  	s18 =	rddreg [dreg:$0x7]  }
0x60: {  	[tilespmem:s5], [sflag:$0x1] =	stream.linear.gather [hbm4b:s18+s5], $0x28, $0x38;
	[tilespmem:$0x1B380] =	vst v63  }
0x61: {  	s4 =	simm.s32 $0x180;
	s19 =	rddreg [dreg:$0x8]  }
0x62: {  	[tilespmem:s4], [sflag:$0x4] =	stream.linear.gather [hbm4b:s19+s5], $0x28, $0x38;
	[tilespmem:$0x1B380] =	vst v63  }
0x63: {  	s7 =	rddreg [dreg:$0x9];
	s18 =	simm.s32 $0x3F00  }
0x64: {  	[tilespmem:s18], [sflag:$0xA] =	stream.linear.gather [hbm4b:s7+s5], $0x1400, $0x38;
	[tilespmem:$0x1B380] =	vst v63  }
0x65: {  	s19 =	rddreg [dreg:$0xa]  }
0x66: {  	[tilespmem:s8], [sflag:$0x2] =	stream.linear.gather [hbm4b:s19+s5], $0x28, $0x38;
	[tilespmem:$0x1B380] =	vst v63  }
0x67: {  	s4 =	rddreg [dreg:$0xb];
	s7 =	simm.s32 $0x200  }
0x68: {  	[tilespmem:s7], [sflag:$0x5] =	stream.linear.gather [hbm4b:s4+s5], $0x28, $0x38;
	[tilespmem:$0x1B380] =	vst v63  }
0x69: {  	s18 =	rddreg [dreg:$0xc];
	s19 =	simm.s32 $0x5300  }
0x6a: {  	[tilespmem:s19], [sflag:$0xB] =	stream.linear.gather [hbm4b:s18+s5], $0x1400, $0x38;
	[tilespmem:$0x1B380] =	vst v63  }
0x6b: {  	_ =	swait.ge [sflag:s11], $0x28  }
0x6c: {  	[sflag:s11] =	ssyncset.done $0x0  }
0x6d: {  	[sflag:s11] =	ssyncadd.s32 $0xFFFFFFD8  }
0x6e: {  	[tilespmem:s29], [sflag:$0x7] =	stream.indirect.gather [hbm4b:s1+s12], $0x80, s5, s12, $0xb8;
	[tilespmem:$0x1B380] =	vst v63  }
0x6f: {  	_ =	swait.ge [sflag:s13], $0x28  }
0x70: {  	[sflag:s13] =	ssyncset.done $0x0  }
0x71: {  	[sflag:s13] =	ssyncadd.s32 $0xFFFFFFD8  }
0x72: {  	[tilespmem:s31], [sflag:$0x8] =	stream.indirect.gather [hbm4b:s1+s12], $0x80, s8, s12, $0xb8;
	[tilespmem:$0x1B380] =	vst v63  }
0x73: {  	_ =	swait.ge [sflag:s14], $0x1400  }
0x74: {  	[sflag:s14] =	ssyncset.done $0x0  }
0x75: {  	[sflag:s14] =	ssyncadd.s32 $0xFFFFEC00  }
0x76: {  	_ =	swait.ge [sflag:s15], $0x1400  }
0x77: {  	[sflag:s15] =	ssyncset.done $0x0  }
0x78: {  	s7 =	simm.s32 $0xF0;
	[sflag:s15] =	ssyncadd.s32 $0xFFFFEC00  }
0x79: {  	v7 =	vld [tilespmem:s7+$0x3E10]  }
0x7a: {  	v8 =	vld [tilespmem:s7+$0x3E20]  }
0x7b: {  	v9 =	vld [tilespmem:s7+$0x3E30]  }
0x7c: {  	v10 =	vld [tilespmem:s7+$0x3E40]  }
0x7d: {  	v11 =	vld [tilespmem:s7+$0x3E50]  }
0x7e: {  	v12 =	vld [tilespmem:s7+$0x3E60]  }
0x7f: {  	v13 =	vld [tilespmem:s7+$0x3E70]  }
0x80: {  	v14 =	vld [tilespmem:s7+$0x3E80]  }
0x81: {  	v15 =	vld [tilespmem:s7+$0x3E90]  }
0x82: {  	v16 =	vld [tilespmem:s7+$0x3EA0]  }
0x83: {  	v6 =	vld [tilespmem:s7+$0x3EB0]  }
0x84: {  	v5 =	vld [tilespmem:s7+$0x3EC0]  }
0x85: {  	v4 =	vld [tilespmem:s7+$0x3ED0]  }
0x86: {  	v17 =	vld [tilespmem:s7+$0x210]  }
0x87: {  	v18 =	vld [tilespmem:s7+$0x220]  }
0x88: {  	v3 =	vld [tilespmem:s7+$0x3EE0]  }
0x89: {  	v19 =	vld [tilespmem:s7+$0x230]  }
0x8a: {  	v20 =	vld [tilespmem:s7+$0x240]  }
0x8b: {  	v2 =	vld [tilespmem:s7+$0x3EF0];
	v7 =	vadd.f32 v7, v17  }
0x8c: {  	v21 =	vld [tilespmem:s7+$0x250];
	v8 =	vadd.f32 v8, v18  }
0x8d: {  	v60 =	vld [tilespmem:s7+$0x260];
	v7 =	vmax.f32 v7, $0.0e+00  }
0x8e: {  	v1 =	vld [tilespmem:s7+$0x3F00];
	v8 =	vmax.f32 v8, $0.0e+00;
	[tilespmem:s7+$0x210] =	vst v7;
	v7 =	vadd.f32 v9, v19  }
0x8f: {  	v22 =	vld [tilespmem:s7+$0x270];
	[tilespmem:s7+$0x220] =	vst v8;
	v8 =	vadd.f32 v10, v20  }
0x90: {  	v61 =	vld [tilespmem:s7+$0x280];
	v7 =	vmax.f32 v7, $0.0e+00  }
0x91: {  	v62 =	vld [tilespmem:s7+$0x290];
	v9 =	vmax.f32 v8, $0.0e+00;
	[tilespmem:s7+$0x230] =	vst v7;
	v7 =	vadd.f32 v11, v21  }
0x92: {  	v63 =	vld [tilespmem:s7+$0x2A0];
	[tilespmem:s7+$0x240] =	vst v9;
	v9 =	vadd.f32 v12, v60  }
0x93: {  	v8 =	vld [tilespmem:s7+$0x2B0];
	v10 =	vmax.f32 v7, $0.0e+00  }
0x94: {  	v7 =	vld [tilespmem:s7+$0x2C0];
	v11 =	vmax.f32 v9, $0.0e+00;
	[tilespmem:s7+$0x250] =	vst v10;
	v10 =	vadd.f32 v13, v22  }
0x95: {  	v9 =	vld [tilespmem:s7+$0x2D0];
	[tilespmem:s7+$0x260] =	vst v11;
	v11 =	vadd.f32 v14, v61  }
0x96: {  	v13 =	vadd.f32 v15, v62;
	v12 =	vmax.f32 v10, $0.0e+00;
	v10 =	vld [tilespmem:s7+$0x2E0]  }
0x97: {  	s18 =	simm.s32 $0x7C0;
	v14 =	vmax.f32 v11, $0.0e+00;
	v11 =	vld [tilespmem:s7+$0x2F0];
	[tilespmem:s7+$0x270] =	vst v12;
	v12 =	vadd.f32 v16, v63  }
.LBB2_7:
0x98: {  	s0 =	sshra.s32 s18, $0x2;
	p0 =	sne.s32 s18, $0x4FC0;
	[tilespmem:s7+$0x280] =	vst v14;
	v13 =	vmax.f32 v13, $0.0e+00;
	v6 =	vadd.f32 v6, v8;
	v8 =	vld [tilespmem:s7+$0x300]  }
0x99: {  	v14 =	vld [tilespmem:s0+$0x3E10];
	[tilespmem:s7+$0x290] =	vst v13;
	v12 =	vmax.f32 v12, $0.0e+00;
	v5 =	vadd.f32 v5, v7  }
0x9a: {  	v7 =	vld [tilespmem:s0+$0x3E20];
	[tilespmem:s7+$0x2A0] =	vst v12;
	v6 =	vmax.f32 v6, $0.0e+00;
	v4 =	vadd.f32 v4, v9  }
0x9b: {  	v9 =	vld [tilespmem:s0+$0x3E30];
	[tilespmem:s7+$0x2B0] =	vst v6;
	v5 =	vmax.f32 v5, $0.0e+00;
	v3 =	vadd.f32 v3, v10  }
0x9c: {  	v10 =	vld [tilespmem:s0+$0x3E40];
	[tilespmem:s7+$0x2C0] =	vst v5;
	v4 =	vmax.f32 v4, $0.0e+00;
	v2 =	vadd.f32 v2, v11  }
0x9d: {  	v11 =	vld [tilespmem:s0+$0x3E50];
	[tilespmem:s7+$0x2D0] =	vst v4;
	v3 =	vmax.f32 v3, $0.0e+00;
	v1 =	vadd.f32 v1, v8  }
0x9e: {  	v8 =	vld [tilespmem:s0+$0x3E60];
	[tilespmem:s7+$0x2E0] =	vst v3;
	v2 =	vmax.f32 v2, $0.0e+00  }
0x9f: {  	v12 =	vld [tilespmem:s0+$0x3E70];
	[tilespmem:s7+$0x2F0] =	vst v2;
	v1 =	vmax.f32 v1, $0.0e+00  }
0xa0: {  	v13 =	vld [tilespmem:s0+$0x3E80];
	[tilespmem:s7+$0x300] =	vst v1;
	s7 =	smov.u32 s0  }
0xa1: {  	v15 =	vld [tilespmem:s7+$0x3E90]  }
0xa2: {  	v16 =	vld [tilespmem:s7+$0x3EA0]  }
0xa3: {  	v6 =	vld [tilespmem:s7+$0x3EB0]  }
0xa4: {  	v5 =	vld [tilespmem:s7+$0x3EC0]  }
0xa5: {  	v4 =	vld [tilespmem:s7+$0x3ED0]  }
0xa6: {  	v3 =	vld [tilespmem:s7+$0x3EE0]  }
0xa7: {  	v2 =	vld [tilespmem:s7+$0x3EF0]  }
0xa8: {  	v1 =	vld [tilespmem:s7+$0x3F00]  }
0xa9: {  	v17 =	vld [tilespmem:s7+$0x210]  }
0xaa: {  	v18 =	vld [tilespmem:s7+$0x220]  }
0xab: {  	v19 =	vld [tilespmem:s7+$0x230]  }
0xac: {  	v20 =	vld [tilespmem:s7+$0x240]  }
0xad: {  	v21 =	vld [tilespmem:s7+$0x250]  }
0xae: {  	v14 =	vadd.f32 v14, v17;
	v17 =	vld [tilespmem:s7+$0x260]  }
0xaf: {  	v7 =	vadd.f32 v7, v18;
	v18 =	vld [tilespmem:s7+$0x270]  }
0xb0: {  	v14 =	vmax.f32 v14, $0.0e+00;
	v9 =	vadd.f32 v9, v19;
	v19 =	vld [tilespmem:s7+$0x280]  }
0xb1: {  	[tilespmem:s7+$0x210] =	vst v14;
	v7 =	vmax.f32 v7, $0.0e+00;
	v10 =	vadd.f32 v10, v20;
	v14 =	vld [tilespmem:s7+$0x290]  }
0xb2: {  	[tilespmem:s7+$0x220] =	vst v7;
	v7 =	vmax.f32 v9, $0.0e+00;
	v9 =	vadd.f32 v11, v21;
	v11 =	vld [tilespmem:s7+$0x2A0]  }
.Ltmp4:
0xb3: {  	[tilespmem:s7+$0x230] =	vst v7;
	v7 =	vmax.f32 v10, $0.0e+00;
	v10 =	vadd.f32 v8, v17;
	v8 =	vld [tilespmem:s7+$0x2B0];
	(pc) =	sbr.rel @p0 .LBB2_7-.Ltmp4, $4  }
0xb4: {  	[tilespmem:s7+$0x240] =	vst v7;
	v9 =	vmax.f32 v9, $0.0e+00;
	v12 =	vadd.f32 v12, v18;
	v7 =	vld [tilespmem:s7+$0x2C0]  }
0xb5: {  	[tilespmem:s7+$0x250] =	vst v9;
	v10 =	vmax.f32 v10, $0.0e+00;
	v17 =	vadd.f32 v13, v19;
	v9 =	vld [tilespmem:s7+$0x2D0]  }
0xb6: {  	[tilespmem:s7+$0x260] =	vst v10;
	v12 =	vmax.f32 v12, $0.0e+00;
	v13 =	vadd.f32 v15, v14;
	v10 =	vld [tilespmem:s7+$0x2E0]  }
0xb7: {  	s18 =	sadd.s32 $0x400, s18;
	[tilespmem:s7+$0x270] =	vst v12;
	v14 =	vmax.f32 v17, $0.0e+00;
	v12 =	vadd.f32 v16, v11;
	v11 =	vld [tilespmem:s7+$0x2F0]  }
0xb8: {  	[tilespmem:s7+$0x280] =	vst v14;
	v13 =	vmax.f32 v13, $0.0e+00;
	v6 =	vadd.f32 v6, v8;
	v8 =	vld [tilespmem:s7+$0x300]  }
0xb9: {  	[tilespmem:s7+$0x290] =	vst v13;
	v12 =	vmax.f32 v12, $0.0e+00;
	v5 =	vadd.f32 v5, v7  }
0xba: {  	[tilespmem:s7+$0x2A0] =	vst v12;
	v6 =	vmax.f32 v6, $0.0e+00;
	v4 =	vadd.f32 v4, v9  }
0xbb: {  	[tilespmem:s7+$0x2B0] =	vst v6;
	v5 =	vmax.f32 v5, $0.0e+00;
	v3 =	vadd.f32 v3, v10  }
0xbc: {  	[tilespmem:s7+$0x2C0] =	vst v5;
	v4 =	vmax.f32 v4, $0.0e+00;
	v2 =	vadd.f32 v2, v11  }
0xbd: {  	[tilespmem:s7+$0x2D0] =	vst v4;
	v3 =	vmax.f32 v3, $0.0e+00;
	v1 =	vadd.f32 v1, v8  }
0xbe: {  	[tilespmem:s7+$0x2E0] =	vst v3;
	v2 =	vmax.f32 v2, $0.0e+00  }
0xbf: {  	[tilespmem:s7+$0x2F0] =	vst v2;
	v1 =	vmax.f32 v1, $0.0e+00  }
0xc0: {  	[tilespmem:s7+$0x300] =	vst v1  }
0xc1: {  	_ =	swait.ge [sflag:s16], $0x28  }
0xc2: {  	[sflag:s16] =	ssyncset.done $0x0  }
0xc3: {  	s0 =	rddreg [dreg:$0xd];
	[sflag:s16] =	ssyncadd.s32 $0xFFFFFFD8  }
0xc4: {  	[tilespmem:s17], [sflag:$0x3] =	stream.linear.gather [hbm4b:s0+s5], $0x28, $0x38;
	[tilespmem:$0x1B380] =	vst v63  }
0xc5: {  	s4 =	simm.s32 $0x280;
	s19 =	rddreg [dreg:$0xe]  }
0xc6: {  	[tilespmem:s4], [sflag:$0x6] =	stream.linear.gather [hbm4b:s19+s5], $0x28, $0x38;
	[tilespmem:$0x1B380] =	vst v63  }
0xc7: {  	s18 =	simm.s32 $0x6700;
	s7 =	rddreg [dreg:$0xf]  }
0xc8: {  	[tilespmem:s18], [sflag:$0xC] =	stream.linear.gather [hbm4b:s7+s5], $0x1400, $0x38;
	[tilespmem:$0x1B380] =	vst v63  }
0xc9: {  	_ =	swait.ge [sflag:s25], $0x28  }
0xca: {  	[sflag:s25] =	ssyncset.done $0x0  }
0xcb: {  	s19 =	simm.s32 $0x2B00;
	[sflag:s25] =	ssyncadd.s32 $0xFFFFFFD8  }
0xcc: {  	[tilespmem:s19], [sflag:$0x9] =	stream.indirect.gather [hbm4b:s1+s12], $0x80, s17, s12, $0xb8;
	[tilespmem:$0x1B380] =	vst v63  }
0xcd: {  	_ =	swait.ge [sflag:s24], $0x1400  }
0xce: {  	[sflag:s24] =	ssyncset.done $0x0  }
0xcf: {  	[sflag:s24] =	ssyncadd.s32 $0xFFFFEC00  }
0xd0: {  	_ =	swait.ge [sflag:s26], $0x1400  }
0xd1: {  	[sflag:s26] =	ssyncset.done $0x0  }
0xd2: {  	s7 =	simm.s32 $0xF0;
	[sflag:s26] =	ssyncadd.s32 $0xFFFFEC00  }
0xd3: {  	v7 =	vld [tilespmem:s7+$0x5210]  }
0xd4: {  	v8 =	vld [tilespmem:s7+$0x5220]  }
0xd5: {  	v9 =	vld [tilespmem:s7+$0x5230]  }
0xd6: {  	v10 =	vld [tilespmem:s7+$0x5240]  }
0xd7: {  	v11 =	vld [tilespmem:s7+$0x5250]  }
0xd8: {  	v12 =	vld [tilespmem:s7+$0x5260]  }
0xd9: {  	v13 =	vld [tilespmem:s7+$0x5270]  }
0xda: {  	v14 =	vld [tilespmem:s7+$0x5280]  }
0xdb: {  	v15 =	vld [tilespmem:s7+$0x5290]  }
0xdc: {  	v16 =	vld [tilespmem:s7+$0x52A0]  }
0xdd: {  	v6 =	vld [tilespmem:s7+$0x52B0]  }
0xde: {  	v5 =	vld [tilespmem:s7+$0x52C0]  }
0xdf: {  	v4 =	vld [tilespmem:s7+$0x52D0]  }
0xe0: {  	v17 =	vld [tilespmem:s7+$0x1610]  }
0xe1: {  	v18 =	vld [tilespmem:s7+$0x1620]  }
0xe2: {  	v3 =	vld [tilespmem:s7+$0x52E0]  }
0xe3: {  	v19 =	vld [tilespmem:s7+$0x1630]  }
0xe4: {  	v20 =	vld [tilespmem:s7+$0x1640]  }
0xe5: {  	v2 =	vld [tilespmem:s7+$0x52F0];
	v7 =	vadd.f32 v7, v17  }
0xe6: {  	v21 =	vld [tilespmem:s7+$0x1650];
	v8 =	vadd.f32 v8, v18  }
0xe7: {  	v60 =	vld [tilespmem:s7+$0x1660];
	v7 =	vmax.f32 v7, $0.0e+00  }
0xe8: {  	v1 =	vld [tilespmem:s7+$0x5300];
	v8 =	vmax.f32 v8, $0.0e+00;
	[tilespmem:s7+$0x1610] =	vst v7;
	v7 =	vadd.f32 v9, v19  }
0xe9: {  	v22 =	vld [tilespmem:s7+$0x1670];
	[tilespmem:s7+$0x1620] =	vst v8;
	v8 =	vadd.f32 v10, v20  }
0xea: {  	v61 =	vld [tilespmem:s7+$0x1680];
	v7 =	vmax.f32 v7, $0.0e+00  }
0xeb: {  	v62 =	vld [tilespmem:s7+$0x1690];
	v9 =	vmax.f32 v8, $0.0e+00;
	[tilespmem:s7+$0x1630] =	vst v7;
	v7 =	vadd.f32 v11, v21  }
0xec: {  	v63 =	vld [tilespmem:s7+$0x16A0];
	[tilespmem:s7+$0x1640] =	vst v9;
	v9 =	vadd.f32 v12, v60  }
0xed: {  	v8 =	vld [tilespmem:s7+$0x16B0];
	v10 =	vmax.f32 v7, $0.0e+00  }
0xee: {  	v7 =	vld [tilespmem:s7+$0x16C0];
	v11 =	vmax.f32 v9, $0.0e+00;
	[tilespmem:s7+$0x1650] =	vst v10;
	v10 =	vadd.f32 v13, v22  }
0xef: {  	v9 =	vld [tilespmem:s7+$0x16D0];
	[tilespmem:s7+$0x1660] =	vst v11;
	v11 =	vadd.f32 v14, v61  }
0xf0: {  	v13 =	vadd.f32 v15, v62;
	v12 =	vmax.f32 v10, $0.0e+00;
	v10 =	vld [tilespmem:s7+$0x16E0]  }
0xf1: {  	s18 =	simm.s32 $0x7C0;
	v14 =	vmax.f32 v11, $0.0e+00;
	v11 =	vld [tilespmem:s7+$0x16F0];
	[tilespmem:s7+$0x1670] =	vst v12;
	v12 =	vadd.f32 v16, v63  }
.LBB2_9:
0xf2: {  	s0 =	sshra.s32 s18, $0x2;
	p0 =	sne.s32 s18, $0x4FC0;
	[tilespmem:s7+$0x1680] =	vst v14;
	v13 =	vmax.f32 v13, $0.0e+00;
	v6 =	vadd.f32 v6, v8;
	v8 =	vld [tilespmem:s7+$0x1700]  }
0xf3: {  	v14 =	vld [tilespmem:s0+$0x5210];
	[tilespmem:s7+$0x1690] =	vst v13;
	v12 =	vmax.f32 v12, $0.0e+00;
	v5 =	vadd.f32 v5, v7  }
0xf4: {  	v7 =	vld [tilespmem:s0+$0x5220];
	[tilespmem:s7+$0x16A0] =	vst v12;
	v6 =	vmax.f32 v6, $0.0e+00;
	v4 =	vadd.f32 v4, v9  }
0xf5: {  	v9 =	vld [tilespmem:s0+$0x5230];
	[tilespmem:s7+$0x16B0] =	vst v6;
	v5 =	vmax.f32 v5, $0.0e+00;
	v3 =	vadd.f32 v3, v10  }
0xf6: {  	v10 =	vld [tilespmem:s0+$0x5240];
	[tilespmem:s7+$0x16C0] =	vst v5;
	v4 =	vmax.f32 v4, $0.0e+00;
	v2 =	vadd.f32 v2, v11  }
0xf7: {  	v11 =	vld [tilespmem:s0+$0x5250];
	[tilespmem:s7+$0x16D0] =	vst v4;
	v3 =	vmax.f32 v3, $0.0e+00;
	v1 =	vadd.f32 v1, v8  }
0xf8: {  	v8 =	vld [tilespmem:s0+$0x5260];
	[tilespmem:s7+$0x16E0] =	vst v3;
	v2 =	vmax.f32 v2, $0.0e+00  }
0xf9: {  	v12 =	vld [tilespmem:s0+$0x5270];
	[tilespmem:s7+$0x16F0] =	vst v2;
	v1 =	vmax.f32 v1, $0.0e+00  }
0xfa: {  	v13 =	vld [tilespmem:s0+$0x5280];
	[tilespmem:s7+$0x1700] =	vst v1;
	s7 =	smov.u32 s0  }
0xfb: {  	v15 =	vld [tilespmem:s7+$0x5290]  }
0xfc: {  	v16 =	vld [tilespmem:s7+$0x52A0]  }
0xfd: {  	v6 =	vld [tilespmem:s7+$0x52B0]  }
0xfe: {  	v5 =	vld [tilespmem:s7+$0x52C0]  }
0xff: {  	v4 =	vld [tilespmem:s7+$0x52D0]  }
0x100: {  	v3 =	vld [tilespmem:s7+$0x52E0]  }
0x101: {  	v2 =	vld [tilespmem:s7+$0x52F0]  }
0x102: {  	v1 =	vld [tilespmem:s7+$0x5300]  }
0x103: {  	v17 =	vld [tilespmem:s7+$0x1610]  }
0x104: {  	v18 =	vld [tilespmem:s7+$0x1620]  }
0x105: {  	v19 =	vld [tilespmem:s7+$0x1630]  }
0x106: {  	v20 =	vld [tilespmem:s7+$0x1640]  }
0x107: {  	v21 =	vld [tilespmem:s7+$0x1650]  }
0x108: {  	v14 =	vadd.f32 v14, v17;
	v17 =	vld [tilespmem:s7+$0x1660]  }
0x109: {  	v7 =	vadd.f32 v7, v18;
	v18 =	vld [tilespmem:s7+$0x1670]  }
0x10a: {  	v14 =	vmax.f32 v14, $0.0e+00;
	v9 =	vadd.f32 v9, v19;
	v19 =	vld [tilespmem:s7+$0x1680]  }
0x10b: {  	[tilespmem:s7+$0x1610] =	vst v14;
	v7 =	vmax.f32 v7, $0.0e+00;
	v10 =	vadd.f32 v10, v20;
	v14 =	vld [tilespmem:s7+$0x1690]  }
0x10c: {  	[tilespmem:s7+$0x1620] =	vst v7;
	v7 =	vmax.f32 v9, $0.0e+00;
	v9 =	vadd.f32 v11, v21;
	v11 =	vld [tilespmem:s7+$0x16A0]  }
.Ltmp5:
0x10d: {  	[tilespmem:s7+$0x1630] =	vst v7;
	v7 =	vmax.f32 v10, $0.0e+00;
	v10 =	vadd.f32 v8, v17;
	v8 =	vld [tilespmem:s7+$0x16B0];
	(pc) =	sbr.rel @p0 .LBB2_9-.Ltmp5, $4  }
0x10e: {  	[tilespmem:s7+$0x1640] =	vst v7;
	v9 =	vmax.f32 v9, $0.0e+00;
	v12 =	vadd.f32 v12, v18;
	v7 =	vld [tilespmem:s7+$0x16C0]  }
0x10f: {  	[tilespmem:s7+$0x1650] =	vst v9;
	v10 =	vmax.f32 v10, $0.0e+00;
	v17 =	vadd.f32 v13, v19;
	v9 =	vld [tilespmem:s7+$0x16D0]  }
0x110: {  	[tilespmem:s7+$0x1660] =	vst v10;
	v12 =	vmax.f32 v12, $0.0e+00;
	v13 =	vadd.f32 v15, v14;
	v10 =	vld [tilespmem:s7+$0x16E0]  }
0x111: {  	s18 =	sadd.s32 $0x400, s18;
	[tilespmem:s7+$0x1670] =	vst v12;
	v14 =	vmax.f32 v17, $0.0e+00;
	v12 =	vadd.f32 v16, v11;
	v11 =	vld [tilespmem:s7+$0x16F0]  }
0x112: {  	[tilespmem:s7+$0x1680] =	vst v14;
	v13 =	vmax.f32 v13, $0.0e+00;
	v6 =	vadd.f32 v6, v8;
	v63 =	vld [tilespmem:s7+$0x1700]  }
0x113: {  	[tilespmem:s7+$0x1690] =	vst v13;
	v12 =	vmax.f32 v12, $0.0e+00;
	v5 =	vadd.f32 v5, v7  }
0x114: {  	[tilespmem:s7+$0x16A0] =	vst v12;
	v6 =	vmax.f32 v6, $0.0e+00;
	v4 =	vadd.f32 v4, v9  }
0x115: {  	[tilespmem:s7+$0x16B0] =	vst v6;
	v5 =	vmax.f32 v5, $0.0e+00;
	v3 =	vadd.f32 v3, v10  }
0x116: {  	[tilespmem:s7+$0x16C0] =	vst v5;
	v4 =	vmax.f32 v4, $0.0e+00;
	v2 =	vadd.f32 v2, v11  }
0x117: {  	[tilespmem:s7+$0x16D0] =	vst v4;
	v3 =	vmax.f32 v3, $0.0e+00;
	v1 =	vadd.f32 v1, v63  }
0x118: {  	[tilespmem:s7+$0x16E0] =	vst v3;
	v2 =	vmax.f32 v2, $0.0e+00  }
0x119: {  	[tilespmem:s7+$0x16F0] =	vst v2;
	v1 =	vmax.f32 v1, $0.0e+00  }
0x11a: {  	[tilespmem:s7+$0x1700] =	vst v1  }
0x11b: {  	_ =	swait.ge [sflag:s20], $0x28  }
0x11c: {  	[sflag:s20] =	ssyncset.done $0x0  }
0x11d: {  	s18 =	simm.s32 $0x0;
	s0 =	rddreg [dreg:$0x10];
	[sflag:s20] =	ssyncadd.s32 $0xFFFFFFD8  }
0x11e: {  	[tilespmem:s18], [sflag:$0x1] =	stream.linear.gather [hbm4b:s0+s18], $0x28, $0x38;
	[tilespmem:$0x1B380] =	vst v63  }
0x11f: {  	s4 =	simm.s32 $0x180;
	s19 =	rddreg [dreg:$0x11]  }
0x120: {  	[tilespmem:s4], [sflag:$0x4] =	stream.linear.gather [hbm4b:s19+s18], $0x28, $0x38;
	[tilespmem:$0x1B380] =	vst v63  }
0x121: {  	s7 =	rddreg [dreg:$0x12];
	s19 =	simm.s32 $0x3F00  }
0x122: {  	[tilespmem:s19], [sflag:$0xA] =	stream.linear.gather [hbm4b:s7+s18], $0x1400, $0x38;
	[tilespmem:$0x1B380] =	vst v63  }
.LBB2_11:
0x123: {  	_ =	swait.ge [sflag:s11], $0x28  }
0x124: {  	[sflag:s11] =	ssyncset.done $0x0  }
0x125: {  	[sflag:s11] =	ssyncadd.s32 $0xFFFFFFD8  }
0x126: {  	[tilespmem:s29], [sflag:$0x7] =	stream.indirect.gather [hbm4b:s1+s12], $0x80, s5, s12, $0xb8;
	[tilespmem:$0x1B380] =	vst v63  }
0x127: {  	_ =	swait.ge [sflag:s28], $0x1400  }
0x128: {  	[sflag:s28] =	ssyncset.done $0x0  }
0x129: {  	[sflag:s28] =	ssyncadd.s32 $0xFFFFEC00  }
0x12a: {  	_ =	swait.ge [sflag:s9], $0x1400  }
0x12b: {  	[sflag:s9] =	ssyncset.done $0x0  }
0x12c: {  	s7 =	simm.s32 $0xF0;
	[sflag:s9] =	ssyncadd.s32 $0xFFFFEC00  }
0x12d: {  	v7 =	vld [tilespmem:s7+$0x6610]  }
0x12e: {  	v8 =	vld [tilespmem:s7+$0x6620]  }
0x12f: {  	v9 =	vld [tilespmem:s7+$0x6630]  }
0x130: {  	v10 =	vld [tilespmem:s7+$0x6640]  }
0x131: {  	v11 =	vld [tilespmem:s7+$0x6650]  }
0x132: {  	v12 =	vld [tilespmem:s7+$0x6660]  }
0x133: {  	v13 =	vld [tilespmem:s7+$0x6670]  }
0x134: {  	v14 =	vld [tilespmem:s7+$0x6680]  }
0x135: {  	v15 =	vld [tilespmem:s7+$0x6690]  }
0x136: {  	v16 =	vld [tilespmem:s7+$0x66A0]  }
0x137: {  	v6 =	vld [tilespmem:s7+$0x66B0]  }
0x138: {  	v5 =	vld [tilespmem:s7+$0x66C0]  }
0x139: {  	v4 =	vld [tilespmem:s7+$0x66D0]  }
0x13a: {  	v17 =	vld [tilespmem:s7+$0x2A10]  }
0x13b: {  	v18 =	vld [tilespmem:s7+$0x2A20]  }
0x13c: {  	v3 =	vld [tilespmem:s7+$0x66E0]  }
0x13d: {  	v19 =	vld [tilespmem:s7+$0x2A30]  }
0x13e: {  	v20 =	vld [tilespmem:s7+$0x2A40]  }
0x13f: {  	v2 =	vld [tilespmem:s7+$0x66F0];
	v7 =	vadd.f32 v7, v17  }
0x140: {  	v21 =	vld [tilespmem:s7+$0x2A50];
	v8 =	vadd.f32 v8, v18  }
0x141: {  	v60 =	vld [tilespmem:s7+$0x2A60];
	v7 =	vmax.f32 v7, $0.0e+00  }
0x142: {  	v1 =	vld [tilespmem:s7+$0x6700];
	v8 =	vmax.f32 v8, $0.0e+00;
	[tilespmem:s7+$0x2A10] =	vst v7;
	v7 =	vadd.f32 v9, v19  }
0x143: {  	v22 =	vld [tilespmem:s7+$0x2A70];
	[tilespmem:s7+$0x2A20] =	vst v8;
	v8 =	vadd.f32 v10, v20  }
0x144: {  	v61 =	vld [tilespmem:s7+$0x2A80];
	v7 =	vmax.f32 v7, $0.0e+00  }
0x145: {  	v62 =	vld [tilespmem:s7+$0x2A90];
	v9 =	vmax.f32 v8, $0.0e+00;
	[tilespmem:s7+$0x2A30] =	vst v7;
	v7 =	vadd.f32 v11, v21  }
0x146: {  	v63 =	vld [tilespmem:s7+$0x2AA0];
	[tilespmem:s7+$0x2A40] =	vst v9;
	v9 =	vadd.f32 v12, v60  }
0x147: {  	v8 =	vld [tilespmem:s7+$0x2AB0];
	v10 =	vmax.f32 v7, $0.0e+00  }
0x148: {  	v7 =	vld [tilespmem:s7+$0x2AC0];
	v11 =	vmax.f32 v9, $0.0e+00;
	[tilespmem:s7+$0x2A50] =	vst v10;
	v10 =	vadd.f32 v13, v22  }
0x149: {  	v9 =	vld [tilespmem:s7+$0x2AD0];
	[tilespmem:s7+$0x2A60] =	vst v11;
	v11 =	vadd.f32 v14, v61  }
0x14a: {  	v13 =	vadd.f32 v15, v62;
	v12 =	vmax.f32 v10, $0.0e+00;
	v10 =	vld [tilespmem:s7+$0x2AE0]  }
0x14b: {  	s19 =	simm.s32 $0x7C0;
	v14 =	vmax.f32 v11, $0.0e+00;
	v11 =	vld [tilespmem:s7+$0x2AF0];
	[tilespmem:s7+$0x2A70] =	vst v12;
	v12 =	vadd.f32 v16, v63  }
.LBB2_12:
0x14c: {  	s0 =	sshra.s32 s19, $0x2;
	p0 =	sne.s32 s19, $0x4FC0;
	[tilespmem:s7+$0x2A80] =	vst v14;
	v13 =	vmax.f32 v13, $0.0e+00;
	v6 =	vadd.f32 v6, v8;
	v8 =	vld [tilespmem:s7+$0x2B00]  }
0x14d: {  	v14 =	vld [tilespmem:s0+$0x6610];
	[tilespmem:s7+$0x2A90] =	vst v13;
	v12 =	vmax.f32 v12, $0.0e+00;
	v5 =	vadd.f32 v5, v7  }
0x14e: {  	v7 =	vld [tilespmem:s0+$0x6620];
	[tilespmem:s7+$0x2AA0] =	vst v12;
	v6 =	vmax.f32 v6, $0.0e+00;
	v4 =	vadd.f32 v4, v9  }
0x14f: {  	v9 =	vld [tilespmem:s0+$0x6630];
	[tilespmem:s7+$0x2AB0] =	vst v6;
	v5 =	vmax.f32 v5, $0.0e+00;
	v3 =	vadd.f32 v3, v10  }
0x150: {  	v10 =	vld [tilespmem:s0+$0x6640];
	[tilespmem:s7+$0x2AC0] =	vst v5;
	v4 =	vmax.f32 v4, $0.0e+00;
	v2 =	vadd.f32 v2, v11  }
0x151: {  	v11 =	vld [tilespmem:s0+$0x6650];
	[tilespmem:s7+$0x2AD0] =	vst v4;
	v3 =	vmax.f32 v3, $0.0e+00;
	v1 =	vadd.f32 v1, v8  }
0x152: {  	v8 =	vld [tilespmem:s0+$0x6660];
	[tilespmem:s7+$0x2AE0] =	vst v3;
	v2 =	vmax.f32 v2, $0.0e+00  }
0x153: {  	v12 =	vld [tilespmem:s0+$0x6670];
	[tilespmem:s7+$0x2AF0] =	vst v2;
	v1 =	vmax.f32 v1, $0.0e+00  }
0x154: {  	v13 =	vld [tilespmem:s0+$0x6680];
	[tilespmem:s7+$0x2B00] =	vst v1;
	s7 =	smov.u32 s0  }
0x155: {  	v15 =	vld [tilespmem:s7+$0x6690]  }
0x156: {  	v16 =	vld [tilespmem:s7+$0x66A0]  }
0x157: {  	v6 =	vld [tilespmem:s7+$0x66B0]  }
0x158: {  	v5 =	vld [tilespmem:s7+$0x66C0]  }
0x159: {  	v4 =	vld [tilespmem:s7+$0x66D0]  }
0x15a: {  	v3 =	vld [tilespmem:s7+$0x66E0]  }
0x15b: {  	v2 =	vld [tilespmem:s7+$0x66F0]  }
0x15c: {  	v1 =	vld [tilespmem:s7+$0x6700]  }
0x15d: {  	v17 =	vld [tilespmem:s7+$0x2A10]  }
0x15e: {  	v18 =	vld [tilespmem:s7+$0x2A20]  }
0x15f: {  	v19 =	vld [tilespmem:s7+$0x2A30]  }
0x160: {  	v20 =	vld [tilespmem:s7+$0x2A40]  }
0x161: {  	v21 =	vld [tilespmem:s7+$0x2A50]  }
0x162: {  	v14 =	vadd.f32 v14, v17;
	v17 =	vld [tilespmem:s7+$0x2A60]  }
0x163: {  	v7 =	vadd.f32 v7, v18;
	v18 =	vld [tilespmem:s7+$0x2A70]  }
0x164: {  	v14 =	vmax.f32 v14, $0.0e+00;
	v9 =	vadd.f32 v9, v19;
	v19 =	vld [tilespmem:s7+$0x2A80]  }
0x165: {  	[tilespmem:s7+$0x2A10] =	vst v14;
	v7 =	vmax.f32 v7, $0.0e+00;
	v10 =	vadd.f32 v10, v20;
	v14 =	vld [tilespmem:s7+$0x2A90]  }
0x166: {  	[tilespmem:s7+$0x2A20] =	vst v7;
	v7 =	vmax.f32 v9, $0.0e+00;
	v9 =	vadd.f32 v11, v21;
	v11 =	vld [tilespmem:s7+$0x2AA0]  }
.Ltmp6:
0x167: {  	[tilespmem:s7+$0x2A30] =	vst v7;
	v7 =	vmax.f32 v10, $0.0e+00;
	v10 =	vadd.f32 v8, v17;
	v8 =	vld [tilespmem:s7+$0x2AB0];
	(pc) =	sbr.rel @p0 .LBB2_12-.Ltmp6, $4  }
0x168: {  	[tilespmem:s7+$0x2A40] =	vst v7;
	v9 =	vmax.f32 v9, $0.0e+00;
	v12 =	vadd.f32 v12, v18;
	v7 =	vld [tilespmem:s7+$0x2AC0]  }
0x169: {  	[tilespmem:s7+$0x2A50] =	vst v9;
	v10 =	vmax.f32 v10, $0.0e+00;
	v17 =	vadd.f32 v13, v19;
	v9 =	vld [tilespmem:s7+$0x2AD0]  }
0x16a: {  	[tilespmem:s7+$0x2A60] =	vst v10;
	v12 =	vmax.f32 v12, $0.0e+00;
	v13 =	vadd.f32 v15, v14;
	v10 =	vld [tilespmem:s7+$0x2AE0]  }
0x16b: {  	s19 =	sadd.s32 $0x400, s19;
	[tilespmem:s7+$0x2A70] =	vst v12;
	v14 =	vmax.f32 v17, $0.0e+00;
	v12 =	vadd.f32 v16, v11;
	v11 =	vld [tilespmem:s7+$0x2AF0]  }
0x16c: {  	[tilespmem:s7+$0x2A80] =	vst v14;
	v13 =	vmax.f32 v13, $0.0e+00;
	v6 =	vadd.f32 v6, v8;
	v8 =	vld [tilespmem:s7+$0x2B00]  }
0x16d: {  	[tilespmem:s7+$0x2A90] =	vst v13;
	v12 =	vmax.f32 v12, $0.0e+00;
	v5 =	vadd.f32 v5, v7  }
0x16e: {  	[tilespmem:s7+$0x2AA0] =	vst v12;
	v6 =	vmax.f32 v6, $0.0e+00;
	v4 =	vadd.f32 v4, v9  }
0x16f: {  	[tilespmem:s7+$0x2AB0] =	vst v6;
	v5 =	vmax.f32 v5, $0.0e+00;
	v3 =	vadd.f32 v3, v10  }
0x170: {  	[tilespmem:s7+$0x2AC0] =	vst v5;
	v4 =	vmax.f32 v4, $0.0e+00;
	v2 =	vadd.f32 v2, v11  }
0x171: {  	[tilespmem:s7+$0x2AD0] =	vst v4;
	v3 =	vmax.f32 v3, $0.0e+00;
	v1 =	vadd.f32 v1, v8  }
0x172: {  	[tilespmem:s7+$0x2AE0] =	vst v3;
	v2 =	vmax.f32 v2, $0.0e+00  }
0x173: {  	s19 =	smul.u32 $0x78, s18;
	[tilespmem:s7+$0x2AF0] =	vst v2;
	v1 =	vmax.f32 v1, $0.0e+00  }
0x174: {  	[tilespmem:s7+$0x2B00] =	vst v1  }
0x175: {  	s0 =	sadd.s32 s19, s21;
	_ =	swait.ge [sflag:s10], $0x28  }
0x176: {  	s7 =	sshrl.u32 s0, $0x3;
	[sflag:s10] =	ssyncset.done $0x0  }
0x177: {  	s4 =	sadd.s32 s6, s7;
	[sflag:s10] =	ssyncadd.s32 $0xFFFFFFD8  }
0x178: {  	[tilespmem:s8], [sflag:$0x2] =	stream.linear.gather [hbm4b:s4+s5], $0x28, $0x38;
	[tilespmem:$0x1B380] =	vst v63  }
0x179: {  	s0 =	sshll.u32 s0, $0x4;
	s4 =	sadd.s32 s2, s7;
	s7 =	simm.s32 $0x200  }
0x17a: {  	[tilespmem:s7], [sflag:$0x5] =	stream.linear.gather [hbm4b:s4+s5], $0x28, $0x38;
	[tilespmem:$0x1B380] =	vst v63  }
0x17b: {  	s0 =	sadd.s32 s3, s0;
	s7 =	simm.s32 $0x5300  }
0x17c: {  	[tilespmem:s7], [sflag:$0xB] =	stream.linear.gather [hbm4b:s0+s5], $0x1400, $0x38;
	[tilespmem:$0x1B380] =	vst v63  }
0x17d: {  	_ =	swait.ge [sflag:s13], $0x28  }
0x17e: {  	[sflag:s13] =	ssyncset.done $0x0  }
0x17f: {  	[sflag:s13] =	ssyncadd.s32 $0xFFFFFFD8  }
0x180: {  	[tilespmem:s31], [sflag:$0x8] =	stream.indirect.gather [hbm4b:s1+s12], $0x80, s8, s12, $0xb8;
	[tilespmem:$0x1B380] =	vst v63  }
0x181: {  	_ =	swait.ge [sflag:s14], $0x1400  }
0x182: {  	[sflag:s14] =	ssyncset.done $0x0  }
0x183: {  	[sflag:s14] =	ssyncadd.s32 $0xFFFFEC00  }
0x184: {  	_ =	swait.ge [sflag:s15], $0x1400  }
0x185: {  	[sflag:s15] =	ssyncset.done $0x0  }
0x186: {  	s7 =	simm.s32 $0xF0;
	[sflag:s15] =	ssyncadd.s32 $0xFFFFEC00  }
0x187: {  	v7 =	vld [tilespmem:s7+$0x3E10]  }
0x188: {  	v8 =	vld [tilespmem:s7+$0x3E20]  }
0x189: {  	v9 =	vld [tilespmem:s7+$0x3E30]  }
0x18a: {  	v10 =	vld [tilespmem:s7+$0x3E40]  }
0x18b: {  	v11 =	vld [tilespmem:s7+$0x3E50]  }
0x18c: {  	v12 =	vld [tilespmem:s7+$0x3E60]  }
0x18d: {  	v13 =	vld [tilespmem:s7+$0x3E70]  }
0x18e: {  	v14 =	vld [tilespmem:s7+$0x3E80]  }
0x18f: {  	v15 =	vld [tilespmem:s7+$0x3E90]  }
0x190: {  	v16 =	vld [tilespmem:s7+$0x3EA0]  }
0x191: {  	v6 =	vld [tilespmem:s7+$0x3EB0]  }
0x192: {  	v5 =	vld [tilespmem:s7+$0x3EC0]  }
0x193: {  	v4 =	vld [tilespmem:s7+$0x3ED0]  }
0x194: {  	v17 =	vld [tilespmem:s7+$0x210]  }
0x195: {  	v18 =	vld [tilespmem:s7+$0x220]  }
0x196: {  	v3 =	vld [tilespmem:s7+$0x3EE0]  }
0x197: {  	v19 =	vld [tilespmem:s7+$0x230]  }
0x198: {  	v20 =	vld [tilespmem:s7+$0x240]  }
0x199: {  	v2 =	vld [tilespmem:s7+$0x3EF0];
	v7 =	vadd.f32 v7, v17  }
0x19a: {  	v21 =	vld [tilespmem:s7+$0x250];
	v8 =	vadd.f32 v8, v18  }
0x19b: {  	v60 =	vld [tilespmem:s7+$0x260];
	v7 =	vmax.f32 v7, $0.0e+00  }
0x19c: {  	v1 =	vld [tilespmem:s7+$0x3F00];
	v8 =	vmax.f32 v8, $0.0e+00;
	[tilespmem:s7+$0x210] =	vst v7;
	v7 =	vadd.f32 v9, v19  }
0x19d: {  	v22 =	vld [tilespmem:s7+$0x270];
	[tilespmem:s7+$0x220] =	vst v8;
	v8 =	vadd.f32 v10, v20  }
0x19e: {  	v61 =	vld [tilespmem:s7+$0x280];
	v7 =	vmax.f32 v7, $0.0e+00  }
0x19f: {  	v62 =	vld [tilespmem:s7+$0x290];
	v9 =	vmax.f32 v8, $0.0e+00;
	[tilespmem:s7+$0x230] =	vst v7;
	v7 =	vadd.f32 v11, v21  }
0x1a0: {  	v63 =	vld [tilespmem:s7+$0x2A0];
	[tilespmem:s7+$0x240] =	vst v9;
	v9 =	vadd.f32 v12, v60  }
0x1a1: {  	v8 =	vld [tilespmem:s7+$0x2B0];
	v10 =	vmax.f32 v7, $0.0e+00  }
0x1a2: {  	v7 =	vld [tilespmem:s7+$0x2C0];
	v11 =	vmax.f32 v9, $0.0e+00;
	[tilespmem:s7+$0x250] =	vst v10;
	v10 =	vadd.f32 v13, v22  }
0x1a3: {  	v9 =	vld [tilespmem:s7+$0x2D0];
	[tilespmem:s7+$0x260] =	vst v11;
	v11 =	vadd.f32 v14, v61  }
0x1a4: {  	v13 =	vadd.f32 v15, v62;
	v12 =	vmax.f32 v10, $0.0e+00;
	v10 =	vld [tilespmem:s7+$0x2E0]  }
0x1a5: {  	s0 =	simm.s32 $0x7C0;
	v14 =	vmax.f32 v11, $0.0e+00;
	v11 =	vld [tilespmem:s7+$0x2F0];
	[tilespmem:s7+$0x270] =	vst v12;
	v12 =	vadd.f32 v16, v63  }
.LBB2_14:
0x1a6: {  	s4 =	sshra.s32 s0, $0x2;
	p0 =	sne.s32 s0, $0x4FC0;
	[tilespmem:s7+$0x280] =	vst v14;
	v13 =	vmax.f32 v13, $0.0e+00;
	v6 =	vadd.f32 v6, v8;
	v8 =	vld [tilespmem:s7+$0x300]  }
0x1a7: {  	v14 =	vld [tilespmem:s4+$0x3E10];
	[tilespmem:s7+$0x290] =	vst v13;
	v12 =	vmax.f32 v12, $0.0e+00;
	v5 =	vadd.f32 v5, v7  }
0x1a8: {  	v7 =	vld [tilespmem:s4+$0x3E20];
	[tilespmem:s7+$0x2A0] =	vst v12;
	v6 =	vmax.f32 v6, $0.0e+00;
	v4 =	vadd.f32 v4, v9  }
0x1a9: {  	v9 =	vld [tilespmem:s4+$0x3E30];
	[tilespmem:s7+$0x2B0] =	vst v6;
	v5 =	vmax.f32 v5, $0.0e+00;
	v3 =	vadd.f32 v3, v10  }
0x1aa: {  	v10 =	vld [tilespmem:s4+$0x3E40];
	[tilespmem:s7+$0x2C0] =	vst v5;
	v4 =	vmax.f32 v4, $0.0e+00;
	v2 =	vadd.f32 v2, v11  }
0x1ab: {  	v11 =	vld [tilespmem:s4+$0x3E50];
	[tilespmem:s7+$0x2D0] =	vst v4;
	v3 =	vmax.f32 v3, $0.0e+00;
	v1 =	vadd.f32 v1, v8  }
0x1ac: {  	v8 =	vld [tilespmem:s4+$0x3E60];
	[tilespmem:s7+$0x2E0] =	vst v3;
	v2 =	vmax.f32 v2, $0.0e+00  }
0x1ad: {  	v12 =	vld [tilespmem:s4+$0x3E70];
	[tilespmem:s7+$0x2F0] =	vst v2;
	v1 =	vmax.f32 v1, $0.0e+00  }
0x1ae: {  	v13 =	vld [tilespmem:s4+$0x3E80];
	[tilespmem:s7+$0x300] =	vst v1;
	s7 =	smov.u32 s4  }
0x1af: {  	v15 =	vld [tilespmem:s7+$0x3E90]  }
0x1b0: {  	v16 =	vld [tilespmem:s7+$0x3EA0]  }
0x1b1: {  	v6 =	vld [tilespmem:s7+$0x3EB0]  }
0x1b2: {  	v5 =	vld [tilespmem:s7+$0x3EC0]  }
0x1b3: {  	v4 =	vld [tilespmem:s7+$0x3ED0]  }
0x1b4: {  	v3 =	vld [tilespmem:s7+$0x3EE0]  }
0x1b5: {  	v2 =	vld [tilespmem:s7+$0x3EF0]  }
0x1b6: {  	v1 =	vld [tilespmem:s7+$0x3F00]  }
0x1b7: {  	v17 =	vld [tilespmem:s7+$0x210]  }
0x1b8: {  	v18 =	vld [tilespmem:s7+$0x220]  }
0x1b9: {  	v19 =	vld [tilespmem:s7+$0x230]  }
0x1ba: {  	v20 =	vld [tilespmem:s7+$0x240]  }
0x1bb: {  	v21 =	vld [tilespmem:s7+$0x250]  }
0x1bc: {  	v14 =	vadd.f32 v14, v17;
	v17 =	vld [tilespmem:s7+$0x260]  }
0x1bd: {  	v7 =	vadd.f32 v7, v18;
	v18 =	vld [tilespmem:s7+$0x270]  }
0x1be: {  	v14 =	vmax.f32 v14, $0.0e+00;
	v9 =	vadd.f32 v9, v19;
	v19 =	vld [tilespmem:s7+$0x280]  }
0x1bf: {  	[tilespmem:s7+$0x210] =	vst v14;
	v7 =	vmax.f32 v7, $0.0e+00;
	v10 =	vadd.f32 v10, v20;
	v14 =	vld [tilespmem:s7+$0x290]  }
0x1c0: {  	[tilespmem:s7+$0x220] =	vst v7;
	v7 =	vmax.f32 v9, $0.0e+00;
	v9 =	vadd.f32 v11, v21;
	v11 =	vld [tilespmem:s7+$0x2A0]  }
.Ltmp7:
0x1c1: {  	[tilespmem:s7+$0x230] =	vst v7;
	v7 =	vmax.f32 v10, $0.0e+00;
	v10 =	vadd.f32 v8, v17;
	v8 =	vld [tilespmem:s7+$0x2B0];
	(pc) =	sbr.rel @p0 .LBB2_14-.Ltmp7, $4  }
0x1c2: {  	[tilespmem:s7+$0x240] =	vst v7;
	v9 =	vmax.f32 v9, $0.0e+00;
	v12 =	vadd.f32 v12, v18;
	v7 =	vld [tilespmem:s7+$0x2C0]  }
0x1c3: {  	[tilespmem:s7+$0x250] =	vst v9;
	v10 =	vmax.f32 v10, $0.0e+00;
	v17 =	vadd.f32 v13, v19;
	v9 =	vld [tilespmem:s7+$0x2D0]  }
0x1c4: {  	[tilespmem:s7+$0x260] =	vst v10;
	v12 =	vmax.f32 v12, $0.0e+00;
	v13 =	vadd.f32 v15, v14;
	v10 =	vld [tilespmem:s7+$0x2E0]  }
0x1c5: {  	s0 =	sadd.s32 $0x400, s0;
	[tilespmem:s7+$0x270] =	vst v12;
	v14 =	vmax.f32 v17, $0.0e+00;
	v12 =	vadd.f32 v16, v11;
	v11 =	vld [tilespmem:s7+$0x2F0]  }
0x1c6: {  	[tilespmem:s7+$0x280] =	vst v14;
	v13 =	vmax.f32 v13, $0.0e+00;
	v6 =	vadd.f32 v6, v8;
	v8 =	vld [tilespmem:s7+$0x300]  }
0x1c7: {  	[tilespmem:s7+$0x290] =	vst v13;
	v12 =	vmax.f32 v12, $0.0e+00;
	v5 =	vadd.f32 v5, v7  }
0x1c8: {  	[tilespmem:s7+$0x2A0] =	vst v12;
	v6 =	vmax.f32 v6, $0.0e+00;
	v4 =	vadd.f32 v4, v9  }
0x1c9: {  	[tilespmem:s7+$0x2B0] =	vst v6;
	v5 =	vmax.f32 v5, $0.0e+00;
	v3 =	vadd.f32 v3, v10  }
0x1ca: {  	[tilespmem:s7+$0x2C0] =	vst v5;
	v4 =	vmax.f32 v4, $0.0e+00;
	v2 =	vadd.f32 v2, v11  }
0x1cb: {  	[tilespmem:s7+$0x2D0] =	vst v4;
	v3 =	vmax.f32 v3, $0.0e+00;
	v1 =	vadd.f32 v1, v8  }
0x1cc: {  	[tilespmem:s7+$0x2E0] =	vst v3;
	v2 =	vmax.f32 v2, $0.0e+00  }
0x1cd: {  	[tilespmem:s7+$0x2F0] =	vst v2;
	v1 =	vmax.f32 v1, $0.0e+00  }
0x1ce: {  	[tilespmem:s7+$0x300] =	vst v1  }
0x1cf: {  	s0 =	sadd.s32 s19, s22;
	_ =	swait.ge [sflag:s16], $0x28  }
0x1d0: {  	s4 =	sshrl.u32 s0, $0x3;
	[sflag:s16] =	ssyncset.done $0x0  }
0x1d1: {  	s7 =	sadd.s32 s6, s4;
	[sflag:s16] =	ssyncadd.s32 $0xFFFFFFD8  }
0x1d2: {  	[tilespmem:s17], [sflag:$0x3] =	stream.linear.gather [hbm4b:s7+s5], $0x28, $0x38;
	[tilespmem:$0x1B380] =	vst v63  }
0x1d3: {  	s0 =	sshll.u32 s0, $0x4;
	s4 =	sadd.s32 s2, s4;
	s7 =	simm.s32 $0x280  }
0x1d4: {  	[tilespmem:s7], [sflag:$0x6] =	stream.linear.gather [hbm4b:s4+s5], $0x28, $0x38;
	[tilespmem:$0x1B380] =	vst v63  }
0x1d5: {  	s0 =	sadd.s32 s3, s0;
	s7 =	simm.s32 $0x6700  }
0x1d6: {  	[tilespmem:s7], [sflag:$0xC] =	stream.linear.gather [hbm4b:s0+s5], $0x1400, $0x38;
	[tilespmem:$0x1B380] =	vst v63  }
0x1d7: {  	_ =	swait.ge [sflag:s25], $0x28  }
0x1d8: {  	[sflag:s25] =	ssyncset.done $0x0  }
0x1d9: {  	s7 =	simm.s32 $0x2B00;
	[sflag:s25] =	ssyncadd.s32 $0xFFFFFFD8  }
0x1da: {  	[tilespmem:s7], [sflag:$0x9] =	stream.indirect.gather [hbm4b:s1+s12], $0x80, s17, s12, $0xb8;
	[tilespmem:$0x1B380] =	vst v63  }
0x1db: {  	_ =	swait.ge [sflag:s24], $0x1400  }
0x1dc: {  	[sflag:s24] =	ssyncset.done $0x0  }
0x1dd: {  	[sflag:s24] =	ssyncadd.s32 $0xFFFFEC00  }
0x1de: {  	_ =	swait.ge [sflag:s26], $0x1400  }
0x1df: {  	[sflag:s26] =	ssyncset.done $0x0  }
0x1e0: {  	s7 =	simm.s32 $0xF0;
	[sflag:s26] =	ssyncadd.s32 $0xFFFFEC00  }
0x1e1: {  	v7 =	vld [tilespmem:s7+$0x5210]  }
0x1e2: {  	v8 =	vld [tilespmem:s7+$0x5220]  }
0x1e3: {  	v9 =	vld [tilespmem:s7+$0x5230]  }
0x1e4: {  	v10 =	vld [tilespmem:s7+$0x5240]  }
0x1e5: {  	v11 =	vld [tilespmem:s7+$0x5250]  }
0x1e6: {  	v12 =	vld [tilespmem:s7+$0x5260]  }
0x1e7: {  	v13 =	vld [tilespmem:s7+$0x5270]  }
0x1e8: {  	v14 =	vld [tilespmem:s7+$0x5280]  }
0x1e9: {  	v15 =	vld [tilespmem:s7+$0x5290]  }
0x1ea: {  	v16 =	vld [tilespmem:s7+$0x52A0]  }
0x1eb: {  	v6 =	vld [tilespmem:s7+$0x52B0]  }
0x1ec: {  	v5 =	vld [tilespmem:s7+$0x52C0]  }
0x1ed: {  	v4 =	vld [tilespmem:s7+$0x52D0]  }
0x1ee: {  	v17 =	vld [tilespmem:s7+$0x1610]  }
0x1ef: {  	v18 =	vld [tilespmem:s7+$0x1620]  }
0x1f0: {  	v3 =	vld [tilespmem:s7+$0x52E0]  }
0x1f1: {  	v19 =	vld [tilespmem:s7+$0x1630]  }
0x1f2: {  	v20 =	vld [tilespmem:s7+$0x1640]  }
0x1f3: {  	v2 =	vld [tilespmem:s7+$0x52F0];
	v7 =	vadd.f32 v7, v17  }
0x1f4: {  	v21 =	vld [tilespmem:s7+$0x1650];
	v8 =	vadd.f32 v8, v18  }
0x1f5: {  	v60 =	vld [tilespmem:s7+$0x1660];
	v7 =	vmax.f32 v7, $0.0e+00  }
0x1f6: {  	v1 =	vld [tilespmem:s7+$0x5300];
	v8 =	vmax.f32 v8, $0.0e+00;
	[tilespmem:s7+$0x1610] =	vst v7;
	v7 =	vadd.f32 v9, v19  }
0x1f7: {  	v22 =	vld [tilespmem:s7+$0x1670];
	[tilespmem:s7+$0x1620] =	vst v8;
	v8 =	vadd.f32 v10, v20  }
0x1f8: {  	v61 =	vld [tilespmem:s7+$0x1680];
	v7 =	vmax.f32 v7, $0.0e+00  }
0x1f9: {  	v62 =	vld [tilespmem:s7+$0x1690];
	v9 =	vmax.f32 v8, $0.0e+00;
	[tilespmem:s7+$0x1630] =	vst v7;
	v7 =	vadd.f32 v11, v21  }
0x1fa: {  	v63 =	vld [tilespmem:s7+$0x16A0];
	[tilespmem:s7+$0x1640] =	vst v9;
	v9 =	vadd.f32 v12, v60  }
0x1fb: {  	v8 =	vld [tilespmem:s7+$0x16B0];
	v10 =	vmax.f32 v7, $0.0e+00  }
0x1fc: {  	v7 =	vld [tilespmem:s7+$0x16C0];
	v11 =	vmax.f32 v9, $0.0e+00;
	[tilespmem:s7+$0x1650] =	vst v10;
	v10 =	vadd.f32 v13, v22  }
0x1fd: {  	v9 =	vld [tilespmem:s7+$0x16D0];
	[tilespmem:s7+$0x1660] =	vst v11;
	v11 =	vadd.f32 v14, v61  }
0x1fe: {  	v13 =	vadd.f32 v15, v62;
	v12 =	vmax.f32 v10, $0.0e+00;
	v10 =	vld [tilespmem:s7+$0x16E0]  }
0x1ff: {  	s0 =	simm.s32 $0x7C0;
	v14 =	vmax.f32 v11, $0.0e+00;
	v11 =	vld [tilespmem:s7+$0x16F0];
	[tilespmem:s7+$0x1670] =	vst v12;
	v12 =	vadd.f32 v16, v63  }
.LBB2_16:
0x200: {  	s4 =	sshra.s32 s0, $0x2;
	p0 =	sne.s32 s0, $0x4FC0;
	[tilespmem:s7+$0x1680] =	vst v14;
	v13 =	vmax.f32 v13, $0.0e+00;
	v6 =	vadd.f32 v6, v8;
	v8 =	vld [tilespmem:s7+$0x1700]  }
0x201: {  	v14 =	vld [tilespmem:s4+$0x5210];
	[tilespmem:s7+$0x1690] =	vst v13;
	v12 =	vmax.f32 v12, $0.0e+00;
	v5 =	vadd.f32 v5, v7  }
0x202: {  	v7 =	vld [tilespmem:s4+$0x5220];
	[tilespmem:s7+$0x16A0] =	vst v12;
	v6 =	vmax.f32 v6, $0.0e+00;
	v4 =	vadd.f32 v4, v9  }
0x203: {  	v9 =	vld [tilespmem:s4+$0x5230];
	[tilespmem:s7+$0x16B0] =	vst v6;
	v5 =	vmax.f32 v5, $0.0e+00;
	v3 =	vadd.f32 v3, v10  }
0x204: {  	v10 =	vld [tilespmem:s4+$0x5240];
	[tilespmem:s7+$0x16C0] =	vst v5;
	v4 =	vmax.f32 v4, $0.0e+00;
	v2 =	vadd.f32 v2, v11  }
0x205: {  	v11 =	vld [tilespmem:s4+$0x5250];
	[tilespmem:s7+$0x16D0] =	vst v4;
	v3 =	vmax.f32 v3, $0.0e+00;
	v1 =	vadd.f32 v1, v8  }
0x206: {  	v8 =	vld [tilespmem:s4+$0x5260];
	[tilespmem:s7+$0x16E0] =	vst v3;
	v2 =	vmax.f32 v2, $0.0e+00  }
0x207: {  	v12 =	vld [tilespmem:s4+$0x5270];
	[tilespmem:s7+$0x16F0] =	vst v2;
	v1 =	vmax.f32 v1, $0.0e+00  }
0x208: {  	v13 =	vld [tilespmem:s4+$0x5280];
	[tilespmem:s7+$0x1700] =	vst v1;
	s7 =	smov.u32 s4  }
0x209: {  	v15 =	vld [tilespmem:s7+$0x5290]  }
0x20a: {  	v16 =	vld [tilespmem:s7+$0x52A0]  }
0x20b: {  	v6 =	vld [tilespmem:s7+$0x52B0]  }
0x20c: {  	v5 =	vld [tilespmem:s7+$0x52C0]  }
0x20d: {  	v4 =	vld [tilespmem:s7+$0x52D0]  }
0x20e: {  	v3 =	vld [tilespmem:s7+$0x52E0]  }
0x20f: {  	v2 =	vld [tilespmem:s7+$0x52F0]  }
0x210: {  	v1 =	vld [tilespmem:s7+$0x5300]  }
0x211: {  	v17 =	vld [tilespmem:s7+$0x1610]  }
0x212: {  	v18 =	vld [tilespmem:s7+$0x1620]  }
0x213: {  	v19 =	vld [tilespmem:s7+$0x1630]  }
0x214: {  	v20 =	vld [tilespmem:s7+$0x1640]  }
0x215: {  	v21 =	vld [tilespmem:s7+$0x1650]  }
0x216: {  	v14 =	vadd.f32 v14, v17;
	v17 =	vld [tilespmem:s7+$0x1660]  }
0x217: {  	v7 =	vadd.f32 v7, v18;
	v18 =	vld [tilespmem:s7+$0x1670]  }
0x218: {  	v14 =	vmax.f32 v14, $0.0e+00;
	v9 =	vadd.f32 v9, v19;
	v19 =	vld [tilespmem:s7+$0x1680]  }
0x219: {  	[tilespmem:s7+$0x1610] =	vst v14;
	v7 =	vmax.f32 v7, $0.0e+00;
	v10 =	vadd.f32 v10, v20;
	v14 =	vld [tilespmem:s7+$0x1690]  }
0x21a: {  	[tilespmem:s7+$0x1620] =	vst v7;
	v7 =	vmax.f32 v9, $0.0e+00;
	v9 =	vadd.f32 v11, v21;
	v11 =	vld [tilespmem:s7+$0x16A0]  }
.Ltmp8:
0x21b: {  	[tilespmem:s7+$0x1630] =	vst v7;
	v7 =	vmax.f32 v10, $0.0e+00;
	v10 =	vadd.f32 v8, v17;
	v8 =	vld [tilespmem:s7+$0x16B0];
	(pc) =	sbr.rel @p0 .LBB2_16-.Ltmp8, $4  }
0x21c: {  	[tilespmem:s7+$0x1640] =	vst v7;
	v9 =	vmax.f32 v9, $0.0e+00;
	v12 =	vadd.f32 v12, v18;
	v7 =	vld [tilespmem:s7+$0x16C0]  }
0x21d: {  	[tilespmem:s7+$0x1650] =	vst v9;
	v10 =	vmax.f32 v10, $0.0e+00;
	v17 =	vadd.f32 v13, v19;
	v9 =	vld [tilespmem:s7+$0x16D0]  }
0x21e: {  	[tilespmem:s7+$0x1660] =	vst v10;
	v12 =	vmax.f32 v12, $0.0e+00;
	v13 =	vadd.f32 v15, v14;
	v10 =	vld [tilespmem:s7+$0x16E0]  }
0x21f: {  	s0 =	sadd.s32 $0x400, s0;
	[tilespmem:s7+$0x1670] =	vst v12;
	v14 =	vmax.f32 v17, $0.0e+00;
	v12 =	vadd.f32 v16, v11;
	v11 =	vld [tilespmem:s7+$0x16F0]  }
0x220: {  	[tilespmem:s7+$0x1680] =	vst v14;
	v13 =	vmax.f32 v13, $0.0e+00;
	v6 =	vadd.f32 v6, v8;
	v63 =	vld [tilespmem:s7+$0x1700]  }
0x221: {  	[tilespmem:s7+$0x1690] =	vst v13;
	v12 =	vmax.f32 v12, $0.0e+00;
	v5 =	vadd.f32 v5, v7  }
0x222: {  	[tilespmem:s7+$0x16A0] =	vst v12;
	v6 =	vmax.f32 v6, $0.0e+00;
	v4 =	vadd.f32 v4, v9  }
0x223: {  	[tilespmem:s7+$0x16B0] =	vst v6;
	v5 =	vmax.f32 v5, $0.0e+00;
	v3 =	vadd.f32 v3, v10  }
0x224: {  	[tilespmem:s7+$0x16C0] =	vst v5;
	v4 =	vmax.f32 v4, $0.0e+00;
	v2 =	vadd.f32 v2, v11  }
0x225: {  	[tilespmem:s7+$0x16D0] =	vst v4;
	v3 =	vmax.f32 v3, $0.0e+00;
	v1 =	vadd.f32 v1, v63  }
0x226: {  	[tilespmem:s7+$0x16E0] =	vst v3;
	v2 =	vmax.f32 v2, $0.0e+00  }
0x227: {  	[tilespmem:s7+$0x16F0] =	vst v2;
	v1 =	vmax.f32 v1, $0.0e+00  }
0x228: {  	[tilespmem:s7+$0x1700] =	vst v1  }
0x229: {  	s0 =	sadd.s32 s19, s23;
	_ =	swait.ge [sflag:s20], $0x28  }
0x22a: {  	s18 =	sadd.s32 $0x1, s18;
	s4 =	sshrl.u32 s0, $0x3;
	[sflag:s20] =	ssyncset.done $0x0  }
0x22b: {  	p0 =	sne.s32 s18, $0x52;
	s19 =	sadd.s32 s6, s4;
	[sflag:s20] =	ssyncadd.s32 $0xFFFFFFD8  }
0x22c: {  	[tilespmem:s5], [sflag:$0x1] =	stream.linear.gather [hbm4b:s19+s5], $0x28, $0x38;
	[tilespmem:$0x1B380] =	vst v63  }
.Ltmp9:
0x22d: {  	_ = 	snop;
	(pc) =	sbr.rel @p0 .LBB2_11-.Ltmp9, $4  }
0x22e: {  	s0 =	sshll.u32 s0, $0x4;
	s4 =	sadd.s32 s2, s4;
	s19 =	simm.s32 $0x180  }
0x22f: {  	[tilespmem:s19], [sflag:$0x4] =	stream.linear.gather [hbm4b:s4+s5], $0x28, $0x38;
	[tilespmem:$0x1B380] =	vst v63  }
0x230: {  	s0 =	sadd.s32 s3, s0;
	s19 =	simm.s32 $0x3F00  }
0x231: {  	[tilespmem:s19], [sflag:$0xA] =	stream.linear.gather [hbm4b:s0+s5], $0x1400, $0x38;
	[tilespmem:$0x1B380] =	vst v63  }
0x232: {  	_ =	swait.ge [sflag:s11], $0x28  }
0x233: {  	[sflag:s11] =	ssyncset.done $0x0  }
0x234: {  	[sflag:s11] =	ssyncadd.s32 $0xFFFFFFD8  }
0x235: {  	[tilespmem:s29], [sflag:$0x7] =	stream.indirect.gather [hbm4b:s1+s12], $0x80, s5, s12, $0xb8;
	[tilespmem:$0x1B380] =	vst v63  }
0x236: {  	_ =	swait.ge [sflag:s28], $0x1400  }
0x237: {  	[sflag:s28] =	ssyncset.done $0x0  }
0x238: {  	[sflag:s28] =	ssyncadd.s32 $0xFFFFEC00  }
0x239: {  	_ =	swait.ge [sflag:s9], $0x1400  }
0x23a: {  	[sflag:s9] =	ssyncset.done $0x0  }
0x23b: {  	s7 =	simm.s32 $0xF0;
	[sflag:s9] =	ssyncadd.s32 $0xFFFFEC00  }
0x23c: {  	v7 =	vld [tilespmem:s7+$0x6610]  }
0x23d: {  	v8 =	vld [tilespmem:s7+$0x6620]  }
0x23e: {  	v9 =	vld [tilespmem:s7+$0x6630]  }
0x23f: {  	v10 =	vld [tilespmem:s7+$0x6640]  }
0x240: {  	v11 =	vld [tilespmem:s7+$0x6650]  }
0x241: {  	v12 =	vld [tilespmem:s7+$0x6660]  }
0x242: {  	v13 =	vld [tilespmem:s7+$0x6670]  }
0x243: {  	v14 =	vld [tilespmem:s7+$0x6680]  }
0x244: {  	v15 =	vld [tilespmem:s7+$0x6690]  }
0x245: {  	v16 =	vld [tilespmem:s7+$0x66A0]  }
0x246: {  	v6 =	vld [tilespmem:s7+$0x66B0]  }
0x247: {  	v5 =	vld [tilespmem:s7+$0x66C0]  }
0x248: {  	v4 =	vld [tilespmem:s7+$0x66D0]  }
0x249: {  	v17 =	vld [tilespmem:s7+$0x2A10]  }
0x24a: {  	v18 =	vld [tilespmem:s7+$0x2A20]  }
0x24b: {  	v3 =	vld [tilespmem:s7+$0x66E0]  }
0x24c: {  	v19 =	vld [tilespmem:s7+$0x2A30]  }
0x24d: {  	v20 =	vld [tilespmem:s7+$0x2A40]  }
0x24e: {  	v2 =	vld [tilespmem:s7+$0x66F0];
	v7 =	vadd.f32 v7, v17  }
0x24f: {  	v21 =	vld [tilespmem:s7+$0x2A50];
	v8 =	vadd.f32 v8, v18  }
0x250: {  	v60 =	vld [tilespmem:s7+$0x2A60];
	v7 =	vmax.f32 v7, $0.0e+00  }
0x251: {  	v1 =	vld [tilespmem:s7+$0x6700];
	v8 =	vmax.f32 v8, $0.0e+00;
	[tilespmem:s7+$0x2A10] =	vst v7;
	v7 =	vadd.f32 v9, v19  }
0x252: {  	v22 =	vld [tilespmem:s7+$0x2A70];
	[tilespmem:s7+$0x2A20] =	vst v8;
	v8 =	vadd.f32 v10, v20  }
0x253: {  	v61 =	vld [tilespmem:s7+$0x2A80];
	v7 =	vmax.f32 v7, $0.0e+00  }
0x254: {  	v62 =	vld [tilespmem:s7+$0x2A90];
	v9 =	vmax.f32 v8, $0.0e+00;
	[tilespmem:s7+$0x2A30] =	vst v7;
	v7 =	vadd.f32 v11, v21  }
0x255: {  	v63 =	vld [tilespmem:s7+$0x2AA0];
	[tilespmem:s7+$0x2A40] =	vst v9;
	v9 =	vadd.f32 v12, v60  }
0x256: {  	v8 =	vld [tilespmem:s7+$0x2AB0];
	v10 =	vmax.f32 v7, $0.0e+00  }
0x257: {  	v7 =	vld [tilespmem:s7+$0x2AC0];
	v11 =	vmax.f32 v9, $0.0e+00;
	[tilespmem:s7+$0x2A50] =	vst v10;
	v10 =	vadd.f32 v13, v22  }
0x258: {  	v9 =	vld [tilespmem:s7+$0x2AD0];
	[tilespmem:s7+$0x2A60] =	vst v11;
	v11 =	vadd.f32 v14, v61  }
0x259: {  	v13 =	vadd.f32 v15, v62;
	v12 =	vmax.f32 v10, $0.0e+00;
	v10 =	vld [tilespmem:s7+$0x2AE0]  }
0x25a: {  	s0 =	simm.s32 $0x7C0;
	v14 =	vmax.f32 v11, $0.0e+00;
	v11 =	vld [tilespmem:s7+$0x2AF0];
	[tilespmem:s7+$0x2A70] =	vst v12;
	v12 =	vadd.f32 v16, v63  }
.LBB2_19:
0x25b: {  	s4 =	sshra.s32 s0, $0x2;
	p0 =	sne.s32 s0, $0x4FC0;
	[tilespmem:s7+$0x2A80] =	vst v14;
	v13 =	vmax.f32 v13, $0.0e+00;
	v6 =	vadd.f32 v6, v8;
	v8 =	vld [tilespmem:s7+$0x2B00]  }
0x25c: {  	v14 =	vld [tilespmem:s4+$0x6610];
	[tilespmem:s7+$0x2A90] =	vst v13;
	v12 =	vmax.f32 v12, $0.0e+00;
	v5 =	vadd.f32 v5, v7  }
0x25d: {  	v7 =	vld [tilespmem:s4+$0x6620];
	[tilespmem:s7+$0x2AA0] =	vst v12;
	v6 =	vmax.f32 v6, $0.0e+00;
	v4 =	vadd.f32 v4, v9  }
0x25e: {  	v9 =	vld [tilespmem:s4+$0x6630];
	[tilespmem:s7+$0x2AB0] =	vst v6;
	v5 =	vmax.f32 v5, $0.0e+00;
	v3 =	vadd.f32 v3, v10  }
0x25f: {  	v10 =	vld [tilespmem:s4+$0x6640];
	[tilespmem:s7+$0x2AC0] =	vst v5;
	v4 =	vmax.f32 v4, $0.0e+00;
	v2 =	vadd.f32 v2, v11  }
0x260: {  	v11 =	vld [tilespmem:s4+$0x6650];
	[tilespmem:s7+$0x2AD0] =	vst v4;
	v3 =	vmax.f32 v3, $0.0e+00;
	v1 =	vadd.f32 v1, v8  }
0x261: {  	v8 =	vld [tilespmem:s4+$0x6660];
	[tilespmem:s7+$0x2AE0] =	vst v3;
	v2 =	vmax.f32 v2, $0.0e+00  }
0x262: {  	v12 =	vld [tilespmem:s4+$0x6670];
	[tilespmem:s7+$0x2AF0] =	vst v2;
	v1 =	vmax.f32 v1, $0.0e+00  }
0x263: {  	v13 =	vld [tilespmem:s4+$0x6680];
	[tilespmem:s7+$0x2B00] =	vst v1;
	s7 =	smov.u32 s4  }
0x264: {  	v15 =	vld [tilespmem:s7+$0x6690]  }
0x265: {  	v16 =	vld [tilespmem:s7+$0x66A0]  }
0x266: {  	v6 =	vld [tilespmem:s7+$0x66B0]  }
0x267: {  	v5 =	vld [tilespmem:s7+$0x66C0]  }
0x268: {  	v4 =	vld [tilespmem:s7+$0x66D0]  }
0x269: {  	v3 =	vld [tilespmem:s7+$0x66E0]  }
0x26a: {  	v2 =	vld [tilespmem:s7+$0x66F0]  }
0x26b: {  	v1 =	vld [tilespmem:s7+$0x6700]  }
0x26c: {  	v17 =	vld [tilespmem:s7+$0x2A10]  }
0x26d: {  	v18 =	vld [tilespmem:s7+$0x2A20]  }
0x26e: {  	v19 =	vld [tilespmem:s7+$0x2A30]  }
0x26f: {  	v20 =	vld [tilespmem:s7+$0x2A40]  }
0x270: {  	v21 =	vld [tilespmem:s7+$0x2A50]  }
0x271: {  	v14 =	vadd.f32 v14, v17;
	v17 =	vld [tilespmem:s7+$0x2A60]  }
0x272: {  	v7 =	vadd.f32 v7, v18;
	v18 =	vld [tilespmem:s7+$0x2A70]  }
0x273: {  	v14 =	vmax.f32 v14, $0.0e+00;
	v9 =	vadd.f32 v9, v19;
	v19 =	vld [tilespmem:s7+$0x2A80]  }
0x274: {  	[tilespmem:s7+$0x2A10] =	vst v14;
	v7 =	vmax.f32 v7, $0.0e+00;
	v10 =	vadd.f32 v10, v20;
	v14 =	vld [tilespmem:s7+$0x2A90]  }
0x275: {  	[tilespmem:s7+$0x2A20] =	vst v7;
	v7 =	vmax.f32 v9, $0.0e+00;
	v9 =	vadd.f32 v11, v21;
	v11 =	vld [tilespmem:s7+$0x2AA0]  }
.Ltmp10:
0x276: {  	[tilespmem:s7+$0x2A30] =	vst v7;
	v7 =	vmax.f32 v10, $0.0e+00;
	v10 =	vadd.f32 v8, v17;
	v8 =	vld [tilespmem:s7+$0x2AB0];
	(pc) =	sbr.rel @p0 .LBB2_19-.Ltmp10, $4  }
0x277: {  	[tilespmem:s7+$0x2A40] =	vst v7;
	v9 =	vmax.f32 v9, $0.0e+00;
	v12 =	vadd.f32 v12, v18;
	v7 =	vld [tilespmem:s7+$0x2AC0]  }
0x278: {  	[tilespmem:s7+$0x2A50] =	vst v9;
	v10 =	vmax.f32 v10, $0.0e+00;
	v17 =	vadd.f32 v13, v19;
	v9 =	vld [tilespmem:s7+$0x2AD0]  }
0x279: {  	[tilespmem:s7+$0x2A60] =	vst v10;
	v12 =	vmax.f32 v12, $0.0e+00;
	v13 =	vadd.f32 v15, v14;
	v10 =	vld [tilespmem:s7+$0x2AE0]  }
0x27a: {  	s0 =	sadd.s32 $0x400, s0;
	[tilespmem:s7+$0x2A70] =	vst v12;
	v14 =	vmax.f32 v17, $0.0e+00;
	v12 =	vadd.f32 v16, v11;
	v11 =	vld [tilespmem:s7+$0x2AF0]  }
0x27b: {  	[tilespmem:s7+$0x2A80] =	vst v14;
	v13 =	vmax.f32 v13, $0.0e+00;
	v6 =	vadd.f32 v6, v8;
	v8 =	vld [tilespmem:s7+$0x2B00]  }
0x27c: {  	[tilespmem:s7+$0x2A90] =	vst v13;
	v12 =	vmax.f32 v12, $0.0e+00;
	v5 =	vadd.f32 v5, v7  }
0x27d: {  	[tilespmem:s7+$0x2AA0] =	vst v12;
	v6 =	vmax.f32 v6, $0.0e+00;
	v4 =	vadd.f32 v4, v9  }
0x27e: {  	[tilespmem:s7+$0x2AB0] =	vst v6;
	v5 =	vmax.f32 v5, $0.0e+00;
	v3 =	vadd.f32 v3, v10  }
0x27f: {  	[tilespmem:s7+$0x2AC0] =	vst v5;
	v4 =	vmax.f32 v4, $0.0e+00;
	v2 =	vadd.f32 v2, v11  }
0x280: {  	[tilespmem:s7+$0x2AD0] =	vst v4;
	v3 =	vmax.f32 v3, $0.0e+00;
	v1 =	vadd.f32 v1, v8  }
0x281: {  	[tilespmem:s7+$0x2AE0] =	vst v3;
	v2 =	vmax.f32 v2, $0.0e+00  }
0x282: {  	[tilespmem:s7+$0x2AF0] =	vst v2;
	v1 =	vmax.f32 v1, $0.0e+00  }
0x283: {  	[tilespmem:s7+$0x2B00] =	vst v1  }
0x284: {  	_ =	swait.ge [sflag:s10], $0x28  }
0x285: {  	[sflag:s10] =	ssyncset.done $0x0  }
0x286: {  	[sflag:s10] =	ssyncadd.s32 $0xFFFFFFD8  }
0x287: {  	_ =	swait.ge [sflag:s14], $0x1400  }
0x288: {  	[sflag:s14] =	ssyncset.done $0x0  }
0x289: {  	[sflag:s14] =	ssyncadd.s32 $0xFFFFEC00  }
0x28a: {  	_ =	swait.ge [sflag:s15], $0x1400  }
0x28b: {  	[sflag:s15] =	ssyncset.done $0x0  }
0x28c: {  	s7 =	simm.s32 $0xF0;
	[sflag:s15] =	ssyncadd.s32 $0xFFFFEC00  }
0x28d: {  	v7 =	vld [tilespmem:s7+$0x3E10]  }
0x28e: {  	v8 =	vld [tilespmem:s7+$0x3E20]  }
0x28f: {  	v9 =	vld [tilespmem:s7+$0x3E30]  }
0x290: {  	v10 =	vld [tilespmem:s7+$0x3E40]  }
0x291: {  	v11 =	vld [tilespmem:s7+$0x3E50]  }
0x292: {  	v12 =	vld [tilespmem:s7+$0x3E60]  }
0x293: {  	v13 =	vld [tilespmem:s7+$0x3E70]  }
0x294: {  	v14 =	vld [tilespmem:s7+$0x3E80]  }
0x295: {  	v15 =	vld [tilespmem:s7+$0x3E90]  }
0x296: {  	v16 =	vld [tilespmem:s7+$0x3EA0]  }
0x297: {  	v6 =	vld [tilespmem:s7+$0x3EB0]  }
0x298: {  	v5 =	vld [tilespmem:s7+$0x3EC0]  }
0x299: {  	v4 =	vld [tilespmem:s7+$0x3ED0]  }
0x29a: {  	v17 =	vld [tilespmem:s7+$0x210]  }
0x29b: {  	v18 =	vld [tilespmem:s7+$0x220]  }
0x29c: {  	v3 =	vld [tilespmem:s7+$0x3EE0]  }
0x29d: {  	v19 =	vld [tilespmem:s7+$0x230]  }
0x29e: {  	v20 =	vld [tilespmem:s7+$0x240]  }
0x29f: {  	v2 =	vld [tilespmem:s7+$0x3EF0];
	v7 =	vadd.f32 v7, v17  }
0x2a0: {  	v21 =	vld [tilespmem:s7+$0x250];
	v8 =	vadd.f32 v8, v18  }
0x2a1: {  	v60 =	vld [tilespmem:s7+$0x260];
	v7 =	vmax.f32 v7, $0.0e+00  }
0x2a2: {  	v1 =	vld [tilespmem:s7+$0x3F00];
	v8 =	vmax.f32 v8, $0.0e+00;
	[tilespmem:s7+$0x210] =	vst v7;
	v7 =	vadd.f32 v9, v19  }
0x2a3: {  	v22 =	vld [tilespmem:s7+$0x270];
	[tilespmem:s7+$0x220] =	vst v8;
	v8 =	vadd.f32 v10, v20  }
0x2a4: {  	v61 =	vld [tilespmem:s7+$0x280];
	v7 =	vmax.f32 v7, $0.0e+00  }
0x2a5: {  	v62 =	vld [tilespmem:s7+$0x290];
	v9 =	vmax.f32 v8, $0.0e+00;
	[tilespmem:s7+$0x230] =	vst v7;
	v7 =	vadd.f32 v11, v21  }
0x2a6: {  	v63 =	vld [tilespmem:s7+$0x2A0];
	[tilespmem:s7+$0x240] =	vst v9;
	v9 =	vadd.f32 v12, v60  }
0x2a7: {  	v8 =	vld [tilespmem:s7+$0x2B0];
	v10 =	vmax.f32 v7, $0.0e+00  }
0x2a8: {  	v7 =	vld [tilespmem:s7+$0x2C0];
	v11 =	vmax.f32 v9, $0.0e+00;
	[tilespmem:s7+$0x250] =	vst v10;
	v10 =	vadd.f32 v13, v22  }
0x2a9: {  	v9 =	vld [tilespmem:s7+$0x2D0];
	[tilespmem:s7+$0x260] =	vst v11;
	v11 =	vadd.f32 v14, v61  }
0x2aa: {  	v13 =	vadd.f32 v15, v62;
	v12 =	vmax.f32 v10, $0.0e+00;
	v10 =	vld [tilespmem:s7+$0x2E0]  }
0x2ab: {  	s0 =	simm.s32 $0x7C0;
	v14 =	vmax.f32 v11, $0.0e+00;
	v11 =	vld [tilespmem:s7+$0x2F0];
	[tilespmem:s7+$0x270] =	vst v12;
	v12 =	vadd.f32 v16, v63  }
.LBB2_21:
0x2ac: {  	s4 =	sshra.s32 s0, $0x2;
	p0 =	sne.s32 s0, $0x4FC0;
	[tilespmem:s7+$0x280] =	vst v14;
	v13 =	vmax.f32 v13, $0.0e+00;
	v6 =	vadd.f32 v6, v8;
	v8 =	vld [tilespmem:s7+$0x300]  }
0x2ad: {  	v14 =	vld [tilespmem:s4+$0x3E10];
	[tilespmem:s7+$0x290] =	vst v13;
	v12 =	vmax.f32 v12, $0.0e+00;
	v5 =	vadd.f32 v5, v7  }
0x2ae: {  	v7 =	vld [tilespmem:s4+$0x3E20];
	[tilespmem:s7+$0x2A0] =	vst v12;
	v6 =	vmax.f32 v6, $0.0e+00;
	v4 =	vadd.f32 v4, v9  }
0x2af: {  	v9 =	vld [tilespmem:s4+$0x3E30];
	[tilespmem:s7+$0x2B0] =	vst v6;
	v5 =	vmax.f32 v5, $0.0e+00;
	v3 =	vadd.f32 v3, v10  }
0x2b0: {  	v10 =	vld [tilespmem:s4+$0x3E40];
	[tilespmem:s7+$0x2C0] =	vst v5;
	v4 =	vmax.f32 v4, $0.0e+00;
	v2 =	vadd.f32 v2, v11  }
0x2b1: {  	v11 =	vld [tilespmem:s4+$0x3E50];
	[tilespmem:s7+$0x2D0] =	vst v4;
	v3 =	vmax.f32 v3, $0.0e+00;
	v1 =	vadd.f32 v1, v8  }
0x2b2: {  	v8 =	vld [tilespmem:s4+$0x3E60];
	[tilespmem:s7+$0x2E0] =	vst v3;
	v2 =	vmax.f32 v2, $0.0e+00  }
0x2b3: {  	v12 =	vld [tilespmem:s4+$0x3E70];
	[tilespmem:s7+$0x2F0] =	vst v2;
	v1 =	vmax.f32 v1, $0.0e+00  }
0x2b4: {  	v13 =	vld [tilespmem:s4+$0x3E80];
	[tilespmem:s7+$0x300] =	vst v1;
	s7 =	smov.u32 s4  }
0x2b5: {  	v15 =	vld [tilespmem:s7+$0x3E90]  }
0x2b6: {  	v16 =	vld [tilespmem:s7+$0x3EA0]  }
0x2b7: {  	v6 =	vld [tilespmem:s7+$0x3EB0]  }
0x2b8: {  	v5 =	vld [tilespmem:s7+$0x3EC0]  }
0x2b9: {  	v4 =	vld [tilespmem:s7+$0x3ED0]  }
0x2ba: {  	v3 =	vld [tilespmem:s7+$0x3EE0]  }
0x2bb: {  	v2 =	vld [tilespmem:s7+$0x3EF0]  }
0x2bc: {  	v1 =	vld [tilespmem:s7+$0x3F00]  }
0x2bd: {  	v17 =	vld [tilespmem:s7+$0x210]  }
0x2be: {  	v18 =	vld [tilespmem:s7+$0x220]  }
0x2bf: {  	v19 =	vld [tilespmem:s7+$0x230]  }
0x2c0: {  	v20 =	vld [tilespmem:s7+$0x240]  }
0x2c1: {  	v21 =	vld [tilespmem:s7+$0x250]  }
0x2c2: {  	v14 =	vadd.f32 v14, v17;
	v17 =	vld [tilespmem:s7+$0x260]  }
0x2c3: {  	v7 =	vadd.f32 v7, v18;
	v18 =	vld [tilespmem:s7+$0x270]  }
0x2c4: {  	v14 =	vmax.f32 v14, $0.0e+00;
	v9 =	vadd.f32 v9, v19;
	v19 =	vld [tilespmem:s7+$0x280]  }
0x2c5: {  	[tilespmem:s7+$0x210] =	vst v14;
	v7 =	vmax.f32 v7, $0.0e+00;
	v10 =	vadd.f32 v10, v20;
	v14 =	vld [tilespmem:s7+$0x290]  }
0x2c6: {  	[tilespmem:s7+$0x220] =	vst v7;
	v7 =	vmax.f32 v9, $0.0e+00;
	v9 =	vadd.f32 v11, v21;
	v11 =	vld [tilespmem:s7+$0x2A0]  }
.Ltmp11:
0x2c7: {  	[tilespmem:s7+$0x230] =	vst v7;
	v7 =	vmax.f32 v10, $0.0e+00;
	v10 =	vadd.f32 v8, v17;
	v8 =	vld [tilespmem:s7+$0x2B0];
	(pc) =	sbr.rel @p0 .LBB2_21-.Ltmp11, $4  }
0x2c8: {  	[tilespmem:s7+$0x240] =	vst v7;
	v9 =	vmax.f32 v9, $0.0e+00;
	v12 =	vadd.f32 v12, v18;
	v7 =	vld [tilespmem:s7+$0x2C0]  }
0x2c9: {  	[tilespmem:s7+$0x250] =	vst v9;
	v10 =	vmax.f32 v10, $0.0e+00;
	v17 =	vadd.f32 v13, v19;
	v9 =	vld [tilespmem:s7+$0x2D0]  }
0x2ca: {  	[tilespmem:s7+$0x260] =	vst v10;
	v12 =	vmax.f32 v12, $0.0e+00;
	v13 =	vadd.f32 v15, v14;
	v10 =	vld [tilespmem:s7+$0x2E0]  }
0x2cb: {  	s0 =	sadd.s32 $0x400, s0;
	[tilespmem:s7+$0x270] =	vst v12;
	v14 =	vmax.f32 v17, $0.0e+00;
	v12 =	vadd.f32 v16, v11;
	v11 =	vld [tilespmem:s7+$0x2F0]  }
0x2cc: {  	[tilespmem:s7+$0x280] =	vst v14;
	v13 =	vmax.f32 v13, $0.0e+00;
	v6 =	vadd.f32 v6, v8;
	v63 =	vld [tilespmem:s7+$0x300]  }
0x2cd: {  	[tilespmem:s7+$0x290] =	vst v13;
	v12 =	vmax.f32 v12, $0.0e+00;
	v5 =	vadd.f32 v5, v7  }
0x2ce: {  	[tilespmem:s7+$0x2A0] =	vst v12;
	v6 =	vmax.f32 v6, $0.0e+00;
	v4 =	vadd.f32 v4, v9  }
0x2cf: {  	[tilespmem:s7+$0x2B0] =	vst v6;
	v5 =	vmax.f32 v5, $0.0e+00;
	v3 =	vadd.f32 v3, v10  }
0x2d0: {  	[tilespmem:s7+$0x2C0] =	vst v5;
	v4 =	vmax.f32 v4, $0.0e+00;
	v2 =	vadd.f32 v2, v11  }
0x2d1: {  	[tilespmem:s7+$0x2D0] =	vst v4;
	v3 =	vmax.f32 v3, $0.0e+00;
	v1 =	vadd.f32 v1, v63  }
0x2d2: {  	[tilespmem:s7+$0x2E0] =	vst v3;
	v2 =	vmax.f32 v2, $0.0e+00  }
0x2d3: {  	[tilespmem:s7+$0x2F0] =	vst v2;
	v1 =	vmax.f32 v1, $0.0e+00  }
0x2d4: {  	[tilespmem:s7+$0x300] =	vst v1  }
0x2d5: {  	_ =	swait.ge [sflag:s16], $0x28  }
0x2d6: {  	[sflag:s16] =	ssyncset.done $0x0  }
0x2d7: {  	[sflag:s16] =	ssyncadd.s32 $0xFFFFFFD8  }
0x2d8: {  	s0 =	stileid.u32;
	[bflag:$0x0] =	sbarrier.arrive $0xFFFF  }
0x2d9: {  	s0 =	sshll.u32 s0, $0x6;
	s18 =	rddreg [dreg:$0x13]  }
0x2da: {  	s0 =	sor.u32 $0x1C0D, s0;
	s19 =	rddreg [dreg:$0x16];
	s4 =	sshrl.u32 s18, $0x3  }
0x2db: {  	[hbm:s19], [sflag:s0] =	dma.local [spmem:s4], $0x500  }
0x2dc: {  	s4 =	rddreg [dreg:$0x14]  }
0x2dd: {  	p0 =	sne.s32 s4, $0x1  }
.Ltmp12:
0x2de: {  	_ = 	snop;
	(pc) =	sbr.rel @!p0 .LBB2_24-.Ltmp12, $2  }
0x2df: {  	_ =	sdelay $0x2  }
0x2e0: {  	s18 =	sadd.s32 $0x28000, s18;
	_ =	swait.ge [sflag:s30], $0x500;
	s7 =	sadd.s32 $0xFFFFFFFF, s4  }
.LBB2_23:
0x2e1: {  	[sflag:s30] =	ssyncset.done $0x0;
	s19 =	sadd.s32 $0x5000, s19;
	p0 =	sne.s32 s7, $0x1  }
.Ltmp13:
0x2e2: {  	s4 =	sshrl.u32 s18, $0x3;
	[sflag:s30] =	ssyncadd.s32 $0xFFFFFB00;
	(pc) =	sbr.rel @p0 .LBB2_23-.Ltmp13, $3  }
0x2e3: {  	[hbm:s19], [sflag:s0] =	dma.local [spmem:s4], $0x500  }
0x2e4: {  	s7 =	sadd.s32 $0xFFFFFFFF, s7;
	_ =	sdelay $0x1  }
0x2e5: {  	s18 =	sadd.s32 $0x28000, s18;
	_ =	swait.ge [sflag:s30], $0x500  }
.LBB2_24:
0x2e6: {  	s4 =	rddreg [dreg:$0x18]  }
0x2e7: {  	s0 =	rddreg [dreg:$0x15];
	s4 =	sadd.s32 $0x1, s4  }
0x2e8: {  	p0 =	sne.s32 s4, s0  }
.Ltmp14:
0x2e9: {  	_ = 	snop;
	(pc) =	sbr.rel @p0 .LBB2_1-.Ltmp14, $3  }
0x2ea: {  	_ =	sdelay $0x1  }
0x2eb: {  	[sflag:s30] =	ssyncset.done $0x0  }
0x2ec: {  	s19 =	rddreg [dreg:$0x17];
	[sflag:s30] =	ssyncadd.s32 $0xFFFFFB00  }
0x2ed: {  	_ =	sfence.sel $0x180000  }
0x2ee: {  	[bflag:$0x0] =	sbarrier.arrive $0xFFFF  }
0x2ef: {  	_ =	strace $0x90000047  }
0x2f0: {  	s0 =	stileid.u32;
	[bflag:$0x2] =	sbarrier.arrive $0xFFFF  }
0x2f1: {  	p0 =	sne.s32 s0, $0x0;
	s0 =	rddreg [dreg:$0x5]  }
0x2f2: {  	s0 =	sadd.s32 @!p0 $0x100000, s0  }
0x2f3: {  	[sflag:s0] =	ssyncadd.tile.s32 @!p0 $0x1;
	_ =	shalt  }
.Lfunc_end2:
_tile_overlayer_lowered:
.L_overlay_start_2:
0x2f4: {  	(tag) =	ssettag $0x2  }
0x2f5: {  	s0 =	rddreg [dreg:$0x0];
	s2 =	stileid.u32  }
0x2f6: {  	s1 =	rddreg [dreg:$0x1];
	p0 =	sne.s32 s2, $0x0  }
0x2f7: {  	s3 =	rddreg [dreg:$0x2];
	[bflag:$0x3] =	sbarrier.arrive $0xFFFF;
	s2 =	simm.s32 @!p0 $0x1C0D  }
0x2f8: {  	[timem:s3], [sflag:s2] =	dma.local @!p0 [hbm:s0], s1  }
0x2f9: {  	s0 =	simm.s32 @!p0 $0xD  }
0x2fa: {  	_ =	swait.ge @!p0 [sflag:s0], s1  }
0x2fb: {  	s1 =	ssub.s32 @!p0 $0x0, s1;
	[sflag:s0] =	ssyncset.done @!p0 $0x0  }
0x2fc: {  	[sflag:s0] =	ssyncadd.s32 @!p0 s1  }
0x2fd: {  	[bflag:$0x3] =	sbarrier.arrive $0xFFFF  }
0x2fe: {  	_ =	shalt  }

</sc_bundles>
